<compile_context>
chip_gen: v7x
topology: tpu7x:2x2x1
jax: 0.10.2.dev20260603
libtpu: 0.0.44.dev20260713+nightly
codegen_flags: <defaults>
</compile_context>

<pallas_src>
import functools

import jax
import jax.numpy as jnp
from jax import lax
from jax.experimental import pallas as pl
from jax.experimental.pallas import tpu as pltpu
from jax.experimental.pallas import tpu_sc as plsc

NN = 131072
DD = 64
LL = 64
BB = 6144
BINS = BB + 1
STRIDE = 6160
BLK = 8192
CH = BLK
CHW = CH // 2
CHN = NN // CH

NC = 2
LANES = 16
INV_NL = 1.0 / (NN * LL)


def _pack_bf16_pair(p):
    u = lax.bitcast_convert_type(p, jnp.uint32) + jnp.uint32(0x8000)
    a = u[:, :BLK // 2] & jnp.uint32(0xFFFF0000)
    bhi = u[:, BLK // 2:] & jnp.uint32(0xFFFF0000)
    packed = (a | (bhi >> jnp.uint32(16))).astype(jnp.int32)
    return (packed,
            lax.bitcast_convert_type(a, jnp.float32),
            lax.bitcast_convert_type(bhi, jnp.float32))


def _tc_body(x_ref, y_ref, th_ref, pxt_ref, pyt_ref, mn_ref, mx_ref):
    i = pl.program_id(0)
    th = th_ref[...]
    nrm = jnp.sqrt(jnp.sum(th * th, axis=0, keepdims=True))
    thn = th / (nrm + 1e-12)
    dn = (((0,), (1,)), ((), ()))
    px = lax.dot_general(thn, x_ref[...], dn, preferred_element_type=jnp.float32)
    py = lax.dot_general(thn, y_ref[...], dn, preferred_element_type=jnp.float32)
    pxq, xa, xb = _pack_bf16_pair(px)
    pyq, ya, yb = _pack_bf16_pair(py)
    pxt_ref[0] = pxq
    pyt_ref[0] = pyq
    both_mn = jnp.minimum(jnp.minimum(xa, xb), jnp.minimum(ya, yb))
    both_mx = jnp.maximum(jnp.maximum(xa, xb), jnp.maximum(ya, yb))
    mn = both_mn[:, :128]
    mx = both_mx[:, :128]
    for r in range(1, CHW // 128):
        mn = jnp.minimum(mn, both_mn[:, r * 128:(r + 1) * 128])
        mx = jnp.maximum(mx, both_mx[:, r * 128:(r + 1) * 128])

    @pl.when(i == 0)
    def _():
        mn_ref[0] = mn
        mx_ref[0] = mx

    @pl.when(i != 0)
    def _():
        mn_ref[0] = jnp.minimum(mn_ref[0], mn)
        mx_ref[0] = jnp.maximum(mx_ref[0], mx)


def _project(x, y, theta):
    return pl.pallas_call(
        _tc_body,
        grid=(NN // BLK,),
        in_specs=[
            pl.BlockSpec((BLK, DD), lambda i: (i, 0)),
            pl.BlockSpec((BLK, DD), lambda i: (i, 0)),
            pl.BlockSpec((DD, LL), lambda i: (0, 0)),
        ],
        out_specs=[
            pl.BlockSpec((1, LL, CHW), lambda i: (i, 0, 0)),
            pl.BlockSpec((1, LL, CHW), lambda i: (i, 0, 0)),
            pl.BlockSpec((1, LL, 128), lambda i: (0, 0, 0)),
            pl.BlockSpec((1, LL, 128), lambda i: (0, 0, 0)),
        ],
        out_shape=[
            jax.ShapeDtypeStruct((CHN, LL, CHW), jnp.int32),
            jax.ShapeDtypeStruct((CHN, LL, CHW), jnp.int32),
            jax.ShapeDtypeStruct((1, LL, 128), jnp.float32),
            jax.ShapeDtypeStruct((1, LL, 128), jnp.float32),
        ],
    )(x, y, theta)


def _sc_body(pxt, pyt, mnh, mxh, out, hist, bufx, bufy, acc_v, scr,
             semx0, semx1, semy0, semy1):
    cid = lax.axis_index("c")
    sid = lax.axis_index("s")
    wid = sid * NC + cid

    lane_base = lax.iota(jnp.int32, LANES) * STRIDE
    one = jnp.full((LANES,), 1.0, jnp.float32)
    neg_one = jnp.full((LANES,), -1.0, jnp.float32)
    zero16 = jnp.zeros((LANES,), jnp.float32)
    himask = jnp.full((LANES,), 0xFFFF0000, jnp.uint32)
    sixteen = jnp.full((LANES,), 16, jnp.uint32)
    clamp_hi = lane_base + (BINS - 1)
    semx = (semx0, semx1)
    semy = (semy0, semy1)

    @plsc.parallel_loop(0, (LANES * STRIDE) // LANES, 1, unroll=8)
    def _(i):
        hist[pl.ds(i * LANES, LANES)] = zero16

    def issue(col, k, par):
        pltpu.async_copy(pxt.at[k, col],
                         bufx.at[pl.ds(par * CHW, CHW)], semx[par])
        pltpu.async_copy(pyt.at[k, col],
                         bufy.at[pl.ds(par * CHW, CHW)], semy[par])

    def wait(col, par):
        pltpu.make_async_copy(pxt.at[0, col],
                              bufx.at[pl.ds(par * CHW, CHW)], semx[par]).wait()
        pltpu.make_async_copy(pyt.at[0, col],
                              bufy.at[pl.ds(par * CHW, CHW)], semy[par]).wait()

    def halves(v):
        u = plsc.bitcast(v, jnp.uint32)
        return (plsc.bitcast(u & himask, jnp.float32),
                plsc.bitcast(u << sixteen, jnp.float32))

    for colslot in range(2):
        col = wid * 2 + colslot

        pltpu.sync_copy(mnh.at[0, col], scr)
        vmn = scr[pl.ds(0, LANES)]
        for r in range(1, 128 // LANES):
            vmn = jnp.minimum(vmn, scr[pl.ds(r * LANES, LANES)])
        gmn = jnp.min(vmn)
        pltpu.sync_copy(mxh.at[0, col], scr)
        vmx = scr[pl.ds(0, LANES)]
        for r in range(1, 128 // LANES):
            vmx = jnp.maximum(vmx, scr[pl.ds(r * LANES, LANES)])
        gmx = jnp.max(vmx)

        rngv = (zero16 + gmx) - gmn
        margin = rngv * jnp.float32(1e-3) + jnp.float32(1e-30)
        lo = (zero16 + gmn) - margin
        w_v = (rngv + 2 * margin) * jnp.float32(1.0 / BB)
        invw_v = (zero16 + jnp.float32(1.0)) / w_v
        c0_lane = (jnp.float32(0.5) - lo * invw_v) + lane_base.astype(jnp.float32)
        wnorm_v = w_v * jnp.float32(INV_NL)

        def process(par):
            base = par * CHW

            @plsc.parallel_loop(0, CHW // LANES, 1, unroll=8)
            def _(j):
                xa, xb = halves(bufx[pl.ds(base + j * LANES, LANES)])
                ia = jnp.minimum((xa * invw_v + c0_lane).astype(jnp.int32),
                                 clamp_hi)
                plsc.addupdate_scatter(hist, [ia], one)
                ib = jnp.minimum((xb * invw_v + c0_lane).astype(jnp.int32),
                                 clamp_hi)
                plsc.addupdate_scatter(hist, [ib], one)
                ya, yb = halves(bufy[pl.ds(base + j * LANES, LANES)])
                ja = jnp.minimum((ya * invw_v + c0_lane).astype(jnp.int32),
                                 clamp_hi)
                plsc.addupdate_scatter(hist, [ja], neg_one)
                jb = jnp.minimum((yb * invw_v + c0_lane).astype(jnp.int32),
                                 clamp_hi)
                plsc.addupdate_scatter(hist, [jb], neg_one)

        issue(col, 0, 0)

        def pair_body(p, _, col=col):
            issue(col, 2 * p + 1, 1)
            wait(col, 0)
            process(0)

            @pl.when(p < CHN // 2 - 1)
            def _():
                issue(col, 2 * p + 2, 0)

            wait(col, 1)
            process(1)
            return 0

        lax.fori_loop(0, CHN // 2, pair_body, 0)

        def scan_body(kb, carry):
            run, acc = carry
            base = kb * LANES
            c = hist[pl.ds(base, LANES)]
            hist[pl.ds(base, LANES)] = zero16
            for r in range(1, LANES):
                c = c + hist[pl.ds(r * STRIDE + base, LANES)]
                hist[pl.ds(r * STRIDE + base, LANES)] = zero16
            cum = plsc.cumsum(c) + run
            acc = acc + jnp.abs(cum)
            run = run + jnp.sum(c)
            return (run, acc)

        _, acc = lax.fori_loop(
            0, STRIDE // LANES, scan_body,
            (jnp.float32(0.0), jnp.zeros((LANES,), jnp.float32)))
        acc_v[...] = acc * wnorm_v
        pltpu.sync_copy(acc_v, out.at[col])


_sc_hist = functools.partial(
    pl.kernel,
    out_type=jax.ShapeDtypeStruct((LL, LANES), jnp.float32),
    mesh=plsc.VectorSubcoreMesh(core_axis_name="c", subcore_axis_name="s"),
    compiler_params=pltpu.CompilerParams(needs_layout_passes=False),
    scratch_types=[
        pltpu.VMEM((LANES * STRIDE,), jnp.float32),
        pltpu.VMEM((2 * CHW,), jnp.int32),
        pltpu.VMEM((2 * CHW,), jnp.int32),
        pltpu.VMEM((LANES,), jnp.float32),
        pltpu.VMEM((128,), jnp.float32),
        pltpu.SemaphoreType.DMA,
        pltpu.SemaphoreType.DMA,
        pltpu.SemaphoreType.DMA,
        pltpu.SemaphoreType.DMA,
    ],
)(_sc_body)


def kernel(x, y, theta):
    pxt, pyt, mnh, mxh = _project(x, y, theta)
    return jnp.sum(_sc_hist(pxt, pyt, mnh, mxh))

# --- scband reference (transcript-rebuilt; emitter-appended) ---
"""Pipeline reference for scband-gswd-9818295239371 (READ-ONLY COPY).

The authoritative reference and input builder live on the scoring server;
editing this copy changes nothing except your own understanding.
"""

import jax, jax.numpy as jnp
import numpy as np

N = 131072
D = 64
L = 64

def setup_inputs(seed: int = 0) -> dict:
    key = jax.random.key(seed)
    k1, k2, k3 = jax.random.split(key, 3)
    x = jax.random.normal(k1, (N, D), dtype=jnp.float32)
    y = jax.random.normal(k2, (N, D), dtype=jnp.float32)
    # Linear projector parameters (re-sampled by projector.reset() in torch; here a fixed draw)
    theta = jax.random.normal(k3, (D, L), dtype=jnp.float32)
    return {"x": x, "y": y, "theta": theta}

def reference(x, y, theta):
    # Projector: linear projection onto L unit-norm directions
    th = theta / (jnp.linalg.norm(theta, axis=0, keepdims=True) + 1e-12)
    x_push_forward = x @ th          # [N, L]
    y_push_forward = y @ th          # [N, L]
    # Sort along the sample axis (dim=-2), matching torch.sort(..., dim=-2).values
    x_sort = jnp.sort(x_push_forward, axis=-2)
    y_sort = jnp.sort(y_push_forward, axis=-2)
    # l1_loss with default reduction='mean'
    return jnp.mean(jnp.abs(x_sort - y_sort))

if __name__ == "__main__":
    import jax
    _d = setup_inputs()
    print(jax.jit(kernel)(*tuple(_d.values())))

</pallas_src>

<mosaic_0001>
#map = affine_map<(d0, d1) -> (0, 0, 0)>
#map1 = affine_map<(d0, d1) -> (0, 0)>
module attributes {stable_mosaic.version = 14 : i64} {
  func.func @_sc_body(%arg0: i32, %arg1: i32, %arg2: memref<16x64x4096xi32, #tpu.memory_space<hbm>>, %arg3: memref<16x64x4096xi32, #tpu.memory_space<hbm>>, %arg4: memref<1x64x128xf32, #tpu.memory_space<hbm>>, %arg5: memref<1x64x128xf32, #tpu.memory_space<hbm>>, %arg6: memref<64x16xf32, #tpu.memory_space<hbm>>, %arg7: memref<98560xf32, #tpu.memory_space<vmem>>, %arg8: memref<8192xi32, #tpu.memory_space<vmem>>, %arg9: memref<8192xi32, #tpu.memory_space<vmem>>, %arg10: memref<16xf32, #tpu.memory_space<vmem>>, %arg11: memref<128xf32, #tpu.memory_space<vmem>>, %arg12: memref<!tpu.dma_semaphore, #tpu.memory_space<semaphore_mem>>, %arg13: memref<!tpu.dma_semaphore, #tpu.memory_space<semaphore_mem>>, %arg14: memref<!tpu.dma_semaphore, #tpu.memory_space<semaphore_mem>>, %arg15: memref<!tpu.dma_semaphore, #tpu.memory_space<semaphore_mem>>) attributes {dimension_semantics = [#tpu.dimension_semantics<core_parallel>, #tpu.dimension_semantics<subcore_parallel>], iteration_bounds = array<i64: 2, 16>, scalar_prefetch = 0 : i64, scratch_operands = 9 : i64, tpu.core_type = #tpu.core_type<sc_vector_subcore>, window_params = [{transform_indices = #map}, {transform_indices = #map}, {transform_indices = #map}, {transform_indices = #map}, {transform_indices = #map1}]} {
    %mul3A = arith.constant 2 : i32
    %mul3A_0 = arith.muli %arg1, %mul3A : i32
    %add3A = arith.addi %mul3A_0, %arg0 : i32
    %iota3A = tpu.iota {dimensions = array<i32: 0>} : vector<16xi32>
    %mul3A_1 = arith.constant 6160 : i32
    %mul3A_2 = vector.broadcast %mul3A_1 : i32 to vector<16xi32>
    %mul3A_3 = arith.muli %iota3A, %mul3A_2 : vector<16xi32>
    %broadcast_in_dim3A = arith.constant 1.000000e+00 : f32
    %broadcast_in_dim3A_4 = vector.broadcast %broadcast_in_dim3A : f32 to vector<16xf32>
    %broadcast_in_dim3A_5 = arith.constant -1.000000e+00 : f32
    %broadcast_in_dim3A_6 = vector.broadcast %broadcast_in_dim3A_5 : f32 to vector<16xf32>
    %broadcast_in_dim3A_7 = arith.constant 0.000000e+00 : f32
    %broadcast_in_dim3A_8 = vector.broadcast %broadcast_in_dim3A_7 : f32 to vector<16xf32>
    %broadcast_in_dim3A_9 = arith.constant -65536 : i32
    %broadcast_in_dim3A_10 = vector.broadcast %broadcast_in_dim3A_9 : i32 to vector<16xi32>
    %broadcast_in_dim3A_11 = arith.constant 16 : i32
    %broadcast_in_dim3A_12 = vector.broadcast %broadcast_in_dim3A_11 : i32 to vector<16xi32>
    %add3A_13 = arith.constant 6144 : i32
    %add3A_14 = vector.broadcast %add3A_13 : i32 to vector<16xi32>
    %add3A_15 = arith.addi %mul3A_3, %add3A_14 : vector<16xi32>
    %parallel_loop3A = arith.constant 0 : i32
    %parallel_loop3A_16 = arith.constant 6160 : i32
    %parallel_loop3A_17 = arith.constant 1 : i32
    scf.for %parallel_loop3A_274 = %parallel_loop3A to %parallel_loop3A_16 step %parallel_loop3A_17  : i32 {
      %parallel_loop3A_275 = arith.constant 16 : i32
      %parallel_loop3A_276 = arith.muli %parallel_loop3A_274, %parallel_loop3A_275 : i32
      %parallel_loop3A_277 = arith.index_cast %parallel_loop3A_276 : i32 to index
      %parallel_loop3A_278 = tpu.vector_load %arg7[%parallel_loop3A_277] {strides = array<i32>} : memref<98560xf32, #tpu.memory_space<vmem>>, vector<16xf32>,
      tpu.vector_store %arg7[%parallel_loop3A_277], %broadcast_in_dim3A_8 {strides = array<i32>} : memref<98560xf32, #tpu.memory_space<vmem>>, vector<16xf32>,
    } {sc.loop_unroll_factor = 8 : i64, sc.parallel_access}
    %mul3A_18 = arith.constant 2 : i32
    %mul3A_19 = arith.muli %add3A, %mul3A_18 : i32
    %add3A_20 = arith.constant 0 : i32
    %add3A_21 = arith.addi %mul3A_19, %add3A_20 : i32
    %run_scoped3A = arith.constant 0 : i32
    "tpu.region"() ({
      %run_scoped3A_274 = tpu.sem_alloc : memref<!tpu.dma_semaphore, #tpu.memory_space<semaphore_mem>>
      %dma_start3A_275 = arith.constant 0 : i32
      %dma_start3A_276 = tpu.memref_slice %arg4[%run_scoped3A, %add3A_21, %dma_start3A_275] : memref<1x64x128xf32, #tpu.memory_space<hbm>> -> memref<1x1x128xf32, #tpu.memory_space<hbm>>
      %dma_start3A_277 = tpu.memref_squeeze %dma_start3A_276 : memref<1x1x128xf32, #tpu.memory_space<hbm>> -> memref<128xf32, #tpu.memory_space<hbm>>
      %dma_start3A_278 = arith.constant 0 : i32
      %dma_start3A_279 = tpu.memref_slice %arg4[%run_scoped3A, %add3A_21, %dma_start3A_278] : memref<1x64x128xf32, #tpu.memory_space<hbm>> -> memref<1x1x128xf32, #tpu.memory_space<hbm>>
      %dma_start3A_280 = tpu.memref_squeeze %dma_start3A_279 : memref<1x1x128xf32, #tpu.memory_space<hbm>> -> memref<128xf32, #tpu.memory_space<hbm>>
      tpu.enqueue_dma source(%dma_start3A_280 : memref<128xf32, #tpu.memory_space<hbm>>) target(%arg11 : memref<128xf32, #tpu.memory_space<vmem>>) target_semaphore(%run_scoped3A_274 : memref<!tpu.dma_semaphore, #tpu.memory_space<semaphore_mem>>)
      %dma_wait3A = arith.constant 0 : i32
      %dma_wait3A_281 = tpu.memref_slice %arg4[%run_scoped3A, %add3A_21, %dma_wait3A] : memref<1x64x128xf32, #tpu.memory_space<hbm>> -> memref<1x1x128xf32, #tpu.memory_space<hbm>>
      %dma_wait3A_282 = tpu.memref_squeeze %dma_wait3A_281 : memref<1x1x128xf32, #tpu.memory_space<hbm>> -> memref<128xf32, #tpu.memory_space<hbm>>
      %dma_wait3A_283 = arith.constant 0 : i32
      %dma_wait3A_284 = tpu.memref_slice %arg4[%run_scoped3A, %add3A_21, %dma_wait3A_283] : memref<1x64x128xf32, #tpu.memory_space<hbm>> -> memref<1x1x128xf32, #tpu.memory_space<hbm>>
      %dma_wait3A_285 = tpu.memref_squeeze %dma_wait3A_284 : memref<1x1x128xf32, #tpu.memory_space<hbm>> -> memref<128xf32, #tpu.memory_space<hbm>>
      tpu.wait_dma2 semaphore(%run_scoped3A_274 : memref<!tpu.dma_semaphore, #tpu.memory_space<semaphore_mem>>) src(%dma_wait3A_285 : memref<128xf32, #tpu.memory_space<hbm>>) dst(%arg11 : memref<128xf32, #tpu.memory_space<vmem>>)
      tpu.yield
    }) : () -> ()
    %get3A = arith.constant 0 : index
    %get3A_22 = tpu.vector_load %arg11[%get3A] {strides = array<i32>} : memref<128xf32, #tpu.memory_space<vmem>>, vector<16xf32>,
    %get3A_23 = arith.constant 16 : index
    %get3A_24 = tpu.vector_load %arg11[%get3A_23] {strides = array<i32>} : memref<128xf32, #tpu.memory_space<vmem>>, vector<16xf32>,
    %min3A = arith.minimumf %get3A_22, %get3A_24 : vector<16xf32>
    %get3A_25 = arith.constant 32 : index
    %get3A_26 = tpu.vector_load %arg11[%get3A_25] {strides = array<i32>} : memref<128xf32, #tpu.memory_space<vmem>>, vector<16xf32>,
    %min3A_27 = arith.minimumf %min3A, %get3A_26 : vector<16xf32>
    %get3A_28 = arith.constant 48 : index
    %get3A_29 = tpu.vector_load %arg11[%get3A_28] {strides = array<i32>} : memref<128xf32, #tpu.memory_space<vmem>>, vector<16xf32>,
    %min3A_30 = arith.minimumf %min3A_27, %get3A_29 : vector<16xf32>
    %get3A_31 = arith.constant 64 : index
    %get3A_32 = tpu.vector_load %arg11[%get3A_31] {strides = array<i32>} : memref<128xf32, #tpu.memory_space<vmem>>, vector<16xf32>,
    %min3A_33 = arith.minimumf %min3A_30, %get3A_32 : vector<16xf32>
    %get3A_34 = arith.constant 80 : index
    %get3A_35 = tpu.vector_load %arg11[%get3A_34] {strides = array<i32>} : memref<128xf32, #tpu.memory_space<vmem>>, vector<16xf32>,
    %min3A_36 = arith.minimumf %min3A_33, %get3A_35 : vector<16xf32>
    %get3A_37 = arith.constant 96 : index
    %get3A_38 = tpu.vector_load %arg11[%get3A_37] {strides = array<i32>} : memref<128xf32, #tpu.memory_space<vmem>>, vector<16xf32>,
    %min3A_39 = arith.minimumf %min3A_36, %get3A_38 : vector<16xf32>
    %get3A_40 = arith.constant 112 : index
    %get3A_41 = tpu.vector_load %arg11[%get3A_40] {strides = array<i32>} : memref<128xf32, #tpu.memory_space<vmem>>, vector<16xf32>,
    %min3A_42 = arith.minimumf %min3A_39, %get3A_41 : vector<16xf32>
    %reduce_min3A = arith.constant true
    %reduce_min3A_43 = vector.broadcast %reduce_min3A : i1 to vector<16xi1>
    %reduce_min3A_44 = tpu.scan <min>, %min3A_42 masked %reduce_min3A_43 : vector<16xf32>, vector<16xi1> -> vector<16xf32>
    %reduce_min3A_45 = vector.extract %reduce_min3A_44[15] : f32 from vector<16xf32>
    %run_scoped3A_46 = arith.constant 0 : i32
    "tpu.region"() ({
      %run_scoped3A_274 = tpu.sem_alloc : memref<!tpu.dma_semaphore, #tpu.memory_space<semaphore_mem>>
      %dma_start3A_275 = arith.constant 0 : i32
      %dma_start3A_276 = tpu.memref_slice %arg5[%run_scoped3A_46, %add3A_21, %dma_start3A_275] : memref<1x64x128xf32, #tpu.memory_space<hbm>> -> memref<1x1x128xf32, #tpu.memory_space<hbm>>
      %dma_start3A_277 = tpu.memref_squeeze %dma_start3A_276 : memref<1x1x128xf32, #tpu.memory_space<hbm>> -> memref<128xf32, #tpu.memory_space<hbm>>
      %dma_start3A_278 = arith.constant 0 : i32
      %dma_start3A_279 = tpu.memref_slice %arg5[%run_scoped3A_46, %add3A_21, %dma_start3A_278] : memref<1x64x128xf32, #tpu.memory_space<hbm>> -> memref<1x1x128xf32, #tpu.memory_space<hbm>>
      %dma_start3A_280 = tpu.memref_squeeze %dma_start3A_279 : memref<1x1x128xf32, #tpu.memory_space<hbm>> -> memref<128xf32, #tpu.memory_space<hbm>>
      tpu.enqueue_dma source(%dma_start3A_280 : memref<128xf32, #tpu.memory_space<hbm>>) target(%arg11 : memref<128xf32, #tpu.memory_space<vmem>>) target_semaphore(%run_scoped3A_274 : memref<!tpu.dma_semaphore, #tpu.memory_space<semaphore_mem>>)
      %dma_wait3A = arith.constant 0 : i32
      %dma_wait3A_281 = tpu.memref_slice %arg5[%run_scoped3A_46, %add3A_21, %dma_wait3A] : memref<1x64x128xf32, #tpu.memory_space<hbm>> -> memref<1x1x128xf32, #tpu.memory_space<hbm>>
      %dma_wait3A_282 = tpu.memref_squeeze %dma_wait3A_281 : memref<1x1x128xf32, #tpu.memory_space<hbm>> -> memref<128xf32, #tpu.memory_space<hbm>>
      %dma_wait3A_283 = arith.constant 0 : i32
      %dma_wait3A_284 = tpu.memref_slice %arg5[%run_scoped3A_46, %add3A_21, %dma_wait3A_283] : memref<1x64x128xf32, #tpu.memory_space<hbm>> -> memref<1x1x128xf32, #tpu.memory_space<hbm>>
      %dma_wait3A_285 = tpu.memref_squeeze %dma_wait3A_284 : memref<1x1x128xf32, #tpu.memory_space<hbm>> -> memref<128xf32, #tpu.memory_space<hbm>>
      tpu.wait_dma2 semaphore(%run_scoped3A_274 : memref<!tpu.dma_semaphore, #tpu.memory_space<semaphore_mem>>) src(%dma_wait3A_285 : memref<128xf32, #tpu.memory_space<hbm>>) dst(%arg11 : memref<128xf32, #tpu.memory_space<vmem>>)
      tpu.yield
    }) : () -> ()
    %get3A_47 = arith.constant 0 : index
    %get3A_48 = tpu.vector_load %arg11[%get3A_47] {strides = array<i32>} : memref<128xf32, #tpu.memory_space<vmem>>, vector<16xf32>,
    %get3A_49 = arith.constant 16 : index
    %get3A_50 = tpu.vector_load %arg11[%get3A_49] {strides = array<i32>} : memref<128xf32, #tpu.memory_space<vmem>>, vector<16xf32>,
    %max3A = arith.maximumf %get3A_48, %get3A_50 : vector<16xf32>
    %get3A_51 = arith.constant 32 : index
    %get3A_52 = tpu.vector_load %arg11[%get3A_51] {strides = array<i32>} : memref<128xf32, #tpu.memory_space<vmem>>, vector<16xf32>,
    %max3A_53 = arith.maximumf %max3A, %get3A_52 : vector<16xf32>
    %get3A_54 = arith.constant 48 : index
    %get3A_55 = tpu.vector_load %arg11[%get3A_54] {strides = array<i32>} : memref<128xf32, #tpu.memory_space<vmem>>, vector<16xf32>,
    %max3A_56 = arith.maximumf %max3A_53, %get3A_55 : vector<16xf32>
    %get3A_57 = arith.constant 64 : index
    %get3A_58 = tpu.vector_load %arg11[%get3A_57] {strides = array<i32>} : memref<128xf32, #tpu.memory_space<vmem>>, vector<16xf32>,
    %max3A_59 = arith.maximumf %max3A_56, %get3A_58 : vector<16xf32>
    %get3A_60 = arith.constant 80 : index
    %get3A_61 = tpu.vector_load %arg11[%get3A_60] {strides = array<i32>} : memref<128xf32, #tpu.memory_space<vmem>>, vector<16xf32>,
    %max3A_62 = arith.maximumf %max3A_59, %get3A_61 : vector<16xf32>
    %get3A_63 = arith.constant 96 : index
    %get3A_64 = tpu.vector_load %arg11[%get3A_63] {strides = array<i32>} : memref<128xf32, #tpu.memory_space<vmem>>, vector<16xf32>,
    %max3A_65 = arith.maximumf %max3A_62, %get3A_64 : vector<16xf32>
    %get3A_66 = arith.constant 112 : index
    %get3A_67 = tpu.vector_load %arg11[%get3A_66] {strides = array<i32>} : memref<128xf32, #tpu.memory_space<vmem>>, vector<16xf32>,
    %max3A_68 = arith.maximumf %max3A_65, %get3A_67 : vector<16xf32>
    %reduce_max3A = arith.constant true
    %reduce_max3A_69 = vector.broadcast %reduce_max3A : i1 to vector<16xi1>
    %reduce_max3A_70 = tpu.scan <max>, %max3A_68 masked %reduce_max3A_69 : vector<16xf32>, vector<16xi1> -> vector<16xf32>
    %reduce_max3A_71 = vector.extract %reduce_max3A_70[15] : f32 from vector<16xf32>
    %add3A_72 = vector.broadcast %reduce_max3A_71 : f32 to vector<16xf32>
    %add3A_73 = arith.addf %broadcast_in_dim3A_8, %add3A_72 : vector<16xf32>
    %sub3A = vector.broadcast %reduce_min3A_45 : f32 to vector<16xf32>
    %sub3A_74 = arith.subf %add3A_73, %sub3A : vector<16xf32>
    %mul3A_75 = arith.constant 1.000000e-03 : f32
    %mul3A_76 = vector.broadcast %mul3A_75 : f32 to vector<16xf32>
    %mul3A_77 = arith.mulf %sub3A_74, %mul3A_76 : vector<16xf32>
    %add3A_78 = arith.constant 1.000000e-30 : f32
    %add3A_79 = vector.broadcast %add3A_78 : f32 to vector<16xf32>
    %add3A_80 = arith.addf %mul3A_77, %add3A_79 : vector<16xf32>
    %add3A_81 = vector.broadcast %reduce_min3A_45 : f32 to vector<16xf32>
    %add3A_82 = arith.addf %broadcast_in_dim3A_8, %add3A_81 : vector<16xf32>
    %sub3A_83 = arith.subf %add3A_82, %add3A_80 : vector<16xf32>
    %mul3A_84 = arith.constant 2.000000e+00 : f32
    %mul3A_85 = vector.broadcast %mul3A_84 : f32 to vector<16xf32>
    %mul3A_86 = arith.mulf %mul3A_85, %add3A_80 : vector<16xf32>
    %add3A_87 = arith.addf %sub3A_74, %mul3A_86 : vector<16xf32>
    %mul3A_88 = arith.constant 1.62760422E-4 : f32
    %mul3A_89 = vector.broadcast %mul3A_88 : f32 to vector<16xf32>
    %mul3A_90 = arith.mulf %add3A_87, %mul3A_89 : vector<16xf32>
    %add3A_91 = arith.constant 1.000000e+00 : f32
    %add3A_92 = vector.broadcast %add3A_91 : f32 to vector<16xf32>
    %add3A_93 = arith.addf %broadcast_in_dim3A_8, %add3A_92 : vector<16xf32>
    %div3A = arith.divf %add3A_93, %mul3A_90 : vector<16xf32>
    %mul3A_94 = arith.mulf %sub3A_83, %div3A : vector<16xf32>
    %sub3A_95 = arith.constant 5.000000e-01 : f32
    %sub3A_96 = vector.broadcast %sub3A_95 : f32 to vector<16xf32>
    %sub3A_97 = arith.subf %sub3A_96, %mul3A_94 : vector<16xf32>
    %convert_element_type3A = arith.sitofp %mul3A_3 : vector<16xi32> to vector<16xf32>
    %add3A_98 = arith.addf %sub3A_97, %convert_element_type3A : vector<16xf32>
    %mul3A_99 = arith.constant 1.1920929E-7 : f32
    %mul3A_100 = vector.broadcast %mul3A_99 : f32 to vector<16xf32>
    %mul3A_101 = arith.mulf %mul3A_90, %mul3A_100 : vector<16xf32>
    %dma_start3A = arith.constant 0 : i32
    %dma_start3A_102 = arith.constant 0 : i32
    %dma_start3A_103 = tpu.memref_slice %arg8[%dma_start3A_102] : memref<8192xi32, #tpu.memory_space<vmem>> -> memref<4096xi32, #tpu.memory_space<vmem>>
    %dma_start3A_104 = arith.constant 0 : i32
    %dma_start3A_105 = tpu.memref_slice %arg2[%dma_start3A, %add3A_21, %dma_start3A_104] : memref<16x64x4096xi32, #tpu.memory_space<hbm>> -> memref<1x1x4096xi32, #tpu.memory_space<hbm>>
    %dma_start3A_106 = tpu.memref_squeeze %dma_start3A_105 : memref<1x1x4096xi32, #tpu.memory_space<hbm>> -> memref<4096xi32, #tpu.memory_space<hbm>>
    %dma_start3A_107 = arith.constant 0 : i32
    %dma_start3A_108 = tpu.memref_slice %arg8[%dma_start3A_107] : memref<8192xi32, #tpu.memory_space<vmem>> -> memref<4096xi32, #tpu.memory_space<vmem>>
    %dma_start3A_109 = arith.constant 0 : i32
    %dma_start3A_110 = tpu.memref_slice %arg2[%dma_start3A, %add3A_21, %dma_start3A_109] : memref<16x64x4096xi32, #tpu.memory_space<hbm>> -> memref<1x1x4096xi32, #tpu.memory_space<hbm>>
    %dma_start3A_111 = tpu.memref_squeeze %dma_start3A_110 : memref<1x1x4096xi32, #tpu.memory_space<hbm>> -> memref<4096xi32, #tpu.memory_space<hbm>>
    tpu.enqueue_dma source(%dma_start3A_111 : memref<4096xi32, #tpu.memory_space<hbm>>) target(%dma_start3A_108 : memref<4096xi32, #tpu.memory_space<vmem>>) target_semaphore(%arg12 : memref<!tpu.dma_semaphore, #tpu.memory_space<semaphore_mem>>)
    %dma_start3A_112 = arith.constant 0 : i32
    %dma_start3A_113 = arith.constant 0 : i32
    %dma_start3A_114 = tpu.memref_slice %arg9[%dma_start3A_113] : memref<8192xi32, #tpu.memory_space<vmem>> -> memref<4096xi32, #tpu.memory_space<vmem>>
    %dma_start3A_115 = arith.constant 0 : i32
    %dma_start3A_116 = tpu.memref_slice %arg3[%dma_start3A_112, %add3A_21, %dma_start3A_115] : memref<16x64x4096xi32, #tpu.memory_space<hbm>> -> memref<1x1x4096xi32, #tpu.memory_space<hbm>>
    %dma_start3A_117 = tpu.memref_squeeze %dma_start3A_116 : memref<1x1x4096xi32, #tpu.memory_space<hbm>> -> memref<4096xi32, #tpu.memory_space<hbm>>
    %dma_start3A_118 = arith.constant 0 : i32
    %dma_start3A_119 = tpu.memref_slice %arg9[%dma_start3A_118] : memref<8192xi32, #tpu.memory_space<vmem>> -> memref<4096xi32, #tpu.memory_space<vmem>>
    %dma_start3A_120 = arith.constant 0 : i32
    %dma_start3A_121 = tpu.memref_slice %arg3[%dma_start3A_112, %add3A_21, %dma_start3A_120] : memref<16x64x4096xi32, #tpu.memory_space<hbm>> -> memref<1x1x4096xi32, #tpu.memory_space<hbm>>
    %dma_start3A_122 = tpu.memref_squeeze %dma_start3A_121 : memref<1x1x4096xi32, #tpu.memory_space<hbm>> -> memref<4096xi32, #tpu.memory_space<hbm>>
    tpu.enqueue_dma source(%dma_start3A_122 : memref<4096xi32, #tpu.memory_space<hbm>>) target(%dma_start3A_119 : memref<4096xi32, #tpu.memory_space<vmem>>) target_semaphore(%arg14 : memref<!tpu.dma_semaphore, #tpu.memory_space<semaphore_mem>>)
    %scan3A = arith.constant 0 : i32
    %scan3A_123 = arith.constant 0 : i32
    %scan3A_124 = arith.constant 8 : i32
    %scan3A_125 = arith.addi %scan3A_123, %scan3A_124 : i32
    %scan3A_126 = arith.constant 1 : i32
    %scan3A_127 = scf.for %scan3A_274 = %scan3A_123 to %scan3A_125 step %scan3A_126 iter_args(%scan3A_275 = %scan3A) -> (i32)  : i32 {
      %mul3A_276 = arith.constant 2 : i32
      %mul3A_277 = arith.muli %mul3A_276, %scan3A_274 : i32
      %add3A_278 = arith.constant 1 : i32
      %add3A_279 = arith.addi %mul3A_277, %add3A_278 : i32
      %dma_start3A_280 = arith.constant 4096 : i32
      %dma_start3A_281 = tpu.memref_slice %arg8[%dma_start3A_280] : memref<8192xi32, #tpu.memory_space<vmem>> -> memref<4096xi32, #tpu.memory_space<vmem>>
      %dma_start3A_282 = arith.constant 0 : i32
      %dma_start3A_283 = tpu.memref_slice %arg2[%add3A_279, %add3A_21, %dma_start3A_282] : memref<16x64x4096xi32, #tpu.memory_space<hbm>> -> memref<1x1x4096xi32, #tpu.memory_space<hbm>>
      %dma_start3A_284 = tpu.memref_squeeze %dma_start3A_283 : memref<1x1x4096xi32, #tpu.memory_space<hbm>> -> memref<4096xi32, #tpu.memory_space<hbm>>
      %dma_start3A_285 = arith.constant 4096 : i32
      %dma_start3A_286 = tpu.memref_slice %arg8[%dma_start3A_285] : memref<8192xi32, #tpu.memory_space<vmem>> -> memref<4096xi32, #tpu.memory_space<vmem>>
      %dma_start3A_287 = arith.constant 0 : i32
      %dma_start3A_288 = tpu.memref_slice %arg2[%add3A_279, %add3A_21, %dma_start3A_287] : memref<16x64x4096xi32, #tpu.memory_space<hbm>> -> memref<1x1x4096xi32, #tpu.memory_space<hbm>>
      %dma_start3A_289 = tpu.memref_squeeze %dma_start3A_288 : memref<1x1x4096xi32, #tpu.memory_space<hbm>> -> memref<4096xi32, #tpu.memory_space<hbm>>
      tpu.enqueue_dma source(%dma_start3A_289 : memref<4096xi32, #tpu.memory_space<hbm>>) target(%dma_start3A_286 : memref<4096xi32, #tpu.memory_space<vmem>>) target_semaphore(%arg13 : memref<!tpu.dma_semaphore, #tpu.memory_space<semaphore_mem>>)
      %dma_start3A_290 = arith.constant 4096 : i32
      %dma_start3A_291 = tpu.memref_slice %arg9[%dma_start3A_290] : memref<8192xi32, #tpu.memory_space<vmem>> -> memref<4096xi32, #tpu.memory_space<vmem>>
      %dma_start3A_292 = arith.constant 0 : i32
      %dma_start3A_293 = tpu.memref_slice %arg3[%add3A_279, %add3A_21, %dma_start3A_292] : memref<16x64x4096xi32, #tpu.memory_space<hbm>> -> memref<1x1x4096xi32, #tpu.memory_space<hbm>>
      %dma_start3A_294 = tpu.memref_squeeze %dma_start3A_293 : memref<1x1x4096xi32, #tpu.memory_space<hbm>> -> memref<4096xi32, #tpu.memory_space<hbm>>
      %dma_start3A_295 = arith.constant 4096 : i32
      %dma_start3A_296 = tpu.memref_slice %arg9[%dma_start3A_295] : memref<8192xi32, #tpu.memory_space<vmem>> -> memref<4096xi32, #tpu.memory_space<vmem>>
      %dma_start3A_297 = arith.constant 0 : i32
      %dma_start3A_298 = tpu.memref_slice %arg3[%add3A_279, %add3A_21, %dma_start3A_297] : memref<16x64x4096xi32, #tpu.memory_space<hbm>> -> memref<1x1x4096xi32, #tpu.memory_space<hbm>>
      %dma_start3A_299 = tpu.memref_squeeze %dma_start3A_298 : memref<1x1x4096xi32, #tpu.memory_space<hbm>> -> memref<4096xi32, #tpu.memory_space<hbm>>
      tpu.enqueue_dma source(%dma_start3A_299 : memref<4096xi32, #tpu.memory_space<hbm>>) target(%dma_start3A_296 : memref<4096xi32, #tpu.memory_space<vmem>>) target_semaphore(%arg15 : memref<!tpu.dma_semaphore, #tpu.memory_space<semaphore_mem>>)
      %dma_wait3A = arith.constant 0 : i32
      %dma_wait3A_300 = arith.constant 0 : i32
      %dma_wait3A_301 = tpu.memref_slice %arg8[%dma_wait3A_300] : memref<8192xi32, #tpu.memory_space<vmem>> -> memref<4096xi32, #tpu.memory_space<vmem>>
      %dma_wait3A_302 = arith.constant 0 : i32
      %dma_wait3A_303 = tpu.memref_slice %arg2[%dma_wait3A, %add3A_21, %dma_wait3A_302] : memref<16x64x4096xi32, #tpu.memory_space<hbm>> -> memref<1x1x4096xi32, #tpu.memory_space<hbm>>
      %dma_wait3A_304 = tpu.memref_squeeze %dma_wait3A_303 : memref<1x1x4096xi32, #tpu.memory_space<hbm>> -> memref<4096xi32, #tpu.memory_space<hbm>>
      %dma_wait3A_305 = arith.constant 0 : i32
      %dma_wait3A_306 = tpu.memref_slice %arg8[%dma_wait3A_305] : memref<8192xi32, #tpu.memory_space<vmem>> -> memref<4096xi32, #tpu.memory_space<vmem>>
      %dma_wait3A_307 = arith.constant 0 : i32
      %dma_wait3A_308 = tpu.memref_slice %arg2[%dma_wait3A, %add3A_21, %dma_wait3A_307] : memref<16x64x4096xi32, #tpu.memory_space<hbm>> -> memref<1x1x4096xi32, #tpu.memory_space<hbm>>
      %dma_wait3A_309 = tpu.memref_squeeze %dma_wait3A_308 : memref<1x1x4096xi32, #tpu.memory_space<hbm>> -> memref<4096xi32, #tpu.memory_space<hbm>>
      tpu.wait_dma2 semaphore(%arg12 : memref<!tpu.dma_semaphore, #tpu.memory_space<semaphore_mem>>) src(%dma_wait3A_309 : memref<4096xi32, #tpu.memory_space<hbm>>) dst(%dma_wait3A_306 : memref<4096xi32, #tpu.memory_space<vmem>>)
      %dma_wait3A_310 = arith.constant 0 : i32
      %dma_wait3A_311 = arith.constant 0 : i32
      %dma_wait3A_312 = tpu.memref_slice %arg9[%dma_wait3A_311] : memref<8192xi32, #tpu.memory_space<vmem>> -> memref<4096xi32, #tpu.memory_space<vmem>>
      %dma_wait3A_313 = arith.constant 0 : i32
      %dma_wait3A_314 = tpu.memref_slice %arg3[%dma_wait3A_310, %add3A_21, %dma_wait3A_313] : memref<16x64x4096xi32, #tpu.memory_space<hbm>> -> memref<1x1x4096xi32, #tpu.memory_space<hbm>>
      %dma_wait3A_315 = tpu.memref_squeeze %dma_wait3A_314 : memref<1x1x4096xi32, #tpu.memory_space<hbm>> -> memref<4096xi32, #tpu.memory_space<hbm>>
      %dma_wait3A_316 = arith.constant 0 : i32
      %dma_wait3A_317 = tpu.memref_slice %arg9[%dma_wait3A_316] : memref<8192xi32, #tpu.memory_space<vmem>> -> memref<4096xi32, #tpu.memory_space<vmem>>
      %dma_wait3A_318 = arith.constant 0 : i32
      %dma_wait3A_319 = tpu.memref_slice %arg3[%dma_wait3A_310, %add3A_21, %dma_wait3A_318] : memref<16x64x4096xi32, #tpu.memory_space<hbm>> -> memref<1x1x4096xi32, #tpu.memory_space<hbm>>
      %dma_wait3A_320 = tpu.memref_squeeze %dma_wait3A_319 : memref<1x1x4096xi32, #tpu.memory_space<hbm>> -> memref<4096xi32, #tpu.memory_space<hbm>>
      tpu.wait_dma2 semaphore(%arg14 : memref<!tpu.dma_semaphore, #tpu.memory_space<semaphore_mem>>) src(%dma_wait3A_320 : memref<4096xi32, #tpu.memory_space<hbm>>) dst(%dma_wait3A_317 : memref<4096xi32, #tpu.memory_space<vmem>>)
      %parallel_loop3A_321 = arith.constant 0 : i32
      %parallel_loop3A_322 = arith.constant 256 : i32
      %parallel_loop3A_323 = arith.constant 1 : i32
      scf.for %parallel_loop3A_353 = %parallel_loop3A_321 to %parallel_loop3A_322 step %parallel_loop3A_323  : i32 {
        %parallel_loop3A_354 = arith.constant 16 : i32
        %parallel_loop3A_355 = arith.muli %parallel_loop3A_353, %parallel_loop3A_354 : i32
        %parallel_loop3A_356 = arith.constant 0 : i32
        %parallel_loop3A_357 = arith.addi %parallel_loop3A_356, %parallel_loop3A_355 : i32
        %parallel_loop3A_358 = arith.index_cast %parallel_loop3A_357 : i32 to index
        %parallel_loop3A_359 = tpu.vector_load %arg8[%parallel_loop3A_358] {strides = array<i32>} : memref<8192xi32, #tpu.memory_space<vmem>>, vector<16xi32>,
        %parallel_loop3A_360 = vector.bitcast %parallel_loop3A_359 : vector<16xi32> to vector<16xi32>
        %parallel_loop3A_361 = arith.andi %parallel_loop3A_360, %broadcast_in_dim3A_10 : vector<16xi32>
        %parallel_loop3A_362 = vector.bitcast %parallel_loop3A_361 : vector<16xi32> to vector<16xf32>
        %parallel_loop3A_363 = arith.shli %parallel_loop3A_360, %broadcast_in_dim3A_12 : vector<16xi32>
        %parallel_loop3A_364 = vector.bitcast %parallel_loop3A_363 : vector<16xi32> to vector<16xf32>
        %parallel_loop3A_365 = arith.mulf %parallel_loop3A_362, %div3A : vector<16xf32>
        %parallel_loop3A_366 = arith.addf %parallel_loop3A_365, %add3A_98 : vector<16xf32>
        %parallel_loop3A_367 = arith.fptosi %parallel_loop3A_366 : vector<16xf32> to vector<16xi32>
        %parallel_loop3A_368 = arith.minsi %parallel_loop3A_367, %add3A_15 : vector<16xi32>
        tpu.vector_store_idx %arg7[%parallel_loop3A_368], %broadcast_in_dim3A_4 {add = true} : memref<98560xf32, #tpu.memory_space<vmem>>[vector<16xi32>], vector<16xf32>,
        %parallel_loop3A_369 = arith.mulf %parallel_loop3A_364, %div3A : vector<16xf32>
        %parallel_loop3A_370 = arith.addf %parallel_loop3A_369, %add3A_98 : vector<16xf32>
        %parallel_loop3A_371 = arith.fptosi %parallel_loop3A_370 : vector<16xf32> to vector<16xi32>
        %parallel_loop3A_372 = arith.minsi %parallel_loop3A_371, %add3A_15 : vector<16xi32>
        tpu.vector_store_idx %arg7[%parallel_loop3A_372], %broadcast_in_dim3A_4 {add = true} : memref<98560xf32, #tpu.memory_space<vmem>>[vector<16xi32>], vector<16xf32>,
        %parallel_loop3A_373 = arith.constant 16 : i32
        %parallel_loop3A_374 = arith.muli %parallel_loop3A_353, %parallel_loop3A_373 : i32
        %parallel_loop3A_375 = arith.constant 0 : i32
        %parallel_loop3A_376 = arith.addi %parallel_loop3A_375, %parallel_loop3A_374 : i32
        %parallel_loop3A_377 = arith.index_cast %parallel_loop3A_376 : i32 to index
        %parallel_loop3A_378 = tpu.vector_load %arg9[%parallel_loop3A_377] {strides = array<i32>} : memref<8192xi32, #tpu.memory_space<vmem>>, vector<16xi32>,
        %parallel_loop3A_379 = vector.bitcast %parallel_loop3A_378 : vector<16xi32> to vector<16xi32>
        %parallel_loop3A_380 = arith.andi %parallel_loop3A_379, %broadcast_in_dim3A_10 : vector<16xi32>
        %parallel_loop3A_381 = vector.bitcast %parallel_loop3A_380 : vector<16xi32> to vector<16xf32>
        %parallel_loop3A_382 = arith.shli %parallel_loop3A_379, %broadcast_in_dim3A_12 : vector<16xi32>
        %parallel_loop3A_383 = vector.bitcast %parallel_loop3A_382 : vector<16xi32> to vector<16xf32>
        %parallel_loop3A_384 = arith.mulf %parallel_loop3A_381, %div3A : vector<16xf32>
        %parallel_loop3A_385 = arith.addf %parallel_loop3A_384, %add3A_98 : vector<16xf32>
        %parallel_loop3A_386 = arith.fptosi %parallel_loop3A_385 : vector<16xf32> to vector<16xi32>
        %parallel_loop3A_387 = arith.minsi %parallel_loop3A_386, %add3A_15 : vector<16xi32>
        tpu.vector_store_idx %arg7[%parallel_loop3A_387], %broadcast_in_dim3A_6 {add = true} : memref<98560xf32, #tpu.memory_space<vmem>>[vector<16xi32>], vector<16xf32>,
        %parallel_loop3A_388 = arith.mulf %parallel_loop3A_383, %div3A : vector<16xf32>
        %parallel_loop3A_389 = arith.addf %parallel_loop3A_388, %add3A_98 : vector<16xf32>
        %parallel_loop3A_390 = arith.fptosi %parallel_loop3A_389 : vector<16xf32> to vector<16xi32>
        %parallel_loop3A_391 = arith.minsi %parallel_loop3A_390, %add3A_15 : vector<16xi32>
        tpu.vector_store_idx %arg7[%parallel_loop3A_391], %broadcast_in_dim3A_6 {add = true} : memref<98560xf32, #tpu.memory_space<vmem>>[vector<16xi32>], vector<16xf32>,
      } {sc.loop_unroll_factor = 8 : i64, sc.parallel_access}
      %lt3A = arith.constant 7 : i32
      %lt3A_324 = arith.cmpi slt, %scan3A_274, %lt3A : i32
      %convert_element_type3A_325 = arith.extui %lt3A_324 : i1 to i32
      %cond3A = arith.constant 0 : i32
      %cond3A_326 = arith.cmpi ne, %convert_element_type3A_325, %cond3A : i32
      scf.if %cond3A_326 {
        %mul3A_353 = arith.constant 2 : i32
        %mul3A_354 = arith.muli %mul3A_353, %scan3A_274 : i32
        %add3A_355 = arith.constant 2 : i32
        %add3A_356 = arith.addi %mul3A_354, %add3A_355 : i32
        %dma_start3A_357 = arith.constant 0 : i32
        %dma_start3A_358 = tpu.memref_slice %arg8[%dma_start3A_357] : memref<8192xi32, #tpu.memory_space<vmem>> -> memref<4096xi32, #tpu.memory_space<vmem>>
        %dma_start3A_359 = arith.constant 0 : i32
        %dma_start3A_360 = tpu.memref_slice %arg2[%add3A_356, %add3A_21, %dma_start3A_359] : memref<16x64x4096xi32, #tpu.memory_space<hbm>> -> memref<1x1x4096xi32, #tpu.memory_space<hbm>>
        %dma_start3A_361 = tpu.memref_squeeze %dma_start3A_360 : memref<1x1x4096xi32, #tpu.memory_space<hbm>> -> memref<4096xi32, #tpu.memory_space<hbm>>
        %dma_start3A_362 = arith.constant 0 : i32
        %dma_start3A_363 = tpu.memref_slice %arg8[%dma_start3A_362] : memref<8192xi32, #tpu.memory_space<vmem>> -> memref<4096xi32, #tpu.memory_space<vmem>>
        %dma_start3A_364 = arith.constant 0 : i32
        %dma_start3A_365 = tpu.memref_slice %arg2[%add3A_356, %add3A_21, %dma_start3A_364] : memref<16x64x4096xi32, #tpu.memory_space<hbm>> -> memref<1x1x4096xi32, #tpu.memory_space<hbm>>
        %dma_start3A_366 = tpu.memref_squeeze %dma_start3A_365 : memref<1x1x4096xi32, #tpu.memory_space<hbm>> -> memref<4096xi32, #tpu.memory_space<hbm>>
        tpu.enqueue_dma source(%dma_start3A_366 : memref<4096xi32, #tpu.memory_space<hbm>>) target(%dma_start3A_363 : memref<4096xi32, #tpu.memory_space<vmem>>) target_semaphore(%arg12 : memref<!tpu.dma_semaphore, #tpu.memory_space<semaphore_mem>>)
        %dma_start3A_367 = arith.constant 0 : i32
        %dma_start3A_368 = tpu.memref_slice %arg9[%dma_start3A_367] : memref<8192xi32, #tpu.memory_space<vmem>> -> memref<4096xi32, #tpu.memory_space<vmem>>
        %dma_start3A_369 = arith.constant 0 : i32
        %dma_start3A_370 = tpu.memref_slice %arg3[%add3A_356, %add3A_21, %dma_start3A_369] : memref<16x64x4096xi32, #tpu.memory_space<hbm>> -> memref<1x1x4096xi32, #tpu.memory_space<hbm>>
        %dma_start3A_371 = tpu.memref_squeeze %dma_start3A_370 : memref<1x1x4096xi32, #tpu.memory_space<hbm>> -> memref<4096xi32, #tpu.memory_space<hbm>>
        %dma_start3A_372 = arith.constant 0 : i32
        %dma_start3A_373 = tpu.memref_slice %arg9[%dma_start3A_372] : memref<8192xi32, #tpu.memory_space<vmem>> -> memref<4096xi32, #tpu.memory_space<vmem>>
        %dma_start3A_374 = arith.constant 0 : i32
        %dma_start3A_375 = tpu.memref_slice %arg3[%add3A_356, %add3A_21, %dma_start3A_374] : memref<16x64x4096xi32, #tpu.memory_space<hbm>> -> memref<1x1x4096xi32, #tpu.memory_space<hbm>>
        %dma_start3A_376 = tpu.memref_squeeze %dma_start3A_375 : memref<1x1x4096xi32, #tpu.memory_space<hbm>> -> memref<4096xi32, #tpu.memory_space<hbm>>
        tpu.enqueue_dma source(%dma_start3A_376 : memref<4096xi32, #tpu.memory_space<hbm>>) target(%dma_start3A_373 : memref<4096xi32, #tpu.memory_space<vmem>>) target_semaphore(%arg14 : memref<!tpu.dma_semaphore, #tpu.memory_space<semaphore_mem>>)
      } else {
      }
      %dma_wait3A_327 = arith.constant 0 : i32
      %dma_wait3A_328 = arith.constant 4096 : i32
      %dma_wait3A_329 = tpu.memref_slice %arg8[%dma_wait3A_328] : memref<8192xi32, #tpu.memory_space<vmem>> -> memref<4096xi32, #tpu.memory_space<vmem>>
      %dma_wait3A_330 = arith.constant 0 : i32
      %dma_wait3A_331 = tpu.memref_slice %arg2[%dma_wait3A_327, %add3A_21, %dma_wait3A_330] : memref<16x64x4096xi32, #tpu.memory_space<hbm>> -> memref<1x1x4096xi32, #tpu.memory_space<hbm>>
      %dma_wait3A_332 = tpu.memref_squeeze %dma_wait3A_331 : memref<1x1x4096xi32, #tpu.memory_space<hbm>> -> memref<4096xi32, #tpu.memory_space<hbm>>
      %dma_wait3A_333 = arith.constant 4096 : i32
      %dma_wait3A_334 = tpu.memref_slice %arg8[%dma_wait3A_333] : memref<8192xi32, #tpu.memory_space<vmem>> -> memref<4096xi32, #tpu.memory_space<vmem>>
      %dma_wait3A_335 = arith.constant 0 : i32
      %dma_wait3A_336 = tpu.memref_slice %arg2[%dma_wait3A_327, %add3A_21, %dma_wait3A_335] : memref<16x64x4096xi32, #tpu.memory_space<hbm>> -> memref<1x1x4096xi32, #tpu.memory_space<hbm>>
      %dma_wait3A_337 = tpu.memref_squeeze %dma_wait3A_336 : memref<1x1x4096xi32, #tpu.memory_space<hbm>> -> memref<4096xi32, #tpu.memory_space<hbm>>
      tpu.wait_dma2 semaphore(%arg13 : memref<!tpu.dma_semaphore, #tpu.memory_space<semaphore_mem>>) src(%dma_wait3A_337 : memref<4096xi32, #tpu.memory_space<hbm>>) dst(%dma_wait3A_334 : memref<4096xi32, #tpu.memory_space<vmem>>)
      %dma_wait3A_338 = arith.constant 0 : i32
      %dma_wait3A_339 = arith.constant 4096 : i32
      %dma_wait3A_340 = tpu.memref_slice %arg9[%dma_wait3A_339] : memref<8192xi32, #tpu.memory_space<vmem>> -> memref<4096xi32, #tpu.memory_space<vmem>>
      %dma_wait3A_341 = arith.constant 0 : i32
      %dma_wait3A_342 = tpu.memref_slice %arg3[%dma_wait3A_338, %add3A_21, %dma_wait3A_341] : memref<16x64x4096xi32, #tpu.memory_space<hbm>> -> memref<1x1x4096xi32, #tpu.memory_space<hbm>>
      %dma_wait3A_343 = tpu.memref_squeeze %dma_wait3A_342 : memref<1x1x4096xi32, #tpu.memory_space<hbm>> -> memref<4096xi32, #tpu.memory_space<hbm>>
      %dma_wait3A_344 = arith.constant 4096 : i32
      %dma_wait3A_345 = tpu.memref_slice %arg9[%dma_wait3A_344] : memref<8192xi32, #tpu.memory_space<vmem>> -> memref<4096xi32, #tpu.memory_space<vmem>>
      %dma_wait3A_346 = arith.constant 0 : i32
      %dma_wait3A_347 = tpu.memref_slice %arg3[%dma_wait3A_338, %add3A_21, %dma_wait3A_346] : memref<16x64x4096xi32, #tpu.memory_space<hbm>> -> memref<1x1x4096xi32, #tpu.memory_space<hbm>>
      %dma_wait3A_348 = tpu.memref_squeeze %dma_wait3A_347 : memref<1x1x4096xi32, #tpu.memory_space<hbm>> -> memref<4096xi32, #tpu.memory_space<hbm>>
      tpu.wait_dma2 semaphore(%arg15 : memref<!tpu.dma_semaphore, #tpu.memory_space<semaphore_mem>>) src(%dma_wait3A_348 : memref<4096xi32, #tpu.memory_space<hbm>>) dst(%dma_wait3A_345 : memref<4096xi32, #tpu.memory_space<vmem>>)
      %parallel_loop3A_349 = arith.constant 0 : i32
      %parallel_loop3A_350 = arith.constant 256 : i32
      %parallel_loop3A_351 = arith.constant 1 : i32
      scf.for %parallel_loop3A_353 = %parallel_loop3A_349 to %parallel_loop3A_350 step %parallel_loop3A_351  : i32 {
        %parallel_loop3A_354 = arith.constant 16 : i32
        %parallel_loop3A_355 = arith.muli %parallel_loop3A_353, %parallel_loop3A_354 : i32
        %parallel_loop3A_356 = arith.constant 4096 : i32
        %parallel_loop3A_357 = arith.addi %parallel_loop3A_356, %parallel_loop3A_355 : i32
        %parallel_loop3A_358 = arith.index_cast %parallel_loop3A_357 : i32 to index
        %parallel_loop3A_359 = tpu.vector_load %arg8[%parallel_loop3A_358] {strides = array<i32>} : memref<8192xi32, #tpu.memory_space<vmem>>, vector<16xi32>,
        %parallel_loop3A_360 = vector.bitcast %parallel_loop3A_359 : vector<16xi32> to vector<16xi32>
        %parallel_loop3A_361 = arith.andi %parallel_loop3A_360, %broadcast_in_dim3A_10 : vector<16xi32>
        %parallel_loop3A_362 = vector.bitcast %parallel_loop3A_361 : vector<16xi32> to vector<16xf32>
        %parallel_loop3A_363 = arith.shli %parallel_loop3A_360, %broadcast_in_dim3A_12 : vector<16xi32>
        %parallel_loop3A_364 = vector.bitcast %parallel_loop3A_363 : vector<16xi32> to vector<16xf32>
        %parallel_loop3A_365 = arith.mulf %parallel_loop3A_362, %div3A : vector<16xf32>
        %parallel_loop3A_366 = arith.addf %parallel_loop3A_365, %add3A_98 : vector<16xf32>
        %parallel_loop3A_367 = arith.fptosi %parallel_loop3A_366 : vector<16xf32> to vector<16xi32>
        %parallel_loop3A_368 = arith.minsi %parallel_loop3A_367, %add3A_15 : vector<16xi32>
        tpu.vector_store_idx %arg7[%parallel_loop3A_368], %broadcast_in_dim3A_4 {add = true} : memref<98560xf32, #tpu.memory_space<vmem>>[vector<16xi32>], vector<16xf32>,
        %parallel_loop3A_369 = arith.mulf %parallel_loop3A_364, %div3A : vector<16xf32>
        %parallel_loop3A_370 = arith.addf %parallel_loop3A_369, %add3A_98 : vector<16xf32>
        %parallel_loop3A_371 = arith.fptosi %parallel_loop3A_370 : vector<16xf32> to vector<16xi32>
        %parallel_loop3A_372 = arith.minsi %parallel_loop3A_371, %add3A_15 : vector<16xi32>
        tpu.vector_store_idx %arg7[%parallel_loop3A_372], %broadcast_in_dim3A_4 {add = true} : memref<98560xf32, #tpu.memory_space<vmem>>[vector<16xi32>], vector<16xf32>,
        %parallel_loop3A_373 = arith.constant 16 : i32
        %parallel_loop3A_374 = arith.muli %parallel_loop3A_353, %parallel_loop3A_373 : i32
        %parallel_loop3A_375 = arith.constant 4096 : i32
        %parallel_loop3A_376 = arith.addi %parallel_loop3A_375, %parallel_loop3A_374 : i32
        %parallel_loop3A_377 = arith.index_cast %parallel_loop3A_376 : i32 to index
        %parallel_loop3A_378 = tpu.vector_load %arg9[%parallel_loop3A_377] {strides = array<i32>} : memref<8192xi32, #tpu.memory_space<vmem>>, vector<16xi32>,
        %parallel_loop3A_379 = vector.bitcast %parallel_loop3A_378 : vector<16xi32> to vector<16xi32>
        %parallel_loop3A_380 = arith.andi %parallel_loop3A_379, %broadcast_in_dim3A_10 : vector<16xi32>
        %parallel_loop3A_381 = vector.bitcast %parallel_loop3A_380 : vector<16xi32> to vector<16xf32>
        %parallel_loop3A_382 = arith.shli %parallel_loop3A_379, %broadcast_in_dim3A_12 : vector<16xi32>
        %parallel_loop3A_383 = vector.bitcast %parallel_loop3A_382 : vector<16xi32> to vector<16xf32>
        %parallel_loop3A_384 = arith.mulf %parallel_loop3A_381, %div3A : vector<16xf32>
        %parallel_loop3A_385 = arith.addf %parallel_loop3A_384, %add3A_98 : vector<16xf32>
        %parallel_loop3A_386 = arith.fptosi %parallel_loop3A_385 : vector<16xf32> to vector<16xi32>
        %parallel_loop3A_387 = arith.minsi %parallel_loop3A_386, %add3A_15 : vector<16xi32>
        tpu.vector_store_idx %arg7[%parallel_loop3A_387], %broadcast_in_dim3A_6 {add = true} : memref<98560xf32, #tpu.memory_space<vmem>>[vector<16xi32>], vector<16xf32>,
        %parallel_loop3A_388 = arith.mulf %parallel_loop3A_383, %div3A : vector<16xf32>
        %parallel_loop3A_389 = arith.addf %parallel_loop3A_388, %add3A_98 : vector<16xf32>
        %parallel_loop3A_390 = arith.fptosi %parallel_loop3A_389 : vector<16xf32> to vector<16xi32>
        %parallel_loop3A_391 = arith.minsi %parallel_loop3A_390, %add3A_15 : vector<16xi32>
        tpu.vector_store_idx %arg7[%parallel_loop3A_391], %broadcast_in_dim3A_6 {add = true} : memref<98560xf32, #tpu.memory_space<vmem>>[vector<16xi32>], vector<16xf32>,
      } {sc.loop_unroll_factor = 8 : i64, sc.parallel_access}
      %scan3A_352 = arith.constant 0 : i32
      scf.yield %scan3A_352 : i32
    }
    %scan3A_128 = arith.constant 8 : i32
    %broadcast_in_dim3A_129 = arith.constant 0.000000e+00 : f32
    %broadcast_in_dim3A_130 = vector.broadcast %broadcast_in_dim3A_129 : f32 to vector<16xf32>
    %scan3A_131 = arith.constant 0.000000e+00 : f32
    %scan3A_132 = arith.constant 0 : i32
    %scan3A_133 = arith.constant 385 : i32
    %scan3A_134 = arith.addi %scan3A_132, %scan3A_133 : i32
    %scan3A_135 = arith.constant 1 : i32
    %scan3A_136:2 = scf.for %scan3A_274 = %scan3A_132 to %scan3A_134 step %scan3A_135 iter_args(%scan3A_275 = %scan3A_131, %scan3A_276 = %broadcast_in_dim3A_130) -> (f32, vector<16xf32>)  : i32 {
      %mul3A_277 = arith.constant 16 : i32
      %mul3A_278 = arith.muli %scan3A_274, %mul3A_277 : i32
      %get3A_279 = arith.index_cast %mul3A_278 : i32 to index
      %get3A_280 = tpu.vector_load %arg7[%get3A_279] {strides = array<i32>} : memref<98560xf32, #tpu.memory_space<vmem>>, vector<16xf32>,
      %swap3A_281 = arith.index_cast %mul3A_278 : i32 to index
      %swap3A_282 = tpu.vector_load %arg7[%swap3A_281] {strides = array<i32>} : memref<98560xf32, #tpu.memory_space<vmem>>, vector<16xf32>,
      tpu.vector_store %arg7[%swap3A_281], %broadcast_in_dim3A_8 {strides = array<i32>} : memref<98560xf32, #tpu.memory_space<vmem>>, vector<16xf32>,
      %add3A_283 = arith.constant 6160 : i32
      %add3A_284 = arith.addi %add3A_283, %mul3A_278 : i32
      %get3A_285 = arith.index_cast %add3A_284 : i32 to index
      %get3A_286 = tpu.vector_load %arg7[%get3A_285] {strides = array<i32>} : memref<98560xf32, #tpu.memory_space<vmem>>, vector<16xf32>,
      %add3A_287 = arith.addf %get3A_280, %get3A_286 : vector<16xf32>
      %add3A_288 = arith.constant 6160 : i32
      %add3A_289 = arith.addi %add3A_288, %mul3A_278 : i32
      %swap3A_290 = arith.index_cast %add3A_289 : i32 to index
      %swap3A_291 = tpu.vector_load %arg7[%swap3A_290] {strides = array<i32>} : memref<98560xf32, #tpu.memory_space<vmem>>, vector<16xf32>,
      tpu.vector_store %arg7[%swap3A_290], %broadcast_in_dim3A_8 {strides = array<i32>} : memref<98560xf32, #tpu.memory_space<vmem>>, vector<16xf32>,
      %add3A_292 = arith.constant 12320 : i32
      %add3A_293 = arith.addi %add3A_292, %mul3A_278 : i32
      %get3A_294 = arith.index_cast %add3A_293 : i32 to index
      %get3A_295 = tpu.vector_load %arg7[%get3A_294] {strides = array<i32>} : memref<98560xf32, #tpu.memory_space<vmem>>, vector<16xf32>,
      %add3A_296 = arith.addf %add3A_287, %get3A_295 : vector<16xf32>
      %add3A_297 = arith.constant 12320 : i32
      %add3A_298 = arith.addi %add3A_297, %mul3A_278 : i32
      %swap3A_299 = arith.index_cast %add3A_298 : i32 to index
      %swap3A_300 = tpu.vector_load %arg7[%swap3A_299] {strides = array<i32>} : memref<98560xf32, #tpu.memory_space<vmem>>, vector<16xf32>,
      tpu.vector_store %arg7[%swap3A_299], %broadcast_in_dim3A_8 {strides = array<i32>} : memref<98560xf32, #tpu.memory_space<vmem>>, vector<16xf32>,
      %add3A_301 = arith.constant 18480 : i32
      %add3A_302 = arith.addi %add3A_301, %mul3A_278 : i32
      %get3A_303 = arith.index_cast %add3A_302 : i32 to index
      %get3A_304 = tpu.vector_load %arg7[%get3A_303] {strides = array<i32>} : memref<98560xf32, #tpu.memory_space<vmem>>, vector<16xf32>,
      %add3A_305 = arith.addf %add3A_296, %get3A_304 : vector<16xf32>
      %add3A_306 = arith.constant 18480 : i32
      %add3A_307 = arith.addi %add3A_306, %mul3A_278 : i32
      %swap3A_308 = arith.index_cast %add3A_307 : i32 to index
      %swap3A_309 = tpu.vector_load %arg7[%swap3A_308] {strides = array<i32>} : memref<98560xf32, #tpu.memory_space<vmem>>, vector<16xf32>,
      tpu.vector_store %arg7[%swap3A_308], %broadcast_in_dim3A_8 {strides = array<i32>} : memref<98560xf32, #tpu.memory_space<vmem>>, vector<16xf32>,
      %add3A_310 = arith.constant 24640 : i32
      %add3A_311 = arith.addi %add3A_310, %mul3A_278 : i32
      %get3A_312 = arith.index_cast %add3A_311 : i32 to index
      %get3A_313 = tpu.vector_load %arg7[%get3A_312] {strides = array<i32>} : memref<98560xf32, #tpu.memory_space<vmem>>, vector<16xf32>,
      %add3A_314 = arith.addf %add3A_305, %get3A_313 : vector<16xf32>
      %add3A_315 = arith.constant 24640 : i32
      %add3A_316 = arith.addi %add3A_315, %mul3A_278 : i32
      %swap3A_317 = arith.index_cast %add3A_316 : i32 to index
      %swap3A_318 = tpu.vector_load %arg7[%swap3A_317] {strides = array<i32>} : memref<98560xf32, #tpu.memory_space<vmem>>, vector<16xf32>,
      tpu.vector_store %arg7[%swap3A_317], %broadcast_in_dim3A_8 {strides = array<i32>} : memref<98560xf32, #tpu.memory_space<vmem>>, vector<16xf32>,
      %add3A_319 = arith.constant 30800 : i32
      %add3A_320 = arith.addi %add3A_319, %mul3A_278 : i32
      %get3A_321 = arith.index_cast %add3A_320 : i32 to index
      %get3A_322 = tpu.vector_load %arg7[%get3A_321] {strides = array<i32>} : memref<98560xf32, #tpu.memory_space<vmem>>, vector<16xf32>,
      %add3A_323 = arith.addf %add3A_314, %get3A_322 : vector<16xf32>
      %add3A_324 = arith.constant 30800 : i32
      %add3A_325 = arith.addi %add3A_324, %mul3A_278 : i32
      %swap3A_326 = arith.index_cast %add3A_325 : i32 to index
      %swap3A_327 = tpu.vector_load %arg7[%swap3A_326] {strides = array<i32>} : memref<98560xf32, #tpu.memory_space<vmem>>, vector<16xf32>,
      tpu.vector_store %arg7[%swap3A_326], %broadcast_in_dim3A_8 {strides = array<i32>} : memref<98560xf32, #tpu.memory_space<vmem>>, vector<16xf32>,
      %add3A_328 = arith.constant 36960 : i32
      %add3A_329 = arith.addi %add3A_328, %mul3A_278 : i32
      %get3A_330 = arith.index_cast %add3A_329 : i32 to index
      %get3A_331 = tpu.vector_load %arg7[%get3A_330] {strides = array<i32>} : memref<98560xf32, #tpu.memory_space<vmem>>, vector<16xf32>,
      %add3A_332 = arith.addf %add3A_323, %get3A_331 : vector<16xf32>
      %add3A_333 = arith.constant 36960 : i32
      %add3A_334 = arith.addi %add3A_333, %mul3A_278 : i32
      %swap3A_335 = arith.index_cast %add3A_334 : i32 to index
      %swap3A_336 = tpu.vector_load %arg7[%swap3A_335] {strides = array<i32>} : memref<98560xf32, #tpu.memory_space<vmem>>, vector<16xf32>,
      tpu.vector_store %arg7[%swap3A_335], %broadcast_in_dim3A_8 {strides = array<i32>} : memref<98560xf32, #tpu.memory_space<vmem>>, vector<16xf32>,
      %add3A_337 = arith.constant 43120 : i32
      %add3A_338 = arith.addi %add3A_337, %mul3A_278 : i32
      %get3A_339 = arith.index_cast %add3A_338 : i32 to index
      %get3A_340 = tpu.vector_load %arg7[%get3A_339] {strides = array<i32>} : memref<98560xf32, #tpu.memory_space<vmem>>, vector<16xf32>,
      %add3A_341 = arith.addf %add3A_332, %get3A_340 : vector<16xf32>
      %add3A_342 = arith.constant 43120 : i32
      %add3A_343 = arith.addi %add3A_342, %mul3A_278 : i32
      %swap3A_344 = arith.index_cast %add3A_343 : i32 to index
      %swap3A_345 = tpu.vector_load %arg7[%swap3A_344] {strides = array<i32>} : memref<98560xf32, #tpu.memory_space<vmem>>, vector<16xf32>,
      tpu.vector_store %arg7[%swap3A_344], %broadcast_in_dim3A_8 {strides = array<i32>} : memref<98560xf32, #tpu.memory_space<vmem>>, vector<16xf32>,
      %add3A_346 = arith.constant 49280 : i32
      %add3A_347 = arith.addi %add3A_346, %mul3A_278 : i32
      %get3A_348 = arith.index_cast %add3A_347 : i32 to index
      %get3A_349 = tpu.vector_load %arg7[%get3A_348] {strides = array<i32>} : memref<98560xf32, #tpu.memory_space<vmem>>, vector<16xf32>,
      %add3A_350 = arith.addf %add3A_341, %get3A_349 : vector<16xf32>
      %add3A_351 = arith.constant 49280 : i32
      %add3A_352 = arith.addi %add3A_351, %mul3A_278 : i32
      %swap3A_353 = arith.index_cast %add3A_352 : i32 to index
      %swap3A_354 = tpu.vector_load %arg7[%swap3A_353] {strides = array<i32>} : memref<98560xf32, #tpu.memory_space<vmem>>, vector<16xf32>,
      tpu.vector_store %arg7[%swap3A_353], %broadcast_in_dim3A_8 {strides = array<i32>} : memref<98560xf32, #tpu.memory_space<vmem>>, vector<16xf32>,
      %add3A_355 = arith.constant 55440 : i32
      %add3A_356 = arith.addi %add3A_355, %mul3A_278 : i32
      %get3A_357 = arith.index_cast %add3A_356 : i32 to index
      %get3A_358 = tpu.vector_load %arg7[%get3A_357] {strides = array<i32>} : memref<98560xf32, #tpu.memory_space<vmem>>, vector<16xf32>,
      %add3A_359 = arith.addf %add3A_350, %get3A_358 : vector<16xf32>
      %add3A_360 = arith.constant 55440 : i32
      %add3A_361 = arith.addi %add3A_360, %mul3A_278 : i32
      %swap3A_362 = arith.index_cast %add3A_361 : i32 to index
      %swap3A_363 = tpu.vector_load %arg7[%swap3A_362] {strides = array<i32>} : memref<98560xf32, #tpu.memory_space<vmem>>, vector<16xf32>,
      tpu.vector_store %arg7[%swap3A_362], %broadcast_in_dim3A_8 {strides = array<i32>} : memref<98560xf32, #tpu.memory_space<vmem>>, vector<16xf32>,
      %add3A_364 = arith.constant 61600 : i32
      %add3A_365 = arith.addi %add3A_364, %mul3A_278 : i32
      %get3A_366 = arith.index_cast %add3A_365 : i32 to index
      %get3A_367 = tpu.vector_load %arg7[%get3A_366] {strides = array<i32>} : memref<98560xf32, #tpu.memory_space<vmem>>, vector<16xf32>,
      %add3A_368 = arith.addf %add3A_359, %get3A_367 : vector<16xf32>
      %add3A_369 = arith.constant 61600 : i32
      %add3A_370 = arith.addi %add3A_369, %mul3A_278 : i32
      %swap3A_371 = arith.index_cast %add3A_370 : i32 to index
      %swap3A_372 = tpu.vector_load %arg7[%swap3A_371] {strides = array<i32>} : memref<98560xf32, #tpu.memory_space<vmem>>, vector<16xf32>,
      tpu.vector_store %arg7[%swap3A_371], %broadcast_in_dim3A_8 {strides = array<i32>} : memref<98560xf32, #tpu.memory_space<vmem>>, vector<16xf32>,
      %add3A_373 = arith.constant 67760 : i32
      %add3A_374 = arith.addi %add3A_373, %mul3A_278 : i32
      %get3A_375 = arith.index_cast %add3A_374 : i32 to index
      %get3A_376 = tpu.vector_load %arg7[%get3A_375] {strides = array<i32>} : memref<98560xf32, #tpu.memory_space<vmem>>, vector<16xf32>,
      %add3A_377 = arith.addf %add3A_368, %get3A_376 : vector<16xf32>
      %add3A_378 = arith.constant 67760 : i32
      %add3A_379 = arith.addi %add3A_378, %mul3A_278 : i32
      %swap3A_380 = arith.index_cast %add3A_379 : i32 to index
      %swap3A_381 = tpu.vector_load %arg7[%swap3A_380] {strides = array<i32>} : memref<98560xf32, #tpu.memory_space<vmem>>, vector<16xf32>,
      tpu.vector_store %arg7[%swap3A_380], %broadcast_in_dim3A_8 {strides = array<i32>} : memref<98560xf32, #tpu.memory_space<vmem>>, vector<16xf32>,
      %add3A_382 = arith.constant 73920 : i32
      %add3A_383 = arith.addi %add3A_382, %mul3A_278 : i32
      %get3A_384 = arith.index_cast %add3A_383 : i32 to index
      %get3A_385 = tpu.vector_load %arg7[%get3A_384] {strides = array<i32>} : memref<98560xf32, #tpu.memory_space<vmem>>, vector<16xf32>,
      %add3A_386 = arith.addf %add3A_377, %get3A_385 : vector<16xf32>
      %add3A_387 = arith.constant 73920 : i32
      %add3A_388 = arith.addi %add3A_387, %mul3A_278 : i32
      %swap3A_389 = arith.index_cast %add3A_388 : i32 to index
      %swap3A_390 = tpu.vector_load %arg7[%swap3A_389] {strides = array<i32>} : memref<98560xf32, #tpu.memory_space<vmem>>, vector<16xf32>,
      tpu.vector_store %arg7[%swap3A_389], %broadcast_in_dim3A_8 {strides = array<i32>} : memref<98560xf32, #tpu.memory_space<vmem>>, vector<16xf32>,
      %add3A_391 = arith.constant 80080 : i32
      %add3A_392 = arith.addi %add3A_391, %mul3A_278 : i32
      %get3A_393 = arith.index_cast %add3A_392 : i32 to index
      %get3A_394 = tpu.vector_load %arg7[%get3A_393] {strides = array<i32>} : memref<98560xf32, #tpu.memory_space<vmem>>, vector<16xf32>,
      %add3A_395 = arith.addf %add3A_386, %get3A_394 : vector<16xf32>
      %add3A_396 = arith.constant 80080 : i32
      %add3A_397 = arith.addi %add3A_396, %mul3A_278 : i32
      %swap3A_398 = arith.index_cast %add3A_397 : i32 to index
      %swap3A_399 = tpu.vector_load %arg7[%swap3A_398] {strides = array<i32>} : memref<98560xf32, #tpu.memory_space<vmem>>, vector<16xf32>,
      tpu.vector_store %arg7[%swap3A_398], %broadcast_in_dim3A_8 {strides = array<i32>} : memref<98560xf32, #tpu.memory_space<vmem>>, vector<16xf32>,
      %add3A_400 = arith.constant 86240 : i32
      %add3A_401 = arith.addi %add3A_400, %mul3A_278 : i32
      %get3A_402 = arith.index_cast %add3A_401 : i32 to index
      %get3A_403 = tpu.vector_load %arg7[%get3A_402] {strides = array<i32>} : memref<98560xf32, #tpu.memory_space<vmem>>, vector<16xf32>,
      %add3A_404 = arith.addf %add3A_395, %get3A_403 : vector<16xf32>
      %add3A_405 = arith.constant 86240 : i32
      %add3A_406 = arith.addi %add3A_405, %mul3A_278 : i32
      %swap3A_407 = arith.index_cast %add3A_406 : i32 to index
      %swap3A_408 = tpu.vector_load %arg7[%swap3A_407] {strides = array<i32>} : memref<98560xf32, #tpu.memory_space<vmem>>, vector<16xf32>,
      tpu.vector_store %arg7[%swap3A_407], %broadcast_in_dim3A_8 {strides = array<i32>} : memref<98560xf32, #tpu.memory_space<vmem>>, vector<16xf32>,
      %add3A_409 = arith.constant 92400 : i32
      %add3A_410 = arith.addi %add3A_409, %mul3A_278 : i32
      %get3A_411 = arith.index_cast %add3A_410 : i32 to index
      %get3A_412 = tpu.vector_load %arg7[%get3A_411] {strides = array<i32>} : memref<98560xf32, #tpu.memory_space<vmem>>, vector<16xf32>,
      %add3A_413 = arith.addf %add3A_404, %get3A_412 : vector<16xf32>
      %add3A_414 = arith.constant 92400 : i32
      %add3A_415 = arith.addi %add3A_414, %mul3A_278 : i32
      %swap3A_416 = arith.index_cast %add3A_415 : i32 to index
      %swap3A_417 = tpu.vector_load %arg7[%swap3A_416] {strides = array<i32>} : memref<98560xf32, #tpu.memory_space<vmem>>, vector<16xf32>,
      tpu.vector_store %arg7[%swap3A_416], %broadcast_in_dim3A_8 {strides = array<i32>} : memref<98560xf32, #tpu.memory_space<vmem>>, vector<16xf32>,
      %broadcast_in_dim3A_418 = arith.constant true
      %broadcast_in_dim3A_419 = vector.broadcast %broadcast_in_dim3A_418 : i1 to vector<16xi1>
      %masked_cumsum3A = tpu.scan <sum>, %add3A_413 masked %broadcast_in_dim3A_419 : vector<16xf32>, vector<16xi1> -> vector<16xf32>
      %add3A_420 = vector.broadcast %scan3A_275 : f32 to vector<16xf32>
      %add3A_421 = arith.addf %masked_cumsum3A, %add3A_420 : vector<16xf32>
      %abs3A = math.absf %add3A_421 : vector<16xf32>
      %add3A_422 = arith.addf %scan3A_276, %abs3A : vector<16xf32>
      %reduce_sum3A = arith.constant true
      %reduce_sum3A_423 = vector.broadcast %reduce_sum3A : i1 to vector<16xi1>
      %reduce_sum3A_424 = tpu.scan <sum>, %add3A_413 masked %reduce_sum3A_423 : vector<16xf32>, vector<16xi1> -> vector<16xf32>
      %reduce_sum3A_425 = vector.extract %reduce_sum3A_424[15] : f32 from vector<16xf32>
      %add3A_426 = arith.addf %scan3A_275, %reduce_sum3A_425 : f32
      scf.yield %add3A_426, %add3A_422 : f32, vector<16xf32>
    }
    %scan3A_137 = arith.constant 385 : i32
    %mul3A_138 = arith.mulf %scan3A_136#1, %mul3A_101 : vector<16xf32>
    %swap3A = arith.constant 0 : index
    %swap3A_139 = tpu.vector_load %arg10[%swap3A] {strides = array<i32>} : memref<16xf32, #tpu.memory_space<vmem>>, vector<16xf32>,
    tpu.vector_store %arg10[%swap3A], %mul3A_138 {strides = array<i32>} : memref<16xf32, #tpu.memory_space<vmem>>, vector<16xf32>,
    "tpu.region"() ({
      %run_scoped3A_274 = tpu.sem_alloc : memref<!tpu.dma_semaphore, #tpu.memory_space<semaphore_mem>>
      %dma_start3A_275 = arith.constant 0 : i32
      %dma_start3A_276 = tpu.memref_slice %arg6[%add3A_21, %dma_start3A_275] : memref<64x16xf32, #tpu.memory_space<hbm>> -> memref<1x16xf32, #tpu.memory_space<hbm>>
      %dma_start3A_277 = tpu.memref_squeeze %dma_start3A_276 : memref<1x16xf32, #tpu.memory_space<hbm>> -> memref<16xf32, #tpu.memory_space<hbm>>
      %dma_start3A_278 = arith.constant 0 : i32
      %dma_start3A_279 = tpu.memref_slice %arg6[%add3A_21, %dma_start3A_278] : memref<64x16xf32, #tpu.memory_space<hbm>> -> memref<1x16xf32, #tpu.memory_space<hbm>>
      %dma_start3A_280 = tpu.memref_squeeze %dma_start3A_279 : memref<1x16xf32, #tpu.memory_space<hbm>> -> memref<16xf32, #tpu.memory_space<hbm>>
      tpu.enqueue_dma source(%arg10 : memref<16xf32, #tpu.memory_space<vmem>>) target(%dma_start3A_280 : memref<16xf32, #tpu.memory_space<hbm>>) target_semaphore(%run_scoped3A_274 : memref<!tpu.dma_semaphore, #tpu.memory_space<semaphore_mem>>)
      %dma_wait3A = arith.constant 0 : i32
      %dma_wait3A_281 = tpu.memref_slice %arg6[%add3A_21, %dma_wait3A] : memref<64x16xf32, #tpu.memory_space<hbm>> -> memref<1x16xf32, #tpu.memory_space<hbm>>
      %dma_wait3A_282 = tpu.memref_squeeze %dma_wait3A_281 : memref<1x16xf32, #tpu.memory_space<hbm>> -> memref<16xf32, #tpu.memory_space<hbm>>
      %dma_wait3A_283 = arith.constant 0 : i32
      %dma_wait3A_284 = tpu.memref_slice %arg6[%add3A_21, %dma_wait3A_283] : memref<64x16xf32, #tpu.memory_space<hbm>> -> memref<1x16xf32, #tpu.memory_space<hbm>>
      %dma_wait3A_285 = tpu.memref_squeeze %dma_wait3A_284 : memref<1x16xf32, #tpu.memory_space<hbm>> -> memref<16xf32, #tpu.memory_space<hbm>>
      tpu.wait_dma2 semaphore(%run_scoped3A_274 : memref<!tpu.dma_semaphore, #tpu.memory_space<semaphore_mem>>) src(%arg10 : memref<16xf32, #tpu.memory_space<vmem>>) dst(%dma_wait3A_285 : memref<16xf32, #tpu.memory_space<hbm>>)
      tpu.yield
    }) : () -> ()
    %mul3A_140 = arith.constant 2 : i32
    %mul3A_141 = arith.muli %add3A, %mul3A_140 : i32
    %add3A_142 = arith.constant 1 : i32
    %add3A_143 = arith.addi %mul3A_141, %add3A_142 : i32
    %run_scoped3A_144 = arith.constant 0 : i32
    "tpu.region"() ({
      %run_scoped3A_274 = tpu.sem_alloc : memref<!tpu.dma_semaphore, #tpu.memory_space<semaphore_mem>>
      %dma_start3A_275 = arith.constant 0 : i32
      %dma_start3A_276 = tpu.memref_slice %arg4[%run_scoped3A_144, %add3A_143, %dma_start3A_275] : memref<1x64x128xf32, #tpu.memory_space<hbm>> -> memref<1x1x128xf32, #tpu.memory_space<hbm>>
      %dma_start3A_277 = tpu.memref_squeeze %dma_start3A_276 : memref<1x1x128xf32, #tpu.memory_space<hbm>> -> memref<128xf32, #tpu.memory_space<hbm>>
      %dma_start3A_278 = arith.constant 0 : i32
      %dma_start3A_279 = tpu.memref_slice %arg4[%run_scoped3A_144, %add3A_143, %dma_start3A_278] : memref<1x64x128xf32, #tpu.memory_space<hbm>> -> memref<1x1x128xf32, #tpu.memory_space<hbm>>
      %dma_start3A_280 = tpu.memref_squeeze %dma_start3A_279 : memref<1x1x128xf32, #tpu.memory_space<hbm>> -> memref<128xf32, #tpu.memory_space<hbm>>
      tpu.enqueue_dma source(%dma_start3A_280 : memref<128xf32, #tpu.memory_space<hbm>>) target(%arg11 : memref<128xf32, #tpu.memory_space<vmem>>) target_semaphore(%run_scoped3A_274 : memref<!tpu.dma_semaphore, #tpu.memory_space<semaphore_mem>>)
      %dma_wait3A = arith.constant 0 : i32
      %dma_wait3A_281 = tpu.memref_slice %arg4[%run_scoped3A_144, %add3A_143, %dma_wait3A] : memref<1x64x128xf32, #tpu.memory_space<hbm>> -> memref<1x1x128xf32, #tpu.memory_space<hbm>>
      %dma_wait3A_282 = tpu.memref_squeeze %dma_wait3A_281 : memref<1x1x128xf32, #tpu.memory_space<hbm>> -> memref<128xf32, #tpu.memory_space<hbm>>
      %dma_wait3A_283 = arith.constant 0 : i32
      %dma_wait3A_284 = tpu.memref_slice %arg4[%run_scoped3A_144, %add3A_143, %dma_wait3A_283] : memref<1x64x128xf32, #tpu.memory_space<hbm>> -> memref<1x1x128xf32, #tpu.memory_space<hbm>>
      %dma_wait3A_285 = tpu.memref_squeeze %dma_wait3A_284 : memref<1x1x128xf32, #tpu.memory_space<hbm>> -> memref<128xf32, #tpu.memory_space<hbm>>
      tpu.wait_dma2 semaphore(%run_scoped3A_274 : memref<!tpu.dma_semaphore, #tpu.memory_space<semaphore_mem>>) src(%dma_wait3A_285 : memref<128xf32, #tpu.memory_space<hbm>>) dst(%arg11 : memref<128xf32, #tpu.memory_space<vmem>>)
      tpu.yield
    }) : () -> ()
    %get3A_145 = arith.constant 0 : index
    %get3A_146 = tpu.vector_load %arg11[%get3A_145] {strides = array<i32>} : memref<128xf32, #tpu.memory_space<vmem>>, vector<16xf32>,
    %get3A_147 = arith.constant 16 : index
    %get3A_148 = tpu.vector_load %arg11[%get3A_147] {strides = array<i32>} : memref<128xf32, #tpu.memory_space<vmem>>, vector<16xf32>,
    %min3A_149 = arith.minimumf %get3A_146, %get3A_148 : vector<16xf32>
    %get3A_150 = arith.constant 32 : index
    %get3A_151 = tpu.vector_load %arg11[%get3A_150] {strides = array<i32>} : memref<128xf32, #tpu.memory_space<vmem>>, vector<16xf32>,
    %min3A_152 = arith.minimumf %min3A_149, %get3A_151 : vector<16xf32>
    %get3A_153 = arith.constant 48 : index
    %get3A_154 = tpu.vector_load %arg11[%get3A_153] {strides = array<i32>} : memref<128xf32, #tpu.memory_space<vmem>>, vector<16xf32>,
    %min3A_155 = arith.minimumf %min3A_152, %get3A_154 : vector<16xf32>
    %get3A_156 = arith.constant 64 : index
    %get3A_157 = tpu.vector_load %arg11[%get3A_156] {strides = array<i32>} : memref<128xf32, #tpu.memory_space<vmem>>, vector<16xf32>,
    %min3A_158 = arith.minimumf %min3A_155, %get3A_157 : vector<16xf32>
    %get3A_159 = arith.constant 80 : index
    %get3A_160 = tpu.vector_load %arg11[%get3A_159] {strides = array<i32>} : memref<128xf32, #tpu.memory_space<vmem>>, vector<16xf32>,
    %min3A_161 = arith.minimumf %min3A_158, %get3A_160 : vector<16xf32>
    %get3A_162 = arith.constant 96 : index
    %get3A_163 = tpu.vector_load %arg11[%get3A_162] {strides = array<i32>} : memref<128xf32, #tpu.memory_space<vmem>>, vector<16xf32>,
    %min3A_164 = arith.minimumf %min3A_161, %get3A_163 : vector<16xf32>
    %get3A_165 = arith.constant 112 : index
    %get3A_166 = tpu.vector_load %arg11[%get3A_165] {strides = array<i32>} : memref<128xf32, #tpu.memory_space<vmem>>, vector<16xf32>,
    %min3A_167 = arith.minimumf %min3A_164, %get3A_166 : vector<16xf32>
    %reduce_min3A_168 = arith.constant true
    %reduce_min3A_169 = vector.broadcast %reduce_min3A_168 : i1 to vector<16xi1>
    %reduce_min3A_170 = tpu.scan <min>, %min3A_167 masked %reduce_min3A_169 : vector<16xf32>, vector<16xi1> -> vector<16xf32>
    %reduce_min3A_171 = vector.extract %reduce_min3A_170[15] : f32 from vector<16xf32>
    %run_scoped3A_172 = arith.constant 0 : i32
    "tpu.region"() ({
      %run_scoped3A_274 = tpu.sem_alloc : memref<!tpu.dma_semaphore, #tpu.memory_space<semaphore_mem>>
      %dma_start3A_275 = arith.constant 0 : i32
      %dma_start3A_276 = tpu.memref_slice %arg5[%run_scoped3A_172, %add3A_143, %dma_start3A_275] : memref<1x64x128xf32, #tpu.memory_space<hbm>> -> memref<1x1x128xf32, #tpu.memory_space<hbm>>
      %dma_start3A_277 = tpu.memref_squeeze %dma_start3A_276 : memref<1x1x128xf32, #tpu.memory_space<hbm>> -> memref<128xf32, #tpu.memory_space<hbm>>
      %dma_start3A_278 = arith.constant 0 : i32
      %dma_start3A_279 = tpu.memref_slice %arg5[%run_scoped3A_172, %add3A_143, %dma_start3A_278] : memref<1x64x128xf32, #tpu.memory_space<hbm>> -> memref<1x1x128xf32, #tpu.memory_space<hbm>>
      %dma_start3A_280 = tpu.memref_squeeze %dma_start3A_279 : memref<1x1x128xf32, #tpu.memory_space<hbm>> -> memref<128xf32, #tpu.memory_space<hbm>>
      tpu.enqueue_dma source(%dma_start3A_280 : memref<128xf32, #tpu.memory_space<hbm>>) target(%arg11 : memref<128xf32, #tpu.memory_space<vmem>>) target_semaphore(%run_scoped3A_274 : memref<!tpu.dma_semaphore, #tpu.memory_space<semaphore_mem>>)
      %dma_wait3A = arith.constant 0 : i32
      %dma_wait3A_281 = tpu.memref_slice %arg5[%run_scoped3A_172, %add3A_143, %dma_wait3A] : memref<1x64x128xf32, #tpu.memory_space<hbm>> -> memref<1x1x128xf32, #tpu.memory_space<hbm>>
      %dma_wait3A_282 = tpu.memref_squeeze %dma_wait3A_281 : memref<1x1x128xf32, #tpu.memory_space<hbm>> -> memref<128xf32, #tpu.memory_space<hbm>>
      %dma_wait3A_283 = arith.constant 0 : i32
      %dma_wait3A_284 = tpu.memref_slice %arg5[%run_scoped3A_172, %add3A_143, %dma_wait3A_283] : memref<1x64x128xf32, #tpu.memory_space<hbm>> -> memref<1x1x128xf32, #tpu.memory_space<hbm>>
      %dma_wait3A_285 = tpu.memref_squeeze %dma_wait3A_284 : memref<1x1x128xf32, #tpu.memory_space<hbm>> -> memref<128xf32, #tpu.memory_space<hbm>>
      tpu.wait_dma2 semaphore(%run_scoped3A_274 : memref<!tpu.dma_semaphore, #tpu.memory_space<semaphore_mem>>) src(%dma_wait3A_285 : memref<128xf32, #tpu.memory_space<hbm>>) dst(%arg11 : memref<128xf32, #tpu.memory_space<vmem>>)
      tpu.yield
    }) : () -> ()
    %get3A_173 = arith.constant 0 : index
    %get3A_174 = tpu.vector_load %arg11[%get3A_173] {strides = array<i32>} : memref<128xf32, #tpu.memory_space<vmem>>, vector<16xf32>,
    %get3A_175 = arith.constant 16 : index
    %get3A_176 = tpu.vector_load %arg11[%get3A_175] {strides = array<i32>} : memref<128xf32, #tpu.memory_space<vmem>>, vector<16xf32>,
    %max3A_177 = arith.maximumf %get3A_174, %get3A_176 : vector<16xf32>
    %get3A_178 = arith.constant 32 : index
    %get3A_179 = tpu.vector_load %arg11[%get3A_178] {strides = array<i32>} : memref<128xf32, #tpu.memory_space<vmem>>, vector<16xf32>,
    %max3A_180 = arith.maximumf %max3A_177, %get3A_179 : vector<16xf32>
    %get3A_181 = arith.constant 48 : index
    %get3A_182 = tpu.vector_load %arg11[%get3A_181] {strides = array<i32>} : memref<128xf32, #tpu.memory_space<vmem>>, vector<16xf32>,
    %max3A_183 = arith.maximumf %max3A_180, %get3A_182 : vector<16xf32>
    %get3A_184 = arith.constant 64 : index
    %get3A_185 = tpu.vector_load %arg11[%get3A_184] {strides = array<i32>} : memref<128xf32, #tpu.memory_space<vmem>>, vector<16xf32>,
    %max3A_186 = arith.maximumf %max3A_183, %get3A_185 : vector<16xf32>
    %get3A_187 = arith.constant 80 : index
    %get3A_188 = tpu.vector_load %arg11[%get3A_187] {strides = array<i32>} : memref<128xf32, #tpu.memory_space<vmem>>, vector<16xf32>,
    %max3A_189 = arith.maximumf %max3A_186, %get3A_188 : vector<16xf32>
    %get3A_190 = arith.constant 96 : index
    %get3A_191 = tpu.vector_load %arg11[%get3A_190] {strides = array<i32>} : memref<128xf32, #tpu.memory_space<vmem>>, vector<16xf32>,
    %max3A_192 = arith.maximumf %max3A_189, %get3A_191 : vector<16xf32>
    %get3A_193 = arith.constant 112 : index
    %get3A_194 = tpu.vector_load %arg11[%get3A_193] {strides = array<i32>} : memref<128xf32, #tpu.memory_space<vmem>>, vector<16xf32>,
    %max3A_195 = arith.maximumf %max3A_192, %get3A_194 : vector<16xf32>
    %reduce_max3A_196 = arith.constant true
    %reduce_max3A_197 = vector.broadcast %reduce_max3A_196 : i1 to vector<16xi1>
    %reduce_max3A_198 = tpu.scan <max>, %max3A_195 masked %reduce_max3A_197 : vector<16xf32>, vector<16xi1> -> vector<16xf32>
    %reduce_max3A_199 = vector.extract %reduce_max3A_198[15] : f32 from vector<16xf32>
    %add3A_200 = vector.broadcast %reduce_max3A_199 : f32 to vector<16xf32>
    %add3A_201 = arith.addf %broadcast_in_dim3A_8, %add3A_200 : vector<16xf32>
    %sub3A_202 = vector.broadcast %reduce_min3A_171 : f32 to vector<16xf32>
    %sub3A_203 = arith.subf %add3A_201, %sub3A_202 : vector<16xf32>
    %mul3A_204 = arith.constant 1.000000e-03 : f32
    %mul3A_205 = vector.broadcast %mul3A_204 : f32 to vector<16xf32>
    %mul3A_206 = arith.mulf %sub3A_203, %mul3A_205 : vector<16xf32>
    %add3A_207 = arith.constant 1.000000e-30 : f32
    %add3A_208 = vector.broadcast %add3A_207 : f32 to vector<16xf32>
    %add3A_209 = arith.addf %mul3A_206, %add3A_208 : vector<16xf32>
    %add3A_210 = vector.broadcast %reduce_min3A_171 : f32 to vector<16xf32>
    %add3A_211 = arith.addf %broadcast_in_dim3A_8, %add3A_210 : vector<16xf32>
    %sub3A_212 = arith.subf %add3A_211, %add3A_209 : vector<16xf32>
    %mul3A_213 = arith.constant 2.000000e+00 : f32
    %mul3A_214 = vector.broadcast %mul3A_213 : f32 to vector<16xf32>
    %mul3A_215 = arith.mulf %mul3A_214, %add3A_209 : vector<16xf32>
    %add3A_216 = arith.addf %sub3A_203, %mul3A_215 : vector<16xf32>
    %mul3A_217 = arith.constant 1.62760422E-4 : f32
    %mul3A_218 = vector.broadcast %mul3A_217 : f32 to vector<16xf32>
    %mul3A_219 = arith.mulf %add3A_216, %mul3A_218 : vector<16xf32>
    %add3A_220 = arith.constant 1.000000e+00 : f32
    %add3A_221 = vector.broadcast %add3A_220 : f32 to vector<16xf32>
    %add3A_222 = arith.addf %broadcast_in_dim3A_8, %add3A_221 : vector<16xf32>
    %div3A_223 = arith.divf %add3A_222, %mul3A_219 : vector<16xf32>
    %mul3A_224 = arith.mulf %sub3A_212, %div3A_223 : vector<16xf32>
    %sub3A_225 = arith.constant 5.000000e-01 : f32
    %sub3A_226 = vector.broadcast %sub3A_225 : f32 to vector<16xf32>
    %sub3A_227 = arith.subf %sub3A_226, %mul3A_224 : vector<16xf32>
    %convert_element_type3A_228 = arith.sitofp %mul3A_3 : vector<16xi32> to vector<16xf32>
    %add3A_229 = arith.addf %sub3A_227, %convert_element_type3A_228 : vector<16xf32>
    %mul3A_230 = arith.constant 1.1920929E-7 : f32
    %mul3A_231 = vector.broadcast %mul3A_230 : f32 to vector<16xf32>
    %mul3A_232 = arith.mulf %mul3A_219, %mul3A_231 : vector<16xf32>
    %dma_start3A_233 = arith.constant 0 : i32
    %dma_start3A_234 = arith.constant 0 : i32
    %dma_start3A_235 = tpu.memref_slice %arg8[%dma_start3A_234] : memref<8192xi32, #tpu.memory_space<vmem>> -> memref<4096xi32, #tpu.memory_space<vmem>>
    %dma_start3A_236 = arith.constant 0 : i32
    %dma_start3A_237 = tpu.memref_slice %arg2[%dma_start3A_233, %add3A_143, %dma_start3A_236] : memref<16x64x4096xi32, #tpu.memory_space<hbm>> -> memref<1x1x4096xi32, #tpu.memory_space<hbm>>
    %dma_start3A_238 = tpu.memref_squeeze %dma_start3A_237 : memref<1x1x4096xi32, #tpu.memory_space<hbm>> -> memref<4096xi32, #tpu.memory_space<hbm>>
    %dma_start3A_239 = arith.constant 0 : i32
    %dma_start3A_240 = tpu.memref_slice %arg8[%dma_start3A_239] : memref<8192xi32, #tpu.memory_space<vmem>> -> memref<4096xi32, #tpu.memory_space<vmem>>
    %dma_start3A_241 = arith.constant 0 : i32
    %dma_start3A_242 = tpu.memref_slice %arg2[%dma_start3A_233, %add3A_143, %dma_start3A_241] : memref<16x64x4096xi32, #tpu.memory_space<hbm>> -> memref<1x1x4096xi32, #tpu.memory_space<hbm>>
    %dma_start3A_243 = tpu.memref_squeeze %dma_start3A_242 : memref<1x1x4096xi32, #tpu.memory_space<hbm>> -> memref<4096xi32, #tpu.memory_space<hbm>>
    tpu.enqueue_dma source(%dma_start3A_243 : memref<4096xi32, #tpu.memory_space<hbm>>) target(%dma_start3A_240 : memref<4096xi32, #tpu.memory_space<vmem>>) target_semaphore(%arg12 : memref<!tpu.dma_semaphore, #tpu.memory_space<semaphore_mem>>)
    %dma_start3A_244 = arith.constant 0 : i32
    %dma_start3A_245 = arith.constant 0 : i32
    %dma_start3A_246 = tpu.memref_slice %arg9[%dma_start3A_245] : memref<8192xi32, #tpu.memory_space<vmem>> -> memref<4096xi32, #tpu.memory_space<vmem>>
    %dma_start3A_247 = arith.constant 0 : i32
    %dma_start3A_248 = tpu.memref_slice %arg3[%dma_start3A_244, %add3A_143, %dma_start3A_247] : memref<16x64x4096xi32, #tpu.memory_space<hbm>> -> memref<1x1x4096xi32, #tpu.memory_space<hbm>>
    %dma_start3A_249 = tpu.memref_squeeze %dma_start3A_248 : memref<1x1x4096xi32, #tpu.memory_space<hbm>> -> memref<4096xi32, #tpu.memory_space<hbm>>
    %dma_start3A_250 = arith.constant 0 : i32
    %dma_start3A_251 = tpu.memref_slice %arg9[%dma_start3A_250] : memref<8192xi32, #tpu.memory_space<vmem>> -> memref<4096xi32, #tpu.memory_space<vmem>>
    %dma_start3A_252 = arith.constant 0 : i32
    %dma_start3A_253 = tpu.memref_slice %arg3[%dma_start3A_244, %add3A_143, %dma_start3A_252] : memref<16x64x4096xi32, #tpu.memory_space<hbm>> -> memref<1x1x4096xi32, #tpu.memory_space<hbm>>
    %dma_start3A_254 = tpu.memref_squeeze %dma_start3A_253 : memref<1x1x4096xi32, #tpu.memory_space<hbm>> -> memref<4096xi32, #tpu.memory_space<hbm>>
    tpu.enqueue_dma source(%dma_start3A_254 : memref<4096xi32, #tpu.memory_space<hbm>>) target(%dma_start3A_251 : memref<4096xi32, #tpu.memory_space<vmem>>) target_semaphore(%arg14 : memref<!tpu.dma_semaphore, #tpu.memory_space<semaphore_mem>>)
    %scan3A_255 = arith.constant 0 : i32
    %scan3A_256 = arith.constant 0 : i32
    %scan3A_257 = arith.constant 8 : i32
    %scan3A_258 = arith.addi %scan3A_256, %scan3A_257 : i32
    %scan3A_259 = arith.constant 1 : i32
    %scan3A_260 = scf.for %scan3A_274 = %scan3A_256 to %scan3A_258 step %scan3A_259 iter_args(%scan3A_275 = %scan3A_255) -> (i32)  : i32 {
      %mul3A_276 = arith.constant 2 : i32
      %mul3A_277 = arith.muli %mul3A_276, %scan3A_274 : i32
      %add3A_278 = arith.constant 1 : i32
      %add3A_279 = arith.addi %mul3A_277, %add3A_278 : i32
      %dma_start3A_280 = arith.constant 4096 : i32
      %dma_start3A_281 = tpu.memref_slice %arg8[%dma_start3A_280] : memref<8192xi32, #tpu.memory_space<vmem>> -> memref<4096xi32, #tpu.memory_space<vmem>>
      %dma_start3A_282 = arith.constant 0 : i32
      %dma_start3A_283 = tpu.memref_slice %arg2[%add3A_279, %add3A_143, %dma_start3A_282] : memref<16x64x4096xi32, #tpu.memory_space<hbm>> -> memref<1x1x4096xi32, #tpu.memory_space<hbm>>
      %dma_start3A_284 = tpu.memref_squeeze %dma_start3A_283 : memref<1x1x4096xi32, #tpu.memory_space<hbm>> -> memref<4096xi32, #tpu.memory_space<hbm>>
      %dma_start3A_285 = arith.constant 4096 : i32
      %dma_start3A_286 = tpu.memref_slice %arg8[%dma_start3A_285] : memref<8192xi32, #tpu.memory_space<vmem>> -> memref<4096xi32, #tpu.memory_space<vmem>>
      %dma_start3A_287 = arith.constant 0 : i32
      %dma_start3A_288 = tpu.memref_slice %arg2[%add3A_279, %add3A_143, %dma_start3A_287] : memref<16x64x4096xi32, #tpu.memory_space<hbm>> -> memref<1x1x4096xi32, #tpu.memory_space<hbm>>
      %dma_start3A_289 = tpu.memref_squeeze %dma_start3A_288 : memref<1x1x4096xi32, #tpu.memory_space<hbm>> -> memref<4096xi32, #tpu.memory_space<hbm>>
      tpu.enqueue_dma source(%dma_start3A_289 : memref<4096xi32, #tpu.memory_space<hbm>>) target(%dma_start3A_286 : memref<4096xi32, #tpu.memory_space<vmem>>) target_semaphore(%arg13 : memref<!tpu.dma_semaphore, #tpu.memory_space<semaphore_mem>>)
      %dma_start3A_290 = arith.constant 4096 : i32
      %dma_start3A_291 = tpu.memref_slice %arg9[%dma_start3A_290] : memref<8192xi32, #tpu.memory_space<vmem>> -> memref<4096xi32, #tpu.memory_space<vmem>>
      %dma_start3A_292 = arith.constant 0 : i32
      %dma_start3A_293 = tpu.memref_slice %arg3[%add3A_279, %add3A_143, %dma_start3A_292] : memref<16x64x4096xi32, #tpu.memory_space<hbm>> -> memref<1x1x4096xi32, #tpu.memory_space<hbm>>
      %dma_start3A_294 = tpu.memref_squeeze %dma_start3A_293 : memref<1x1x4096xi32, #tpu.memory_space<hbm>> -> memref<4096xi32, #tpu.memory_space<hbm>>
      %dma_start3A_295 = arith.constant 4096 : i32
      %dma_start3A_296 = tpu.memref_slice %arg9[%dma_start3A_295] : memref<8192xi32, #tpu.memory_space<vmem>> -> memref<4096xi32, #tpu.memory_space<vmem>>
      %dma_start3A_297 = arith.constant 0 : i32
      %dma_start3A_298 = tpu.memref_slice %arg3[%add3A_279, %add3A_143, %dma_start3A_297] : memref<16x64x4096xi32, #tpu.memory_space<hbm>> -> memref<1x1x4096xi32, #tpu.memory_space<hbm>>
      %dma_start3A_299 = tpu.memref_squeeze %dma_start3A_298 : memref<1x1x4096xi32, #tpu.memory_space<hbm>> -> memref<4096xi32, #tpu.memory_space<hbm>>
      tpu.enqueue_dma source(%dma_start3A_299 : memref<4096xi32, #tpu.memory_space<hbm>>) target(%dma_start3A_296 : memref<4096xi32, #tpu.memory_space<vmem>>) target_semaphore(%arg15 : memref<!tpu.dma_semaphore, #tpu.memory_space<semaphore_mem>>)
      %dma_wait3A = arith.constant 0 : i32
      %dma_wait3A_300 = arith.constant 0 : i32
      %dma_wait3A_301 = tpu.memref_slice %arg8[%dma_wait3A_300] : memref<8192xi32, #tpu.memory_space<vmem>> -> memref<4096xi32, #tpu.memory_space<vmem>>
      %dma_wait3A_302 = arith.constant 0 : i32
      %dma_wait3A_303 = tpu.memref_slice %arg2[%dma_wait3A, %add3A_143, %dma_wait3A_302] : memref<16x64x4096xi32, #tpu.memory_space<hbm>> -> memref<1x1x4096xi32, #tpu.memory_space<hbm>>
      %dma_wait3A_304 = tpu.memref_squeeze %dma_wait3A_303 : memref<1x1x4096xi32, #tpu.memory_space<hbm>> -> memref<4096xi32, #tpu.memory_space<hbm>>
      %dma_wait3A_305 = arith.constant 0 : i32
      %dma_wait3A_306 = tpu.memref_slice %arg8[%dma_wait3A_305] : memref<8192xi32, #tpu.memory_space<vmem>> -> memref<4096xi32, #tpu.memory_space<vmem>>
      %dma_wait3A_307 = arith.constant 0 : i32
      %dma_wait3A_308 = tpu.memref_slice %arg2[%dma_wait3A, %add3A_143, %dma_wait3A_307] : memref<16x64x4096xi32, #tpu.memory_space<hbm>> -> memref<1x1x4096xi32, #tpu.memory_space<hbm>>
      %dma_wait3A_309 = tpu.memref_squeeze %dma_wait3A_308 : memref<1x1x4096xi32, #tpu.memory_space<hbm>> -> memref<4096xi32, #tpu.memory_space<hbm>>
      tpu.wait_dma2 semaphore(%arg12 : memref<!tpu.dma_semaphore, #tpu.memory_space<semaphore_mem>>) src(%dma_wait3A_309 : memref<4096xi32, #tpu.memory_space<hbm>>) dst(%dma_wait3A_306 : memref<4096xi32, #tpu.memory_space<vmem>>)
      %dma_wait3A_310 = arith.constant 0 : i32
      %dma_wait3A_311 = arith.constant 0 : i32
      %dma_wait3A_312 = tpu.memref_slice %arg9[%dma_wait3A_311] : memref<8192xi32, #tpu.memory_space<vmem>> -> memref<4096xi32, #tpu.memory_space<vmem>>
      %dma_wait3A_313 = arith.constant 0 : i32
      %dma_wait3A_314 = tpu.memref_slice %arg3[%dma_wait3A_310, %add3A_143, %dma_wait3A_313] : memref<16x64x4096xi32, #tpu.memory_space<hbm>> -> memref<1x1x4096xi32, #tpu.memory_space<hbm>>
      %dma_wait3A_315 = tpu.memref_squeeze %dma_wait3A_314 : memref<1x1x4096xi32, #tpu.memory_space<hbm>> -> memref<4096xi32, #tpu.memory_space<hbm>>
      %dma_wait3A_316 = arith.constant 0 : i32
      %dma_wait3A_317 = tpu.memref_slice %arg9[%dma_wait3A_316] : memref<8192xi32, #tpu.memory_space<vmem>> -> memref<4096xi32, #tpu.memory_space<vmem>>
      %dma_wait3A_318 = arith.constant 0 : i32
      %dma_wait3A_319 = tpu.memref_slice %arg3[%dma_wait3A_310, %add3A_143, %dma_wait3A_318] : memref<16x64x4096xi32, #tpu.memory_space<hbm>> -> memref<1x1x4096xi32, #tpu.memory_space<hbm>>
      %dma_wait3A_320 = tpu.memref_squeeze %dma_wait3A_319 : memref<1x1x4096xi32, #tpu.memory_space<hbm>> -> memref<4096xi32, #tpu.memory_space<hbm>>
      tpu.wait_dma2 semaphore(%arg14 : memref<!tpu.dma_semaphore, #tpu.memory_space<semaphore_mem>>) src(%dma_wait3A_320 : memref<4096xi32, #tpu.memory_space<hbm>>) dst(%dma_wait3A_317 : memref<4096xi32, #tpu.memory_space<vmem>>)
      %parallel_loop3A_321 = arith.constant 0 : i32
      %parallel_loop3A_322 = arith.constant 256 : i32
      %parallel_loop3A_323 = arith.constant 1 : i32
      scf.for %parallel_loop3A_353 = %parallel_loop3A_321 to %parallel_loop3A_322 step %parallel_loop3A_323  : i32 {
        %parallel_loop3A_354 = arith.constant 16 : i32
        %parallel_loop3A_355 = arith.muli %parallel_loop3A_353, %parallel_loop3A_354 : i32
        %parallel_loop3A_356 = arith.constant 0 : i32
        %parallel_loop3A_357 = arith.addi %parallel_loop3A_356, %parallel_loop3A_355 : i32
        %parallel_loop3A_358 = arith.index_cast %parallel_loop3A_357 : i32 to index
        %parallel_loop3A_359 = tpu.vector_load %arg8[%parallel_loop3A_358] {strides = array<i32>} : memref<8192xi32, #tpu.memory_space<vmem>>, vector<16xi32>,
        %parallel_loop3A_360 = vector.bitcast %parallel_loop3A_359 : vector<16xi32> to vector<16xi32>
        %parallel_loop3A_361 = arith.andi %parallel_loop3A_360, %broadcast_in_dim3A_10 : vector<16xi32>
        %parallel_loop3A_362 = vector.bitcast %parallel_loop3A_361 : vector<16xi32> to vector<16xf32>
        %parallel_loop3A_363 = arith.shli %parallel_loop3A_360, %broadcast_in_dim3A_12 : vector<16xi32>
        %parallel_loop3A_364 = vector.bitcast %parallel_loop3A_363 : vector<16xi32> to vector<16xf32>
        %parallel_loop3A_365 = arith.mulf %parallel_loop3A_362, %div3A_223 : vector<16xf32>
        %parallel_loop3A_366 = arith.addf %parallel_loop3A_365, %add3A_229 : vector<16xf32>
        %parallel_loop3A_367 = arith.fptosi %parallel_loop3A_366 : vector<16xf32> to vector<16xi32>
        %parallel_loop3A_368 = arith.minsi %parallel_loop3A_367, %add3A_15 : vector<16xi32>
        tpu.vector_store_idx %arg7[%parallel_loop3A_368], %broadcast_in_dim3A_4 {add = true} : memref<98560xf32, #tpu.memory_space<vmem>>[vector<16xi32>], vector<16xf32>,
        %parallel_loop3A_369 = arith.mulf %parallel_loop3A_364, %div3A_223 : vector<16xf32>
        %parallel_loop3A_370 = arith.addf %parallel_loop3A_369, %add3A_229 : vector<16xf32>
        %parallel_loop3A_371 = arith.fptosi %parallel_loop3A_370 : vector<16xf32> to vector<16xi32>
        %parallel_loop3A_372 = arith.minsi %parallel_loop3A_371, %add3A_15 : vector<16xi32>
        tpu.vector_store_idx %arg7[%parallel_loop3A_372], %broadcast_in_dim3A_4 {add = true} : memref<98560xf32, #tpu.memory_space<vmem>>[vector<16xi32>], vector<16xf32>,
        %parallel_loop3A_373 = arith.constant 16 : i32
        %parallel_loop3A_374 = arith.muli %parallel_loop3A_353, %parallel_loop3A_373 : i32
        %parallel_loop3A_375 = arith.constant 0 : i32
        %parallel_loop3A_376 = arith.addi %parallel_loop3A_375, %parallel_loop3A_374 : i32
        %parallel_loop3A_377 = arith.index_cast %parallel_loop3A_376 : i32 to index
        %parallel_loop3A_378 = tpu.vector_load %arg9[%parallel_loop3A_377] {strides = array<i32>} : memref<8192xi32, #tpu.memory_space<vmem>>, vector<16xi32>,
        %parallel_loop3A_379 = vector.bitcast %parallel_loop3A_378 : vector<16xi32> to vector<16xi32>
        %parallel_loop3A_380 = arith.andi %parallel_loop3A_379, %broadcast_in_dim3A_10 : vector<16xi32>
        %parallel_loop3A_381 = vector.bitcast %parallel_loop3A_380 : vector<16xi32> to vector<16xf32>
        %parallel_loop3A_382 = arith.shli %parallel_loop3A_379, %broadcast_in_dim3A_12 : vector<16xi32>
        %parallel_loop3A_383 = vector.bitcast %parallel_loop3A_382 : vector<16xi32> to vector<16xf32>
        %parallel_loop3A_384 = arith.mulf %parallel_loop3A_381, %div3A_223 : vector<16xf32>
        %parallel_loop3A_385 = arith.addf %parallel_loop3A_384, %add3A_229 : vector<16xf32>
        %parallel_loop3A_386 = arith.fptosi %parallel_loop3A_385 : vector<16xf32> to vector<16xi32>
        %parallel_loop3A_387 = arith.minsi %parallel_loop3A_386, %add3A_15 : vector<16xi32>
        tpu.vector_store_idx %arg7[%parallel_loop3A_387], %broadcast_in_dim3A_6 {add = true} : memref<98560xf32, #tpu.memory_space<vmem>>[vector<16xi32>], vector<16xf32>,
        %parallel_loop3A_388 = arith.mulf %parallel_loop3A_383, %div3A_223 : vector<16xf32>
        %parallel_loop3A_389 = arith.addf %parallel_loop3A_388, %add3A_229 : vector<16xf32>
        %parallel_loop3A_390 = arith.fptosi %parallel_loop3A_389 : vector<16xf32> to vector<16xi32>
        %parallel_loop3A_391 = arith.minsi %parallel_loop3A_390, %add3A_15 : vector<16xi32>
        tpu.vector_store_idx %arg7[%parallel_loop3A_391], %broadcast_in_dim3A_6 {add = true} : memref<98560xf32, #tpu.memory_space<vmem>>[vector<16xi32>], vector<16xf32>,
      } {sc.loop_unroll_factor = 8 : i64, sc.parallel_access}
      %lt3A = arith.constant 7 : i32
      %lt3A_324 = arith.cmpi slt, %scan3A_274, %lt3A : i32
      %convert_element_type3A_325 = arith.extui %lt3A_324 : i1 to i32
      %cond3A = arith.constant 0 : i32
      %cond3A_326 = arith.cmpi ne, %convert_element_type3A_325, %cond3A : i32
      scf.if %cond3A_326 {
        %mul3A_353 = arith.constant 2 : i32
        %mul3A_354 = arith.muli %mul3A_353, %scan3A_274 : i32
        %add3A_355 = arith.constant 2 : i32
        %add3A_356 = arith.addi %mul3A_354, %add3A_355 : i32
        %dma_start3A_357 = arith.constant 0 : i32
        %dma_start3A_358 = tpu.memref_slice %arg8[%dma_start3A_357] : memref<8192xi32, #tpu.memory_space<vmem>> -> memref<4096xi32, #tpu.memory_space<vmem>>
        %dma_start3A_359 = arith.constant 0 : i32
        %dma_start3A_360 = tpu.memref_slice %arg2[%add3A_356, %add3A_143, %dma_start3A_359] : memref<16x64x4096xi32, #tpu.memory_space<hbm>> -> memref<1x1x4096xi32, #tpu.memory_space<hbm>>
        %dma_start3A_361 = tpu.memref_squeeze %dma_start3A_360 : memref<1x1x4096xi32, #tpu.memory_space<hbm>> -> memref<4096xi32, #tpu.memory_space<hbm>>
        %dma_start3A_362 = arith.constant 0 : i32
        %dma_start3A_363 = tpu.memref_slice %arg8[%dma_start3A_362] : memref<8192xi32, #tpu.memory_space<vmem>> -> memref<4096xi32, #tpu.memory_space<vmem>>
        %dma_start3A_364 = arith.constant 0 : i32
        %dma_start3A_365 = tpu.memref_slice %arg2[%add3A_356, %add3A_143, %dma_start3A_364] : memref<16x64x4096xi32, #tpu.memory_space<hbm>> -> memref<1x1x4096xi32, #tpu.memory_space<hbm>>
        %dma_start3A_366 = tpu.memref_squeeze %dma_start3A_365 : memref<1x1x4096xi32, #tpu.memory_space<hbm>> -> memref<4096xi32, #tpu.memory_space<hbm>>
        tpu.enqueue_dma source(%dma_start3A_366 : memref<4096xi32, #tpu.memory_space<hbm>>) target(%dma_start3A_363 : memref<4096xi32, #tpu.memory_space<vmem>>) target_semaphore(%arg12 : memref<!tpu.dma_semaphore, #tpu.memory_space<semaphore_mem>>)
        %dma_start3A_367 = arith.constant 0 : i32
        %dma_start3A_368 = tpu.memref_slice %arg9[%dma_start3A_367] : memref<8192xi32, #tpu.memory_space<vmem>> -> memref<4096xi32, #tpu.memory_space<vmem>>
        %dma_start3A_369 = arith.constant 0 : i32
        %dma_start3A_370 = tpu.memref_slice %arg3[%add3A_356, %add3A_143, %dma_start3A_369] : memref<16x64x4096xi32, #tpu.memory_space<hbm>> -> memref<1x1x4096xi32, #tpu.memory_space<hbm>>
        %dma_start3A_371 = tpu.memref_squeeze %dma_start3A_370 : memref<1x1x4096xi32, #tpu.memory_space<hbm>> -> memref<4096xi32, #tpu.memory_space<hbm>>
        %dma_start3A_372 = arith.constant 0 : i32
        %dma_start3A_373 = tpu.memref_slice %arg9[%dma_start3A_372] : memref<8192xi32, #tpu.memory_space<vmem>> -> memref<4096xi32, #tpu.memory_space<vmem>>
        %dma_start3A_374 = arith.constant 0 : i32
        %dma_start3A_375 = tpu.memref_slice %arg3[%add3A_356, %add3A_143, %dma_start3A_374] : memref<16x64x4096xi32, #tpu.memory_space<hbm>> -> memref<1x1x4096xi32, #tpu.memory_space<hbm>>
        %dma_start3A_376 = tpu.memref_squeeze %dma_start3A_375 : memref<1x1x4096xi32, #tpu.memory_space<hbm>> -> memref<4096xi32, #tpu.memory_space<hbm>>
        tpu.enqueue_dma source(%dma_start3A_376 : memref<4096xi32, #tpu.memory_space<hbm>>) target(%dma_start3A_373 : memref<4096xi32, #tpu.memory_space<vmem>>) target_semaphore(%arg14 : memref<!tpu.dma_semaphore, #tpu.memory_space<semaphore_mem>>)
      } else {
      }
      %dma_wait3A_327 = arith.constant 0 : i32
      %dma_wait3A_328 = arith.constant 4096 : i32
      %dma_wait3A_329 = tpu.memref_slice %arg8[%dma_wait3A_328] : memref<8192xi32, #tpu.memory_space<vmem>> -> memref<4096xi32, #tpu.memory_space<vmem>>
      %dma_wait3A_330 = arith.constant 0 : i32
      %dma_wait3A_331 = tpu.memref_slice %arg2[%dma_wait3A_327, %add3A_143, %dma_wait3A_330] : memref<16x64x4096xi32, #tpu.memory_space<hbm>> -> memref<1x1x4096xi32, #tpu.memory_space<hbm>>
      %dma_wait3A_332 = tpu.memref_squeeze %dma_wait3A_331 : memref<1x1x4096xi32, #tpu.memory_space<hbm>> -> memref<4096xi32, #tpu.memory_space<hbm>>
      %dma_wait3A_333 = arith.constant 4096 : i32
      %dma_wait3A_334 = tpu.memref_slice %arg8[%dma_wait3A_333] : memref<8192xi32, #tpu.memory_space<vmem>> -> memref<4096xi32, #tpu.memory_space<vmem>>
      %dma_wait3A_335 = arith.constant 0 : i32
      %dma_wait3A_336 = tpu.memref_slice %arg2[%dma_wait3A_327, %add3A_143, %dma_wait3A_335] : memref<16x64x4096xi32, #tpu.memory_space<hbm>> -> memref<1x1x4096xi32, #tpu.memory_space<hbm>>
      %dma_wait3A_337 = tpu.memref_squeeze %dma_wait3A_336 : memref<1x1x4096xi32, #tpu.memory_space<hbm>> -> memref<4096xi32, #tpu.memory_space<hbm>>
      tpu.wait_dma2 semaphore(%arg13 : memref<!tpu.dma_semaphore, #tpu.memory_space<semaphore_mem>>) src(%dma_wait3A_337 : memref<4096xi32, #tpu.memory_space<hbm>>) dst(%dma_wait3A_334 : memref<4096xi32, #tpu.memory_space<vmem>>)
      %dma_wait3A_338 = arith.constant 0 : i32
      %dma_wait3A_339 = arith.constant 4096 : i32
      %dma_wait3A_340 = tpu.memref_slice %arg9[%dma_wait3A_339] : memref<8192xi32, #tpu.memory_space<vmem>> -> memref<4096xi32, #tpu.memory_space<vmem>>
      %dma_wait3A_341 = arith.constant 0 : i32
      %dma_wait3A_342 = tpu.memref_slice %arg3[%dma_wait3A_338, %add3A_143, %dma_wait3A_341] : memref<16x64x4096xi32, #tpu.memory_space<hbm>> -> memref<1x1x4096xi32, #tpu.memory_space<hbm>>
      %dma_wait3A_343 = tpu.memref_squeeze %dma_wait3A_342 : memref<1x1x4096xi32, #tpu.memory_space<hbm>> -> memref<4096xi32, #tpu.memory_space<hbm>>
      %dma_wait3A_344 = arith.constant 4096 : i32
      %dma_wait3A_345 = tpu.memref_slice %arg9[%dma_wait3A_344] : memref<8192xi32, #tpu.memory_space<vmem>> -> memref<4096xi32, #tpu.memory_space<vmem>>
      %dma_wait3A_346 = arith.constant 0 : i32
      %dma_wait3A_347 = tpu.memref_slice %arg3[%dma_wait3A_338, %add3A_143, %dma_wait3A_346] : memref<16x64x4096xi32, #tpu.memory_space<hbm>> -> memref<1x1x4096xi32, #tpu.memory_space<hbm>>
      %dma_wait3A_348 = tpu.memref_squeeze %dma_wait3A_347 : memref<1x1x4096xi32, #tpu.memory_space<hbm>> -> memref<4096xi32, #tpu.memory_space<hbm>>
      tpu.wait_dma2 semaphore(%arg15 : memref<!tpu.dma_semaphore, #tpu.memory_space<semaphore_mem>>) src(%dma_wait3A_348 : memref<4096xi32, #tpu.memory_space<hbm>>) dst(%dma_wait3A_345 : memref<4096xi32, #tpu.memory_space<vmem>>)
      %parallel_loop3A_349 = arith.constant 0 : i32
      %parallel_loop3A_350 = arith.constant 256 : i32
      %parallel_loop3A_351 = arith.constant 1 : i32
      scf.for %parallel_loop3A_353 = %parallel_loop3A_349 to %parallel_loop3A_350 step %parallel_loop3A_351  : i32 {
        %parallel_loop3A_354 = arith.constant 16 : i32
        %parallel_loop3A_355 = arith.muli %parallel_loop3A_353, %parallel_loop3A_354 : i32
        %parallel_loop3A_356 = arith.constant 4096 : i32
        %parallel_loop3A_357 = arith.addi %parallel_loop3A_356, %parallel_loop3A_355 : i32
        %parallel_loop3A_358 = arith.index_cast %parallel_loop3A_357 : i32 to index
        %parallel_loop3A_359 = tpu.vector_load %arg8[%parallel_loop3A_358] {strides = array<i32>} : memref<8192xi32, #tpu.memory_space<vmem>>, vector<16xi32>,
        %parallel_loop3A_360 = vector.bitcast %parallel_loop3A_359 : vector<16xi32> to vector<16xi32>
        %parallel_loop3A_361 = arith.andi %parallel_loop3A_360, %broadcast_in_dim3A_10 : vector<16xi32>
        %parallel_loop3A_362 = vector.bitcast %parallel_loop3A_361 : vector<16xi32> to vector<16xf32>
        %parallel_loop3A_363 = arith.shli %parallel_loop3A_360, %broadcast_in_dim3A_12 : vector<16xi32>
        %parallel_loop3A_364 = vector.bitcast %parallel_loop3A_363 : vector<16xi32> to vector<16xf32>
        %parallel_loop3A_365 = arith.mulf %parallel_loop3A_362, %div3A_223 : vector<16xf32>
        %parallel_loop3A_366 = arith.addf %parallel_loop3A_365, %add3A_229 : vector<16xf32>
        %parallel_loop3A_367 = arith.fptosi %parallel_loop3A_366 : vector<16xf32> to vector<16xi32>
        %parallel_loop3A_368 = arith.minsi %parallel_loop3A_367, %add3A_15 : vector<16xi32>
        tpu.vector_store_idx %arg7[%parallel_loop3A_368], %broadcast_in_dim3A_4 {add = true} : memref<98560xf32, #tpu.memory_space<vmem>>[vector<16xi32>], vector<16xf32>,
        %parallel_loop3A_369 = arith.mulf %parallel_loop3A_364, %div3A_223 : vector<16xf32>
        %parallel_loop3A_370 = arith.addf %parallel_loop3A_369, %add3A_229 : vector<16xf32>
        %parallel_loop3A_371 = arith.fptosi %parallel_loop3A_370 : vector<16xf32> to vector<16xi32>
        %parallel_loop3A_372 = arith.minsi %parallel_loop3A_371, %add3A_15 : vector<16xi32>
        tpu.vector_store_idx %arg7[%parallel_loop3A_372], %broadcast_in_dim3A_4 {add = true} : memref<98560xf32, #tpu.memory_space<vmem>>[vector<16xi32>], vector<16xf32>,
        %parallel_loop3A_373 = arith.constant 16 : i32
        %parallel_loop3A_374 = arith.muli %parallel_loop3A_353, %parallel_loop3A_373 : i32
        %parallel_loop3A_375 = arith.constant 4096 : i32
        %parallel_loop3A_376 = arith.addi %parallel_loop3A_375, %parallel_loop3A_374 : i32
        %parallel_loop3A_377 = arith.index_cast %parallel_loop3A_376 : i32 to index
        %parallel_loop3A_378 = tpu.vector_load %arg9[%parallel_loop3A_377] {strides = array<i32>} : memref<8192xi32, #tpu.memory_space<vmem>>, vector<16xi32>,
        %parallel_loop3A_379 = vector.bitcast %parallel_loop3A_378 : vector<16xi32> to vector<16xi32>
        %parallel_loop3A_380 = arith.andi %parallel_loop3A_379, %broadcast_in_dim3A_10 : vector<16xi32>
        %parallel_loop3A_381 = vector.bitcast %parallel_loop3A_380 : vector<16xi32> to vector<16xf32>
        %parallel_loop3A_382 = arith.shli %parallel_loop3A_379, %broadcast_in_dim3A_12 : vector<16xi32>
        %parallel_loop3A_383 = vector.bitcast %parallel_loop3A_382 : vector<16xi32> to vector<16xf32>
        %parallel_loop3A_384 = arith.mulf %parallel_loop3A_381, %div3A_223 : vector<16xf32>
        %parallel_loop3A_385 = arith.addf %parallel_loop3A_384, %add3A_229 : vector<16xf32>
        %parallel_loop3A_386 = arith.fptosi %parallel_loop3A_385 : vector<16xf32> to vector<16xi32>
        %parallel_loop3A_387 = arith.minsi %parallel_loop3A_386, %add3A_15 : vector<16xi32>
        tpu.vector_store_idx %arg7[%parallel_loop3A_387], %broadcast_in_dim3A_6 {add = true} : memref<98560xf32, #tpu.memory_space<vmem>>[vector<16xi32>], vector<16xf32>,
        %parallel_loop3A_388 = arith.mulf %parallel_loop3A_383, %div3A_223 : vector<16xf32>
        %parallel_loop3A_389 = arith.addf %parallel_loop3A_388, %add3A_229 : vector<16xf32>
        %parallel_loop3A_390 = arith.fptosi %parallel_loop3A_389 : vector<16xf32> to vector<16xi32>
        %parallel_loop3A_391 = arith.minsi %parallel_loop3A_390, %add3A_15 : vector<16xi32>
        tpu.vector_store_idx %arg7[%parallel_loop3A_391], %broadcast_in_dim3A_6 {add = true} : memref<98560xf32, #tpu.memory_space<vmem>>[vector<16xi32>], vector<16xf32>,
      } {sc.loop_unroll_factor = 8 : i64, sc.parallel_access}
      %scan3A_352 = arith.constant 0 : i32
      scf.yield %scan3A_352 : i32
    }
    %scan3A_261 = arith.constant 8 : i32
    %broadcast_in_dim3A_262 = arith.constant 0.000000e+00 : f32
    %broadcast_in_dim3A_263 = vector.broadcast %broadcast_in_dim3A_262 : f32 to vector<16xf32>
    %scan3A_264 = arith.constant 0.000000e+00 : f32
    %scan3A_265 = arith.constant 0 : i32
    %scan3A_266 = arith.constant 385 : i32
    %scan3A_267 = arith.addi %scan3A_265, %scan3A_266 : i32
    %scan3A_268 = arith.constant 1 : i32
    %scan3A_269:2 = scf.for %scan3A_274 = %scan3A_265 to %scan3A_267 step %scan3A_268 iter_args(%scan3A_275 = %scan3A_264, %scan3A_276 = %broadcast_in_dim3A_263) -> (f32, vector<16xf32>)  : i32 {
      %mul3A_277 = arith.constant 16 : i32
      %mul3A_278 = arith.muli %scan3A_274, %mul3A_277 : i32
      %get3A_279 = arith.index_cast %mul3A_278 : i32 to index
      %get3A_280 = tpu.vector_load %arg7[%get3A_279] {strides = array<i32>} : memref<98560xf32, #tpu.memory_space<vmem>>, vector<16xf32>,
      %swap3A_281 = arith.index_cast %mul3A_278 : i32 to index
      %swap3A_282 = tpu.vector_load %arg7[%swap3A_281] {strides = array<i32>} : memref<98560xf32, #tpu.memory_space<vmem>>, vector<16xf32>,
      tpu.vector_store %arg7[%swap3A_281], %broadcast_in_dim3A_8 {strides = array<i32>} : memref<98560xf32, #tpu.memory_space<vmem>>, vector<16xf32>,
      %add3A_283 = arith.constant 6160 : i32
      %add3A_284 = arith.addi %add3A_283, %mul3A_278 : i32
      %get3A_285 = arith.index_cast %add3A_284 : i32 to index
      %get3A_286 = tpu.vector_load %arg7[%get3A_285] {strides = array<i32>} : memref<98560xf32, #tpu.memory_space<vmem>>, vector<16xf32>,
      %add3A_287 = arith.addf %get3A_280, %get3A_286 : vector<16xf32>
      %add3A_288 = arith.constant 6160 : i32
      %add3A_289 = arith.addi %add3A_288, %mul3A_278 : i32
      %swap3A_290 = arith.index_cast %add3A_289 : i32 to index
      %swap3A_291 = tpu.vector_load %arg7[%swap3A_290] {strides = array<i32>} : memref<98560xf32, #tpu.memory_space<vmem>>, vector<16xf32>,
      tpu.vector_store %arg7[%swap3A_290], %broadcast_in_dim3A_8 {strides = array<i32>} : memref<98560xf32, #tpu.memory_space<vmem>>, vector<16xf32>,
      %add3A_292 = arith.constant 12320 : i32
      %add3A_293 = arith.addi %add3A_292, %mul3A_278 : i32
      %get3A_294 = arith.index_cast %add3A_293 : i32 to index
      %get3A_295 = tpu.vector_load %arg7[%get3A_294] {strides = array<i32>} : memref<98560xf32, #tpu.memory_space<vmem>>, vector<16xf32>,
      %add3A_296 = arith.addf %add3A_287, %get3A_295 : vector<16xf32>
      %add3A_297 = arith.constant 12320 : i32
      %add3A_298 = arith.addi %add3A_297, %mul3A_278 : i32
      %swap3A_299 = arith.index_cast %add3A_298 : i32 to index
      %swap3A_300 = tpu.vector_load %arg7[%swap3A_299] {strides = array<i32>} : memref<98560xf32, #tpu.memory_space<vmem>>, vector<16xf32>,
      tpu.vector_store %arg7[%swap3A_299], %broadcast_in_dim3A_8 {strides = array<i32>} : memref<98560xf32, #tpu.memory_space<vmem>>, vector<16xf32>,
      %add3A_301 = arith.constant 18480 : i32
      %add3A_302 = arith.addi %add3A_301, %mul3A_278 : i32
      %get3A_303 = arith.index_cast %add3A_302 : i32 to index
      %get3A_304 = tpu.vector_load %arg7[%get3A_303] {strides = array<i32>} : memref<98560xf32, #tpu.memory_space<vmem>>, vector<16xf32>,
      %add3A_305 = arith.addf %add3A_296, %get3A_304 : vector<16xf32>
      %add3A_306 = arith.constant 18480 : i32
      %add3A_307 = arith.addi %add3A_306, %mul3A_278 : i32
      %swap3A_308 = arith.index_cast %add3A_307 : i32 to index
      %swap3A_309 = tpu.vector_load %arg7[%swap3A_308] {strides = array<i32>} : memref<98560xf32, #tpu.memory_space<vmem>>, vector<16xf32>,
      tpu.vector_store %arg7[%swap3A_308], %broadcast_in_dim3A_8 {strides = array<i32>} : memref<98560xf32, #tpu.memory_space<vmem>>, vector<16xf32>,
      %add3A_310 = arith.constant 24640 : i32
      %add3A_311 = arith.addi %add3A_310, %mul3A_278 : i32
      %get3A_312 = arith.index_cast %add3A_311 : i32 to index
      %get3A_313 = tpu.vector_load %arg7[%get3A_312] {strides = array<i32>} : memref<98560xf32, #tpu.memory_space<vmem>>, vector<16xf32>,
      %add3A_314 = arith.addf %add3A_305, %get3A_313 : vector<16xf32>
      %add3A_315 = arith.constant 24640 : i32
      %add3A_316 = arith.addi %add3A_315, %mul3A_278 : i32
      %swap3A_317 = arith.index_cast %add3A_316 : i32 to index
      %swap3A_318 = tpu.vector_load %arg7[%swap3A_317] {strides = array<i32>} : memref<98560xf32, #tpu.memory_space<vmem>>, vector<16xf32>,
      tpu.vector_store %arg7[%swap3A_317], %broadcast_in_dim3A_8 {strides = array<i32>} : memref<98560xf32, #tpu.memory_space<vmem>>, vector<16xf32>,
      %add3A_319 = arith.constant 30800 : i32
      %add3A_320 = arith.addi %add3A_319, %mul3A_278 : i32
      %get3A_321 = arith.index_cast %add3A_320 : i32 to index
      %get3A_322 = tpu.vector_load %arg7[%get3A_321] {strides = array<i32>} : memref<98560xf32, #tpu.memory_space<vmem>>, vector<16xf32>,
      %add3A_323 = arith.addf %add3A_314, %get3A_322 : vector<16xf32>
      %add3A_324 = arith.constant 30800 : i32
      %add3A_325 = arith.addi %add3A_324, %mul3A_278 : i32
      %swap3A_326 = arith.index_cast %add3A_325 : i32 to index
      %swap3A_327 = tpu.vector_load %arg7[%swap3A_326] {strides = array<i32>} : memref<98560xf32, #tpu.memory_space<vmem>>, vector<16xf32>,
      tpu.vector_store %arg7[%swap3A_326], %broadcast_in_dim3A_8 {strides = array<i32>} : memref<98560xf32, #tpu.memory_space<vmem>>, vector<16xf32>,
      %add3A_328 = arith.constant 36960 : i32
      %add3A_329 = arith.addi %add3A_328, %mul3A_278 : i32
      %get3A_330 = arith.index_cast %add3A_329 : i32 to index
      %get3A_331 = tpu.vector_load %arg7[%get3A_330] {strides = array<i32>} : memref<98560xf32, #tpu.memory_space<vmem>>, vector<16xf32>,
      %add3A_332 = arith.addf %add3A_323, %get3A_331 : vector<16xf32>
      %add3A_333 = arith.constant 36960 : i32
      %add3A_334 = arith.addi %add3A_333, %mul3A_278 : i32
      %swap3A_335 = arith.index_cast %add3A_334 : i32 to index
      %swap3A_336 = tpu.vector_load %arg7[%swap3A_335] {strides = array<i32>} : memref<98560xf32, #tpu.memory_space<vmem>>, vector<16xf32>,
      tpu.vector_store %arg7[%swap3A_335], %broadcast_in_dim3A_8 {strides = array<i32>} : memref<98560xf32, #tpu.memory_space<vmem>>, vector<16xf32>,
      %add3A_337 = arith.constant 43120 : i32
      %add3A_338 = arith.addi %add3A_337, %mul3A_278 : i32
      %get3A_339 = arith.index_cast %add3A_338 : i32 to index
      %get3A_340 = tpu.vector_load %arg7[%get3A_339] {strides = array<i32>} : memref<98560xf32, #tpu.memory_space<vmem>>, vector<16xf32>,
      %add3A_341 = arith.addf %add3A_332, %get3A_340 : vector<16xf32>
      %add3A_342 = arith.constant 43120 : i32
      %add3A_343 = arith.addi %add3A_342, %mul3A_278 : i32
      %swap3A_344 = arith.index_cast %add3A_343 : i32 to index
      %swap3A_345 = tpu.vector_load %arg7[%swap3A_344] {strides = array<i32>} : memref<98560xf32, #tpu.memory_space<vmem>>, vector<16xf32>,
      tpu.vector_store %arg7[%swap3A_344], %broadcast_in_dim3A_8 {strides = array<i32>} : memref<98560xf32, #tpu.memory_space<vmem>>, vector<16xf32>,
      %add3A_346 = arith.constant 49280 : i32
      %add3A_347 = arith.addi %add3A_346, %mul3A_278 : i32
      %get3A_348 = arith.index_cast %add3A_347 : i32 to index
      %get3A_349 = tpu.vector_load %arg7[%get3A_348] {strides = array<i32>} : memref<98560xf32, #tpu.memory_space<vmem>>, vector<16xf32>,
      %add3A_350 = arith.addf %add3A_341, %get3A_349 : vector<16xf32>
      %add3A_351 = arith.constant 49280 : i32
      %add3A_352 = arith.addi %add3A_351, %mul3A_278 : i32
      %swap3A_353 = arith.index_cast %add3A_352 : i32 to index
      %swap3A_354 = tpu.vector_load %arg7[%swap3A_353] {strides = array<i32>} : memref<98560xf32, #tpu.memory_space<vmem>>, vector<16xf32>,
      tpu.vector_store %arg7[%swap3A_353], %broadcast_in_dim3A_8 {strides = array<i32>} : memref<98560xf32, #tpu.memory_space<vmem>>, vector<16xf32>,
      %add3A_355 = arith.constant 55440 : i32
      %add3A_356 = arith.addi %add3A_355, %mul3A_278 : i32
      %get3A_357 = arith.index_cast %add3A_356 : i32 to index
      %get3A_358 = tpu.vector_load %arg7[%get3A_357] {strides = array<i32>} : memref<98560xf32, #tpu.memory_space<vmem>>, vector<16xf32>,
      %add3A_359 = arith.addf %add3A_350, %get3A_358 : vector<16xf32>
      %add3A_360 = arith.constant 55440 : i32
      %add3A_361 = arith.addi %add3A_360, %mul3A_278 : i32
      %swap3A_362 = arith.index_cast %add3A_361 : i32 to index
      %swap3A_363 = tpu.vector_load %arg7[%swap3A_362] {strides = array<i32>} : memref<98560xf32, #tpu.memory_space<vmem>>, vector<16xf32>,
      tpu.vector_store %arg7[%swap3A_362], %broadcast_in_dim3A_8 {strides = array<i32>} : memref<98560xf32, #tpu.memory_space<vmem>>, vector<16xf32>,
      %add3A_364 = arith.constant 61600 : i32
      %add3A_365 = arith.addi %add3A_364, %mul3A_278 : i32
      %get3A_366 = arith.index_cast %add3A_365 : i32 to index
      %get3A_367 = tpu.vector_load %arg7[%get3A_366] {strides = array<i32>} : memref<98560xf32, #tpu.memory_space<vmem>>, vector<16xf32>,
      %add3A_368 = arith.addf %add3A_359, %get3A_367 : vector<16xf32>
      %add3A_369 = arith.constant 61600 : i32
      %add3A_370 = arith.addi %add3A_369, %mul3A_278 : i32
      %swap3A_371 = arith.index_cast %add3A_370 : i32 to index
      %swap3A_372 = tpu.vector_load %arg7[%swap3A_371] {strides = array<i32>} : memref<98560xf32, #tpu.memory_space<vmem>>, vector<16xf32>,
      tpu.vector_store %arg7[%swap3A_371], %broadcast_in_dim3A_8 {strides = array<i32>} : memref<98560xf32, #tpu.memory_space<vmem>>, vector<16xf32>,
      %add3A_373 = arith.constant 67760 : i32
      %add3A_374 = arith.addi %add3A_373, %mul3A_278 : i32
      %get3A_375 = arith.index_cast %add3A_374 : i32 to index
      %get3A_376 = tpu.vector_load %arg7[%get3A_375] {strides = array<i32>} : memref<98560xf32, #tpu.memory_space<vmem>>, vector<16xf32>,
      %add3A_377 = arith.addf %add3A_368, %get3A_376 : vector<16xf32>
      %add3A_378 = arith.constant 67760 : i32
      %add3A_379 = arith.addi %add3A_378, %mul3A_278 : i32
      %swap3A_380 = arith.index_cast %add3A_379 : i32 to index
      %swap3A_381 = tpu.vector_load %arg7[%swap3A_380] {strides = array<i32>} : memref<98560xf32, #tpu.memory_space<vmem>>, vector<16xf32>,
      tpu.vector_store %arg7[%swap3A_380], %broadcast_in_dim3A_8 {strides = array<i32>} : memref<98560xf32, #tpu.memory_space<vmem>>, vector<16xf32>,
      %add3A_382 = arith.constant 73920 : i32
      %add3A_383 = arith.addi %add3A_382, %mul3A_278 : i32
      %get3A_384 = arith.index_cast %add3A_383 : i32 to index
      %get3A_385 = tpu.vector_load %arg7[%get3A_384] {strides = array<i32>} : memref<98560xf32, #tpu.memory_space<vmem>>, vector<16xf32>,
      %add3A_386 = arith.addf %add3A_377, %get3A_385 : vector<16xf32>
      %add3A_387 = arith.constant 73920 : i32
      %add3A_388 = arith.addi %add3A_387, %mul3A_278 : i32
      %swap3A_389 = arith.index_cast %add3A_388 : i32 to index
      %swap3A_390 = tpu.vector_load %arg7[%swap3A_389] {strides = array<i32>} : memref<98560xf32, #tpu.memory_space<vmem>>, vector<16xf32>,
      tpu.vector_store %arg7[%swap3A_389], %broadcast_in_dim3A_8 {strides = array<i32>} : memref<98560xf32, #tpu.memory_space<vmem>>, vector<16xf32>,
      %add3A_391 = arith.constant 80080 : i32
      %add3A_392 = arith.addi %add3A_391, %mul3A_278 : i32
      %get3A_393 = arith.index_cast %add3A_392 : i32 to index
      %get3A_394 = tpu.vector_load %arg7[%get3A_393] {strides = array<i32>} : memref<98560xf32, #tpu.memory_space<vmem>>, vector<16xf32>,
      %add3A_395 = arith.addf %add3A_386, %get3A_394 : vector<16xf32>
      %add3A_396 = arith.constant 80080 : i32
      %add3A_397 = arith.addi %add3A_396, %mul3A_278 : i32
      %swap3A_398 = arith.index_cast %add3A_397 : i32 to index
      %swap3A_399 = tpu.vector_load %arg7[%swap3A_398] {strides = array<i32>} : memref<98560xf32, #tpu.memory_space<vmem>>, vector<16xf32>,
      tpu.vector_store %arg7[%swap3A_398], %broadcast_in_dim3A_8 {strides = array<i32>} : memref<98560xf32, #tpu.memory_space<vmem>>, vector<16xf32>,
      %add3A_400 = arith.constant 86240 : i32
      %add3A_401 = arith.addi %add3A_400, %mul3A_278 : i32
      %get3A_402 = arith.index_cast %add3A_401 : i32 to index
      %get3A_403 = tpu.vector_load %arg7[%get3A_402] {strides = array<i32>} : memref<98560xf32, #tpu.memory_space<vmem>>, vector<16xf32>,
      %add3A_404 = arith.addf %add3A_395, %get3A_403 : vector<16xf32>
      %add3A_405 = arith.constant 86240 : i32
      %add3A_406 = arith.addi %add3A_405, %mul3A_278 : i32
      %swap3A_407 = arith.index_cast %add3A_406 : i32 to index
      %swap3A_408 = tpu.vector_load %arg7[%swap3A_407] {strides = array<i32>} : memref<98560xf32, #tpu.memory_space<vmem>>, vector<16xf32>,
      tpu.vector_store %arg7[%swap3A_407], %broadcast_in_dim3A_8 {strides = array<i32>} : memref<98560xf32, #tpu.memory_space<vmem>>, vector<16xf32>,
      %add3A_409 = arith.constant 92400 : i32
      %add3A_410 = arith.addi %add3A_409, %mul3A_278 : i32
      %get3A_411 = arith.index_cast %add3A_410 : i32 to index
      %get3A_412 = tpu.vector_load %arg7[%get3A_411] {strides = array<i32>} : memref<98560xf32, #tpu.memory_space<vmem>>, vector<16xf32>,
      %add3A_413 = arith.addf %add3A_404, %get3A_412 : vector<16xf32>
      %add3A_414 = arith.constant 92400 : i32
      %add3A_415 = arith.addi %add3A_414, %mul3A_278 : i32
      %swap3A_416 = arith.index_cast %add3A_415 : i32 to index
      %swap3A_417 = tpu.vector_load %arg7[%swap3A_416] {strides = array<i32>} : memref<98560xf32, #tpu.memory_space<vmem>>, vector<16xf32>,
      tpu.vector_store %arg7[%swap3A_416], %broadcast_in_dim3A_8 {strides = array<i32>} : memref<98560xf32, #tpu.memory_space<vmem>>, vector<16xf32>,
      %broadcast_in_dim3A_418 = arith.constant true
      %broadcast_in_dim3A_419 = vector.broadcast %broadcast_in_dim3A_418 : i1 to vector<16xi1>
      %masked_cumsum3A = tpu.scan <sum>, %add3A_413 masked %broadcast_in_dim3A_419 : vector<16xf32>, vector<16xi1> -> vector<16xf32>
      %add3A_420 = vector.broadcast %scan3A_275 : f32 to vector<16xf32>
      %add3A_421 = arith.addf %masked_cumsum3A, %add3A_420 : vector<16xf32>
      %abs3A = math.absf %add3A_421 : vector<16xf32>
      %add3A_422 = arith.addf %scan3A_276, %abs3A : vector<16xf32>
      %reduce_sum3A = arith.constant true
      %reduce_sum3A_423 = vector.broadcast %reduce_sum3A : i1 to vector<16xi1>
      %reduce_sum3A_424 = tpu.scan <sum>, %add3A_413 masked %reduce_sum3A_423 : vector<16xf32>, vector<16xi1> -> vector<16xf32>
      %reduce_sum3A_425 = vector.extract %reduce_sum3A_424[15] : f32 from vector<16xf32>
      %add3A_426 = arith.addf %scan3A_275, %reduce_sum3A_425 : f32
      scf.yield %add3A_426, %add3A_422 : f32, vector<16xf32>
    }
    %scan3A_270 = arith.constant 385 : i32
    %mul3A_271 = arith.mulf %scan3A_269#1, %mul3A_232 : vector<16xf32>
    %swap3A_272 = arith.constant 0 : index
    %swap3A_273 = tpu.vector_load %arg10[%swap3A_272] {strides = array<i32>} : memref<16xf32, #tpu.memory_space<vmem>>, vector<16xf32>,
    tpu.vector_store %arg10[%swap3A_272], %mul3A_271 {strides = array<i32>} : memref<16xf32, #tpu.memory_space<vmem>>, vector<16xf32>,
    "tpu.region"() ({
      %run_scoped3A_274 = tpu.sem_alloc : memref<!tpu.dma_semaphore, #tpu.memory_space<semaphore_mem>>
      %dma_start3A_275 = arith.constant 0 : i32
      %dma_start3A_276 = tpu.memref_slice %arg6[%add3A_143, %dma_start3A_275] : memref<64x16xf32, #tpu.memory_space<hbm>> -> memref<1x16xf32, #tpu.memory_space<hbm>>
      %dma_start3A_277 = tpu.memref_squeeze %dma_start3A_276 : memref<1x16xf32, #tpu.memory_space<hbm>> -> memref<16xf32, #tpu.memory_space<hbm>>
      %dma_start3A_278 = arith.constant 0 : i32
      %dma_start3A_279 = tpu.memref_slice %arg6[%add3A_143, %dma_start3A_278] : memref<64x16xf32, #tpu.memory_space<hbm>> -> memref<1x16xf32, #tpu.memory_space<hbm>>
      %dma_start3A_280 = tpu.memref_squeeze %dma_start3A_279 : memref<1x16xf32, #tpu.memory_space<hbm>> -> memref<16xf32, #tpu.memory_space<hbm>>
      tpu.enqueue_dma source(%arg10 : memref<16xf32, #tpu.memory_space<vmem>>) target(%dma_start3A_280 : memref<16xf32, #tpu.memory_space<hbm>>) target_semaphore(%run_scoped3A_274 : memref<!tpu.dma_semaphore, #tpu.memory_space<semaphore_mem>>)
      %dma_wait3A = arith.constant 0 : i32
      %dma_wait3A_281 = tpu.memref_slice %arg6[%add3A_143, %dma_wait3A] : memref<64x16xf32, #tpu.memory_space<hbm>> -> memref<1x16xf32, #tpu.memory_space<hbm>>
      %dma_wait3A_282 = tpu.memref_squeeze %dma_wait3A_281 : memref<1x16xf32, #tpu.memory_space<hbm>> -> memref<16xf32, #tpu.memory_space<hbm>>
      %dma_wait3A_283 = arith.constant 0 : i32
      %dma_wait3A_284 = tpu.memref_slice %arg6[%add3A_143, %dma_wait3A_283] : memref<64x16xf32, #tpu.memory_space<hbm>> -> memref<1x16xf32, #tpu.memory_space<hbm>>
      %dma_wait3A_285 = tpu.memref_squeeze %dma_wait3A_284 : memref<1x16xf32, #tpu.memory_space<hbm>> -> memref<16xf32, #tpu.memory_space<hbm>>
      tpu.wait_dma2 semaphore(%run_scoped3A_274 : memref<!tpu.dma_semaphore, #tpu.memory_space<semaphore_mem>>) src(%arg10 : memref<16xf32, #tpu.memory_space<vmem>>) dst(%dma_wait3A_285 : memref<16xf32, #tpu.memory_space<hbm>>)
      tpu.yield
    }) : () -> ()
    return
  }
}

module attributes {stable_mosaic.version = 14 : i64} {
  func.func @_tc_body(%arg0: i32, %arg1: memref<8192x64xf32, #tpu.memory_space<vmem>>, %arg2: memref<8192x64xf32, #tpu.memory_space<vmem>>, %arg3: memref<64x64xf32, #tpu.memory_space<vmem>>, %arg4: memref<1x64x4096xi32, #tpu.memory_space<vmem>>, %arg5: memref<1x64x4096xi32, #tpu.memory_space<vmem>>, %arg6: memref<1x64x128xf32, #tpu.memory_space<vmem>>, %arg7: memref<1x64x128xf32, #tpu.memory_space<vmem>>) attributes {dimension_semantics = [#tpu.dimension_semantics<arbitrary>], iteration_bounds = array<i64: 16>, scalar_prefetch = 0 : i64, scratch_operands = 0 : i64, tpu.core_type = #tpu.core_type<tc>, window_params = [{transform_indices = @transform_0, window_bounds = array<i64: 8192, 64>}, {transform_indices = @transform_1, window_bounds = array<i64: 8192, 64>}, {pipeline_mode = #tpu.pipeline_mode<synchronous>, transform_indices = @transform_2, window_bounds = array<i64: 64, 64>}, {transform_indices = @transform_3, window_bounds = array<i64: 1, 64, 4096>}, {transform_indices = @transform_4, window_bounds = array<i64: 1, 64, 4096>}, {pipeline_mode = #tpu.pipeline_mode<synchronous>, transform_indices = @transform_5, window_bounds = array<i64: 1, 64, 128>}, {pipeline_mode = #tpu.pipeline_mode<synchronous>, transform_indices = @transform_6, window_bounds = array<i64: 1, 64, 128>}]} {
    %get3A = arith.constant 0 : index
    %get3A_0 = arith.constant 0 : index
    %get3A_1 = vector.load %arg3[%get3A, %get3A_0] : memref<64x64xf32, #tpu.memory_space<vmem>>, vector<64x64xf32>
    %mul3A = arith.mulf %get3A_1, %get3A_1 : vector<64x64xf32>
    %reduce_sum3A = arith.constant dense<0.000000e+00> : vector<64xf32>
    %reduce_sum3A_2 = vector.multi_reduction <add>, %mul3A, %reduce_sum3A [0] : vector<64x64xf32> to vector<64xf32>
    %broadcast_in_dim3A = vector.shape_cast %reduce_sum3A_2 : vector<64xf32> to vector<1x64xf32>
    %sqrt3A = math.sqrt %broadcast_in_dim3A : vector<1x64xf32>
    %add3A = arith.constant 9.99999996E-13 : f32
    %add3A_3 = vector.broadcast %add3A : f32 to vector<1x64xf32>
    %add3A_4 = arith.addf %sqrt3A, %add3A_3 : vector<1x64xf32>
    %div3A = vector.broadcast %add3A_4 : vector<1x64xf32> to vector<64x64xf32>
    %div3A_5 = arith.divf %get3A_1, %div3A : vector<64x64xf32>
    %get3A_6 = arith.constant 0 : index
    %get3A_7 = arith.constant 0 : index
    %get3A_8 = vector.load %arg1[%get3A_6, %get3A_7] : memref<8192x64xf32, #tpu.memory_space<vmem>>, vector<8192x64xf32>
    %dot_general3A = arith.constant dense<0.000000e+00> : vector<64x8192xf32>
    %dot_general3A_9 = tpu.matmul %div3A_5, %get3A_8, %dot_general3A {dimension_numbers = #tpu.dot_dimension_numbers<[0], [1], [1], [0], [0, 1, 1, 0], [], []>, transpose_lhs_hint = false} : vector<64x64xf32>, vector<8192x64xf32>, vector<64x8192xf32> -> vector<64x8192xf32>
    %get3A_10 = arith.constant 0 : index
    %get3A_11 = arith.constant 0 : index
    %get3A_12 = vector.load %arg2[%get3A_10, %get3A_11] : memref<8192x64xf32, #tpu.memory_space<vmem>>, vector<8192x64xf32>
    %dot_general3A_13 = arith.constant dense<0.000000e+00> : vector<64x8192xf32>
    %dot_general3A_14 = tpu.matmul %div3A_5, %get3A_12, %dot_general3A_13 {dimension_numbers = #tpu.dot_dimension_numbers<[0], [1], [1], [0], [0, 1, 1, 0], [], []>, transpose_lhs_hint = false} : vector<64x64xf32>, vector<8192x64xf32>, vector<64x8192xf32> -> vector<64x8192xf32>
    %bitcast_convert_type3A = tpu.bitcast %dot_general3A_9 : vector<64x8192xf32> -> vector<64x8192xi32>
    %add3A_15 = arith.constant 32768 : i32
    %add3A_16 = vector.broadcast %add3A_15 : i32 to vector<64x8192xi32>
    %add3A_17 = arith.addi %bitcast_convert_type3A, %add3A_16 : vector<64x8192xi32>
    %slice3A = vector.extract_strided_slice %add3A_17 {offsets = [0, 0], sizes = [64, 4096], strides = [1, 1]} : vector<64x8192xi32> to vector<64x4096xi32>
    %and3A = arith.constant -65536 : i32
    %and3A_18 = vector.broadcast %and3A : i32 to vector<64x4096xi32>
    %and3A_19 = arith.andi %slice3A, %and3A_18 : vector<64x4096xi32>
    %slice3A_20 = vector.extract_strided_slice %add3A_17 {offsets = [0, 4096], sizes = [64, 4096], strides = [1, 1]} : vector<64x8192xi32> to vector<64x4096xi32>
    %and3A_21 = arith.constant -65536 : i32
    %and3A_22 = vector.broadcast %and3A_21 : i32 to vector<64x4096xi32>
    %and3A_23 = arith.andi %slice3A_20, %and3A_22 : vector<64x4096xi32>
    %shift_right_logical3A = arith.constant 16 : i32
    %shift_right_logical3A_24 = vector.broadcast %shift_right_logical3A : i32 to vector<64x4096xi32>
    %shift_right_logical3A_25 = arith.shrui %and3A_23, %shift_right_logical3A_24 : vector<64x4096xi32>
    %or3A = arith.ori %and3A_19, %shift_right_logical3A_25 : vector<64x4096xi32>
    %bitcast_convert_type3A_26 = tpu.bitcast %and3A_19 : vector<64x4096xi32> -> vector<64x4096xf32>
    %bitcast_convert_type3A_27 = tpu.bitcast %and3A_23 : vector<64x4096xi32> -> vector<64x4096xf32>
    %bitcast_convert_type3A_28 = tpu.bitcast %dot_general3A_14 : vector<64x8192xf32> -> vector<64x8192xi32>
    %add3A_29 = arith.constant 32768 : i32
    %add3A_30 = vector.broadcast %add3A_29 : i32 to vector<64x8192xi32>
    %add3A_31 = arith.addi %bitcast_convert_type3A_28, %add3A_30 : vector<64x8192xi32>
    %slice3A_32 = vector.extract_strided_slice %add3A_31 {offsets = [0, 0], sizes = [64, 4096], strides = [1, 1]} : vector<64x8192xi32> to vector<64x4096xi32>
    %and3A_33 = arith.constant -65536 : i32
    %and3A_34 = vector.broadcast %and3A_33 : i32 to vector<64x4096xi32>
    %and3A_35 = arith.andi %slice3A_32, %and3A_34 : vector<64x4096xi32>
    %slice3A_36 = vector.extract_strided_slice %add3A_31 {offsets = [0, 4096], sizes = [64, 4096], strides = [1, 1]} : vector<64x8192xi32> to vector<64x4096xi32>
    %and3A_37 = arith.constant -65536 : i32
    %and3A_38 = vector.broadcast %and3A_37 : i32 to vector<64x4096xi32>
    %and3A_39 = arith.andi %slice3A_36, %and3A_38 : vector<64x4096xi32>
    %shift_right_logical3A_40 = arith.constant 16 : i32
    %shift_right_logical3A_41 = vector.broadcast %shift_right_logical3A_40 : i32 to vector<64x4096xi32>
    %shift_right_logical3A_42 = arith.shrui %and3A_39, %shift_right_logical3A_41 : vector<64x4096xi32>
    %or3A_43 = arith.ori %and3A_35, %shift_right_logical3A_42 : vector<64x4096xi32>
    %bitcast_convert_type3A_44 = tpu.bitcast %and3A_35 : vector<64x4096xi32> -> vector<64x4096xf32>
    %bitcast_convert_type3A_45 = tpu.bitcast %and3A_39 : vector<64x4096xi32> -> vector<64x4096xf32>
    %swap3A = arith.constant 0 : index
    %swap3A_46 = arith.constant 0 : index
    %swap3A_47 = arith.constant 0 : index
    %swap3A_48 = vector.load %arg4[%swap3A, %swap3A_46, %swap3A_47] : memref<1x64x4096xi32, #tpu.memory_space<vmem>>, vector<1x64x4096xi32>
    %swap3A_49 = vector.shape_cast %swap3A_48 : vector<1x64x4096xi32> to vector<64x4096xi32>
    %swap3A_50 = vector.shape_cast %or3A : vector<64x4096xi32> to vector<1x64x4096xi32>
    tpu.vector_store %arg4[%swap3A, %swap3A_46, %swap3A_47], %swap3A_50 {strides = array<i32>} : memref<1x64x4096xi32, #tpu.memory_space<vmem>>, vector<1x64x4096xi32>,
    %swap3A_51 = arith.constant 0 : index
    %swap3A_52 = arith.constant 0 : index
    %swap3A_53 = arith.constant 0 : index
    %swap3A_54 = vector.load %arg5[%swap3A_51, %swap3A_52, %swap3A_53] : memref<1x64x4096xi32, #tpu.memory_space<vmem>>, vector<1x64x4096xi32>
    %swap3A_55 = vector.shape_cast %swap3A_54 : vector<1x64x4096xi32> to vector<64x4096xi32>
    %swap3A_56 = vector.shape_cast %or3A_43 : vector<64x4096xi32> to vector<1x64x4096xi32>
    tpu.vector_store %arg5[%swap3A_51, %swap3A_52, %swap3A_53], %swap3A_56 {strides = array<i32>} : memref<1x64x4096xi32, #tpu.memory_space<vmem>>, vector<1x64x4096xi32>,
    %min3A = arith.minimumf %bitcast_convert_type3A_26, %bitcast_convert_type3A_27 : vector<64x4096xf32>
    %min3A_57 = arith.minimumf %bitcast_convert_type3A_44, %bitcast_convert_type3A_45 : vector<64x4096xf32>
    %min3A_58 = arith.minimumf %min3A, %min3A_57 : vector<64x4096xf32>
    %max3A = arith.maximumf %bitcast_convert_type3A_26, %bitcast_convert_type3A_27 : vector<64x4096xf32>
    %max3A_59 = arith.maximumf %bitcast_convert_type3A_44, %bitcast_convert_type3A_45 : vector<64x4096xf32>
    %max3A_60 = arith.maximumf %max3A, %max3A_59 : vector<64x4096xf32>
    %slice3A_61 = vector.extract_strided_slice %min3A_58 {offsets = [0, 0], sizes = [64, 128], strides = [1, 1]} : vector<64x4096xf32> to vector<64x128xf32>
    %slice3A_62 = vector.extract_strided_slice %max3A_60 {offsets = [0, 0], sizes = [64, 128], strides = [1, 1]} : vector<64x4096xf32> to vector<64x128xf32>
    %slice3A_63 = vector.extract_strided_slice %min3A_58 {offsets = [0, 128], sizes = [64, 128], strides = [1, 1]} : vector<64x4096xf32> to vector<64x128xf32>
    %min3A_64 = arith.minimumf %slice3A_61, %slice3A_63 : vector<64x128xf32>
    %slice3A_65 = vector.extract_strided_slice %max3A_60 {offsets = [0, 128], sizes = [64, 128], strides = [1, 1]} : vector<64x4096xf32> to vector<64x128xf32>
    %max3A_66 = arith.maximumf %slice3A_62, %slice3A_65 : vector<64x128xf32>
    %slice3A_67 = vector.extract_strided_slice %min3A_58 {offsets = [0, 256], sizes = [64, 128], strides = [1, 1]} : vector<64x4096xf32> to vector<64x128xf32>
    %min3A_68 = arith.minimumf %min3A_64, %slice3A_67 : vector<64x128xf32>
    %slice3A_69 = vector.extract_strided_slice %max3A_60 {offsets = [0, 256], sizes = [64, 128], strides = [1, 1]} : vector<64x4096xf32> to vector<64x128xf32>
    %max3A_70 = arith.maximumf %max3A_66, %slice3A_69 : vector<64x128xf32>
    %slice3A_71 = vector.extract_strided_slice %min3A_58 {offsets = [0, 384], sizes = [64, 128], strides = [1, 1]} : vector<64x4096xf32> to vector<64x128xf32>
    %min3A_72 = arith.minimumf %min3A_68, %slice3A_71 : vector<64x128xf32>
    %slice3A_73 = vector.extract_strided_slice %max3A_60 {offsets = [0, 384], sizes = [64, 128], strides = [1, 1]} : vector<64x4096xf32> to vector<64x128xf32>
    %max3A_74 = arith.maximumf %max3A_70, %slice3A_73 : vector<64x128xf32>
    %slice3A_75 = vector.extract_strided_slice %min3A_58 {offsets = [0, 512], sizes = [64, 128], strides = [1, 1]} : vector<64x4096xf32> to vector<64x128xf32>
    %min3A_76 = arith.minimumf %min3A_72, %slice3A_75 : vector<64x128xf32>
    %slice3A_77 = vector.extract_strided_slice %max3A_60 {offsets = [0, 512], sizes = [64, 128], strides = [1, 1]} : vector<64x4096xf32> to vector<64x128xf32>
    %max3A_78 = arith.maximumf %max3A_74, %slice3A_77 : vector<64x128xf32>
    %slice3A_79 = vector.extract_strided_slice %min3A_58 {offsets = [0, 640], sizes = [64, 128], strides = [1, 1]} : vector<64x4096xf32> to vector<64x128xf32>
    %min3A_80 = arith.minimumf %min3A_76, %slice3A_79 : vector<64x128xf32>
    %slice3A_81 = vector.extract_strided_slice %max3A_60 {offsets = [0, 640], sizes = [64, 128], strides = [1, 1]} : vector<64x4096xf32> to vector<64x128xf32>
    %max3A_82 = arith.maximumf %max3A_78, %slice3A_81 : vector<64x128xf32>
    %slice3A_83 = vector.extract_strided_slice %min3A_58 {offsets = [0, 768], sizes = [64, 128], strides = [1, 1]} : vector<64x4096xf32> to vector<64x128xf32>
    %min3A_84 = arith.minimumf %min3A_80, %slice3A_83 : vector<64x128xf32>
    %slice3A_85 = vector.extract_strided_slice %max3A_60 {offsets = [0, 768], sizes = [64, 128], strides = [1, 1]} : vector<64x4096xf32> to vector<64x128xf32>
    %max3A_86 = arith.maximumf %max3A_82, %slice3A_85 : vector<64x128xf32>
    %slice3A_87 = vector.extract_strided_slice %min3A_58 {offsets = [0, 896], sizes = [64, 128], strides = [1, 1]} : vector<64x4096xf32> to vector<64x128xf32>
    %min3A_88 = arith.minimumf %min3A_84, %slice3A_87 : vector<64x128xf32>
    %slice3A_89 = vector.extract_strided_slice %max3A_60 {offsets = [0, 896], sizes = [64, 128], strides = [1, 1]} : vector<64x4096xf32> to vector<64x128xf32>
    %max3A_90 = arith.maximumf %max3A_86, %slice3A_89 : vector<64x128xf32>
    %slice3A_91 = vector.extract_strided_slice %min3A_58 {offsets = [0, 1024], sizes = [64, 128], strides = [1, 1]} : vector<64x4096xf32> to vector<64x128xf32>
    %min3A_92 = arith.minimumf %min3A_88, %slice3A_91 : vector<64x128xf32>
    %slice3A_93 = vector.extract_strided_slice %max3A_60 {offsets = [0, 1024], sizes = [64, 128], strides = [1, 1]} : vector<64x4096xf32> to vector<64x128xf32>
    %max3A_94 = arith.maximumf %max3A_90, %slice3A_93 : vector<64x128xf32>
    %slice3A_95 = vector.extract_strided_slice %min3A_58 {offsets = [0, 1152], sizes = [64, 128], strides = [1, 1]} : vector<64x4096xf32> to vector<64x128xf32>
    %min3A_96 = arith.minimumf %min3A_92, %slice3A_95 : vector<64x128xf32>
    %slice3A_97 = vector.extract_strided_slice %max3A_60 {offsets = [0, 1152], sizes = [64, 128], strides = [1, 1]} : vector<64x4096xf32> to vector<64x128xf32>
    %max3A_98 = arith.maximumf %max3A_94, %slice3A_97 : vector<64x128xf32>
    %slice3A_99 = vector.extract_strided_slice %min3A_58 {offsets = [0, 1280], sizes = [64, 128], strides = [1, 1]} : vector<64x4096xf32> to vector<64x128xf32>
    %min3A_100 = arith.minimumf %min3A_96, %slice3A_99 : vector<64x128xf32>
    %slice3A_101 = vector.extract_strided_slice %max3A_60 {offsets = [0, 1280], sizes = [64, 128], strides = [1, 1]} : vector<64x4096xf32> to vector<64x128xf32>
    %max3A_102 = arith.maximumf %max3A_98, %slice3A_101 : vector<64x128xf32>
    %slice3A_103 = vector.extract_strided_slice %min3A_58 {offsets = [0, 1408], sizes = [64, 128], strides = [1, 1]} : vector<64x4096xf32> to vector<64x128xf32>
    %min3A_104 = arith.minimumf %min3A_100, %slice3A_103 : vector<64x128xf32>
    %slice3A_105 = vector.extract_strided_slice %max3A_60 {offsets = [0, 1408], sizes = [64, 128], strides = [1, 1]} : vector<64x4096xf32> to vector<64x128xf32>
    %max3A_106 = arith.maximumf %max3A_102, %slice3A_105 : vector<64x128xf32>
    %slice3A_107 = vector.extract_strided_slice %min3A_58 {offsets = [0, 1536], sizes = [64, 128], strides = [1, 1]} : vector<64x4096xf32> to vector<64x128xf32>
    %min3A_108 = arith.minimumf %min3A_104, %slice3A_107 : vector<64x128xf32>
    %slice3A_109 = vector.extract_strided_slice %max3A_60 {offsets = [0, 1536], sizes = [64, 128], strides = [1, 1]} : vector<64x4096xf32> to vector<64x128xf32>
    %max3A_110 = arith.maximumf %max3A_106, %slice3A_109 : vector<64x128xf32>
    %slice3A_111 = vector.extract_strided_slice %min3A_58 {offsets = [0, 1664], sizes = [64, 128], strides = [1, 1]} : vector<64x4096xf32> to vector<64x128xf32>
    %min3A_112 = arith.minimumf %min3A_108, %slice3A_111 : vector<64x128xf32>
    %slice3A_113 = vector.extract_strided_slice %max3A_60 {offsets = [0, 1664], sizes = [64, 128], strides = [1, 1]} : vector<64x4096xf32> to vector<64x128xf32>
    %max3A_114 = arith.maximumf %max3A_110, %slice3A_113 : vector<64x128xf32>
    %slice3A_115 = vector.extract_strided_slice %min3A_58 {offsets = [0, 1792], sizes = [64, 128], strides = [1, 1]} : vector<64x4096xf32> to vector<64x128xf32>
    %min3A_116 = arith.minimumf %min3A_112, %slice3A_115 : vector<64x128xf32>
    %slice3A_117 = vector.extract_strided_slice %max3A_60 {offsets = [0, 1792], sizes = [64, 128], strides = [1, 1]} : vector<64x4096xf32> to vector<64x128xf32>
    %max3A_118 = arith.maximumf %max3A_114, %slice3A_117 : vector<64x128xf32>
    %slice3A_119 = vector.extract_strided_slice %min3A_58 {offsets = [0, 1920], sizes = [64, 128], strides = [1, 1]} : vector<64x4096xf32> to vector<64x128xf32>
    %min3A_120 = arith.minimumf %min3A_116, %slice3A_119 : vector<64x128xf32>
    %slice3A_121 = vector.extract_strided_slice %max3A_60 {offsets = [0, 1920], sizes = [64, 128], strides = [1, 1]} : vector<64x4096xf32> to vector<64x128xf32>
    %max3A_122 = arith.maximumf %max3A_118, %slice3A_121 : vector<64x128xf32>
    %slice3A_123 = vector.extract_strided_slice %min3A_58 {offsets = [0, 2048], sizes = [64, 128], strides = [1, 1]} : vector<64x4096xf32> to vector<64x128xf32>
    %min3A_124 = arith.minimumf %min3A_120, %slice3A_123 : vector<64x128xf32>
    %slice3A_125 = vector.extract_strided_slice %max3A_60 {offsets = [0, 2048], sizes = [64, 128], strides = [1, 1]} : vector<64x4096xf32> to vector<64x128xf32>
    %max3A_126 = arith.maximumf %max3A_122, %slice3A_125 : vector<64x128xf32>
    %slice3A_127 = vector.extract_strided_slice %min3A_58 {offsets = [0, 2176], sizes = [64, 128], strides = [1, 1]} : vector<64x4096xf32> to vector<64x128xf32>
    %min3A_128 = arith.minimumf %min3A_124, %slice3A_127 : vector<64x128xf32>
    %slice3A_129 = vector.extract_strided_slice %max3A_60 {offsets = [0, 2176], sizes = [64, 128], strides = [1, 1]} : vector<64x4096xf32> to vector<64x128xf32>
    %max3A_130 = arith.maximumf %max3A_126, %slice3A_129 : vector<64x128xf32>
    %slice3A_131 = vector.extract_strided_slice %min3A_58 {offsets = [0, 2304], sizes = [64, 128], strides = [1, 1]} : vector<64x4096xf32> to vector<64x128xf32>
    %min3A_132 = arith.minimumf %min3A_128, %slice3A_131 : vector<64x128xf32>
    %slice3A_133 = vector.extract_strided_slice %max3A_60 {offsets = [0, 2304], sizes = [64, 128], strides = [1, 1]} : vector<64x4096xf32> to vector<64x128xf32>
    %max3A_134 = arith.maximumf %max3A_130, %slice3A_133 : vector<64x128xf32>
    %slice3A_135 = vector.extract_strided_slice %min3A_58 {offsets = [0, 2432], sizes = [64, 128], strides = [1, 1]} : vector<64x4096xf32> to vector<64x128xf32>
    %min3A_136 = arith.minimumf %min3A_132, %slice3A_135 : vector<64x128xf32>
    %slice3A_137 = vector.extract_strided_slice %max3A_60 {offsets = [0, 2432], sizes = [64, 128], strides = [1, 1]} : vector<64x4096xf32> to vector<64x128xf32>
    %max3A_138 = arith.maximumf %max3A_134, %slice3A_137 : vector<64x128xf32>
    %slice3A_139 = vector.extract_strided_slice %min3A_58 {offsets = [0, 2560], sizes = [64, 128], strides = [1, 1]} : vector<64x4096xf32> to vector<64x128xf32>
    %min3A_140 = arith.minimumf %min3A_136, %slice3A_139 : vector<64x128xf32>
    %slice3A_141 = vector.extract_strided_slice %max3A_60 {offsets = [0, 2560], sizes = [64, 128], strides = [1, 1]} : vector<64x4096xf32> to vector<64x128xf32>
    %max3A_142 = arith.maximumf %max3A_138, %slice3A_141 : vector<64x128xf32>
    %slice3A_143 = vector.extract_strided_slice %min3A_58 {offsets = [0, 2688], sizes = [64, 128], strides = [1, 1]} : vector<64x4096xf32> to vector<64x128xf32>
    %min3A_144 = arith.minimumf %min3A_140, %slice3A_143 : vector<64x128xf32>
    %slice3A_145 = vector.extract_strided_slice %max3A_60 {offsets = [0, 2688], sizes = [64, 128], strides = [1, 1]} : vector<64x4096xf32> to vector<64x128xf32>
    %max3A_146 = arith.maximumf %max3A_142, %slice3A_145 : vector<64x128xf32>
    %slice3A_147 = vector.extract_strided_slice %min3A_58 {offsets = [0, 2816], sizes = [64, 128], strides = [1, 1]} : vector<64x4096xf32> to vector<64x128xf32>
    %min3A_148 = arith.minimumf %min3A_144, %slice3A_147 : vector<64x128xf32>
    %slice3A_149 = vector.extract_strided_slice %max3A_60 {offsets = [0, 2816], sizes = [64, 128], strides = [1, 1]} : vector<64x4096xf32> to vector<64x128xf32>
    %max3A_150 = arith.maximumf %max3A_146, %slice3A_149 : vector<64x128xf32>
    %slice3A_151 = vector.extract_strided_slice %min3A_58 {offsets = [0, 2944], sizes = [64, 128], strides = [1, 1]} : vector<64x4096xf32> to vector<64x128xf32>
    %min3A_152 = arith.minimumf %min3A_148, %slice3A_151 : vector<64x128xf32>
    %slice3A_153 = vector.extract_strided_slice %max3A_60 {offsets = [0, 2944], sizes = [64, 128], strides = [1, 1]} : vector<64x4096xf32> to vector<64x128xf32>
    %max3A_154 = arith.maximumf %max3A_150, %slice3A_153 : vector<64x128xf32>
    %slice3A_155 = vector.extract_strided_slice %min3A_58 {offsets = [0, 3072], sizes = [64, 128], strides = [1, 1]} : vector<64x4096xf32> to vector<64x128xf32>
    %min3A_156 = arith.minimumf %min3A_152, %slice3A_155 : vector<64x128xf32>
    %slice3A_157 = vector.extract_strided_slice %max3A_60 {offsets = [0, 3072], sizes = [64, 128], strides = [1, 1]} : vector<64x4096xf32> to vector<64x128xf32>
    %max3A_158 = arith.maximumf %max3A_154, %slice3A_157 : vector<64x128xf32>
    %slice3A_159 = vector.extract_strided_slice %min3A_58 {offsets = [0, 3200], sizes = [64, 128], strides = [1, 1]} : vector<64x4096xf32> to vector<64x128xf32>
    %min3A_160 = arith.minimumf %min3A_156, %slice3A_159 : vector<64x128xf32>
    %slice3A_161 = vector.extract_strided_slice %max3A_60 {offsets = [0, 3200], sizes = [64, 128], strides = [1, 1]} : vector<64x4096xf32> to vector<64x128xf32>
    %max3A_162 = arith.maximumf %max3A_158, %slice3A_161 : vector<64x128xf32>
    %slice3A_163 = vector.extract_strided_slice %min3A_58 {offsets = [0, 3328], sizes = [64, 128], strides = [1, 1]} : vector<64x4096xf32> to vector<64x128xf32>
    %min3A_164 = arith.minimumf %min3A_160, %slice3A_163 : vector<64x128xf32>
    %slice3A_165 = vector.extract_strided_slice %max3A_60 {offsets = [0, 3328], sizes = [64, 128], strides = [1, 1]} : vector<64x4096xf32> to vector<64x128xf32>
    %max3A_166 = arith.maximumf %max3A_162, %slice3A_165 : vector<64x128xf32>
    %slice3A_167 = vector.extract_strided_slice %min3A_58 {offsets = [0, 3456], sizes = [64, 128], strides = [1, 1]} : vector<64x4096xf32> to vector<64x128xf32>
    %min3A_168 = arith.minimumf %min3A_164, %slice3A_167 : vector<64x128xf32>
    %slice3A_169 = vector.extract_strided_slice %max3A_60 {offsets = [0, 3456], sizes = [64, 128], strides = [1, 1]} : vector<64x4096xf32> to vector<64x128xf32>
    %max3A_170 = arith.maximumf %max3A_166, %slice3A_169 : vector<64x128xf32>
    %slice3A_171 = vector.extract_strided_slice %min3A_58 {offsets = [0, 3584], sizes = [64, 128], strides = [1, 1]} : vector<64x4096xf32> to vector<64x128xf32>
    %min3A_172 = arith.minimumf %min3A_168, %slice3A_171 : vector<64x128xf32>
    %slice3A_173 = vector.extract_strided_slice %max3A_60 {offsets = [0, 3584], sizes = [64, 128], strides = [1, 1]} : vector<64x4096xf32> to vector<64x128xf32>
    %max3A_174 = arith.maximumf %max3A_170, %slice3A_173 : vector<64x128xf32>
    %slice3A_175 = vector.extract_strided_slice %min3A_58 {offsets = [0, 3712], sizes = [64, 128], strides = [1, 1]} : vector<64x4096xf32> to vector<64x128xf32>
    %min3A_176 = arith.minimumf %min3A_172, %slice3A_175 : vector<64x128xf32>
    %slice3A_177 = vector.extract_strided_slice %max3A_60 {offsets = [0, 3712], sizes = [64, 128], strides = [1, 1]} : vector<64x4096xf32> to vector<64x128xf32>
    %max3A_178 = arith.maximumf %max3A_174, %slice3A_177 : vector<64x128xf32>
    %slice3A_179 = vector.extract_strided_slice %min3A_58 {offsets = [0, 3840], sizes = [64, 128], strides = [1, 1]} : vector<64x4096xf32> to vector<64x128xf32>
    %min3A_180 = arith.minimumf %min3A_176, %slice3A_179 : vector<64x128xf32>
    %slice3A_181 = vector.extract_strided_slice %max3A_60 {offsets = [0, 3840], sizes = [64, 128], strides = [1, 1]} : vector<64x4096xf32> to vector<64x128xf32>
    %max3A_182 = arith.maximumf %max3A_178, %slice3A_181 : vector<64x128xf32>
    %slice3A_183 = vector.extract_strided_slice %min3A_58 {offsets = [0, 3968], sizes = [64, 128], strides = [1, 1]} : vector<64x4096xf32> to vector<64x128xf32>
    %min3A_184 = arith.minimumf %min3A_180, %slice3A_183 : vector<64x128xf32>
    %slice3A_185 = vector.extract_strided_slice %max3A_60 {offsets = [0, 3968], sizes = [64, 128], strides = [1, 1]} : vector<64x4096xf32> to vector<64x128xf32>
    %max3A_186 = arith.maximumf %max3A_182, %slice3A_185 : vector<64x128xf32>
    %eq3A = arith.constant 0 : i32
    %eq3A_187 = arith.cmpi eq, %arg0, %eq3A : i32
    %convert_element_type3A = arith.extui %eq3A_187 : i1 to i32
    %cond3A = arith.constant 0 : i32
    %cond3A_188 = arith.cmpi ne, %convert_element_type3A, %cond3A : i32
    scf.if %cond3A_188 {
      %swap3A_193 = arith.constant 0 : index
      %swap3A_194 = arith.constant 0 : index
      %swap3A_195 = arith.constant 0 : index
      %swap3A_196 = vector.load %arg6[%swap3A_193, %swap3A_194, %swap3A_195] : memref<1x64x128xf32, #tpu.memory_space<vmem>>, vector<1x64x128xf32>
      %swap3A_197 = vector.shape_cast %swap3A_196 : vector<1x64x128xf32> to vector<64x128xf32>
      %swap3A_198 = vector.shape_cast %min3A_184 : vector<64x128xf32> to vector<1x64x128xf32>
      tpu.vector_store %arg6[%swap3A_193, %swap3A_194, %swap3A_195], %swap3A_198 {strides = array<i32>} : memref<1x64x128xf32, #tpu.memory_space<vmem>>, vector<1x64x128xf32>,
      %swap3A_199 = arith.constant 0 : index
      %swap3A_200 = arith.constant 0 : index
      %swap3A_201 = arith.constant 0 : index
      %swap3A_202 = vector.load %arg7[%swap3A_199, %swap3A_200, %swap3A_201] : memref<1x64x128xf32, #tpu.memory_space<vmem>>, vector<1x64x128xf32>
      %swap3A_203 = vector.shape_cast %swap3A_202 : vector<1x64x128xf32> to vector<64x128xf32>
      %swap3A_204 = vector.shape_cast %max3A_186 : vector<64x128xf32> to vector<1x64x128xf32>
      tpu.vector_store %arg7[%swap3A_199, %swap3A_200, %swap3A_201], %swap3A_204 {strides = array<i32>} : memref<1x64x128xf32, #tpu.memory_space<vmem>>, vector<1x64x128xf32>,
    } else {
    }
    %ne3A = arith.constant 0 : i32
    %ne3A_189 = arith.cmpi ne, %arg0, %ne3A : i32
    %convert_element_type3A_190 = arith.extui %ne3A_189 : i1 to i32
    %cond3A_191 = arith.constant 0 : i32
    %cond3A_192 = arith.cmpi ne, %convert_element_type3A_190, %cond3A_191 : i32
    scf.if %cond3A_192 {
      %get3A_193 = arith.constant 0 : index
      %get3A_194 = arith.constant 0 : index
      %get3A_195 = arith.constant 0 : index
      %get3A_196 = vector.load %arg6[%get3A_193, %get3A_194, %get3A_195] : memref<1x64x128xf32, #tpu.memory_space<vmem>>, vector<1x64x128xf32>
      %get3A_197 = vector.shape_cast %get3A_196 : vector<1x64x128xf32> to vector<64x128xf32>
      %min3A_198 = arith.minimumf %get3A_197, %min3A_184 : vector<64x128xf32>
      %swap3A_199 = arith.constant 0 : index
      %swap3A_200 = arith.constant 0 : index
      %swap3A_201 = arith.constant 0 : index
      %swap3A_202 = vector.load %arg6[%swap3A_199, %swap3A_200, %swap3A_201] : memref<1x64x128xf32, #tpu.memory_space<vmem>>, vector<1x64x128xf32>
      %swap3A_203 = vector.shape_cast %swap3A_202 : vector<1x64x128xf32> to vector<64x128xf32>
      %swap3A_204 = vector.shape_cast %min3A_198 : vector<64x128xf32> to vector<1x64x128xf32>
      tpu.vector_store %arg6[%swap3A_199, %swap3A_200, %swap3A_201], %swap3A_204 {strides = array<i32>} : memref<1x64x128xf32, #tpu.memory_space<vmem>>, vector<1x64x128xf32>,
      %get3A_205 = arith.constant 0 : index
      %get3A_206 = arith.constant 0 : index
      %get3A_207 = arith.constant 0 : index
      %get3A_208 = vector.load %arg7[%get3A_205, %get3A_206, %get3A_207] : memref<1x64x128xf32, #tpu.memory_space<vmem>>, vector<1x64x128xf32>
      %get3A_209 = vector.shape_cast %get3A_208 : vector<1x64x128xf32> to vector<64x128xf32>
      %max3A_210 = arith.maximumf %get3A_209, %max3A_186 : vector<64x128xf32>
      %swap3A_211 = arith.constant 0 : index
      %swap3A_212 = arith.constant 0 : index
      %swap3A_213 = arith.constant 0 : index
      %swap3A_214 = vector.load %arg7[%swap3A_211, %swap3A_212, %swap3A_213] : memref<1x64x128xf32, #tpu.memory_space<vmem>>, vector<1x64x128xf32>
      %swap3A_215 = vector.shape_cast %swap3A_214 : vector<1x64x128xf32> to vector<64x128xf32>
      %swap3A_216 = vector.shape_cast %max3A_210 : vector<64x128xf32> to vector<1x64x128xf32>
      tpu.vector_store %arg7[%swap3A_211, %swap3A_212, %swap3A_213], %swap3A_216 {strides = array<i32>} : memref<1x64x128xf32, #tpu.memory_space<vmem>>, vector<1x64x128xf32>,
    } else {
    }
    return
  }
  func.func @transform_0(%arg0: i32) -> (i32, i32) {
    %c0_i32 = arith.constant 0 : i32
    %c0_i32_0 = arith.constant 0 : i32
    return %arg0, %c0_i32 : i32, i32
  }
  func.func @transform_1(%arg0: i32) -> (i32, i32) {
    %c0_i32 = arith.constant 0 : i32
    %c0_i32_0 = arith.constant 0 : i32
    return %arg0, %c0_i32 : i32, i32
  }
  func.func @transform_2(%arg0: i32) -> (i32, i32) {
    %c0_i32 = arith.constant 0 : i32
    %c0_i32_0 = arith.constant 0 : i32
    %c0_i32_1 = arith.constant 0 : i32
    return %c0_i32, %c0_i32_0 : i32, i32
  }
  func.func @transform_3(%arg0: i32) -> (i32, i32, i32) {
    %c0_i32 = arith.constant 0 : i32
    %c0_i32_0 = arith.constant 0 : i32
    %c0_i32_1 = arith.constant 0 : i32
    return %arg0, %c0_i32, %c0_i32_0 : i32, i32, i32
  }
  func.func @transform_4(%arg0: i32) -> (i32, i32, i32) {
    %c0_i32 = arith.constant 0 : i32
    %c0_i32_0 = arith.constant 0 : i32
    %c0_i32_1 = arith.constant 0 : i32
    return %arg0, %c0_i32, %c0_i32_0 : i32, i32, i32
  }
  func.func @transform_5(%arg0: i32) -> (i32, i32, i32) {
    %c0_i32 = arith.constant 0 : i32
    %c0_i32_0 = arith.constant 0 : i32
    %c0_i32_1 = arith.constant 0 : i32
    %c0_i32_2 = arith.constant 0 : i32
    return %c0_i32, %c0_i32_0, %c0_i32_1 : i32, i32, i32
  }
  func.func @transform_6(%arg0: i32) -> (i32, i32, i32) {
    %c0_i32 = arith.constant 0 : i32
    %c0_i32_0 = arith.constant 0 : i32
    %c0_i32_1 = arith.constant 0 : i32
    %c0_i32_2 = arith.constant 0 : i32
    return %c0_i32, %c0_i32_0, %c0_i32_1 : i32, i32, i32
  }
}

</mosaic_0001>

<sc_bundles>
// kernel: kernel.4.cloned.1.call-start
scs
__scs_entry_jumppad:
0x0: {  	(pc) =	sbr.rel $0x88, $3  }
0x1: {  	(tag) =	ssettag $0x0;
	lr =	simm.s32 $0x1  }
0x2: {  	[smem:$0x3F9E] =	sst lr;
	_ =	strace $0xD0000000  }
0x3: {  	_ = 	snop  }
0x4: {  	_ = 	snop  }
0x5: {  	_ = 	snop  }
0x6: {  	_ = 	snop  }
0x7: {  	_ = 	snop  }
__scs_overlays_trampoline_lowered:
0x8: {  	[smem:$0x3FAD] =	sst s0  }
0x9: {  	[smem:$0x3FAE] =	sst s1  }
0xa: {  	[smem:$0x3FAF] =	sst s2  }
0xb: {  	[smem:$0x3FB0] =	sst s3  }
0xc: {  	[smem:$0x3FB1] =	sst s4  }
0xd: {  	[smem:$0x3FB2] =	sst s5  }
0xe: {  	[smem:$0x3FB3] =	sst s6  }
0xf: {  	[smem:$0x3FB4] =	sst s7  }
0x10: {  	[smem:$0x3FB5] =	sst s8  }
0x11: {  	[smem:$0x3FB6] =	sst s9;
	s0 =	simm.s32 @!p0 $0x0  }
0x12: {  	s1 =	sld [smem:$0x3F9C];
	s0 =	simm.s32 @p0 $0x1  }
0x13: {  	[smem:$0x3FB7] =	sst s0;
	s0 =	simm.s32 @!p1 $0x0  }
0x14: {  	s2 =	sld [smem:$0x3F9B];
	s0 =	simm.s32 @p1 $0x1  }
0x15: {  	[smem:$0x3FB8] =	sst s0;
	s0 =	simm.s32 @!p2 $0x0  }
0x16: {  	s3 =	sld [smem:$0x3FDB];
	s0 =	simm.s32 @p2 $0x1  }
0x17: {  	s4 =	simm.s32 $0x1BF5;
	[smem:$0x3FBA] =	sst s0  }
0x18: {  	s0 =	sld [smem:$0x3F9D];
	_ =	swait.ge [sflag:s4], $0x0  }
0x19: {  	s7 =	sld [smem:$0x3F9E]  }
0x1a: {  	s8 =	sadd.s32 $0xFFFFE003, lr  }
0x1b: {  	s9 =	sadd.s32 $0xFFFFFEF7, lr;
	s5 =	simm.s32 $0xFFFFFFFF;
	p2 =	slt.u32 s8, $0xFFFFF086  }
0x1c: {  	p1 =	slt.u32 s9, $0xF7A;
	s5 =	simm.s32 @!p2 $0x0  }
0x1d: {  	s5 =	simm.s32 @p1 $0x1;
	p0 =	seq.s32 s7, s2  }
0x1e: {  	s7 =	smul.u32 @!p0 $0xF7A, s2;
	p2 =	seq.s32 @!p0 s5, $0x0  }
0x1f: {  	s9 =	smul.u32 $0xF7A, s1;
	s8 =	simm.s32 @!p0 $0x1BF5;
	p2 =	por !p2, p0  }
0x20: {  	[sflag:s8] =	ssyncset.s32 @!p0 $0xFFFFF086;
	s6 =	sadd.s32 @!p0 s3, s7;
	s7 =	simm.s32 @!p0 $0x108  }
0x21: {  	s3 =	sadd.s32 s3, s9;
	s6 =	sadd.s32 @!p0 $0x88, s6;
	s7 =	simm.s32 @p2 $0x1082  }
0x22: {  	[simem:s7], [sflag:s8] =	dma.local @!p0 [hbm:s6], $0xF7A  }
0x23: {  	s9 =	sor.u32 $0xD0000000, s2;
	s6 =	simm.s32 $0x108;
	_ =	swait.ge @!p0 [sflag:s8], $0x0  }
0x24: {  	s3 =	sadd.s32 $0x88, s3;
	s6 =	simm.s32 @!p1 $0x1082;
	[sflag:s4] =	ssyncset.s32 $0xFFFFF086  }
0x25: {  	[simem:s6], [sflag:s4] =	dma.local [hbm:s3], $0xF7A  }
0x26: {  	[smem:$0x3F9E] =	sst s1;
	(tag) =	ssettag s2;
	_ =	strace s9  }
0x27: {  	s1 =	sld [smem:$0x3FAE]  }
0x28: {  	s2 =	sld [smem:$0x3FAF]  }
0x29: {  	s4 =	sld [smem:$0x3FB1]  }
0x2a: {  	p0 =	seq.s32 s5, $0x0;
	s5 =	sld [smem:$0x3FB2]  }
0x2b: {  	s6 =	sld [smem:$0x3FB3]  }
0x2c: {  	s7 =	sld [smem:$0x3FB4]  }
0x2d: {  	s3 =	simm.s32 $0x108;
	s8 =	sld [smem:$0x3FB5]  }
0x2e: {  	s3 =	simm.s32 @!p0 $0x1082;
	s9 =	sld [smem:$0x3FB6]  }
0x2f: {  	lr =	sadd.s32 s0, s3;
	s0 =	sld [smem:$0x3FAD]  }
0x30: {  	s3 =	sld [smem:$0x3FB0]  }
0x31: {  	[smem:$0x3FB9] =	sst s10  }
0x32: {  	s10 =	sld [smem:$0x3FB7];
	_ =	sdelay $0x3  }
0x33: {  	p0 =	seq.s32 s10, $0x1;
	s10 =	sld [smem:$0x3FB9];
	_ =	sdelay $0x3  }
0x34: {  	[smem:$0x3FB9] =	sst s10  }
0x35: {  	s10 =	sld [smem:$0x3FB8];
	_ =	sdelay $0x3  }
0x36: {  	p1 =	seq.s32 s10, $0x1;
	s10 =	sld [smem:$0x3FB9];
	_ =	sdelay $0x3  }
0x37: {  	[smem:$0x3FB9] =	sst s10  }
0x38: {  	s10 =	sld [smem:$0x3FBA]  }
0x39: {  	_ = 	snop;
	(pc) =	sbr.ind lr, $3  }
0x3a: {  	_ = 	snop  }
0x3b: {  	_ = 	snop  }
0x3c: {  	p2 =	seq.s32 s10, $0x1;
	s10 =	sld [smem:$0x3FB9]  }
0x3d: {  	_ =	shalt  }
0x3e: {  	_ =	shalt  }
0x3f: {  	_ =	shalt  }
0x40: {  	_ =	shalt  }
0x41: {  	_ =	shalt  }
0x42: {  	_ =	shalt  }
0x43: {  	_ =	shalt  }
0x44: {  	_ =	shalt  }
0x45: {  	_ =	shalt  }
0x46: {  	_ =	shalt  }
0x47: {  	_ =	shalt  }
0x48: {  	_ =	shalt  }
0x49: {  	_ =	shalt  }
0x4a: {  	_ =	shalt  }
0x4b: {  	_ =	shalt  }
0x4c: {  	_ =	shalt  }
0x4d: {  	_ =	shalt  }
0x4e: {  	_ =	shalt  }
0x4f: {  	_ =	shalt  }
0x50: {  	_ =	shalt  }
0x51: {  	_ =	shalt  }
0x52: {  	_ =	shalt  }
0x53: {  	_ =	shalt  }
0x54: {  	_ =	shalt  }
0x55: {  	_ =	shalt  }
0x56: {  	_ =	shalt  }
0x57: {  	_ =	shalt  }
0x58: {  	_ =	shalt  }
0x59: {  	_ =	shalt  }
0x5a: {  	_ =	shalt  }
0x5b: {  	_ =	shalt  }
0x5c: {  	_ =	shalt  }
0x5d: {  	_ =	shalt  }
0x5e: {  	_ =	shalt  }
0x5f: {  	_ =	shalt  }
0x60: {  	_ =	shalt  }
0x61: {  	_ =	shalt  }
0x62: {  	_ =	shalt  }
0x63: {  	_ =	shalt  }
0x64: {  	_ =	shalt  }
0x65: {  	_ =	shalt  }
0x66: {  	_ =	shalt  }
0x67: {  	_ =	shalt  }
0x68: {  	_ =	shalt  }
0x69: {  	_ =	shalt  }
0x6a: {  	_ =	shalt  }
0x6b: {  	_ =	shalt  }
0x6c: {  	_ =	shalt  }
0x6d: {  	_ =	shalt  }
0x6e: {  	_ =	shalt  }
0x6f: {  	_ =	shalt  }
0x70: {  	_ =	shalt  }
0x71: {  	_ =	shalt  }
0x72: {  	_ =	shalt  }
0x73: {  	_ =	shalt  }
0x74: {  	_ =	shalt  }
0x75: {  	_ =	shalt  }
0x76: {  	_ =	shalt  }
0x77: {  	_ =	shalt  }
0x78: {  	_ =	shalt  }
0x79: {  	_ =	shalt  }
0x7a: {  	_ =	shalt  }
0x7b: {  	_ =	shalt  }
0x7c: {  	_ =	shalt  }
0x7d: {  	_ =	shalt  }
0x7e: {  	_ =	shalt  }
0x7f: {  	_ =	shalt  }
0x80: {  	_ =	shalt  }
0x81: {  	_ =	shalt  }
0x82: {  	_ =	shalt  }
0x83: {  	_ =	shalt  }
0x84: {  	_ =	shalt  }
0x85: {  	_ =	shalt  }
0x86: {  	_ =	shalt  }
0x87: {  	_ =	shalt  }
.Lfunc_end0:
.L_simem_size_0:
called_computation_lowered:
.L_overlay_start_0:
0x88: {  	s2 =	sld [smem:$0x3FD9]  }
0x89: {  	s3 =	sld [smem:$0x3FFE];
	_ =	sdelay $0x1  }
0x8a: {  	s1 =	srdreg.scid  }
0x8b: {  	s0 =	sand.u32 $0x1, s1  }
0x8c: {  	s16 =	sshll.u32 s0, $0xA;
	s2 =	sadd.s32 s3, s2  }
0x8d: {  	s2 =	sadd.s32 s2, s16  }
0x8e: {  	[smem:$0x3FC5] =	sst s2  }
0x8f: {  	_ = 	snop  }
0x90: {  	(tm) =	ssettm $0x1  }
0x91: {  	s17 =	sld [smem:$0x3FFB];
	_ =	sdelay $0x3  }
0x92: {  	_ =	strace s17  }
0x93: {  	s2 =	sld [smem:$0x3FFC];
	_ =	sdelay $0x3  }
0x94: {  	_ =	strace s2  }
0x95: {  	s2 =	sld [smem:$0x3FFD];
	_ =	sdelay $0x3  }
0x96: {  	_ =	strace s2  }
0x97: {  	_ =	strace $0x8FFFFFFF  }
0x98: {  	s18 =	sld [smem:$0x3FDB];
	_ =	sdelay $0x1  }
0x99: {  	s19 =	simm.s32 $_scs_section_size  }
0x9a: {  	s4 =	simm.s32 $_size__tile_overlayer_lowered;
	s5 =	simm.s32 $_tile_overlayer_lowered  }
0x9b: {  	s22 =	simm.s32 $0x1BFF;
	s21 =	sshll.u32 s5, $0x1;
	s2 =	sadd.s32 s19, s18  }
0x9c: {  	s6 =	simm.s32 $0x0;
	s20 =	sshll.u32 s4, $0x1;
	s4 =	sadd.s32 s21, s2  }
0x9d: {  	[timem:s6], [sflag:s22] =	dma.local [hbm:s4], s20  }
0x9e: {  	_ =	swait.ge [sflag:s22], s20  }
0x9f: {  	s3 =	ssub.s32 $0x0, s20;
	[sflag:s22] =	ssyncset.done $0x0  }
0xa0: {  	[sflag:s22] =	ssyncadd.s32 s3;
	_ =	sdelay $0x1  }
0xa1: {  	s23 =	simm.s32 $0x1B8B  }
0xa2: {  	_ =	swait.ge [sflag:s23], $0x1  }
0xa3: {  	[sflag:s23] =	ssyncset.done $0x0  }
0xa4: {  	s25 =	simm.s32 $0x1B8E;
	s24 =	sld [smem:$0x3FFE];
	[sflag:s23] =	ssyncadd.s32 $0xFFFFFFFF  }
0xa5: {  	s26 =	simm.s32 $execute0_lowered;
	[smem:$0x3FD2] =	sst s25  }
0xa6: {  	s4 =	sshll.u32 s26, $0x1;
	_ =	strace $0x80000046;
	[dreg:$0x1] =	wrdreg $0xFFFFFFFF  }
0xa7: {  	s28 =	simm.s32 $_size_execute0_lowered;
	s2 =	sadd.s32 s2, s4;
	[dreg:$0x0] =	wrdreg $0x0  }
0xa8: {  	s4 =	sshll.u32 s28, $0x1;
	[dreg:$0x2] =	wrdreg s2  }
0xa9: {  	[dreg:$0x3] =	wrdreg s4  }
0xaa: {  	[dreg:$0x4] =	wrdreg $0xC0  }
0xab: {  	_ =	task [dreg:s6], $0x5FFFF  }
0xac: {  	[dreg:$0x1] =	wrdreg $0xFFFFFFFF  }
0xad: {  	[dreg:$0x0] =	wrdreg $0x60  }
0xae: {  	[dreg:$0x2] =	wrdreg s24  }
0xaf: {  	[dreg:$0x3] =	wrdreg $0x9  }
0xb0: {  	_ =	task.clear_ibuf [dreg:s6], $0x4FFFF;
	_ =	strace $0x90000046  }
0xb1: {  	s29 =	simm.s32 $0x9;
	_ =	strace $0x80000048  }
0xb2: {  	_ =	swait.ge [sflag:s29], $0x1  }
0xb3: {  	[sflag:s29] =	ssyncadd.s32 $0xFFFFFFFF  }
0xb4: {  	_ =	strace $0x90000048  }
0xb5: {  	_ =	sfence  }
0xb6: {  	s30 =	sld [smem:$0x0];
	_ =	sdelay $0x2  }
0xb7: {  	s31 =	sshll.u32 s1, $0xD;
	s1 =	sshrl.u32 s1, $0x2  }
0xb8: {  	s3 =	sand.u32 $0x4000, s31;
	s1 =	sadd.s32 s1, s30  }
0xb9: {  	s0 =	sor.u32 s3, s0;
	s1 =	sshll.u32 s1, $0x11  }
0xba: {  	s0 =	sor.u32 s1, s0  }
0xbb: {  	s0 =	sadd.s32 $0x8F2B, s0  }
0xbc: {  	[sflag:s0] =	ssyncadd.remote.s32 $0x1  }
0xbd: {  	_ =	sfence.sel $0xFFFF  }
0xbe: {  	[dreg:$0x0] =	wrdreg $0xFFFFFFFF;
	(pc) =	sbr.abs _section_cstart, $3  }
0xbf: {  	[dreg:$0x1] =	wrdreg $0xFFFFFFFF  }
0xc0: {  	_ =	task.clear_ibuf [dreg:s6], $0x2FFFF;
	_ =	strace $0x9FFFFFFF  }
0xc1: {  	(tm) =	ssettm $0x7FFFFFFF  }
tec
execute0_lowered:
.L_overlay_start_1:
0x0: {  	(tag) =	ssettag $0x1  }
0x1: {  	s0 =	rddreg [dreg:$0x0];
	s1 =	simm.s32 $0x0;
	s5 =	srdreg.scid  }
0x2: {  	s9 =	stileid.u32;
	s28 =	simm.s32 $0x1B100;
	s29 =	simm.s32 $0x1  }
0x3: {  	v0 =	vimm.f32 $9.240000000e+04;
	vm0 =	vcmask $0x300;
	s30 =	simm.s32 $0x3;
	s31 =	simm.s32 $0x2;
	[smem:$0x7FF] =	sst s1  }
0x4: {  	vm14 =	vcmask $0x704;
	s2 =	sadd.s32 $0x400A00, s0;
	s3 =	sadd.s32 $0xA00, s0;
	s4 =	sadd.s32 $0x80A00, s0;
	v0 =	vsel vm0, $0x0, v0  }
0x5: {  	vm15 =	vcmask $0xB08;
	s6 =	sadd.s32 $0x80E00, s0;
	s0 =	sadd.s32 $0x81200, s0;
	s5 =	sand.u32 $0x1, s5;
	v0 =	vsel vm14, $0x45C08000, v0  }
0x6: {  	vm4 =	vcmask $0xF0C;
	s7 =	sshll.u32 s9, $0x9;
	s9 =	sshrl.u32 s9, $0x1;
	_ =	strace $0x80000047;
	v0 =	vsel vm15, $0x46408000, v0  }
0x7: {  	vm5 =	vcmask $0x1310;
	s8 =	sshll.u32 s5, $0x8;
	s7 =	sand.u32 $0x200, s7;
	s5 =	ssub.s32 $0x2, s5;
	v0 =	vsel vm4, $0x46906000, v0  }
0x8: {  	vm6 =	vcmask $0x1714;
	s18 =	sshll.u32 s9, $0xA;
	s7 =	sor.u32 s8, s7;
	s10 =	sshrl.u32 s5, $0x1;
	v0 =	vsel vm5, $0x46C08000, v0  }
0x9: {  	vm7 =	vcmask $0x1B18;
	s12 =	sshll.u32 s9, $0xF;
	s11 =	sor.u32 s18, s7;
	s19 =	ssub.s32 s5, s10;
	v0 =	vsel vm6, $0x46F0A000, v0  }
0xa: {  	vm8 =	vcmask $0x1F1C;
	s5 =	sor.u32 s12, s7;
	s7 =	sor.u32 $0x80, s7;
	s13 =	sshrl.u32 s11, $0x3;
	v0 =	vsel vm7, $0x47106000, v0  }
0xb: {  	vm9 =	vcmask $0x2320;
	s22 =	sshrl.u32 s5, $0x3;
	s10 =	sor.u32 $0x80000, s5;
	s8 =	sor.u32 s18, s7;
	v0 =	vsel vm8, $0x47287000, v0  }
0xc: {  	vm10 =	vcmask $0x2724;
	s11 =	sor.u32 s12, s7;
	s19 =	smax.u32 s19, $0x1;
	s20 =	sadd.s32 s4, s13;
	v0 =	vsel vm9, $0x47408000, v0  }
0xd: {  	vm11 =	vcmask $0x2B28;
	s21 =	sadd.s32 s6, s13;
	s23 =	sadd.s32 s3, s22;
	[dreg:$0x2] =	wrdreg s20;
	v0 =	vsel vm10, $0x47589000, v0  }
0xe: {  	vm12 =	vcmask $0x2F2C;
	s9 =	sadd.s32 s2, s22;
	s24 =	sadd.s32 s0, s13;
	[dreg:$0x3] =	wrdreg s21;
	v0 =	vsel vm11, $0x4770A000, v0  }
0xf: {  	vm13 =	vcmask $0x3330;
	s25 =	sshrl.u32 s8, $0x3;
	s26 =	sshrl.u32 s11, $0x3;
	[dreg:$0x4] =	wrdreg s23;
	v0 =	vsel vm12, $0x47845800, v0  }
0x10: {  	vm14 =	vcmask $0x3734;
	s17 =	sor.u32 $0x80000, s11;
	s22 =	simm.s32 $0x80;
	[dreg:$0x5] =	wrdreg s9;
	v0 =	vsel vm13, $0x47906000, v0  }
0x11: {  	[dreg:$0x6] =	wrdreg s24;
	s13 =	sadd.s32 s4, s25;
	s14 =	sadd.s32 s6, s25;
	v1 =	vsel vm14, $0x479C6800, v0;
	v0 =	vlaneseq.u32  }
0x12: {  	s15 =	sadd.s32 s3, s26;
	s16 =	sadd.s32 s2, s26;
	s18 =	sadd.s32 s0, s25;
	v2 =	vmul.u32 $0x1810, v0  }
0x13: {  	v3 =	vimm.f32 $1.000000000e+00;
	v4 =	vimm.f32 $-1.000000000e+00;
	vm15 =	vcmask $0x3B38;
	s20 =	simm.s32 $0x1C180;
	s21 =	simm.s32 $0x5;
	s23 =	simm.s32 $0x400  }
0x14: {  	s26 =	simm.s32 $0x19100;
	s0 =	simm.s32 $0x4;
	s24 =	simm.s32 $0x0;
	v0 =	vimm.f32 $0.0e+00;
	v1 =	vsel vm15, $0x47A87000, v1;
	v2 =	vadd.s32 $0x1800, v2  }
.LBB2_1:
0x15: {  	s4 =	simm.s32 $0x40  }
0x16: {  	[tilespmem:s4+$0xFFFFFFC0] =	vst v0  }
0x17: {  	[tilespmem:s4+$0x30] =	vst v0  }
0x18: {  	[tilespmem:s4+$0x20] =	vst v0  }
0x19: {  	[tilespmem:s4+$0x10] =	vst v0  }
0x1a: {  	[tilespmem:s4+$0x0] =	vst v0  }
0x1b: {  	[tilespmem:s4+$0xFFFFFFF0] =	vst v0  }
0x1c: {  	s6 =	simm.s32 $0x0;
	[tilespmem:s4+$0xFFFFFFE0] =	vst v0  }
.LBB2_2:
0x1d: {  	s6 =	sadd.s32 $0x8, s6;
	[tilespmem:s4+$0xFFFFFFD0] =	vst v0;
	s4 =	sadd.s32 $0x80, s4  }
0x1e: {  	[tilespmem:s4+$0xFFFFFFC0] =	vst v0;
	p0 =	slt.u32 s6, $0x1808  }
0x1f: {  	[tilespmem:s4+$0x30] =	vst v0  }
.Ltmp0:
0x20: {  	[tilespmem:s4+$0x20] =	vst v0;
	(pc) =	sbr.rel @p0 .LBB2_2-.Ltmp0, $4  }
0x21: {  	[tilespmem:s4+$0x10] =	vst v0  }
0x22: {  	[tilespmem:s4+$0x0] =	vst v0  }
0x23: {  	[tilespmem:s4+$0xFFFFFFF0] =	vst v0  }
0x24: {  	[tilespmem:s4+$0xFFFFFFE0] =	vst v0  }
0x25: {  	[tilespmem:s4+$0xFFFFFFD0] =	vst v0  }
0x26: {  	s25 =	simm.s32 $0x0;
	s4 =	rddreg [dreg:$0x2]  }
0x27: {  	[tilespmem:s20], [sflag:$0x5] =	stream.linear.gather [hbm4b:s4+s25], $0x80, $0x38;
	[tilespmem:$0x1C200] =	vst v63  }
0x28: {  	_ =	swait.ge [sflag:s21], $0x80  }
0x29: {  	[sflag:s21] =	ssyncset.done $0x0  }
0x2a: {  	[sflag:s21] =	ssyncadd.s32 $0xFFFFFF80  }
0x2b: {  	v5 =	vld [tilespmem:$0x1C180]  }
0x2c: {  	v6 =	vld [tilespmem:$0x1C190]  }
0x2d: {  	v7 =	vld [tilespmem:$0x1C1A0]  }
0x2e: {  	v8 =	vld [tilespmem:$0x1C1B0]  }
0x2f: {  	v9 =	vld [tilespmem:$0x1C1C0]  }
0x30: {  	v10 =	vld [tilespmem:$0x1C1D0]  }
0x31: {  	v5 =	vmin.f32 v5, v6;
	v6 =	vld [tilespmem:$0x1C1E0]  }
0x32: {  	v5 =	vmin.f32 v5, v7;
	v7 =	vld [tilespmem:$0x1C1F0]  }
0x33: {  	v5 =	vmin.f32 v5, v8  }
0x34: {  	v5 =	vmin.f32 v5, v9  }
0x35: {  	v5 =	vmin.f32 v5, v10  }
0x36: {  	v5 =	vmin.f32 v5, v6  }
0x37: {  	v5 =	vmin.f32 v5, v7  }
0x38: {  	(xrf0) =	vmin.scan.msk.f32 $0xffff, v5;
	_ =	sdelay $0x4  }
0x39: {  	s7 =	rddreg [dreg:$0x3]  }
0x3a: {  	[tilespmem:s20], [sflag:$0x5] =	stream.linear.gather [hbm4b:s7+s25], $0x80, $0x38;
	v6, _, _ =	vpop (xrf0);
	[tilespmem:$0x1C200] =	vst v63  }
0x3b: {  	_ =	swait.ge [sflag:s21], $0x80  }
0x3c: {  	[sflag:s21] =	ssyncset.done $0x0  }
0x3d: {  	[sflag:s21] =	ssyncadd.s32 $0xFFFFFF80  }
0x3e: {  	v5 =	vld [tilespmem:$0x1C180]  }
0x3f: {  	v7 =	vld [tilespmem:$0x1C190]  }
0x40: {  	v8 =	vld [tilespmem:$0x1C1A0]  }
0x41: {  	v62 =	vld [tilespmem:$0x1C1B0]  }
0x42: {  	v63 =	vld [tilespmem:$0x1C1C0]  }
0x43: {  	v11 =	vld [tilespmem:$0x1C1D0]  }
0x44: {  	v5 =	vmax.f32 v5, v7;
	v7 =	vld [tilespmem:$0x1C1E0]  }
0x45: {  	v5 =	vmax.f32 v5, v8;
	v8 =	vld [tilespmem:$0x1C1F0]  }
0x46: {  	v5 =	vmax.f32 v5, v62  }
0x47: {  	v5 =	vmax.f32 v5, v63  }
0x48: {  	v5 =	vmax.f32 v5, v11  }
0x49: {  	v5 =	vmax.f32 v5, v7  }
0x4a: {  	v5 =	vmax.f32 v5, v8  }
0x4b: {  	(xrf0) =	vmax.scan.msk.f32 $0xffff, v5;
	_ =	sdelay $0x5  }
0x4c: {  	v5, _, _ =	vpop (xrf0)  }
0x4d: {  	v5 =	vadd.f32 $0.0e+00, v5;
	_ =	sdelay $0x1  }
0x4e: {  	v5 =	vsub.f32 v5, v6;
	_ =	sdelay $0x1  }
0x4f: {  	v5 =	vbroadcast v5, $0xF;
	_ =	sdelay $0x1  }
0x50: {  	v7 =	vmul.f32 $1.000000050e-03, v5;
	_ =	sdelay $0x1  }
0x51: {  	v7 =	vadd.f32 $1.000000000e-30, v7;
	_ =	sdelay $0x1  }
0x52: {  	v8 =	vadd.f32 v7, v7;
	_ =	sdelay $0x1  }
0x53: {  	v5 =	vadd.f32 v8, v5;
	_ =	sdelay $0x1  }
0x54: {  	v5 =	vmul.f32 $1.627604220e-04, v5;
	_ =	sdelay $0x1  }
0x55: {  	(erf) = vrcp.f32 v5;
	_ =	sdelay $0x2  }
0x56: {  	v6 =	vadd.f32 $0.0e+00, v6;
	_ =	sdelay $0x1  }
0x57: {  	v6 =	vbroadcast v6, $0xF;
	_ =	sdelay $0x2  }
0x58: {  	v7 =	vsub.f32 v6, v7  }
0x59: {  	v6 =	vpop (erf)  }
0x5a: {  	v7 =	vmul.f32 v6, v7  }
0x5b: {  	s6 =	simm.s32 $0x18100;
	s8 =	rddreg [dreg:$0x4]  }
0x5c: {  	[tilespmem:s6], [sflag:$0x1] =	stream.strided.gather [hbm4b:s8+s22], $0x1000, s23, s22, $0x38;
	v7 =	vsub.f32 $5.000000000e-01, v7;
	[tilespmem:$0x1C200] =	vst v63  }
0x5d: {  	s12 =	simm.s32 $0x1A100;
	s9 =	rddreg [dreg:$0x5]  }
0x5e: {  	[tilespmem:s12], [sflag:$0x3] =	stream.strided.gather [hbm4b:s9+s22], $0x1000, s23, s22, $0x38;
	v7 =	vadd.f32 v1, v7;
	[tilespmem:$0x1C200] =	vst v63  }
.LBB2_4:
0x5f: {  	s4 =	sshll.u32 s25, $0x13  }
0x60: {  	s6 =	sor.u32 s4, s5  }
0x61: {  	s6 =	sshrl.u32 s6, $0x3  }
0x62: {  	s6 =	sor.u32 $0x8000, s6  }
0x63: {  	s7 =	sadd.s32 s3, s6  }
0x64: {  	[tilespmem:s26], [sflag:$0x2] =	stream.strided.gather [hbm4b:s7+s22], $0x1000, s23, s22, $0x38;
	[tilespmem:$0x1C200] =	vst v63  }
0x65: {  	s6 =	sadd.s32 s2, s6  }
0x66: {  	[tilespmem:s28], [sflag:$0x4] =	stream.strided.gather [hbm4b:s6+s22], $0x1000, s23, s22, $0x38;
	[tilespmem:$0x1C200] =	vst v63  }
0x67: {  	_ =	swait.ge [sflag:s29], $0x1000  }
0x68: {  	[sflag:s29] =	ssyncset.done $0x0  }
0x69: {  	[sflag:s29] =	ssyncadd.s32 $0xFFFFF000  }
0x6a: {  	_ =	swait.ge [sflag:s30], $0x1000  }
0x6b: {  	[sflag:s30] =	ssyncset.done $0x0  }
0x6c: {  	s12 =	simm.s32 $0x18140;
	[sflag:s30] =	ssyncadd.s32 $0xFFFFF000  }
0x6d: {  	v8 =	vld [tilespmem:s12+$0x30]  }
0x6e: {  	v9 =	vld [tilespmem:s12+$0xFFFFFFD0]  }
0x6f: {  	v10 =	vld [tilespmem:s12+$0xFFFFFFE0]  }
0x70: {  	v11 =	vld [tilespmem:s12+$0xFFFFFFF0]  }
0x71: {  	v12 =	vld [tilespmem:s12+$0x0]  }
0x72: {  	v13 =	vld [tilespmem:s12+$0x10]  }
0x73: {  	v16 =	vld [tilespmem:s12+$0xFFFFFFC0]  }
0x74: {  	v18 =	vld [tilespmem:s12+$0x20];
	v14 =	vand.u32 $0xFFFF0000, v8;
	v15 =	vand.u32 $0xFFFF0000, v9;
	v8 =	vshll.u32 v8, $0x10  }
0x75: {  	s8 =	simm.s32 $0x181C0;
	v9 =	vshll.u32 v9, $0x10;
	v17 =	vand.u32 $0xFFFF0000, v10;
	v10 =	vshll.u32 v10, $0x10  }
0x76: {  	v29 =	vld [tilespmem:s8+$0xFFFFFFE0];
	v19 =	vand.u32 $0xFFFF0000, v11;
	v11 =	vshll.u32 v11, $0x10;
	v20 =	vand.u32 $0xFFFF0000, v12  }
0x77: {  	v12 =	vshll.u32 v12, $0x10;
	v21 =	vand.u32 $0xFFFF0000, v13;
	v13 =	vshll.u32 v13, $0x10  }
0x78: {  	v31 =	vld [tilespmem:s8+$0x0];
	v22 =	vand.u32 $0xFFFF0000, v16;
	v16 =	vshll.u32 v16, $0x10;
	v14 =	vmul.f32 v14, v6  }
0x79: {  	v23 =	vand.u32 $0xFFFF0000, v18;
	v8 =	vmul.f32 v8, v6;
	v22 =	vmul.f32 v22, v6  }
0x7a: {  	v32 =	vld [tilespmem:s8+$0xFFFFFFC0];
	v18 =	vshll.u32 v18, $0x10;
	v16 =	vmul.f32 v16, v6;
	v15 =	vmul.f32 v15, v6  }
0x7b: {  	v33 =	vand.u32 $0xFFFF0000, v29;
	v9 =	vmul.f32 v9, v6;
	v17 =	vmul.f32 v17, v6  }
0x7c: {  	v38 =	vld [tilespmem:s8+$0x20];
	v29 =	vshll.u32 v29, $0x10;
	v10 =	vmul.f32 v10, v6;
	v19 =	vmul.f32 v19, v6  }
0x7d: {  	v35 =	vand.u32 $0xFFFF0000, v31;
	v11 =	vmul.f32 v11, v6;
	v20 =	vmul.f32 v20, v6  }
0x7e: {  	v31 =	vshll.u32 v31, $0x10;
	v12 =	vmul.f32 v12, v6;
	v21 =	vmul.f32 v21, v6  }
0x7f: {  	v37 =	vand.u32 $0xFFFF0000, v32;
	v13 =	vmul.f32 v13, v6;
	v23 =	vmul.f32 v23, v6  }
0x80: {  	v32 =	vshll.u32 v32, $0x10;
	v18 =	vmul.f32 v18, v6;
	v37 =	vmul.f32 v37, v6  }
0x81: {  	v39 =	vand.u32 $0xFFFF0000, v38;
	v32 =	vmul.f32 v32, v6;
	v33 =	vmul.f32 v33, v6  }
0x82: {  	v29 =	vmul.f32 v29, v6;
	v14 =	vadd.f32 v14, v7;
	v8 =	vadd.f32 v8, v7  }
0x83: {  	v35 =	vmul.f32 v35, v6;
	v22 =	vadd.f32 v22, v7;
	v16 =	vadd.f32 v16, v7  }
0x84: {  	v31 =	vmul.f32 v31, v6;
	v15 =	vadd.f32 v15, v7;
	v9 =	vadd.f32 v9, v7  }
0x85: {  	v49 =	vmul.f32 v39, v6;
	v17 =	vadd.f32 v17, v7;
	v10 =	vadd.f32 v10, v7  }
0x86: {  	v19 =	vadd.f32 v19, v7;
	v11 =	vadd.f32 v11, v7;
	v14 =	vtrunc.f32 v14  }
0x87: {  	v20 =	vadd.f32 v20, v7;
	v8 =	vtrunc.f32 v8;
	v22 =	vtrunc.f32 v22  }
0x88: {  	v12 =	vadd.f32 v12, v7;
	v16 =	vtrunc.f32 v16;
	v15 =	vtrunc.f32 v15  }
0x89: {  	v21 =	vadd.f32 v21, v7;
	v9 =	vtrunc.f32 v9;
	v17 =	vtrunc.f32 v17  }
0x8a: {  	v13 =	vadd.f32 v13, v7;
	v10 =	vtrunc.f32 v10;
	v14 =	vcvt.f32.s32 v14  }
0x8b: {  	v23 =	vadd.f32 v23, v7;
	v19 =	vtrunc.f32 v19;
	v8 =	vcvt.f32.s32 v8  }
0x8c: {  	v11 =	vtrunc.f32 v11;
	v20 =	vtrunc.f32 v20;
	vm0 =	vlt.s32 v14, v2  }
0x8d: {  	v22 =	vcvt.f32.s32 v22;
	v14 =	vsel vm0, v14, v2;
	vm0 =	vlt.s32 v8, v2  }
0x8e: {  	v12 =	vtrunc.f32 v12;
	v16 =	vcvt.f32.s32 v16;
	v8 =	vsel vm0, v8, v2  }
0x8f: {  	v21 =	vtrunc.f32 v21;
	v15 =	vcvt.f32.s32 v15;
	vm0 =	vlt.s32 v22, v2  }
0x90: {  	v9 =	vcvt.f32.s32 v9;
	vm1 =	vlt.s32 v16, v2;
	v22 =	vsel vm0, v22, v2  }
0x91: {  	v17 =	vcvt.f32.s32 v17;
	v16 =	vsel vm1, v16, v2;
	vm0 =	vlt.s32 v15, v2  }
0x92: {  	v10 =	vcvt.f32.s32 v10;
	vm1 =	vlt.s32 v9, v2;
	[tilespmem:v14+s1+$0x0] =	vst.idx.add.f32.msk $0xffff, v3;
	v14 =	vsel vm0, v15, v2  }
0x93: {  	s7 =	simm.s32 $0x1A140;
	v9 =	vsel vm1, v9, v2;
	vm0 =	vlt.s32 v17, v2;
	[tilespmem:v8+s1+$0x0] =	vst.idx.add.f32.msk $0xffff, v3;
	v8 =	vcvt.f32.s32 v19  }
0x94: {  	v11 =	vcvt.f32.s32 v11;
	vm1 =	vlt.s32 v10, v2;
	v17 =	vsel vm0, v17, v2;
	v15 =	vld [tilespmem:s7+$0x30]  }
0x95: {  	v10 =	vsel vm1, v10, v2;
	v19 =	vcvt.f32.s32 v20;
	[tilespmem:v22+s1+$0x0] =	vst.idx.add.f32.msk $0xffff, v3;
	vm0 =	vlt.s32 v8, v2  }
0x96: {  	v12 =	vcvt.f32.s32 v12;
	vm1 =	vlt.s32 v11, v2;
	[tilespmem:v16+s1+$0x0] =	vst.idx.add.f32.msk $0xffff, v3;
	v8 =	vsel vm0, v8, v2  }
0x97: {  	v11 =	vsel vm1, v11, v2;
	v16 =	vcvt.f32.s32 v21;
	vm0 =	vlt.s32 v19, v2;
	[tilespmem:v14+s1+$0x0] =	vst.idx.add.f32.msk $0xffff, v3  }
0x98: {  	v13 =	vtrunc.f32 v13;
	vm1 =	vlt.s32 v12, v2;
	v14 =	vsel vm0, v19, v2;
	[tilespmem:v9+s1+$0x0] =	vst.idx.add.f32.msk $0xffff, v3  }
0x99: {  	v13 =	vcvt.f32.s32 v13;
	v12 =	vsel vm1, v12, v2;
	vm0 =	vlt.s32 v16, v2;
	[tilespmem:v17+s1+$0x0] =	vst.idx.add.f32.msk $0xffff, v3  }
0x9a: {  	v18 =	vadd.f32 v18, v7;
	v16 =	vsel vm0, v16, v2;
	[tilespmem:v10+s1+$0x0] =	vst.idx.add.f32.msk $0xffff, v3  }
0x9b: {  	v37 =	vadd.f32 v37, v7;
	v23 =	vtrunc.f32 v23;
	vm1 =	vlt.s32 v13, v2;
	[tilespmem:v8+s1+$0x0] =	vst.idx.add.f32.msk $0xffff, v3  }
0x9c: {  	v32 =	vadd.f32 v32, v7;
	v13 =	vsel vm1, v13, v2;
	v9 =	vcvt.f32.s32 v23;
	[tilespmem:v11+s1+$0x0] =	vst.idx.add.f32.msk $0xffff, v3  }
0x9d: {  	v29 =	vadd.f32 v29, v7;
	v35 =	vadd.f32 v35, v7;
	v37 =	vtrunc.f32 v37;
	[tilespmem:v14+s1+$0x0] =	vst.idx.add.f32.msk $0xffff, v3  }
0x9e: {  	v32 =	vtrunc.f32 v32;
	v17 =	vtrunc.f32 v18;
	vm0 =	vlt.s32 v9, v2;
	[tilespmem:v12+s1+$0x0] =	vst.idx.add.f32.msk $0xffff, v3  }
0x9f: {  	v10 =	vcvt.f32.s32 v17;
	v8 =	vsel vm0, v9, v2;
	v9 =	vand.u32 $0xFFFF0000, v15;
	[tilespmem:v16+s1+$0x0] =	vst.idx.add.f32.msk $0xffff, v3  }
0xa0: {  	v31 =	vadd.f32 v31, v7;
	v29 =	vtrunc.f32 v29;
	v9 =	vmul.f32 v9, v6;
	v14 =	vld [tilespmem:s7+$0xFFFFFFF0]  }
0xa1: {  	v35 =	vtrunc.f32 v35;
	vm0 =	vlt.s32 v10, v2;
	v11 =	vshll.u32 v15, $0x10;
	[tilespmem:v13+s1+$0x0] =	vst.idx.add.f32.msk $0xffff, v3  }
0xa2: {  	v10 =	vsel vm0, v10, v2;
	v11 =	vmul.f32 v11, v6;
	v9 =	vadd.f32 v9, v7;
	v13 =	vld [tilespmem:s7+$0xFFFFFFE0]  }
0xa3: {  	v31 =	vtrunc.f32 v31;
	v32 =	vcvt.f32.s32 v32;
	v15 =	vld [tilespmem:s7+$0x0]  }
0xa4: {  	v29 =	vcvt.f32.s32 v29;
	[tilespmem:v8+s1+$0x0] =	vst.idx.add.f32.msk $0xffff, v3;
	v8 =	vadd.f32 v11, v7;
	v9 =	vtrunc.f32 v9  }
0xa5: {  	v42 =	vcvt.f32.s32 v35;
	v9 =	vcvt.f32.s32 v9  }
0xa6: {  	v43 =	vcvt.f32.s32 v31;
	v11 =	vld [tilespmem:s7+$0xFFFFFFC0];
	v8 =	vtrunc.f32 v8;
	v20 =	vand.u32 $0xFFFF0000, v14  }
0xa7: {  	[tilespmem:v10+s1+$0x0] =	vst.idx.add.f32.msk $0xffff, v3;
	v14 =	vshll.u32 v14, $0x10;
	v12 =	vcvt.f32.s32 v8;
	vm0 =	vlt.s32 v9, v2  }
0xa8: {  	v10 =	vld [tilespmem:s7+$0xFFFFFFD0];
	v19 =	vand.u32 $0xFFFF0000, v13;
	v13 =	vshll.u32 v13, $0x10;
	v21 =	vand.u32 $0xFFFF0000, v15  }
0xa9: {  	v15 =	vshll.u32 v15, $0x10;
	v20 =	vmul.f32 v20, v6;
	v26 =	vmul.f32 v14, v6  }
0xaa: {  	v18 =	vld [tilespmem:s7+$0x20];
	v8 =	vsel vm0, v9, v2;
	v19 =	vmul.f32 v19, v6;
	v23 =	vmul.f32 v13, v6  }
0xab: {  	v21 =	vmul.f32 v21, v6;
	v28 =	vmul.f32 v15, v6;
	vm0 =	vlt.s32 v12, v2  }
0xac: {  	v16 =	vand.u32 $0xFFFF0000, v11;
	v11 =	vshll.u32 v11, $0x10;
	v9 =	vsel vm0, v12, v2  }
0xad: {  	v16 =	vmul.f32 v16, v6;
	v17 =	vand.u32 $0xFFFF0000, v10;
	v10 =	vshll.u32 v10, $0x10  }
0xae: {  	v11 =	vmul.f32 v11, v6;
	v40 =	vadd.f32 v21, v7;
	v28 =	vadd.f32 v28, v7  }
0xaf: {  	v25 =	vld [tilespmem:s8+$0x30];
	v17 =	vmul.f32 v17, v6;
	v10 =	vmul.f32 v10, v6;
	v24 =	vand.u32 $0xFFFF0000, v18  }
0xb0: {  	v12 =	vld [tilespmem:s7+$0x10];
	v18 =	vshll.u32 v18, $0x10;
	v16 =	vadd.f32 v16, v7;
	v13 =	vadd.f32 v11, v7  }
0xb1: {  	v11 =	vmul.f32 v24, v6;
	v55 =	vtrunc.f32 v40;
	v14 =	vadd.f32 v17, v7  }
0xb2: {  	v56 =	vtrunc.f32 v28;
	v15 =	vadd.f32 v10, v7;
	v17 =	vadd.f32 v23, v7  }
0xb3: {  	v27 =	vld [tilespmem:s8+$0xFFFFFFD0];
	v48 =	vcvt.f32.s32 v55;
	v10 =	vtrunc.f32 v16;
	v16 =	vadd.f32 v19, v7  }
0xb4: {  	v19 =	vand.u32 $0xFFFF0000, v25;
	v13 =	vtrunc.f32 v13;
	v11 =	vadd.f32 v11, v7  }
0xb5: {  	v22 =	vand.u32 $0xFFFF0000, v12;
	v23 =	vmul.f32 v19, v6;
	v14 =	vtrunc.f32 v14  }
0xb6: {  	v12 =	vshll.u32 v12, $0x10;
	v15 =	vtrunc.f32 v15;
	v17 =	vtrunc.f32 v17  }
0xb7: {  	v19 =	vadd.f32 v26, v7;
	v59 =	vcvt.f32.s32 v10;
	v61 =	vcvt.f32.s32 v13  }
0xb8: {  	v26 =	vand.u32 $0xFFFF0000, v27;
	v13 =	vcvt.f32.s32 v56;
	v22 =	vmul.f32 v22, v6  }
0xb9: {  	v24 =	vld [tilespmem:s8+$0xFFFFFFF0];
	v27 =	vshll.u32 v27, $0x10;
	v30 =	vmul.f32 v12, v6;
	v12 =	vmul.f32 v18, v6  }
0xba: {  	v26 =	vmul.f32 v26, v6;
	v27 =	vmul.f32 v27, v6  }
0xbb: {  	v18 =	vadd.f32 v20, v7;
	v16 =	vtrunc.f32 v16;
	v58 =	vtrunc.f32 v11  }
0xbc: {  	v20 =	vshll.u32 v25, $0x10;
	v62 =	vcvt.f32.s32 v14;
	v15 =	vcvt.f32.s32 v15  }
0xbd: {  	vm1 =	vlt.s32 v32, v2;
	v17 =	vcvt.f32.s32 v17;
	v20 =	vmul.f32 v20, v6  }
0xbe: {  	v23 =	vadd.f32 v23, v7;
	v34 =	vand.u32 $0xFFFF0000, v24;
	v19 =	vtrunc.f32 v19  }
0xbf: {  	v24 =	vshll.u32 v24, $0x10;
	v63 =	vcvt.f32.s32 v16;
	v10 =	vcvt.f32.s32 v58  }
0xc0: {  	s12 =	simm.s32 $0x18240;
	v34 =	vmul.f32 v34, v6;
	v26 =	vadd.f32 v26, v7;
	v24 =	vmul.f32 v24, v6  }
0xc1: {  	v55 =	vld [tilespmem:s12+$0xFFFFFFF0];
	v41 =	vadd.f32 v22, v7;
	v53 =	vadd.f32 v30, v7;
	v30 =	vcvt.f32.s32 v37  }
0xc2: {  	v25 =	vld [tilespmem:s8+$0x10];
	v18 =	vtrunc.f32 v18;
	v12 =	vadd.f32 v12, v7;
	v47 =	vcvt.f32.s32 v19  }
0xc3: {  	vm6 =	vlt.s32 v17, v2;
	v20 =	vadd.f32 v20, v7;
	v23 =	vtrunc.f32 v23  }
0xc4: {  	v14 =	vld [tilespmem:s12+$0x30];
	v46 =	vcvt.f32.s32 v18;
	vm5 =	vlt.s32 v63, v2;
	v17 =	vsel vm6, v17, v2  }
0xc5: {  	v23 =	vcvt.f32.s32 v23;
	v34 =	vadd.f32 v34, v7;
	v26 =	vtrunc.f32 v26  }
0xc6: {  	v24 =	vadd.f32 v24, v7;
	v57 =	vtrunc.f32 v41;
	v60 =	vtrunc.f32 v12  }
0xc7: {  	v41 =	vshll.u32 v55, $0x10;
	v20 =	vtrunc.f32 v20;
	v36 =	vand.u32 $0xFFFF0000, v25  }
0xc8: {  	v25 =	vshll.u32 v25, $0x10;
	v26 =	vcvt.f32.s32 v26;
	v12 =	vcvt.f32.s32 v57  }
0xc9: {  	v16 =	vand.u32 $0xFFFF0000, v14;
	v14 =	vshll.u32 v14, $0x10;
	v41 =	vmul.f32 v41, v6  }
0xca: {  	v20 =	vcvt.f32.s32 v20;
	vm0 =	vlt.s32 v23, v2;
	v36 =	vmul.f32 v36, v6  }
0xcb: {  	v25 =	vmul.f32 v25, v6;
	v34 =	vtrunc.f32 v34;
	v23 =	vsel vm0, v23, v2  }
0xcc: {  	v21 =	vtrunc.f32 v24;
	v16 =	vmul.f32 v16, v6;
	vm0 =	vlt.s32 v20, v2  }
0xcd: {  	v14 =	vmul.f32 v14, v6;
	v36 =	vadd.f32 v36, v7;
	v20 =	vsel vm0, v20, v2  }
0xce: {  	v54 =	vcvt.f32.s32 v34;
	v21 =	vcvt.f32.s32 v21;
	v25 =	vadd.f32 v25, v7  }
0xcf: {  	vm2 =	vlt.s32 v26, v2;
	v34 =	vsel vm1, v32, v2;
	v36 =	vtrunc.f32 v36  }
0xd0: {  	v52 =	vtrunc.f32 v25;
	[tilespmem:v23+s1+$0x0] =	vst.idx.add.f32.msk $0xffff, v3;
	v23 =	vshll.u32 v38, $0x10;
	v38 =	vadd.f32 v49, v7  }
0xd1: {  	v41 =	vadd.f32 v41, v7;
	v36 =	vcvt.f32.s32 v36;
	v23 =	vmul.f32 v23, v6  }
0xd2: {  	s9 =	simm.s32 $0x1A1C0;
	[tilespmem:v20+s1+$0x0] =	vst.idx.add.f32.msk $0xffff, v3;
	v20 =	vadd.f32 v27, v7;
	v27 =	vadd.f32 v33, v7;
	v22 =	vtrunc.f32 v38  }
0xd3: {  	v38 =	vtrunc.f32 v53;
	v53 =	vadd.f32 v14, v7;
	v14 =	vcvt.f32.s32 v60;
	v50 =	vld [tilespmem:s9+$0x30]  }
0xd4: {  	v23 =	vadd.f32 v23, v7;
	v44 =	vcvt.f32.s32 v22;
	v20 =	vtrunc.f32 v20  }
0xd5: {  	v19 =	vadd.f32 v16, v7;
	v27 =	vtrunc.f32 v27;
	v20 =	vcvt.f32.s32 v20  }
0xd6: {  	vm1 =	vlt.s32 v54, v2;
	v23 =	vtrunc.f32 v23;
	v27 =	vcvt.f32.s32 v27  }
0xd7: {  	v11 =	vcvt.f32.s32 v38;
	v45 =	vcvt.f32.s32 v23;
	vm3 =	vlt.s32 v20, v2  }
0xd8: {  	v60 =	vld [tilespmem:s12+$0xFFFFFFC0];
	vm4 =	vlt.s32 v27, v2;
	v51 =	vand.u32 $0xFFFF0000, v50;
	v33 =	vshll.u32 v50, $0x10  }
0xd9: {  	v32 =	vsel vm3, v20, v2;
	vm3 =	vlt.s32 v42, v2;
	v31 =	vsel vm4, v27, v2  }
0xda: {  	vm4 =	vlt.s32 v43, v2;
	v39 =	vmul.f32 v51, v6;
	v33 =	vmul.f32 v33, v6  }
0xdb: {  	v20 =	vsel vm3, v42, v2;
	vm3 =	vlt.s32 v45, v2;
	v22 =	vsel vm4, v43, v2  }
0xdc: {  	vm4 =	vlt.s32 v47, v2;
	v51 =	vand.u32 $0xFFFF0000, v55;
	v28 =	vsel vm3, v45, v2  }
0xdd: {  	vm3 =	vlt.s32 v15, v2;
	v45 =	vshll.u32 v60, $0x10;
	v51 =	vmul.f32 v51, v6  }
0xde: {  	v24 =	vadd.f32 v39, v7;
	v33 =	vadd.f32 v33, v7;
	v39 =	vcvt.f32.s32 v52  }
0xdf: {  	v16 =	vsel vm3, v15, v2;
	v15 =	vtrunc.f32 v19;
	v19 =	vtrunc.f32 v53  }
0xe0: {  	vm3 =	vlt.s32 v48, v2;
	v45 =	vmul.f32 v45, v6;
	v57 =	vcvt.f32.s32 v15  }
0xe1: {  	[tilespmem:v8+s1+$0x0] =	vst.idx.add.f32.msk $0xffff, v4;
	v58 =	vcvt.f32.s32 v19;
	v19 =	vsel vm5, v63, v2;
	v8 =	vadd.f32 v51, v7  }
0xe2: {  	v49 =	vld [tilespmem:s12+$0x20];
	v24 =	vtrunc.f32 v24;
	v25 =	vtrunc.f32 v33;
	v33 =	vsel vm2, v26, v2  }
0xe3: {  	v52 =	vld [tilespmem:s12+$0xFFFFFFD0];
	vm2 =	vlt.s32 v21, v2;
	v26 =	vsel vm1, v54, v2;
	vm1 =	vlt.s32 v39, v2  }
0xe4: {  	v45 =	vadd.f32 v45, v7;
	[tilespmem:v31+s1+$0x0] =	vst.idx.add.f32.msk $0xffff, v3;
	v31 =	vsel vm4, v47, v2;
	v24 =	vcvt.f32.s32 v24  }
0xe5: {  	[tilespmem:v9+s1+$0x0] =	vst.idx.add.f32.msk $0xffff, v4;
	v25 =	vcvt.f32.s32 v25;
	v23 =	vsel vm2, v21, v2;
	vm2 =	vlt.s32 v44, v2  }
0xe6: {  	v54 =	vld [tilespmem:s12+$0xFFFFFFE0];
	vm5 =	vlt.s32 v58, v2;
	v8 =	vtrunc.f32 v8;
	v27 =	vsel vm2, v44, v2  }
0xe7: {  	[tilespmem:v20+s1+$0x0] =	vst.idx.add.f32.msk $0xffff, v3;
	vm2 =	vlt.s32 v62, v2;
	v43 =	vsel vm5, v58, v2;
	v45 =	vtrunc.f32 v45  }
0xe8: {  	vm0 =	vlt.s32 v24, v2;
	v18 =	vsel vm2, v62, v2;
	vm2 =	vlt.s32 v12, v2  }
0xe9: {  	[tilespmem:v22+s1+$0x0] =	vst.idx.add.f32.msk $0xffff, v3;
	v38 =	vshll.u32 v52, $0x10;
	v62 =	vand.u32 $0xFFFF0000, v49;
	v49 =	vshll.u32 v49, $0x10  }
0xea: {  	v56 =	vld [tilespmem:s12+$0x0];
	v24 =	vsel vm0, v24, v2;
	vm0 =	vlt.s32 v25, v2;
	v38 =	vmul.f32 v38, v6  }
0xeb: {  	v8 =	vcvt.f32.s32 v8;
	v49 =	vmul.f32 v49, v6;
	[tilespmem:v19+s1+$0x0] =	vst.idx.add.f32.msk $0xffff, v4;
	v25 =	vsel vm0, v25, v2  }
0xec: {  	vm0 =	vlt.s32 v30, v2;
	v50 =	vand.u32 $0xFFFF0000, v54;
	v40 =	vshll.u32 v54, $0x10;
	[tilespmem:v33+s1+$0x0] =	vst.idx.add.f32.msk $0xffff, v3  }
0xed: {  	v54 =	vand.u32 $0xFFFF0000, v60;
	[tilespmem:v26+s1+$0x0] =	vst.idx.add.f32.msk $0xffff, v3;
	v26 =	vsel vm3, v48, v2;
	v35 =	vsel vm0, v30, v2  }
0xee: {  	vm0 =	vlt.s32 v29, v2;
	v54 =	vmul.f32 v54, v6;
	v50 =	vmul.f32 v50, v6  }
0xef: {  	v40 =	vmul.f32 v40, v6;
	v38 =	vadd.f32 v38, v7;
	v30 =	vsel vm0, v29, v2  }
0xf0: {  	vm0 =	vlt.s32 v36, v2;
	v29 =	vsel vm1, v39, v2;
	vm1 =	vlt.s32 v61, v2  }
0xf1: {  	[tilespmem:v32+s1+$0x0] =	vst.idx.add.f32.msk $0xffff, v3;
	v39 =	vshll.u32 v56, $0x10;
	v21 =	vsel vm0, v36, v2;
	vm0 =	vlt.s32 v59, v2  }
0xf2: {  	[tilespmem:v23+s1+$0x0] =	vst.idx.add.f32.msk $0xffff, v3;
	v36 =	vsel vm1, v61, v2;
	vm1 =	vlt.s32 v46, v2;
	v61 =	vand.u32 $0xFFFF0000, v52  }
0xf3: {  	[tilespmem:v27+s1+$0x0] =	vst.idx.add.f32.msk $0xffff, v3;
	v52 =	vand.u32 $0xFFFF0000, v56;
	v54 =	vadd.f32 v54, v7;
	v39 =	vmul.f32 v39, v6  }
0xf4: {  	v50 =	vadd.f32 v50, v7;
	v40 =	vadd.f32 v40, v7;
	v38 =	vtrunc.f32 v38;
	[tilespmem:v28+s1+$0x0] =	vst.idx.add.f32.msk $0xffff, v3  }
0xf5: {  	v37 =	vsel vm0, v59, v2;
	v59 =	vld [tilespmem:s12+$0x10];
	v15 =	vsel vm1, v46, v2;
	v46 =	vmul.f32 v61, v6  }
0xf6: {  	vm1 =	vlt.s32 v57, v2;
	v52 =	vmul.f32 v52, v6;
	[tilespmem:v24+s1+$0x0] =	vst.idx.add.f32.msk $0xffff, v4;
	v22 =	vcvt.f32.s32 v38  }
0xf7: {  	v48 =	vld [tilespmem:s9+$0x20];
	v54 =	vtrunc.f32 v54;
	v39 =	vadd.f32 v39, v7;
	v60 =	vtrunc.f32 v50  }
0xf8: {  	[tilespmem:v25+s1+$0x0] =	vst.idx.add.f32.msk $0xffff, v4;
	v61 =	vtrunc.f32 v40;
	v50 =	vtrunc.f32 v41;
	v9 =	vadd.f32 v52, v7  }
0xf9: {  	v42 =	vsel vm1, v57, v2;
	[tilespmem:v35+s1+$0x0] =	vst.idx.add.f32.msk $0xffff, v3;
	v56 =	vcvt.f32.s32 v54;
	v35 =	vcvt.f32.s32 v61  }
0xfa: {  	v39 =	vtrunc.f32 v39;
	[tilespmem:v30+s1+$0x0] =	vst.idx.add.f32.msk $0xffff, v3;
	v30 =	vadd.f32 v49, v7;
	v9 =	vtrunc.f32 v9  }
0xfb: {  	vm0 =	vlt.s32 v13, v2;
	[tilespmem:v21+s1+$0x0] =	vst.idx.add.f32.msk $0xffff, v3;
	v21 =	vcvt.f32.s32 v60;
	v27 =	vcvt.f32.s32 v39  }
0xfc: {  	[tilespmem:v26+s1+$0x0] =	vst.idx.add.f32.msk $0xffff, v4;
	v53 =	vand.u32 $0xFFFF0000, v59;
	v23 =	vtrunc.f32 v30;
	v30 =	vcvt.f32.s32 v45  }
0xfd: {  	v44 =	vshll.u32 v59, $0x10;
	[tilespmem:v29+s1+$0x0] =	vst.idx.add.f32.msk $0xffff, v3;
	v29 =	vcvt.f32.s32 v50;
	v9 =	vcvt.f32.s32 v9  }
0xfe: {  	v63 =	vadd.f32 v46, v7;
	v60 =	vld [tilespmem:s9+$0xFFFFFFD0];
	v57 =	vmul.f32 v53, v6;
	v44 =	vmul.f32 v44, v6  }
0xff: {  	v26 =	vand.u32 $0xFFFF0000, v48;
	[tilespmem:v42+s1+$0x0] =	vst.idx.add.f32.msk $0xffff, v3;
	v42 =	vmul.f32 v62, v6;
	v23 =	vcvt.f32.s32 v23  }
0x100: {  	vm1 =	vlt.s32 v11, v2;
	v26 =	vmul.f32 v26, v6;
	[tilespmem:v43+s1+$0x0] =	vst.idx.add.f32.msk $0xffff, v3;
	v43 =	vtrunc.f32 v63  }
0x101: {  	v61 =	vld [tilespmem:s9+$0xFFFFFFE0];
	vm4 =	vlt.s32 v30, v2;
	v24 =	vadd.f32 v57, v7;
	v25 =	vadd.f32 v44, v7  }
0x102: {  	[tilespmem:v18+s1+$0x0] =	vst.idx.add.f32.msk $0xffff, v4;
	v52 =	vadd.f32 v42, v7;
	v57 =	vcvt.f32.s32 v43;
	v28 =	vsel vm4, v30, v2  }
0x103: {  	[tilespmem:v16+s1+$0x0] =	vst.idx.add.f32.msk $0xffff, v4;
	vm4 =	vlt.s32 v22, v2;
	v42 =	vshll.u32 v48, $0x10;
	v26 =	vadd.f32 v26, v7  }
0x104: {  	[tilespmem:v37+s1+$0x0] =	vst.idx.add.f32.msk $0xffff, v4;
	v22 =	vsel vm4, v22, v2;
	vm4 =	vlt.s32 v35, v2;
	v16 =	vand.u32 $0xFFFF0000, v60  }
0x105: {  	[tilespmem:v36+s1+$0x0] =	vst.idx.add.f32.msk $0xffff, v4;
	v36 =	vshll.u32 v60, $0x10;
	v42 =	vmul.f32 v42, v6;
	v24 =	vtrunc.f32 v24  }
0x106: {  	v45 =	vld [tilespmem:s9+$0x10];
	v19 =	vand.u32 $0xFFFF0000, v61;
	v25 =	vtrunc.f32 v25;
	v33 =	vtrunc.f32 v52  }
0x107: {  	v37 =	vshll.u32 v61, $0x10;
	v16 =	vmul.f32 v16, v6;
	v36 =	vmul.f32 v36, v6  }
0x108: {  	s6 =	simm.s32 $0x1A240;
	v35 =	vsel vm4, v35, v2;
	v19 =	vmul.f32 v19, v6;
	v37 =	vmul.f32 v37, v6  }
0x109: {  	v58 =	vld [tilespmem:s6+$0x30];
	vm4 =	vlt.s32 v29, v2;
	v26 =	vtrunc.f32 v26;
	v24 =	vcvt.f32.s32 v24  }
0x10a: {  	[tilespmem:v15+s1+$0x0] =	vst.idx.add.f32.msk $0xffff, v4;
	v25 =	vcvt.f32.s32 v25;
	v33 =	vcvt.f32.s32 v33;
	v29 =	vsel vm4, v29, v2  }
0x10b: {  	[tilespmem:v31+s1+$0x0] =	vst.idx.add.f32.msk $0xffff, v4;
	vm4 =	vlt.s32 v27, v2;
	v31 =	vand.u32 $0xFFFF0000, v45;
	v41 =	vshll.u32 v45, $0x10  }
0x10c: {  	v27 =	vsel vm4, v27, v2;
	v16 =	vadd.f32 v16, v7;
	v31 =	vmul.f32 v31, v6  }
0x10d: {  	v41 =	vmul.f32 v41, v6;
	v36 =	vadd.f32 v36, v7;
	v19 =	vadd.f32 v19, v7  }
0x10e: {  	[tilespmem:v34+s1+$0x0] =	vst.idx.add.f32.msk $0xffff, v3;
	v37 =	vadd.f32 v37, v7;
	v59 =	vand.u32 $0xFFFF0000, v58;
	v62 =	vshll.u32 v58, $0x10  }
0x10f: {  	vm4 =	vlt.s32 v25, v2;
	v46 =	vmul.f32 v59, v6;
	v63 =	vmul.f32 v62, v6  }
0x110: {  	v25 =	vsel vm4, v25, v2;
	vm4 =	vlt.s32 v23, v2;
	v31 =	vadd.f32 v31, v7  }
0x111: {  	v59 =	vld [tilespmem:s9+$0xFFFFFFC0];
	v19 =	vtrunc.f32 v19;
	v18 =	vsel vm4, v23, v2;
	vm4 =	vlt.s32 v14, v2  }
0x112: {  	v62 =	vld [tilespmem:s9+$0xFFFFFFF0];
	v19 =	vcvt.f32.s32 v19;
	v51 =	vadd.f32 v46, v7;
	v53 =	vadd.f32 v63, v7  }
0x113: {  	v52 =	vtrunc.f32 v16;
	v16 =	vsel vm0, v13, v2;
	v14 =	vsel vm4, v14, v2  }
0x114: {  	vm4 =	vlt.s32 v19, v2;
	v55 =	vtrunc.f32 v51;
	v32 =	vtrunc.f32 v53  }
0x115: {  	v63 =	vld [tilespmem:s9+$0x0];
	v51 =	vadd.f32 v41, v7;
	v53 =	vtrunc.f32 v37;
	v34 =	vcvt.f32.s32 v55  }
0x116: {  	v32 =	vcvt.f32.s32 v32;
	v46 =	vand.u32 $0xFFFF0000, v59;
	v23 =	vshll.u32 v59, $0x10  }
0x117: {  	[tilespmem:v17+s1+$0x0] =	vst.idx.add.f32.msk $0xffff, v4;
	v17 =	vand.u32 $0xFFFF0000, v62;
	v39 =	vshll.u32 v62, $0x10;
	v47 =	vmul.f32 v46, v6  }
0x118: {  	v23 =	vmul.f32 v23, v6;
	v17 =	vmul.f32 v17, v6;
	vm3 =	vlt.s32 v34, v2  }
0x119: {  	v39 =	vmul.f32 v39, v6;
	v20 =	vsel vm3, v34, v2;
	vm3 =	vlt.s32 v32, v2  }
0x11a: {  	v15 =	vand.u32 $0xFFFF0000, v63;
	v32 =	vsel vm3, v32, v2;
	vm3 =	vlt.s32 v56, v2  }
0x11b: {  	v40 =	vshll.u32 v63, $0x10;
	v34 =	vadd.f32 v47, v7;
	v58 =	vsel vm3, v56, v2  }
0x11c: {  	v23 =	vadd.f32 v23, v7;
	v15 =	vmul.f32 v15, v6;
	vm3 =	vlt.s32 v57, v2  }
0x11d: {  	v40 =	vmul.f32 v40, v6;
	v17 =	vadd.f32 v17, v7;
	v30 =	vsel vm3, v57, v2  }
0x11e: {  	v15 =	vadd.f32 v15, v7;
	v49 =	vtrunc.f32 v34;
	vm3 =	vlt.s32 v21, v2;
	[tilespmem:v20+s1+$0x0] =	vst.idx.add.f32.msk $0xffff, v4  }
0x11f: {  	v50 =	vadd.f32 v40, v7;
	v23 =	vtrunc.f32 v23;
	v21 =	vsel vm3, v21, v2;
	[tilespmem:v32+s1+$0x0] =	vst.idx.add.f32.msk $0xffff, v4  }
0x120: {  	v54 =	vtrunc.f32 v17;
	v17 =	vsel vm2, v12, v2;
	vm3 =	vlt.s32 v8, v2;
	[tilespmem:v58+s1+$0x0] =	vst.idx.add.f32.msk $0xffff, v3  }
0x121: {  	v23 =	vcvt.f32.s32 v23;
	v55 =	vcvt.f32.s32 v54;
	v8 =	vsel vm3, v8, v2;
	[tilespmem:v28+s1+$0x0] =	vst.idx.add.f32.msk $0xffff, v3  }
0x122: {  	v12 =	vtrunc.f32 v50;
	vm3 =	vlt.s32 v9, v2;
	v20 =	vadd.f32 v39, v7;
	[tilespmem:v30+s1+$0x0] =	vst.idx.add.f32.msk $0xffff, v3  }
0x123: {  	v12 =	vcvt.f32.s32 v12;
	v9 =	vsel vm3, v9, v2;
	vm3 =	vlt.s32 v24, v2;
	[tilespmem:v22+s1+$0x0] =	vst.idx.add.f32.msk $0xffff, v3  }
0x124: {  	v24 =	vsel vm3, v24, v2;
	vm3 =	vlt.s32 v33, v2;
	v20 =	vtrunc.f32 v20;
	[tilespmem:v21+s1+$0x0] =	vst.idx.add.f32.msk $0xffff, v3  }
0x125: {  	v33 =	vsel vm3, v33, v2;
	vm3 =	vlt.s32 v10, v2;
	v22 =	vtrunc.f32 v15;
	[tilespmem:v35+s1+$0x0] =	vst.idx.add.f32.msk $0xffff, v3  }
0x126: {  	v21 =	vtrunc.f32 v31;
	v15 =	vsel vm1, v11, v2;
	vm1 =	vlt.s32 v23, v2;
	[tilespmem:v8+s1+$0x0] =	vst.idx.add.f32.msk $0xffff, v3  }
0x127: {  	v13 =	vsel vm3, v10, v2;
	v10 =	vcvt.f32.s32 v21;
	v21 =	vsel vm1, v23, v2;
	v23 =	vld [tilespmem:s6+$0xFFFFFFC0]  }
0x128: {  	v57 =	vsel vm4, v19, v2;
	v28 =	vtrunc.f32 v36;
	v20 =	vcvt.f32.s32 v20;
	[tilespmem:v29+s1+$0x0] =	vst.idx.add.f32.msk $0xffff, v3  }
0x129: {  	v30 =	vadd.f32 v42, v7;
	v11 =	vtrunc.f32 v51;
	v31 =	vcvt.f32.s32 v49;
	[tilespmem:v9+s1+$0x0] =	vst.idx.add.f32.msk $0xffff, v3  }
0x12a: {  	vm11 =	vlt.s32 v12, v2;
	v28 =	vcvt.f32.s32 v28;
	v8 =	vcvt.f32.s32 v26;
	v26 =	vld [tilespmem:s6+$0xFFFFFFE0]  }
0x12b: {  	v30 =	vtrunc.f32 v30;
	v22 =	vcvt.f32.s32 v22;
	vm1 =	vlt.s32 v55, v2;
	[tilespmem:v27+s1+$0x0] =	vst.idx.add.f32.msk $0xffff, v3  }
0x12c: {  	v11 =	vcvt.f32.s32 v11;
	vm5 =	vlt.s32 v20, v2;
	vm0 =	vlt.s32 v31, v2;
	[tilespmem:v24+s1+$0x0] =	vst.idx.add.f32.msk $0xffff, v3  }
0x12d: {  	vm3 =	vlt.s32 v28, v2;
	v9 =	vcvt.f32.s32 v30;
	v30 =	vsel vm1, v55, v2;
	v58 =	vld [tilespmem:s6+$0xFFFFFFF0]  }
0x12e: {  	v29 =	vcvt.f32.s32 v52;
	v56 =	vsel vm3, v28, v2;
	vm6 =	vlt.s32 v22, v2;
	[tilespmem:v25+s1+$0x0] =	vst.idx.add.f32.msk $0xffff, v3  }
0x12f: {  	v27 =	vcvt.f32.s32 v53;
	vm12 =	vlt.s32 v10, v2;
	vm4 =	vlt.s32 v11, v2;
	[tilespmem:v33+s1+$0x0] =	vst.idx.add.f32.msk $0xffff, v3  }
0x130: {  	v28 =	vsel vm5, v20, v2;
	vm3 =	vlt.s32 v8, v2;
	vm2 =	vlt.s32 v29, v2;
	v25 =	vld [tilespmem:s6+$0xFFFFFFD0]  }
0x131: {  	vm5 =	vlt.s32 v9, v2;
	[tilespmem:v18+s1+$0x0] =	vst.idx.add.f32.msk $0xffff, v3;
	v18 =	vsel vm0, v31, v2  }
0x132: {  	v59 =	vld [tilespmem:s6+$0x0];
	vm0 =	vlt.s32 v27, v2;
	v24 =	vsel vm2, v29, v2;
	v29 =	vsel vm6, v22, v2  }
0x133: {  	v31 =	vsel vm0, v27, v2;
	v19 =	vand.u32 $0xFFFF0000, v23;
	v20 =	vshll.u32 v23, $0x10;
	v23 =	vld [tilespmem:s6+$0x10]  }
0x134: {  	v61 =	vld [tilespmem:s6+$0x20];
	v19 =	vmul.f32 v19, v6;
	v20 =	vmul.f32 v20, v6;
	v62 =	vand.u32 $0xFFFF0000, v26  }
0x135: {  	[tilespmem:v57+s1+$0x0] =	vst.idx.add.f32.msk $0xffff, v4;
	v63 =	vshll.u32 v26, $0x10;
	v27 =	vand.u32 $0xFFFF0000, v58;
	v32 =	vshll.u32 v58, $0x10  }
0x136: {  	v35 =	vmul.f32 v62, v6;
	v36 =	vmul.f32 v63, v6;
	v22 =	vand.u32 $0xFFFF0000, v25;
	[tilespmem:v18+s1+$0x0] =	vst.idx.add.f32.msk $0xffff, v4  }
0x137: {  	v60 =	vshll.u32 v25, $0x10;
	v33 =	vand.u32 $0xFFFF0000, v59;
	v25 =	vmul.f32 v22, v6;
	[tilespmem:v24+s1+$0x0] =	vst.idx.add.f32.msk $0xffff, v4  }
0x138: {  	v26 =	vmul.f32 v60, v6;
	v18 =	vshll.u32 v59, $0x10;
	[tilespmem:v21+s1+$0x0] =	vst.idx.add.f32.msk $0xffff, v4;
	v22 =	vand.u32 $0xFFFF0000, v23  }
0x139: {  	s7 =	simm.s32 $0x10;
	s8 =	simm.s32 $0x182C0;
	v21 =	vshll.u32 v23, $0x10;
	[tilespmem:v56+s1+$0x0] =	vst.idx.add.f32.msk $0xffff, v4;
	v24 =	vand.u32 $0xFFFF0000, v61;
	v23 =	vshll.u32 v61, $0x10  }
.LBB2_5:
0x13a: {  	v34 =	vimm.s32 $0x0  }
0x13b: {  	v59 =	vimm.s32 $0x0;
	v39 =	vmul.f32 v27, v6;
	v40 =	vmul.f32 v32, v6  }
0x13c: {  	v60 =	vimm.s32 $0x0;
	v42 =	vmul.f32 v33, v6;
	v33 =	vmul.f32 v18, v6  }
0x13d: {  	v32 =	vmul.f32 v21, v6;
	v27 =	vmul.f32 v24, v6;
	v38 =	vadd.f32 v19, v7  }
0x13e: {  	v34 =	vsel vm4, $0xFFFFFFFF, v34;
	v19 =	vadd.f32 v20, v7;
	v20 =	vadd.f32 v25, v7  }
0x13f: {  	v21 =	vadd.f32 v26, v7;
	v26 =	vmul.f32 v23, v6;
	v24 =	vadd.f32 v35, v7  }
0x140: {  	v37 =	vld [tilespmem:s8+$0x30];
	vm4 =	vmmov vm12;
	v25 =	vadd.f32 v39, v7;
	v23 =	vadd.f32 v40, v7  }
0x141: {  	v41 =	vld [tilespmem:s8+$0xFFFFFFD0];
	[tilespmem:$0x1FFD0] =	vst v34;
	v34 =	vsel vm3, $0xFFFFFFFF, v59;
	v42 =	vadd.f32 v42, v7;
	v33 =	vadd.f32 v33, v7  }
0x142: {  	v43 =	vld [tilespmem:s8+$0xFFFFFFE0];
	v27 =	vadd.f32 v27, v7;
	v18 =	vtrunc.f32 v38;
	v19 =	vtrunc.f32 v19  }
0x143: {  	v44 =	vld [tilespmem:s8+$0xFFFFFFF0];
	[tilespmem:$0x1FFE0] =	vst v34;
	v34 =	vsel vm5, $0xFFFFFFFF, v60;
	v20 =	vtrunc.f32 v20;
	v21 =	vtrunc.f32 v21  }
0x144: {  	v45 =	vld [tilespmem:s8+$0x0];
	v32 =	vadd.f32 v32, v7;
	v24 =	vtrunc.f32 v24;
	[tilespmem:$0x1FFF0] =	vst v34;
	v34 =	vmul.f32 v22, v6  }
0x145: {  	v49 =	vld [tilespmem:s8+$0xFFFFFFC0];
	vm3 =	vmmov vm11;
	v27 =	vtrunc.f32 v27;
	v18 =	vcvt.f32.s32 v18  }
0x146: {  	v22 =	vadd.f32 v36, v7;
	v20 =	vcvt.f32.s32 v20;
	v21 =	vcvt.f32.s32 v21  }
0x147: {  	v61 =	vld [tilespmem:s8+$0x10];
	v24 =	vcvt.f32.s32 v24;
	v62 =	vand.u32 $0xFFFF0000, v37;
	v63 =	vand.u32 $0xFFFF0000, v41  }
0x148: {  	v48 =	vld [tilespmem:s8+$0x20];
	v37 =	vshll.u32 v37, $0x10;
	v41 =	vshll.u32 v41, $0x10;
	v46 =	vand.u32 $0xFFFF0000, v43  }
0x149: {  	[tilespmem:v31+s1+$0x0] =	vst.idx.add.f32.msk $0xffff, v4;
	v43 =	vshll.u32 v43, $0x10;
	v47 =	vand.u32 $0xFFFF0000, v44;
	v31 =	vshll.u32 v44, $0x10  }
0x14a: {  	[tilespmem:v29+s1+$0x0] =	vst.idx.add.f32.msk $0xffff, v4;
	v50 =	vand.u32 $0xFFFF0000, v45;
	v29 =	vand.u32 $0xFFFF0000, v49;
	v36 =	vmul.f32 v62, v6  }
0x14b: {  	[tilespmem:v17+s1+$0x0] =	vst.idx.add.f32.msk $0xffff, v4;
	v54 =	vshll.u32 v49, $0x10;
	v37 =	vmul.f32 v37, v6;
	v17 =	vmul.f32 v29, v6  }
0x14c: {  	[tilespmem:v30+s1+$0x0] =	vst.idx.add.f32.msk $0xffff, v4;
	v30 =	vshll.u32 v45, $0x10;
	v55 =	vmul.f32 v54, v6;
	v56 =	vmul.f32 v63, v6  }
0x14d: {  	v51 =	vand.u32 $0xFFFF0000, v61;
	v57 =	vmul.f32 v41, v6;
	v58 =	vmul.f32 v46, v6  }
0x14e: {  	[tilespmem:v28+s1+$0x0] =	vst.idx.add.f32.msk $0xffff, v4;
	v28 =	vshll.u32 v61, $0x10;
	v59 =	vmul.f32 v43, v6;
	v60 =	vmul.f32 v47, v6  }
0x14f: {  	[tilespmem:v16+s1+$0x0] =	vst.idx.add.f32.msk $0xffff, v4;
	v16 =	vand.u32 $0xFFFF0000, v48;
	v31 =	vmul.f32 v31, v6;
	v44 =	vmul.f32 v50, v6  }
0x150: {  	v39 =	vshll.u32 v48, $0x10;
	v30 =	vmul.f32 v30, v6;
	v45 =	vmul.f32 v51, v6  }
0x151: {  	v28 =	vmul.f32 v28, v6;
	v36 =	vadd.f32 v36, v7;
	v37 =	vadd.f32 v37, v7  }
0x152: {  	v16 =	vmul.f32 v16, v6;
	v17 =	vadd.f32 v17, v7;
	v35 =	vadd.f32 v55, v7  }
0x153: {  	v62 =	vmul.f32 v39, v6;
	v46 =	vadd.f32 v59, v7;
	v47 =	vadd.f32 v60, v7  }
0x154: {  	v31 =	vadd.f32 v31, v7;
	v48 =	vadd.f32 v44, v7;
	v36 =	vtrunc.f32 v36  }
0x155: {  	v30 =	vadd.f32 v30, v7;
	v53 =	vtrunc.f32 v37;
	v17 =	vtrunc.f32 v17  }
0x156: {  	[tilespmem:v15+s1+$0x0] =	vst.idx.add.f32.msk $0xffff, v4;
	v28 =	vadd.f32 v28, v7;
	v15 =	vtrunc.f32 v35;
	v40 =	vtrunc.f32 v46  }
0x157: {  	v16 =	vadd.f32 v16, v7;
	v41 =	vtrunc.f32 v47;
	v31 =	vtrunc.f32 v31  }
0x158: {  	v26 =	vadd.f32 v26, v7;
	v35 =	vtrunc.f32 v48;
	v30 =	vtrunc.f32 v30  }
0x159: {  	v34 =	vadd.f32 v34, v7;
	v28 =	vtrunc.f32 v28;
	v16 =	vtrunc.f32 v16  }
0x15a: {  	v49 =	vadd.f32 v45, v7;
	v52 =	vcvt.f32.s32 v36;
	v36 =	vcvt.f32.s32 v53  }
0x15b: {  	v37 =	vadd.f32 v56, v7;
	v17 =	vcvt.f32.s32 v17;
	v15 =	vcvt.f32.s32 v15  }
0x15c: {  	v40 =	vcvt.f32.s32 v40;
	v41 =	vcvt.f32.s32 v41;
	vm5 =	vlt.s32 v52, v2  }
0x15d: {  	v31 =	vcvt.f32.s32 v31;
	v29 =	vsel vm5, v52, v2;
	vm5 =	vlt.s32 v36, v2  }
0x15e: {  	v35 =	vcvt.f32.s32 v35;
	v30 =	vcvt.f32.s32 v30;
	v36 =	vsel vm5, v36, v2  }
0x15f: {  	v61 =	vadd.f32 v58, v7;
	v28 =	vcvt.f32.s32 v28;
	v16 =	vcvt.f32.s32 v16  }
0x160: {  	[tilespmem:v13+s1+$0x0] =	vst.idx.add.f32.msk $0xffff, v4;
	v50 =	vadd.f32 v62, v7;
	v13 =	vtrunc.f32 v37;
	v37 =	vtrunc.f32 v49  }
0x161: {  	vm6 =	vlt.s32 v15, v2;
	vm10 =	vlt.s32 v40, v2;
	vm11 =	vlt.s32 v41, v2  }
0x162: {  	v13 =	vcvt.f32.s32 v13;
	vm12 =	vlt.s32 v31, v2;
	vm13 =	vlt.s32 v35, v2;
	[tilespmem:v29+s1+$0x0] =	vst.idx.add.f32.msk $0xffff, v3  }
0x163: {  	s6 =	sadd.s32 $0x80, s6;
	v37 =	vcvt.f32.s32 v37;
	vm14 =	vlt.s32 v30, v2;
	vm0 =	vlt.s32 v28, v2;
	[tilespmem:v36+s1+$0x0] =	vst.idx.add.f32.msk $0xffff, v3  }
0x164: {  	vm1 =	vlt.s32 v16, v2;
	v15 =	vsel vm6, v15, v2;
	v53 =	vsel vm11, v41, v2;
	v63 =	vld [tilespmem:s6+$0x30]  }
0x165: {  	v52 =	vsel vm10, v40, v2;
	v35 =	vsel vm13, v35, v2;
	v29 =	vadd.f32 v57, v7  }
0x166: {  	v31 =	vsel vm12, v31, v2;
	v30 =	vsel vm14, v30, v2;
	v54 =	vsel vm1, v16, v2  }
0x167: {  	[tilespmem:v14+s1+$0x0] =	vst.idx.add.f32.msk $0xffff, v4;
	v28 =	vsel vm0, v28, v2;
	v14 =	vtrunc.f32 v29;
	v29 =	vtrunc.f32 v61  }
0x168: {  	v16 =	vsel vm3, v12, v2;
	vm7 =	vlt.s32 v13, v2;
	v29 =	vcvt.f32.s32 v29  }
0x169: {  	v12 =	vtrunc.f32 v22;
	v13 =	vsel vm7, v13, v2;
	[tilespmem:v53+s1+$0x0] =	vst.idx.add.f32.msk $0xffff, v3;
	v51 =	vand.u32 $0xFFFF0000, v63  }
0x16a: {  	[tilespmem:v35+s1+$0x0] =	vst.idx.add.f32.msk $0xffff, v3;
	vm9 =	vlt.s32 v29, v2;
	v39 =	vshll.u32 v63, $0x10;
	v38 =	vmul.f32 v51, v6  }
0x16b: {  	v22 =	vtrunc.f32 v25;
	[tilespmem:v54+s1+$0x0] =	vst.idx.add.f32.msk $0xffff, v3;
	v29 =	vsel vm9, v29, v2;
	v39 =	vmul.f32 v39, v6  }
0x16c: {  	vm6 =	vlt.s32 v20, v2;
	v36 =	vtrunc.f32 v50;
	[tilespmem:v31+s1+$0x0] =	vst.idx.add.f32.msk $0xffff, v3;
	v38 =	vadd.f32 v38, v7  }
0x16d: {  	vm1 =	vlt.s32 v21, v2;
	[tilespmem:v30+s1+$0x0] =	vst.idx.add.f32.msk $0xffff, v3;
	v36 =	vcvt.f32.s32 v36;
	v39 =	vadd.f32 v39, v7  }
0x16e: {  	vm15 =	vlt.s32 v37, v2;
	[tilespmem:v13+s1+$0x0] =	vst.idx.add.f32.msk $0xffff, v3;
	v14 =	vcvt.f32.s32 v14;
	v38 =	vtrunc.f32 v38  }
0x16f: {  	v13 =	vld [tilespmem:$0x1FFD0];
	vm2 =	vlt.s32 v36, v2;
	v39 =	vtrunc.f32 v39;
	v38 =	vcvt.f32.s32 v38  }
0x170: {  	vm8 =	vlt.s32 v14, v2;
	v36 =	vsel vm2, v36, v2;
	[tilespmem:v29+s1+$0x0] =	vst.idx.add.f32.msk $0xffff, v3;
	v39 =	vcvt.f32.s32 v39  }
0x171: {  	v22 =	vcvt.f32.s32 v22;
	v14 =	vsel vm8, v14, v2;
	[tilespmem:v52+s1+$0x0] =	vst.idx.add.f32.msk $0xffff, v3;
	vm5 =	vlt.s32 v38, v2  }
0x172: {  	v58 =	vsel vm6, v20, v2;
	v55 =	vld [tilespmem:s6+$0xFFFFFFE0];
	v38 =	vsel vm5, v38, v2;
	vm5 =	vlt.s32 v39, v2  }
0x173: {  	v59 =	vsel vm1, v21, v2;
	v21 =	vld [tilespmem:s6+$0x0];
	v39 =	vsel vm5, v39, v2;
	vm5 =	vlt.s32 v17, v2  }
0x174: {  	v37 =	vsel vm15, v37, v2;
	vm0 =	vnez.u8 v13;
	v13 =	vld [tilespmem:$0x1FFE0];
	v17 =	vsel vm5, v17, v2  }
0x175: {  	v19 =	vcvt.f32.s32 v19;
	vm2 =	vlt.s32 v24, v2;
	vm8 =	vlt.s32 v22, v2;
	[tilespmem:v36+s1+$0x0] =	vst.idx.add.f32.msk $0xffff, v3  }
0x176: {  	v25 =	vtrunc.f32 v34;
	v60 =	vsel vm2, v24, v2;
	v30 =	vsel vm8, v22, v2;
	[tilespmem:v14+s1+$0x0] =	vst.idx.add.f32.msk $0xffff, v3  }
0x177: {  	v14 =	vld [tilespmem:$0x1FFF0];
	vm5 =	vlt.s32 v19, v2;
	v62 =	vand.u32 $0xFFFF0000, v55;
	v63 =	vshll.u32 v55, $0x10  }
0x178: {  	v57 =	vld [tilespmem:s6+$0xFFFFFFF0];
	v56 =	vsel vm5, v19, v2;
	v35 =	vmul.f32 v62, v6;
	v36 =	vmul.f32 v63, v6  }
0x179: {  	[tilespmem:v17+s1+$0x0] =	vst.idx.add.f32.msk $0xffff, v3;
	v17 =	vsel vm4, v10, v2;
	v10 =	vtrunc.f32 v23;
	v23 =	vtrunc.f32 v42  }
0x17a: {  	[tilespmem:v15+s1+$0x0] =	vst.idx.add.f32.msk $0xffff, v3;
	v15 =	vsel vm0, v11, v2;
	v11 =	vtrunc.f32 v33;
	v29 =	vcvt.f32.s32 v10  }
0x17b: {  	vm0 =	vnez.u8 v13;
	v23 =	vcvt.f32.s32 v23;
	v10 =	vcvt.f32.s32 v25  }
0x17c: {  	[tilespmem:v37+s1+$0x0] =	vst.idx.add.f32.msk $0xffff, v3;
	v33 =	vand.u32 $0xFFFF0000, v21;
	v13 =	vsel vm0, v8, v2;
	vm0 =	vnez.u8 v14  }
0x17d: {  	[tilespmem:v28+s1+$0x0] =	vst.idx.add.f32.msk $0xffff, v3;
	v8 =	vtrunc.f32 v32;
	v14 =	vsel vm0, v9, v2;
	v9 =	vtrunc.f32 v26  }
0x17e: {  	[tilespmem:v60+s1+$0x0] =	vst.idx.add.f32.msk $0xffff, v4;
	v32 =	vshll.u32 v57, $0x10;
	v26 =	vcvt.f32.s32 v12;
	v12 =	vcvt.f32.s32 v11  }
0x17f: {  	v25 =	vld [tilespmem:s6+$0xFFFFFFC0];
	vm0 =	vlt.s32 v18, v2;
	v11 =	vcvt.f32.s32 v8;
	v8 =	vcvt.f32.s32 v27  }
0x180: {  	vm9 =	vlt.s32 v29, v2;
	vm10 =	vlt.s32 v23, v2;
	v27 =	vld [tilespmem:s6+$0xFFFFFFD0];
	vm12 =	vlt.s32 v10, v2  }
0x181: {  	[tilespmem:v38+s1+$0x0] =	vst.idx.add.f32.msk $0xffff, v4;
	v9 =	vcvt.f32.s32 v9;
	v18 =	vsel vm0, v18, v2;
	v28 =	vsel vm9, v29, v2  }
0x182: {  	s7 =	sadd.s32 $0x8, s7;
	v24 =	vld [tilespmem:s6+$0x10];
	v29 =	vsel vm10, v23, v2;
	vm7 =	vlt.s32 v26, v2;
	vm11 =	vlt.s32 v12, v2  }
0x183: {  	p0 =	slt.u32 s7, $0xF8;
	v61 =	vld [tilespmem:s6+$0x20];
	vm4 =	vlt.s32 v11, v2;
	vm3 =	vlt.s32 v8, v2;
	vm5 =	vlt.s32 v9, v2  }
.Ltmp1:
0x184: {  	[tilespmem:v39+s1+$0x0] =	vst.idx.add.f32.msk $0xffff, v4;
	v31 =	vsel vm7, v26, v2;
	v19 =	vand.u32 $0xFFFF0000, v25;
	v20 =	vshll.u32 v25, $0x10;
	(pc) =	sbr.rel @p0 .LBB2_5-.Ltmp1, $4  }
0x185: {  	[tilespmem:v58+s1+$0x0] =	vst.idx.add.f32.msk $0xffff, v4;
	v19 =	vmul.f32 v19, v6;
	v22 =	vand.u32 $0xFFFF0000, v27;
	v23 =	vshll.u32 v27, $0x10  }
0x186: {  	[tilespmem:v59+s1+$0x0] =	vst.idx.add.f32.msk $0xffff, v4;
	v20 =	vmul.f32 v20, v6;
	v27 =	vand.u32 $0xFFFF0000, v57;
	v25 =	vmul.f32 v22, v6  }
0x187: {  	[tilespmem:v18+s1+$0x0] =	vst.idx.add.f32.msk $0xffff, v4;
	v26 =	vmul.f32 v23, v6;
	v18 =	vshll.u32 v21, $0x10;
	v22 =	vand.u32 $0xFFFF0000, v24  }
0x188: {  	s8 =	sadd.s32 $0x80, s8;
	v21 =	vshll.u32 v24, $0x10;
	v24 =	vand.u32 $0xFFFF0000, v61;
	v23 =	vshll.u32 v61, $0x10;
	[tilespmem:v56+s1+$0x0] =	vst.idx.add.f32.msk $0xffff, v4  }
0x189: {  	_ = 	snop  }
0x18a: {  	v19 =	vadd.f32 v19, v7;
	v27 =	vmul.f32 v27, v6  }
0x18b: {  	v32 =	vmul.f32 v32, v6;
	v20 =	vadd.f32 v20, v7;
	v25 =	vadd.f32 v25, v7  }
0x18c: {  	v33 =	vmul.f32 v33, v6;
	v26 =	vadd.f32 v26, v7;
	v34 =	vadd.f32 v35, v7  }
0x18d: {  	v42 =	vadd.f32 v36, v7;
	[tilespmem:v13+s1+$0x0] =	vst.idx.add.f32.msk $0xffff, v4;
	v13 =	vmul.f32 v18, v6  }
0x18e: {  	v18 =	vmul.f32 v22, v6;
	v12 =	vsel vm11, v12, v2;
	v10 =	vsel vm12, v10, v2  }
0x18f: {  	v11 =	vsel vm4, v11, v2;
	v8 =	vsel vm3, v8, v2;
	v9 =	vsel vm5, v9, v2  }
0x190: {  	[tilespmem:v14+s1+$0x0] =	vst.idx.add.f32.msk $0xffff, v4;
	v14 =	vmul.f32 v21, v6;
	v21 =	vmul.f32 v24, v6  }
0x191: {  	v19 =	vtrunc.f32 v19;
	v20 =	vtrunc.f32 v20;
	v27 =	vadd.f32 v27, v7  }
0x192: {  	[tilespmem:v31+s1+$0x0] =	vst.idx.add.f32.msk $0xffff, v4;
	v25 =	vtrunc.f32 v25;
	v26 =	vtrunc.f32 v26;
	v32 =	vadd.f32 v32, v7  }
0x193: {  	[tilespmem:v30+s1+$0x0] =	vst.idx.add.f32.msk $0xffff, v4;
	v31 =	vtrunc.f32 v34;
	v43 =	vtrunc.f32 v42;
	v30 =	vadd.f32 v33, v7  }
0x194: {  	[tilespmem:v29+s1+$0x0] =	vst.idx.add.f32.msk $0xffff, v4;
	v13 =	vadd.f32 v13, v7;
	v19 =	vcvt.f32.s32 v19;
	v20 =	vcvt.f32.s32 v20  }
0x195: {  	[tilespmem:v16+s1+$0x0] =	vst.idx.add.f32.msk $0xffff, v4;
	v18 =	vadd.f32 v18, v7;
	v25 =	vcvt.f32.s32 v25;
	v16 =	vcvt.f32.s32 v26  }
0x196: {  	[tilespmem:v17+s1+$0x0] =	vst.idx.add.f32.msk $0xffff, v4;
	v26 =	vcvt.f32.s32 v31;
	v17 =	vcvt.f32.s32 v43;
	vm0 =	vlt.s32 v19, v2  }
0x197: {  	v14 =	vadd.f32 v14, v7;
	vm1 =	vlt.s32 v20, v2;
	v19 =	vsel vm0, v19, v2  }
0x198: {  	[tilespmem:v28+s1+$0x0] =	vst.idx.add.f32.msk $0xffff, v4;
	v27 =	vtrunc.f32 v27;
	vm0 =	vlt.s32 v25, v2;
	v20 =	vsel vm1, v20, v2  }
0x199: {  	[tilespmem:v15+s1+$0x0] =	vst.idx.add.f32.msk $0xffff, v4;
	v28 =	vtrunc.f32 v32;
	vm1 =	vlt.s32 v16, v2;
	v25 =	vsel vm0, v25, v2  }
0x19a: {  	v27 =	vcvt.f32.s32 v27;
	[tilespmem:v12+s1+$0x0] =	vst.idx.add.f32.msk $0xffff, v4;
	vm0 =	vlt.s32 v26, v2;
	v16 =	vsel vm1, v16, v2  }
0x19b: {  	v15 =	vcvt.f32.s32 v28;
	[tilespmem:v10+s1+$0x0] =	vst.idx.add.f32.msk $0xffff, v4;
	vm1 =	vlt.s32 v17, v2;
	v26 =	vsel vm0, v26, v2  }
0x19c: {  	v29 =	vtrunc.f32 v30;
	vm0 =	vlt.s32 v27, v2;
	v17 =	vsel vm1, v17, v2;
	[tilespmem:v19+s1+$0x0] =	vst.idx.add.f32.msk $0xffff, v4  }
0x19d: {  	v28 =	vcvt.f32.s32 v29;
	vm1 =	vlt.s32 v15, v2;
	v27 =	vsel vm0, v27, v2;
	[tilespmem:v20+s1+$0x0] =	vst.idx.add.f32.msk $0xffff, v4  }
0x19e: {  	v13 =	vtrunc.f32 v13;
	v14 =	vtrunc.f32 v14;
	v15 =	vsel vm1, v15, v2;
	[tilespmem:v25+s1+$0x0] =	vst.idx.add.f32.msk $0xffff, v4  }
0x19f: {  	v13 =	vcvt.f32.s32 v13;
	vm0 =	vlt.s32 v28, v2;
	v19 =	vmul.f32 v23, v6;
	[tilespmem:v16+s1+$0x0] =	vst.idx.add.f32.msk $0xffff, v4  }
0x1a0: {  	v28 =	vsel vm0, v28, v2;
	v20 =	vadd.f32 v21, v7;
	[tilespmem:v26+s1+$0x0] =	vst.idx.add.f32.msk $0xffff, v4;
	v16 =	vtrunc.f32 v18  }
0x1a1: {  	vm0 =	vlt.s32 v13, v2;
	v19 =	vadd.f32 v19, v7;
	[tilespmem:v17+s1+$0x0] =	vst.idx.add.f32.msk $0xffff, v4;
	v16 =	vcvt.f32.s32 v16  }
0x1a2: {  	v14 =	vcvt.f32.s32 v14;
	v12 =	vsel vm0, v13, v2;
	[tilespmem:v27+s1+$0x0] =	vst.idx.add.f32.msk $0xffff, v4;
	v17 =	vtrunc.f32 v20  }
0x1a3: {  	[tilespmem:v15+s1+$0x0] =	vst.idx.add.f32.msk $0xffff, v4;
	v15 =	vtrunc.f32 v19;
	v17 =	vcvt.f32.s32 v17;
	vm1 =	vlt.s32 v16, v2  }
0x1a4: {  	[tilespmem:v8+s1+$0x0] =	vst.idx.add.f32.msk $0xffff, v4;
	vm0 =	vlt.s32 v14, v2;
	v13 =	vcvt.f32.s32 v15;
	v10 =	vsel vm1, v16, v2  }
0x1a5: {  	[tilespmem:v11+s1+$0x0] =	vst.idx.add.f32.msk $0xffff, v4;
	v11 =	vsel vm0, v14, v2;
	vm1 =	vlt.s32 v17, v2  }
0x1a6: {  	[tilespmem:v9+s1+$0x0] =	vst.idx.add.f32.msk $0xffff, v4;
	vm0 =	vlt.s32 v13, v2;
	v8 =	vsel vm1, v17, v2  }
0x1a7: {  	[tilespmem:v28+s1+$0x0] =	vst.idx.add.f32.msk $0xffff, v4;
	v9 =	vsel vm0, v13, v2  }
0x1a8: {  	[tilespmem:v12+s1+$0x0] =	vst.idx.add.f32.msk $0xffff, v4  }
0x1a9: {  	p0 =	seq.s32 s25, $0x7;
	[tilespmem:v10+s1+$0x0] =	vst.idx.add.f32.msk $0xffff, v4  }
0x1aa: {  	s4 =	sadd.s32 @!p0 s10, s4;
	[tilespmem:v11+s1+$0x0] =	vst.idx.add.f32.msk $0xffff, v4  }
0x1ab: {  	s7 =	simm.s32 @!p0 $0x80;
	s4 =	sshrl.u32 @!p0 s4, $0x3;
	[tilespmem:v8+s1+$0x0] =	vst.idx.add.f32.msk $0xffff, v4  }
0x1ac: {  	s8 =	simm.s32 @!p0 $0x400;
	s9 =	simm.s32 @!p0 $0x18100;
	s6 =	sadd.s32 @!p0 s3, s4;
	[tilespmem:v9+s1+$0x0] =	vst.idx.add.f32.msk $0xffff, v4  }
0x1ad: {  	[tilespmem:s9], [sflag:$0x1] =	stream.strided.gather @!p0 [hbm4b:s6+s7], $0x1000, s8, s7, $0x38;
	[tilespmem:$0x1C200] =	vst v63  }
0x1ae: {  	s4 =	sadd.s32 @!p0 s2, s4;
	s6 =	simm.s32 @!p0 $0x1A100  }
0x1af: {  	[tilespmem:s6], [sflag:$0x3] =	stream.strided.gather @!p0 [hbm4b:s4+s7], $0x1000, s8, s7, $0x38;
	[tilespmem:$0x1C200] =	vst v63  }
0x1b0: {  	_ =	swait.ge [sflag:s31], $0x1000  }
0x1b1: {  	[sflag:s31] =	ssyncset.done $0x0  }
0x1b2: {  	[sflag:s31] =	ssyncadd.s32 $0xFFFFF000  }
0x1b3: {  	_ =	swait.ge [sflag:s0], $0x1000  }
0x1b4: {  	[sflag:s0] =	ssyncset.done $0x0  }
0x1b5: {  	s6 =	simm.s32 $0x19170;
	[sflag:s0] =	ssyncadd.s32 $0xFFFFF000  }
0x1b6: {  	v8 =	vld [tilespmem:s6+$0x0]  }
0x1b7: {  	v9 =	vld [tilespmem:s6+$0xFFFFFFA0]  }
0x1b8: {  	v10 =	vld [tilespmem:s6+$0xFFFFFFB0]  }
0x1b9: {  	v11 =	vld [tilespmem:s6+$0xFFFFFFC0]  }
0x1ba: {  	v12 =	vld [tilespmem:s6+$0xFFFFFFD0]  }
0x1bb: {  	v13 =	vld [tilespmem:s6+$0xFFFFFFE0]  }
0x1bc: {  	v16 =	vld [tilespmem:s6+$0xFFFFFF90]  }
0x1bd: {  	v18 =	vld [tilespmem:s6+$0xFFFFFFF0];
	v14 =	vand.u32 $0xFFFF0000, v8;
	v15 =	vand.u32 $0xFFFF0000, v9;
	v8 =	vshll.u32 v8, $0x10  }
0x1be: {  	s8 =	simm.s32 $0x191F0;
	v9 =	vshll.u32 v9, $0x10;
	v17 =	vand.u32 $0xFFFF0000, v10;
	v10 =	vshll.u32 v10, $0x10  }
0x1bf: {  	v29 =	vld [tilespmem:s8+$0xFFFFFFB0];
	v19 =	vand.u32 $0xFFFF0000, v11;
	v11 =	vshll.u32 v11, $0x10;
	v20 =	vand.u32 $0xFFFF0000, v12  }
0x1c0: {  	v12 =	vshll.u32 v12, $0x10;
	v21 =	vand.u32 $0xFFFF0000, v13;
	v13 =	vshll.u32 v13, $0x10  }
0x1c1: {  	v31 =	vld [tilespmem:s8+$0xFFFFFFD0];
	v22 =	vand.u32 $0xFFFF0000, v16;
	v16 =	vshll.u32 v16, $0x10;
	v14 =	vmul.f32 v14, v6  }
0x1c2: {  	v23 =	vand.u32 $0xFFFF0000, v18;
	v8 =	vmul.f32 v8, v6;
	v22 =	vmul.f32 v22, v6  }
0x1c3: {  	v44 =	vld [tilespmem:s8+$0xFFFFFF90];
	v18 =	vshll.u32 v18, $0x10;
	v16 =	vmul.f32 v16, v6;
	v15 =	vmul.f32 v15, v6  }
0x1c4: {  	v45 =	vand.u32 $0xFFFF0000, v29;
	v9 =	vmul.f32 v9, v6;
	v17 =	vmul.f32 v17, v6  }
0x1c5: {  	v38 =	vld [tilespmem:s8+$0xFFFFFFF0];
	v29 =	vshll.u32 v29, $0x10;
	v10 =	vmul.f32 v10, v6;
	v19 =	vmul.f32 v19, v6  }
0x1c6: {  	v47 =	vand.u32 $0xFFFF0000, v31;
	v11 =	vmul.f32 v11, v6;
	v20 =	vmul.f32 v20, v6  }
0x1c7: {  	v31 =	vshll.u32 v31, $0x10;
	v12 =	vmul.f32 v12, v6;
	v21 =	vmul.f32 v21, v6  }
0x1c8: {  	v37 =	vand.u32 $0xFFFF0000, v44;
	v13 =	vmul.f32 v13, v6;
	v23 =	vmul.f32 v23, v6  }
0x1c9: {  	v32 =	vshll.u32 v44, $0x10;
	v18 =	vmul.f32 v18, v6;
	v37 =	vmul.f32 v37, v6  }
0x1ca: {  	v39 =	vand.u32 $0xFFFF0000, v38;
	v32 =	vmul.f32 v32, v6;
	v33 =	vmul.f32 v45, v6  }
0x1cb: {  	v29 =	vmul.f32 v29, v6;
	v14 =	vadd.f32 v14, v7;
	v8 =	vadd.f32 v8, v7  }
0x1cc: {  	v35 =	vmul.f32 v47, v6;
	v22 =	vadd.f32 v22, v7;
	v16 =	vadd.f32 v16, v7  }
0x1cd: {  	v31 =	vmul.f32 v31, v6;
	v15 =	vadd.f32 v15, v7;
	v9 =	vadd.f32 v9, v7  }
0x1ce: {  	v49 =	vmul.f32 v39, v6;
	v17 =	vadd.f32 v17, v7;
	v10 =	vadd.f32 v10, v7  }
0x1cf: {  	v19 =	vadd.f32 v19, v7;
	v11 =	vadd.f32 v11, v7;
	v14 =	vtrunc.f32 v14  }
0x1d0: {  	v20 =	vadd.f32 v20, v7;
	v8 =	vtrunc.f32 v8;
	v22 =	vtrunc.f32 v22  }
0x1d1: {  	v12 =	vadd.f32 v12, v7;
	v16 =	vtrunc.f32 v16;
	v15 =	vtrunc.f32 v15  }
0x1d2: {  	v21 =	vadd.f32 v21, v7;
	v9 =	vtrunc.f32 v9;
	v17 =	vtrunc.f32 v17  }
0x1d3: {  	v13 =	vadd.f32 v13, v7;
	v10 =	vtrunc.f32 v10;
	v14 =	vcvt.f32.s32 v14  }
0x1d4: {  	v23 =	vadd.f32 v23, v7;
	v19 =	vtrunc.f32 v19;
	v8 =	vcvt.f32.s32 v8  }
0x1d5: {  	v11 =	vtrunc.f32 v11;
	v20 =	vtrunc.f32 v20;
	vm0 =	vlt.s32 v14, v2  }
0x1d6: {  	v22 =	vcvt.f32.s32 v22;
	v14 =	vsel vm0, v14, v2;
	vm0 =	vlt.s32 v8, v2  }
0x1d7: {  	v12 =	vtrunc.f32 v12;
	v16 =	vcvt.f32.s32 v16;
	v8 =	vsel vm0, v8, v2  }
0x1d8: {  	v21 =	vtrunc.f32 v21;
	v15 =	vcvt.f32.s32 v15;
	vm0 =	vlt.s32 v22, v2  }
0x1d9: {  	v9 =	vcvt.f32.s32 v9;
	vm1 =	vlt.s32 v16, v2;
	v22 =	vsel vm0, v22, v2  }
0x1da: {  	v17 =	vcvt.f32.s32 v17;
	v16 =	vsel vm1, v16, v2;
	vm0 =	vlt.s32 v15, v2  }
0x1db: {  	v10 =	vcvt.f32.s32 v10;
	vm1 =	vlt.s32 v9, v2;
	[tilespmem:v14+s1+$0x0] =	vst.idx.add.f32.msk $0xffff, v3;
	v14 =	vsel vm0, v15, v2  }
0x1dc: {  	s7 =	simm.s32 $0x1B170;
	v9 =	vsel vm1, v9, v2;
	vm0 =	vlt.s32 v17, v2;
	[tilespmem:v8+s1+$0x0] =	vst.idx.add.f32.msk $0xffff, v3;
	v8 =	vcvt.f32.s32 v19  }
0x1dd: {  	v11 =	vcvt.f32.s32 v11;
	vm1 =	vlt.s32 v10, v2;
	v17 =	vsel vm0, v17, v2;
	v15 =	vld [tilespmem:s7+$0x0]  }
0x1de: {  	v10 =	vsel vm1, v10, v2;
	v19 =	vcvt.f32.s32 v20;
	[tilespmem:v22+s1+$0x0] =	vst.idx.add.f32.msk $0xffff, v3;
	vm0 =	vlt.s32 v8, v2  }
0x1df: {  	v12 =	vcvt.f32.s32 v12;
	vm1 =	vlt.s32 v11, v2;
	[tilespmem:v16+s1+$0x0] =	vst.idx.add.f32.msk $0xffff, v3;
	v8 =	vsel vm0, v8, v2  }
0x1e0: {  	v11 =	vsel vm1, v11, v2;
	v16 =	vcvt.f32.s32 v21;
	vm0 =	vlt.s32 v19, v2;
	[tilespmem:v14+s1+$0x0] =	vst.idx.add.f32.msk $0xffff, v3  }
0x1e1: {  	v13 =	vtrunc.f32 v13;
	vm1 =	vlt.s32 v12, v2;
	v14 =	vsel vm0, v19, v2;
	[tilespmem:v9+s1+$0x0] =	vst.idx.add.f32.msk $0xffff, v3  }
0x1e2: {  	v13 =	vcvt.f32.s32 v13;
	v12 =	vsel vm1, v12, v2;
	vm0 =	vlt.s32 v16, v2;
	[tilespmem:v17+s1+$0x0] =	vst.idx.add.f32.msk $0xffff, v3  }
0x1e3: {  	v18 =	vadd.f32 v18, v7;
	v16 =	vsel vm0, v16, v2;
	[tilespmem:v10+s1+$0x0] =	vst.idx.add.f32.msk $0xffff, v3  }
0x1e4: {  	v37 =	vadd.f32 v37, v7;
	v23 =	vtrunc.f32 v23;
	vm1 =	vlt.s32 v13, v2;
	[tilespmem:v8+s1+$0x0] =	vst.idx.add.f32.msk $0xffff, v3  }
0x1e5: {  	v32 =	vadd.f32 v32, v7;
	v13 =	vsel vm1, v13, v2;
	v9 =	vcvt.f32.s32 v23;
	[tilespmem:v11+s1+$0x0] =	vst.idx.add.f32.msk $0xffff, v3  }
0x1e6: {  	v29 =	vadd.f32 v29, v7;
	v35 =	vadd.f32 v35, v7;
	[tilespmem:v14+s1+$0x0] =	vst.idx.add.f32.msk $0xffff, v3  }
0x1e7: {  	v31 =	vadd.f32 v31, v7;
	v17 =	vtrunc.f32 v18;
	vm0 =	vlt.s32 v9, v2;
	[tilespmem:v12+s1+$0x0] =	vst.idx.add.f32.msk $0xffff, v3  }
0x1e8: {  	v37 =	vtrunc.f32 v37;
	v10 =	vcvt.f32.s32 v17;
	v8 =	vsel vm0, v9, v2;
	[tilespmem:v16+s1+$0x0] =	vst.idx.add.f32.msk $0xffff, v3  }
0x1e9: {  	v32 =	vtrunc.f32 v32;
	v29 =	vtrunc.f32 v29;
	v9 =	vand.u32 $0xFFFF0000, v15;
	v14 =	vld [tilespmem:s7+$0xFFFFFFC0]  }
0x1ea: {  	vm0 =	vlt.s32 v10, v2;
	v11 =	vshll.u32 v15, $0x10;
	v9 =	vmul.f32 v9, v6;
	[tilespmem:v13+s1+$0x0] =	vst.idx.add.f32.msk $0xffff, v3  }
0x1eb: {  	v35 =	vtrunc.f32 v35;
	v10 =	vsel vm0, v10, v2;
	v11 =	vmul.f32 v11, v6;
	v13 =	vld [tilespmem:s7+$0xFFFFFFB0]  }
0x1ec: {  	v31 =	vtrunc.f32 v31;
	v32 =	vcvt.f32.s32 v32;
	v9 =	vadd.f32 v9, v7;
	v15 =	vld [tilespmem:s7+$0xFFFFFFD0]  }
0x1ed: {  	v29 =	vcvt.f32.s32 v29;
	v42 =	vcvt.f32.s32 v35;
	[tilespmem:v8+s1+$0x0] =	vst.idx.add.f32.msk $0xffff, v3;
	v8 =	vadd.f32 v11, v7  }
0x1ee: {  	v43 =	vcvt.f32.s32 v31;
	v9 =	vtrunc.f32 v9  }
0x1ef: {  	v11 =	vld [tilespmem:s7+$0xFFFFFF90];
	v9 =	vcvt.f32.s32 v9;
	v8 =	vtrunc.f32 v8  }
0x1f0: {  	[tilespmem:v10+s1+$0x0] =	vst.idx.add.f32.msk $0xffff, v3;
	v20 =	vand.u32 $0xFFFF0000, v14;
	v14 =	vshll.u32 v14, $0x10;
	v12 =	vcvt.f32.s32 v8  }
0x1f1: {  	v10 =	vld [tilespmem:s7+$0xFFFFFFA0];
	vm0 =	vlt.s32 v9, v2;
	v19 =	vand.u32 $0xFFFF0000, v13;
	v13 =	vshll.u32 v13, $0x10  }
0x1f2: {  	v21 =	vand.u32 $0xFFFF0000, v15;
	v20 =	vmul.f32 v20, v6;
	v26 =	vmul.f32 v14, v6  }
0x1f3: {  	v15 =	vshll.u32 v15, $0x10;
	v19 =	vmul.f32 v19, v6;
	v23 =	vmul.f32 v13, v6  }
0x1f4: {  	v18 =	vld [tilespmem:s7+$0xFFFFFFF0];
	v8 =	vsel vm0, v9, v2;
	v21 =	vmul.f32 v21, v6;
	v28 =	vmul.f32 v15, v6  }
0x1f5: {  	vm0 =	vlt.s32 v12, v2;
	v16 =	vand.u32 $0xFFFF0000, v11;
	v11 =	vshll.u32 v11, $0x10  }
0x1f6: {  	v9 =	vsel vm0, v12, v2;
	v16 =	vmul.f32 v16, v6;
	v17 =	vand.u32 $0xFFFF0000, v10  }
0x1f7: {  	v10 =	vshll.u32 v10, $0x10;
	v11 =	vmul.f32 v11, v6;
	v40 =	vadd.f32 v21, v7  }
0x1f8: {  	v25 =	vld [tilespmem:s8+$0x0];
	v28 =	vadd.f32 v28, v7;
	v17 =	vmul.f32 v17, v6;
	v10 =	vmul.f32 v10, v6  }
0x1f9: {  	v12 =	vld [tilespmem:s7+$0xFFFFFFE0];
	v24 =	vand.u32 $0xFFFF0000, v18;
	v18 =	vshll.u32 v18, $0x10;
	v16 =	vadd.f32 v16, v7  }
0x1fa: {  	v13 =	vadd.f32 v11, v7;
	v11 =	vmul.f32 v24, v6;
	v55 =	vtrunc.f32 v40  }
0x1fb: {  	v56 =	vtrunc.f32 v28;
	v14 =	vadd.f32 v17, v7;
	v15 =	vadd.f32 v10, v7  }
0x1fc: {  	v27 =	vld [tilespmem:s8+$0xFFFFFFA0];
	v17 =	vadd.f32 v23, v7;
	v10 =	vtrunc.f32 v16;
	v16 =	vadd.f32 v19, v7  }
0x1fd: {  	v19 =	vand.u32 $0xFFFF0000, v25;
	v13 =	vtrunc.f32 v13;
	v11 =	vadd.f32 v11, v7  }
0x1fe: {  	v22 =	vand.u32 $0xFFFF0000, v12;
	v23 =	vmul.f32 v19, v6;
	v14 =	vtrunc.f32 v14  }
0x1ff: {  	v12 =	vshll.u32 v12, $0x10;
	v15 =	vtrunc.f32 v15;
	v17 =	vtrunc.f32 v17  }
0x200: {  	v19 =	vadd.f32 v26, v7;
	v59 =	vcvt.f32.s32 v10;
	v61 =	vcvt.f32.s32 v13  }
0x201: {  	v26 =	vand.u32 $0xFFFF0000, v27;
	v13 =	vcvt.f32.s32 v56;
	v22 =	vmul.f32 v22, v6  }
0x202: {  	v24 =	vld [tilespmem:s8+$0xFFFFFFC0];
	v27 =	vshll.u32 v27, $0x10;
	v30 =	vmul.f32 v12, v6;
	v12 =	vmul.f32 v18, v6  }
0x203: {  	vm1 =	vlt.s32 v32, v2;
	v26 =	vmul.f32 v26, v6;
	v27 =	vmul.f32 v27, v6  }
0x204: {  	v18 =	vadd.f32 v20, v7;
	v16 =	vtrunc.f32 v16;
	v58 =	vtrunc.f32 v11  }
0x205: {  	v20 =	vshll.u32 v25, $0x10;
	v14 =	vcvt.f32.s32 v14;
	v62 =	vcvt.f32.s32 v15  }
0x206: {  	v17 =	vcvt.f32.s32 v17;
	v20 =	vmul.f32 v20, v6;
	v23 =	vadd.f32 v23, v7  }
0x207: {  	v46 =	vand.u32 $0xFFFF0000, v24;
	v19 =	vtrunc.f32 v19;
	v63 =	vcvt.f32.s32 v16  }
0x208: {  	v24 =	vshll.u32 v24, $0x10;
	v10 =	vcvt.f32.s32 v58;
	v34 =	vmul.f32 v46, v6  }
0x209: {  	v26 =	vadd.f32 v26, v7;
	v24 =	vmul.f32 v24, v6;
	v41 =	vadd.f32 v22, v7  }
0x20a: {  	v53 =	vadd.f32 v30, v7;
	v30 =	vcvt.f32.s32 v37;
	v18 =	vtrunc.f32 v18  }
0x20b: {  	s12 =	simm.s32 $0x19270;
	v25 =	vld [tilespmem:s8+$0xFFFFFFE0];
	v12 =	vadd.f32 v12, v7;
	v47 =	vcvt.f32.s32 v19;
	vm6 =	vlt.s32 v17, v2  }
0x20c: {  	v15 =	vld [tilespmem:s12+$0x0];
	v20 =	vadd.f32 v20, v7;
	v23 =	vtrunc.f32 v23;
	v46 =	vcvt.f32.s32 v18  }
0x20d: {  	vm5 =	vlt.s32 v63, v2;
	v17 =	vsel vm6, v17, v2;
	v23 =	vcvt.f32.s32 v23  }
0x20e: {  	v34 =	vadd.f32 v34, v7;
	v26 =	vtrunc.f32 v26;
	v57 =	vtrunc.f32 v41  }
0x20f: {  	v24 =	vadd.f32 v24, v7;
	v60 =	vtrunc.f32 v12;
	v20 =	vtrunc.f32 v20  }
0x210: {  	v48 =	vand.u32 $0xFFFF0000, v25;
	v25 =	vshll.u32 v25, $0x10;
	v26 =	vcvt.f32.s32 v26  }
0x211: {  	v12 =	vcvt.f32.s32 v57;
	v16 =	vand.u32 $0xFFFF0000, v15;
	v20 =	vcvt.f32.s32 v20  }
0x212: {  	v15 =	vshll.u32 v15, $0x10;
	v36 =	vmul.f32 v48, v6;
	v25 =	vmul.f32 v25, v6  }
0x213: {  	vm0 =	vlt.s32 v23, v2;
	v34 =	vtrunc.f32 v34;
	v21 =	vtrunc.f32 v24  }
0x214: {  	v48 =	vcvt.f32.s32 v55;
	v16 =	vmul.f32 v16, v6;
	v55 =	vld [tilespmem:s12+$0xFFFFFFC0];
	v23 =	vsel vm0, v23, v2  }
0x215: {  	v15 =	vmul.f32 v15, v6;
	vm0 =	vlt.s32 v20, v2;
	v36 =	vadd.f32 v36, v7  }
0x216: {  	v54 =	vcvt.f32.s32 v34;
	v25 =	vadd.f32 v25, v7;
	v20 =	vsel vm0, v20, v2  }
0x217: {  	v21 =	vcvt.f32.s32 v21;
	vm2 =	vlt.s32 v26, v2;
	v36 =	vtrunc.f32 v36  }
0x218: {  	v34 =	vsel vm1, v32, v2;
	v52 =	vtrunc.f32 v25;
	v36 =	vcvt.f32.s32 v36  }
0x219: {  	v41 =	vshll.u32 v55, $0x10;
	[tilespmem:v23+s1+$0x0] =	vst.idx.add.f32.msk $0xffff, v3;
	v23 =	vshll.u32 v38, $0x10;
	v38 =	vadd.f32 v49, v7  }
0x21a: {  	v19 =	vadd.f32 v16, v7;
	v41 =	vmul.f32 v41, v6;
	v23 =	vmul.f32 v23, v6  }
0x21b: {  	s9 =	simm.s32 $0x1B1F0;
	[tilespmem:v20+s1+$0x0] =	vst.idx.add.f32.msk $0xffff, v3;
	v20 =	vadd.f32 v27, v7;
	v27 =	vadd.f32 v33, v7;
	v22 =	vtrunc.f32 v38  }
0x21c: {  	v38 =	vtrunc.f32 v53;
	v53 =	vadd.f32 v15, v7;
	v15 =	vcvt.f32.s32 v60;
	v50 =	vld [tilespmem:s9+$0x0]  }
0x21d: {  	v23 =	vadd.f32 v23, v7;
	v44 =	vcvt.f32.s32 v22;
	v20 =	vtrunc.f32 v20  }
0x21e: {  	vm1 =	vlt.s32 v54, v2;
	v27 =	vtrunc.f32 v27;
	v20 =	vcvt.f32.s32 v20  }
0x21f: {  	v41 =	vadd.f32 v41, v7;
	v23 =	vtrunc.f32 v23;
	v27 =	vcvt.f32.s32 v27  }
0x220: {  	v11 =	vcvt.f32.s32 v38;
	v45 =	vcvt.f32.s32 v23;
	vm3 =	vlt.s32 v20, v2  }
0x221: {  	v60 =	vld [tilespmem:s12+$0xFFFFFF90];
	vm4 =	vlt.s32 v27, v2;
	v51 =	vand.u32 $0xFFFF0000, v50;
	v33 =	vshll.u32 v50, $0x10  }
0x222: {  	v32 =	vsel vm3, v20, v2;
	vm3 =	vlt.s32 v42, v2;
	v31 =	vsel vm4, v27, v2  }
0x223: {  	v49 =	vld [tilespmem:s12+$0xFFFFFFF0];
	vm4 =	vlt.s32 v43, v2;
	v39 =	vmul.f32 v51, v6;
	v33 =	vmul.f32 v33, v6  }
0x224: {  	v20 =	vsel vm3, v42, v2;
	vm3 =	vlt.s32 v45, v2;
	v22 =	vsel vm4, v43, v2  }
0x225: {  	vm4 =	vlt.s32 v47, v2;
	v51 =	vand.u32 $0xFFFF0000, v55;
	v28 =	vsel vm3, v45, v2  }
0x226: {  	vm3 =	vlt.s32 v62, v2;
	v45 =	vshll.u32 v60, $0x10;
	v51 =	vmul.f32 v51, v6  }
0x227: {  	v24 =	vadd.f32 v39, v7;
	v33 =	vadd.f32 v33, v7;
	v39 =	vcvt.f32.s32 v52  }
0x228: {  	v16 =	vsel vm3, v62, v2;
	v62 =	vand.u32 $0xFFFF0000, v49;
	v49 =	vshll.u32 v49, $0x10  }
0x229: {  	vm3 =	vlt.s32 v48, v2;
	v45 =	vmul.f32 v45, v6;
	v49 =	vmul.f32 v49, v6  }
0x22a: {  	[tilespmem:v8+s1+$0x0] =	vst.idx.add.f32.msk $0xffff, v4;
	v8 =	vadd.f32 v51, v7;
	v25 =	vtrunc.f32 v33;
	v33 =	vsel vm2, v26, v2  }
0x22b: {  	v52 =	vld [tilespmem:s12+$0xFFFFFFA0];
	vm2 =	vlt.s32 v21, v2;
	v26 =	vsel vm1, v54, v2;
	vm1 =	vlt.s32 v39, v2  }
0x22c: {  	v24 =	vtrunc.f32 v24;
	v45 =	vadd.f32 v45, v7;
	[tilespmem:v31+s1+$0x0] =	vst.idx.add.f32.msk $0xffff, v3;
	v31 =	vsel vm4, v47, v2  }
0x22d: {  	v24 =	vcvt.f32.s32 v24;
	v23 =	vsel vm2, v21, v2;
	vm2 =	vlt.s32 v44, v2  }
0x22e: {  	v25 =	vcvt.f32.s32 v25;
	v8 =	vtrunc.f32 v8;
	v27 =	vsel vm2, v44, v2  }
0x22f: {  	v54 =	vld [tilespmem:s12+$0xFFFFFFB0];
	vm2 =	vlt.s32 v14, v2;
	v45 =	vtrunc.f32 v45;
	v8 =	vcvt.f32.s32 v8  }
0x230: {  	[tilespmem:v9+s1+$0x0] =	vst.idx.add.f32.msk $0xffff, v4;
	vm0 =	vlt.s32 v24, v2;
	v18 =	vsel vm2, v14, v2;
	v14 =	vtrunc.f32 v19  }
0x231: {  	[tilespmem:v20+s1+$0x0] =	vst.idx.add.f32.msk $0xffff, v3;
	v19 =	vtrunc.f32 v53;
	vm2 =	vlt.s32 v12, v2;
	v38 =	vshll.u32 v52, $0x10  }
0x232: {  	[tilespmem:v22+s1+$0x0] =	vst.idx.add.f32.msk $0xffff, v3;
	v24 =	vsel vm0, v24, v2;
	vm0 =	vlt.s32 v25, v2;
	v58 =	vcvt.f32.s32 v19  }
0x233: {  	v56 =	vld [tilespmem:s12+$0xFFFFFFD0];
	v19 =	vsel vm5, v63, v2;
	v38 =	vmul.f32 v38, v6;
	v25 =	vsel vm0, v25, v2  }
0x234: {  	vm0 =	vlt.s32 v30, v2;
	v50 =	vand.u32 $0xFFFF0000, v54;
	v40 =	vshll.u32 v54, $0x10;
	[tilespmem:v33+s1+$0x0] =	vst.idx.add.f32.msk $0xffff, v3  }
0x235: {  	v54 =	vand.u32 $0xFFFF0000, v60;
	[tilespmem:v26+s1+$0x0] =	vst.idx.add.f32.msk $0xffff, v3;
	v26 =	vsel vm3, v48, v2;
	v35 =	vsel vm0, v30, v2  }
0x236: {  	vm0 =	vlt.s32 v29, v2;
	vm5 =	vlt.s32 v58, v2;
	v54 =	vmul.f32 v54, v6  }
0x237: {  	v50 =	vmul.f32 v50, v6;
	v40 =	vmul.f32 v40, v6;
	v38 =	vadd.f32 v38, v7  }
0x238: {  	v57 =	vcvt.f32.s32 v14;
	[tilespmem:v32+s1+$0x0] =	vst.idx.add.f32.msk $0xffff, v3;
	v30 =	vsel vm0, v29, v2;
	vm0 =	vlt.s32 v36, v2  }
0x239: {  	v29 =	vsel vm1, v39, v2;
	vm1 =	vlt.s32 v61, v2;
	v43 =	vsel vm5, v58, v2  }
0x23a: {  	[tilespmem:v23+s1+$0x0] =	vst.idx.add.f32.msk $0xffff, v3;
	v39 =	vshll.u32 v56, $0x10;
	v21 =	vsel vm0, v36, v2;
	vm0 =	vlt.s32 v59, v2  }
0x23b: {  	[tilespmem:v27+s1+$0x0] =	vst.idx.add.f32.msk $0xffff, v3;
	v36 =	vsel vm1, v61, v2;
	vm1 =	vlt.s32 v46, v2;
	v61 =	vand.u32 $0xFFFF0000, v52  }
0x23c: {  	v52 =	vand.u32 $0xFFFF0000, v56;
	v54 =	vadd.f32 v54, v7;
	v39 =	vmul.f32 v39, v6;
	[tilespmem:v28+s1+$0x0] =	vst.idx.add.f32.msk $0xffff, v3  }
0x23d: {  	v50 =	vadd.f32 v50, v7;
	v40 =	vadd.f32 v40, v7;
	v38 =	vtrunc.f32 v38;
	[tilespmem:v18+s1+$0x0] =	vst.idx.add.f32.msk $0xffff, v4  }
0x23e: {  	v37 =	vsel vm0, v59, v2;
	v59 =	vld [tilespmem:s12+$0xFFFFFFE0];
	v14 =	vsel vm1, v46, v2;
	vm1 =	vlt.s32 v57, v2  }
0x23f: {  	v46 =	vmul.f32 v61, v6;
	v52 =	vmul.f32 v52, v6;
	[tilespmem:v24+s1+$0x0] =	vst.idx.add.f32.msk $0xffff, v4  }
0x240: {  	v22 =	vcvt.f32.s32 v38;
	[tilespmem:v16+s1+$0x0] =	vst.idx.add.f32.msk $0xffff, v4;
	v42 =	vsel vm1, v57, v2;
	v54 =	vtrunc.f32 v54  }
0x241: {  	v48 =	vld [tilespmem:s9+$0xFFFFFFF0];
	v39 =	vadd.f32 v39, v7;
	v60 =	vtrunc.f32 v50;
	v61 =	vtrunc.f32 v40  }
0x242: {  	v50 =	vtrunc.f32 v41;
	v9 =	vadd.f32 v52, v7;
	[tilespmem:v35+s1+$0x0] =	vst.idx.add.f32.msk $0xffff, v3;
	v56 =	vcvt.f32.s32 v54  }
0x243: {  	v35 =	vcvt.f32.s32 v61;
	v39 =	vtrunc.f32 v39;
	[tilespmem:v30+s1+$0x0] =	vst.idx.add.f32.msk $0xffff, v3;
	v30 =	vadd.f32 v49, v7  }
0x244: {  	vm0 =	vlt.s32 v13, v2;
	v9 =	vtrunc.f32 v9;
	[tilespmem:v21+s1+$0x0] =	vst.idx.add.f32.msk $0xffff, v3;
	v21 =	vcvt.f32.s32 v60  }
0x245: {  	[tilespmem:v26+s1+$0x0] =	vst.idx.add.f32.msk $0xffff, v4;
	v63 =	vadd.f32 v46, v7;
	v27 =	vcvt.f32.s32 v39;
	v23 =	vtrunc.f32 v30  }
0x246: {  	v53 =	vand.u32 $0xFFFF0000, v59;
	v30 =	vcvt.f32.s32 v45;
	[tilespmem:v29+s1+$0x0] =	vst.idx.add.f32.msk $0xffff, v3;
	v29 =	vcvt.f32.s32 v50  }
0x247: {  	v60 =	vld [tilespmem:s9+$0xFFFFFFA0];
	v44 =	vshll.u32 v59, $0x10;
	v9 =	vcvt.f32.s32 v9;
	v57 =	vmul.f32 v53, v6  }
0x248: {  	v26 =	vand.u32 $0xFFFF0000, v48;
	[tilespmem:v42+s1+$0x0] =	vst.idx.add.f32.msk $0xffff, v3;
	v44 =	vmul.f32 v44, v6;
	v42 =	vmul.f32 v62, v6  }
0x249: {  	vm1 =	vlt.s32 v11, v2;
	v61 =	vld [tilespmem:s9+$0xFFFFFFB0];
	v23 =	vcvt.f32.s32 v23;
	v26 =	vmul.f32 v26, v6  }
0x24a: {  	[tilespmem:v43+s1+$0x0] =	vst.idx.add.f32.msk $0xffff, v3;
	v43 =	vtrunc.f32 v63;
	vm4 =	vlt.s32 v30, v2;
	v24 =	vadd.f32 v57, v7  }
0x24b: {  	[tilespmem:v25+s1+$0x0] =	vst.idx.add.f32.msk $0xffff, v4;
	v25 =	vadd.f32 v44, v7;
	v52 =	vadd.f32 v42, v7;
	v57 =	vcvt.f32.s32 v43  }
0x24c: {  	[tilespmem:v19+s1+$0x0] =	vst.idx.add.f32.msk $0xffff, v4;
	v28 =	vsel vm4, v30, v2;
	vm4 =	vlt.s32 v22, v2;
	v42 =	vshll.u32 v48, $0x10  }
0x24d: {  	[tilespmem:v37+s1+$0x0] =	vst.idx.add.f32.msk $0xffff, v4;
	v26 =	vadd.f32 v26, v7;
	v22 =	vsel vm4, v22, v2;
	v16 =	vand.u32 $0xFFFF0000, v60  }
0x24e: {  	[tilespmem:v36+s1+$0x0] =	vst.idx.add.f32.msk $0xffff, v4;
	v36 =	vshll.u32 v60, $0x10;
	v42 =	vmul.f32 v42, v6;
	v24 =	vtrunc.f32 v24  }
0x24f: {  	v45 =	vld [tilespmem:s9+$0xFFFFFFE0];
	v19 =	vand.u32 $0xFFFF0000, v61;
	v25 =	vtrunc.f32 v25;
	v33 =	vtrunc.f32 v52  }
0x250: {  	v37 =	vshll.u32 v61, $0x10;
	v16 =	vmul.f32 v16, v6;
	v36 =	vmul.f32 v36, v6  }
0x251: {  	s4 =	simm.s32 $0x1B270;
	vm4 =	vlt.s32 v35, v2;
	v19 =	vmul.f32 v19, v6;
	v37 =	vmul.f32 v37, v6  }
0x252: {  	v58 =	vld [tilespmem:s4+$0x0];
	v35 =	vsel vm4, v35, v2;
	v26 =	vtrunc.f32 v26;
	v24 =	vcvt.f32.s32 v24  }
0x253: {  	[tilespmem:v14+s1+$0x0] =	vst.idx.add.f32.msk $0xffff, v4;
	vm4 =	vlt.s32 v29, v2;
	v25 =	vcvt.f32.s32 v25;
	v33 =	vcvt.f32.s32 v33  }
0x254: {  	[tilespmem:v31+s1+$0x0] =	vst.idx.add.f32.msk $0xffff, v4;
	v29 =	vsel vm4, v29, v2;
	vm4 =	vlt.s32 v27, v2;
	v31 =	vand.u32 $0xFFFF0000, v45  }
0x255: {  	v41 =	vshll.u32 v45, $0x10;
	v27 =	vsel vm4, v27, v2;
	v16 =	vadd.f32 v16, v7  }
0x256: {  	v31 =	vmul.f32 v31, v6;
	v41 =	vmul.f32 v41, v6;
	v36 =	vadd.f32 v36, v7  }
0x257: {  	v19 =	vadd.f32 v19, v7;
	v37 =	vadd.f32 v37, v7;
	v59 =	vand.u32 $0xFFFF0000, v58  }
0x258: {  	[tilespmem:v34+s1+$0x0] =	vst.idx.add.f32.msk $0xffff, v3;
	v62 =	vshll.u32 v58, $0x10;
	vm4 =	vlt.s32 v25, v2;
	v46 =	vmul.f32 v59, v6  }
0x259: {  	v63 =	vmul.f32 v62, v6;
	v25 =	vsel vm4, v25, v2;
	vm4 =	vlt.s32 v23, v2  }
0x25a: {  	v59 =	vld [tilespmem:s9+$0xFFFFFF90];
	v31 =	vadd.f32 v31, v7;
	v52 =	vtrunc.f32 v16;
	v19 =	vtrunc.f32 v19  }
0x25b: {  	v62 =	vld [tilespmem:s9+$0xFFFFFFC0];
	v16 =	vsel vm0, v13, v2;
	v18 =	vsel vm4, v23, v2;
	v51 =	vadd.f32 v46, v7  }
0x25c: {  	vm4 =	vlt.s32 v15, v2;
	v19 =	vcvt.f32.s32 v19;
	v53 =	vadd.f32 v63, v7  }
0x25d: {  	v13 =	vsel vm1, v11, v2;
	v15 =	vsel vm4, v15, v2;
	v55 =	vtrunc.f32 v51  }
0x25e: {  	vm4 =	vlt.s32 v19, v2;
	v32 =	vtrunc.f32 v53;
	v34 =	vcvt.f32.s32 v55  }
0x25f: {  	v63 =	vld [tilespmem:s9+$0xFFFFFFD0];
	v51 =	vadd.f32 v41, v7;
	v32 =	vcvt.f32.s32 v32;
	v46 =	vand.u32 $0xFFFF0000, v59  }
0x260: {  	[tilespmem:v17+s1+$0x0] =	vst.idx.add.f32.msk $0xffff, v4;
	v23 =	vshll.u32 v59, $0x10;
	v17 =	vand.u32 $0xFFFF0000, v62;
	vm3 =	vlt.s32 v34, v2  }
0x261: {  	v39 =	vshll.u32 v62, $0x10;
	v20 =	vsel vm3, v34, v2;
	vm3 =	vlt.s32 v32, v2  }
0x262: {  	v47 =	vmul.f32 v46, v6;
	v32 =	vsel vm3, v32, v2;
	vm3 =	vlt.s32 v56, v2  }
0x263: {  	v23 =	vmul.f32 v23, v6;
	v17 =	vmul.f32 v17, v6;
	v58 =	vsel vm3, v56, v2  }
0x264: {  	v39 =	vmul.f32 v39, v6;
	v14 =	vand.u32 $0xFFFF0000, v63;
	vm3 =	vlt.s32 v57, v2  }
0x265: {  	v34 =	vadd.f32 v47, v7;
	v23 =	vadd.f32 v23, v7;
	v30 =	vsel vm3, v57, v2  }
0x266: {  	v40 =	vshll.u32 v63, $0x10;
	v14 =	vmul.f32 v14, v6;
	vm3 =	vlt.s32 v21, v2;
	[tilespmem:v20+s1+$0x0] =	vst.idx.add.f32.msk $0xffff, v4  }
0x267: {  	v53 =	vtrunc.f32 v37;
	v40 =	vmul.f32 v40, v6;
	v21 =	vsel vm3, v21, v2;
	[tilespmem:v32+s1+$0x0] =	vst.idx.add.f32.msk $0xffff, v4  }
0x268: {  	v11 =	vtrunc.f32 v51;
	v17 =	vadd.f32 v17, v7;
	vm3 =	vlt.s32 v8, v2;
	[tilespmem:v58+s1+$0x0] =	vst.idx.add.f32.msk $0xffff, v3  }
0x269: {  	v11 =	vcvt.f32.s32 v11;
	v14 =	vadd.f32 v14, v7;
	v8 =	vsel vm3, v8, v2;
	[tilespmem:v28+s1+$0x0] =	vst.idx.add.f32.msk $0xffff, v3  }
0x26a: {  	v50 =	vadd.f32 v40, v7;
	v23 =	vtrunc.f32 v23;
	vm3 =	vlt.s32 v9, v2;
	[tilespmem:v30+s1+$0x0] =	vst.idx.add.f32.msk $0xffff, v3  }
0x26b: {  	v54 =	vtrunc.f32 v17;
	v23 =	vcvt.f32.s32 v23;
	v9 =	vsel vm3, v9, v2;
	[tilespmem:v22+s1+$0x0] =	vst.idx.add.f32.msk $0xffff, v3  }
0x26c: {  	v17 =	vsel vm2, v12, v2;
	v55 =	vcvt.f32.s32 v54;
	vm3 =	vlt.s32 v24, v2;
	[tilespmem:v21+s1+$0x0] =	vst.idx.add.f32.msk $0xffff, v3  }
0x26d: {  	v12 =	vtrunc.f32 v50;
	vm1 =	vlt.s32 v23, v2;
	v24 =	vsel vm3, v24, v2;
	[tilespmem:v35+s1+$0x0] =	vst.idx.add.f32.msk $0xffff, v3  }
0x26e: {  	v20 =	vadd.f32 v39, v7;
	v12 =	vcvt.f32.s32 v12;
	v23 =	vsel vm1, v23, v2;
	[tilespmem:v8+s1+$0x0] =	vst.idx.add.f32.msk $0xffff, v3  }
0x26f: {  	v49 =	vtrunc.f32 v34;
	vm1 =	vlt.s32 v55, v2;
	vm3 =	vlt.s32 v33, v2;
	[tilespmem:v29+s1+$0x0] =	vst.idx.add.f32.msk $0xffff, v3  }
0x270: {  	v20 =	vtrunc.f32 v20;
	v58 =	vsel vm4, v19, v2;
	vm11 =	vlt.s32 v12, v2;
	[tilespmem:v9+s1+$0x0] =	vst.idx.add.f32.msk $0xffff, v3  }
0x271: {  	v33 =	vsel vm3, v33, v2;
	v28 =	vtrunc.f32 v36;
	v20 =	vcvt.f32.s32 v20;
	[tilespmem:v27+s1+$0x0] =	vst.idx.add.f32.msk $0xffff, v3  }
0x272: {  	v30 =	vadd.f32 v42, v7;
	v22 =	vtrunc.f32 v14;
	v21 =	vtrunc.f32 v31;
	[tilespmem:v24+s1+$0x0] =	vst.idx.add.f32.msk $0xffff, v3  }
0x273: {  	vm4 =	vlt.s32 v11, v2;
	v31 =	vcvt.f32.s32 v49;
	v28 =	vcvt.f32.s32 v28;
	v24 =	vld [tilespmem:s4+$0xFFFFFFA0]  }
0x274: {  	vm3 =	vlt.s32 v10, v2;
	v30 =	vtrunc.f32 v30;
	v8 =	vcvt.f32.s32 v26;
	v26 =	vld [tilespmem:s4+$0xFFFFFFC0]  }
0x275: {  	v14 =	vsel vm3, v10, v2;
	v22 =	vcvt.f32.s32 v22;
	v10 =	vcvt.f32.s32 v21;
	[tilespmem:v25+s1+$0x0] =	vst.idx.add.f32.msk $0xffff, v3  }
0x276: {  	vm5 =	vlt.s32 v20, v2;
	v29 =	vcvt.f32.s32 v52;
	vm0 =	vlt.s32 v31, v2;
	[tilespmem:v33+s1+$0x0] =	vst.idx.add.f32.msk $0xffff, v3  }
0x277: {  	vm3 =	vlt.s32 v28, v2;
	v9 =	vcvt.f32.s32 v30;
	v30 =	vsel vm1, v55, v2;
	v25 =	vld [tilespmem:s4+$0xFFFFFFB0]  }
0x278: {  	v27 =	vcvt.f32.s32 v53;
	v21 =	vsel vm0, v31, v2;
	v57 =	vsel vm3, v28, v2;
	[tilespmem:v18+s1+$0x0] =	vst.idx.add.f32.msk $0xffff, v3  }
0x279: {  	vm6 =	vlt.s32 v22, v2;
	vm12 =	vlt.s32 v10, v2;
	vm3 =	vlt.s32 v8, v2;
	v18 =	vld [tilespmem:s4+$0xFFFFFF90]  }
0x27a: {  	vm2 =	vlt.s32 v29, v2;
	v28 =	vsel vm6, v22, v2;
	vm0 =	vlt.s32 v27, v2;
	v59 =	vld [tilespmem:s4+$0xFFFFFFE0]  }
0x27b: {  	v56 =	vsel vm2, v29, v2;
	v29 =	vsel vm5, v20, v2;
	vm5 =	vlt.s32 v9, v2  }
0x27c: {  	v31 =	vsel vm0, v27, v2;
	v27 =	vld [tilespmem:s4+$0xFFFFFFD0];
	v22 =	vand.u32 $0xFFFF0000, v24;
	v60 =	vshll.u32 v24, $0x10  }
0x27d: {  	v61 =	vld [tilespmem:s4+$0xFFFFFFF0];
	v24 =	vand.u32 $0xFFFF0000, v26;
	v62 =	vand.u32 $0xFFFF0000, v25;
	v63 =	vshll.u32 v25, $0x10  }
0x27e: {  	[tilespmem:v21+s1+$0x0] =	vst.idx.add.f32.msk $0xffff, v4;
	v25 =	vshll.u32 v26, $0x10;
	v21 =	vmul.f32 v60, v6;
	v19 =	vand.u32 $0xFFFF0000, v18  }
0x27f: {  	[tilespmem:v23+s1+$0x0] =	vst.idx.add.f32.msk $0xffff, v4;
	v20 =	vshll.u32 v18, $0x10;
	v32 =	vand.u32 $0xFFFF0000, v59;
	v23 =	vmul.f32 v63, v6  }
0x280: {  	[tilespmem:v58+s1+$0x0] =	vst.idx.add.f32.msk $0xffff, v4;
	v35 =	vshll.u32 v59, $0x10;
	v18 =	vmul.f32 v19, v6;
	v19 =	vmul.f32 v20, v6  }
0x281: {  	[tilespmem:v56+s1+$0x0] =	vst.idx.add.f32.msk $0xffff, v4;
	v20 =	vmul.f32 v22, v6;
	v26 =	vand.u32 $0xFFFF0000, v27;
	v27 =	vshll.u32 v27, $0x10  }
0x282: {  	s6 =	simm.s32 $0x10;
	s7 =	simm.s32 $0x192F0;
	v22 =	vmul.f32 v62, v6;
	[tilespmem:v57+s1+$0x0] =	vst.idx.add.f32.msk $0xffff, v4;
	v36 =	vand.u32 $0xFFFF0000, v61;
	v37 =	vshll.u32 v61, $0x10  }
.LBB2_7:
0x283: {  	v33 =	vimm.s32 $0x0  }
0x284: {  	v47 =	vimm.s32 $0x0;
	v39 =	vmul.f32 v24, v6;
	v40 =	vmul.f32 v25, v6  }
0x285: {  	v48 =	vimm.s32 $0x0;
	v42 =	vmul.f32 v26, v6;
	v34 =	vmul.f32 v32, v6  }
0x286: {  	v32 =	vmul.f32 v35, v6;
	v18 =	vadd.f32 v18, v7;
	v19 =	vadd.f32 v19, v7  }
0x287: {  	v26 =	vmul.f32 v37, v6;
	v20 =	vadd.f32 v20, v7;
	v21 =	vadd.f32 v21, v7  }
0x288: {  	v33 =	vsel vm4, $0xFFFFFFFF, v33;
	v24 =	vadd.f32 v22, v7;
	v22 =	vadd.f32 v23, v7  }
0x289: {  	v38 =	vld [tilespmem:s7+$0x0];
	vm4 =	vmmov vm12;
	[tilespmem:$0x1FFA0] =	vst v33;
	v33 =	vsel vm3, $0xFFFFFFFF, v47;
	v25 =	vadd.f32 v39, v7  }
0x28a: {  	v41 =	vld [tilespmem:s7+$0xFFFFFFA0];
	v23 =	vadd.f32 v40, v7;
	v42 =	vadd.f32 v42, v7;
	v18 =	vtrunc.f32 v18  }
0x28b: {  	v43 =	vld [tilespmem:s7+$0xFFFFFFB0];
	v34 =	vadd.f32 v34, v7;
	v19 =	vtrunc.f32 v19;
	v20 =	vtrunc.f32 v20  }
0x28c: {  	v49 =	vld [tilespmem:s7+$0xFFFFFFC0];
	[tilespmem:$0x1FFB0] =	vst v33;
	v33 =	vsel vm5, $0xFFFFFFFF, v48;
	v21 =	vtrunc.f32 v21;
	v24 =	vtrunc.f32 v24  }
0x28d: {  	v45 =	vld [tilespmem:s7+$0xFFFFFF90];
	v32 =	vadd.f32 v32, v7;
	[tilespmem:$0x1FFC0] =	vst v33;
	v33 =	vmul.f32 v27, v6;
	v27 =	vmul.f32 v36, v6  }
0x28e: {  	v50 =	vld [tilespmem:s7+$0xFFFFFFD0];
	vm3 =	vmmov vm11;
	v18 =	vcvt.f32.s32 v18;
	v19 =	vcvt.f32.s32 v19  }
0x28f: {  	v51 =	vld [tilespmem:s7+$0xFFFFFFE0];
	v26 =	vadd.f32 v26, v7;
	v20 =	vcvt.f32.s32 v20;
	v21 =	vcvt.f32.s32 v21  }
0x290: {  	v53 =	vld [tilespmem:s7+$0xFFFFFFF0];
	v44 =	vand.u32 $0xFFFF0000, v38;
	v52 =	vand.u32 $0xFFFF0000, v41;
	v38 =	vshll.u32 v38, $0x10  }
0x291: {  	[tilespmem:v31+s1+$0x0] =	vst.idx.add.f32.msk $0xffff, v4;
	v41 =	vshll.u32 v41, $0x10;
	v46 =	vand.u32 $0xFFFF0000, v43;
	v43 =	vshll.u32 v43, $0x10  }
0x292: {  	[tilespmem:v28+s1+$0x0] =	vst.idx.add.f32.msk $0xffff, v4;
	v47 =	vand.u32 $0xFFFF0000, v49;
	v31 =	vshll.u32 v49, $0x10;
	v28 =	vand.u32 $0xFFFF0000, v45  }
0x293: {  	v57 =	vshll.u32 v45, $0x10;
	v44 =	vmul.f32 v44, v6;
	v38 =	vmul.f32 v38, v6  }
0x294: {  	[tilespmem:v17+s1+$0x0] =	vst.idx.add.f32.msk $0xffff, v4;
	v54 =	vand.u32 $0xFFFF0000, v50;
	v17 =	vmul.f32 v28, v6;
	v58 =	vmul.f32 v57, v6  }
0x295: {  	[tilespmem:v30+s1+$0x0] =	vst.idx.add.f32.msk $0xffff, v4;
	v30 =	vshll.u32 v50, $0x10;
	v39 =	vmul.f32 v52, v6;
	v41 =	vmul.f32 v41, v6  }
0x296: {  	v55 =	vand.u32 $0xFFFF0000, v51;
	v59 =	vmul.f32 v46, v6;
	v43 =	vmul.f32 v43, v6  }
0x297: {  	[tilespmem:v16+s1+$0x0] =	vst.idx.add.f32.msk $0xffff, v4;
	v16 =	vand.u32 $0xFFFF0000, v53;
	v60 =	vmul.f32 v47, v6;
	v31 =	vmul.f32 v31, v6  }
0x298: {  	v40 =	vshll.u32 v53, $0x10;
	v35 =	vmul.f32 v54, v6;
	v30 =	vmul.f32 v30, v6  }
0x299: {  	v36 =	vmul.f32 v55, v6;
	v44 =	vadd.f32 v44, v7;
	v38 =	vadd.f32 v38, v7  }
0x29a: {  	v16 =	vmul.f32 v16, v6;
	v17 =	vadd.f32 v17, v7;
	v37 =	vadd.f32 v58, v7  }
0x29b: {  	v40 =	vmul.f32 v40, v6;
	v39 =	vadd.f32 v39, v7;
	v43 =	vadd.f32 v43, v7  }
0x29c: {  	v63 =	vadd.f32 v60, v7;
	v31 =	vadd.f32 v31, v7;
	v44 =	vtrunc.f32 v44  }
0x29d: {  	[tilespmem:v14+s1+$0x0] =	vst.idx.add.f32.msk $0xffff, v4;
	v35 =	vadd.f32 v35, v7;
	v38 =	vtrunc.f32 v38;
	v17 =	vtrunc.f32 v17  }
0x29e: {  	[tilespmem:v13+s1+$0x0] =	vst.idx.add.f32.msk $0xffff, v4;
	v30 =	vadd.f32 v30, v7;
	v13 =	vtrunc.f32 v37;
	v14 =	vtrunc.f32 v39  }
0x29f: {  	v36 =	vadd.f32 v36, v7;
	v48 =	vtrunc.f32 v43;
	v50 =	vtrunc.f32 v63  }
0x2a0: {  	v16 =	vadd.f32 v16, v7;
	v31 =	vtrunc.f32 v31;
	v56 =	vcvt.f32.s32 v44  }
0x2a1: {  	v46 =	vadd.f32 v40, v7;
	v35 =	vtrunc.f32 v35;
	v38 =	vcvt.f32.s32 v38  }
0x2a2: {  	v30 =	vtrunc.f32 v30;
	v36 =	vtrunc.f32 v36;
	vm5 =	vlt.s32 v56, v2  }
0x2a3: {  	v16 =	vtrunc.f32 v16;
	v28 =	vsel vm5, v56, v2;
	vm5 =	vlt.s32 v38, v2  }
0x2a4: {  	v37 =	vtrunc.f32 v46;
	v13 =	vcvt.f32.s32 v13;
	v38 =	vsel vm5, v38, v2  }
0x2a5: {  	[tilespmem:v29+s1+$0x0] =	vst.idx.add.f32.msk $0xffff, v4;
	v29 =	vshll.u32 v51, $0x10;
	v14 =	vcvt.f32.s32 v14;
	v39 =	vcvt.f32.s32 v48  }
0x2a6: {  	v27 =	vadd.f32 v27, v7;
	v31 =	vcvt.f32.s32 v31;
	v35 =	vcvt.f32.s32 v35  }
0x2a7: {  	[tilespmem:v15+s1+$0x0] =	vst.idx.add.f32.msk $0xffff, v4;
	v61 =	vadd.f32 v59, v7;
	v30 =	vcvt.f32.s32 v30;
	v36 =	vcvt.f32.s32 v36  }
0x2a8: {  	v16 =	vcvt.f32.s32 v16;
	vm7 =	vlt.s32 v14, v2;
	vm10 =	vlt.s32 v39, v2;
	[tilespmem:v28+s1+$0x0] =	vst.idx.add.f32.msk $0xffff, v3  }
0x2a9: {  	s4 =	sadd.s32 $0x80, s4;
	v37 =	vcvt.f32.s32 v37;
	vm12 =	vlt.s32 v31, v2;
	v14 =	vsel vm7, v14, v2;
	[tilespmem:v38+s1+$0x0] =	vst.idx.add.f32.msk $0xffff, v3  }
0x2aa: {  	vm13 =	vlt.s32 v35, v2;
	vm14 =	vlt.s32 v30, v2;
	vm15 =	vlt.s32 v36, v2;
	v62 =	vld [tilespmem:s4+$0x0]  }
0x2ab: {  	vm1 =	vlt.s32 v16, v2;
	vm2 =	vlt.s32 v37, v2;
	v35 =	vsel vm13, v35, v2  }
0x2ac: {  	v36 =	vsel vm15, v36, v2;
	v28 =	vmul.f32 v29, v6;
	v29 =	vadd.f32 v41, v7  }
0x2ad: {  	v31 =	vsel vm12, v31, v2;
	v30 =	vsel vm14, v30, v2;
	v53 =	vsel vm1, v16, v2  }
0x2ae: {  	v37 =	vsel vm2, v37, v2;
	v41 =	vcvt.f32.s32 v50;
	[tilespmem:v14+s1+$0x0] =	vst.idx.add.f32.msk $0xffff, v3;
	v15 =	vtrunc.f32 v29  }
0x2af: {  	v14 =	vld [tilespmem:$0x1FFB0];
	v28 =	vadd.f32 v28, v7;
	v29 =	vtrunc.f32 v61;
	v47 =	vand.u32 $0xFFFF0000, v62  }
0x2b0: {  	[tilespmem:v35+s1+$0x0] =	vst.idx.add.f32.msk $0xffff, v3;
	vm11 =	vlt.s32 v41, v2;
	v49 =	vshll.u32 v62, $0x10;
	v38 =	vmul.f32 v47, v6  }
0x2b1: {  	[tilespmem:v36+s1+$0x0] =	vst.idx.add.f32.msk $0xffff, v3;
	v15 =	vcvt.f32.s32 v15;
	v52 =	vsel vm11, v41, v2;
	v40 =	vmul.f32 v49, v6  }
0x2b2: {  	[tilespmem:v53+s1+$0x0] =	vst.idx.add.f32.msk $0xffff, v3;
	v29 =	vcvt.f32.s32 v29;
	v28 =	vtrunc.f32 v28;
	v38 =	vadd.f32 v38, v7  }
0x2b3: {  	[tilespmem:v30+s1+$0x0] =	vst.idx.add.f32.msk $0xffff, v3;
	vm8 =	vlt.s32 v15, v2;
	v28 =	vcvt.f32.s32 v28;
	v40 =	vadd.f32 v40, v7  }
0x2b4: {  	[tilespmem:v37+s1+$0x0] =	vst.idx.add.f32.msk $0xffff, v3;
	vm9 =	vlt.s32 v29, v2;
	v15 =	vsel vm8, v15, v2;
	v38 =	vtrunc.f32 v38  }
0x2b5: {  	v63 =	vld [tilespmem:s4+$0xFFFFFFF0];
	v29 =	vsel vm9, v29, v2;
	v40 =	vtrunc.f32 v40;
	v38 =	vcvt.f32.s32 v38  }
0x2b6: {  	v51 =	vsel vm10, v39, v2;
	vm0 =	vlt.s32 v28, v2;
	[tilespmem:v52+s1+$0x0] =	vst.idx.add.f32.msk $0xffff, v3;
	v40 =	vcvt.f32.s32 v40  }
0x2b7: {  	v17 =	vcvt.f32.s32 v17;
	v28 =	vsel vm0, v28, v2;
	[tilespmem:v31+s1+$0x0] =	vst.idx.add.f32.msk $0xffff, v3;
	vm5 =	vlt.s32 v38, v2  }
0x2b8: {  	vm6 =	vlt.s32 v13, v2;
	v57 =	vld [tilespmem:s4+$0xFFFFFFC0];
	v38 =	vsel vm5, v38, v2;
	vm5 =	vlt.s32 v40, v2  }
0x2b9: {  	v24 =	vcvt.f32.s32 v24;
	[tilespmem:v15+s1+$0x0] =	vst.idx.add.f32.msk $0xffff, v3;
	v40 =	vsel vm5, v40, v2;
	vm5 =	vlt.s32 v17, v2  }
0x2ba: {  	v27 =	vtrunc.f32 v27;
	v13 =	vsel vm6, v13, v2;
	[tilespmem:v29+s1+$0x0] =	vst.idx.add.f32.msk $0xffff, v3;
	v17 =	vsel vm5, v17, v2  }
0x2bb: {  	v16 =	vsel vm3, v12, v2;
	v12 =	vtrunc.f32 v22;
	v22 =	vtrunc.f32 v25;
	[tilespmem:v51+s1+$0x0] =	vst.idx.add.f32.msk $0xffff, v3  }
0x2bc: {  	v33 =	vadd.f32 v33, v7;
	v25 =	vtrunc.f32 v34;
	v22 =	vcvt.f32.s32 v22;
	[tilespmem:v28+s1+$0x0] =	vst.idx.add.f32.msk $0xffff, v3  }
0x2bd: {  	vm6 =	vlt.s32 v20, v2;
	vm1 =	vlt.s32 v21, v2;
	vm2 =	vlt.s32 v24, v2;
	v54 =	vld [tilespmem:s4+$0xFFFFFFB0]  }
0x2be: {  	v58 =	vsel vm6, v20, v2;
	v59 =	vsel vm1, v21, v2;
	vm8 =	vlt.s32 v22, v2;
	v62 =	vld [tilespmem:s4+$0xFFFFFFE0]  }
0x2bf: {  	v60 =	vsel vm2, v24, v2;
	v30 =	vsel vm8, v22, v2;
	v36 =	vand.u32 $0xFFFF0000, v63;
	[tilespmem:v17+s1+$0x0] =	vst.idx.add.f32.msk $0xffff, v3  }
0x2c0: {  	v37 =	vshll.u32 v63, $0x10;
	v24 =	vand.u32 $0xFFFF0000, v57;
	vm5 =	vlt.s32 v19, v2;
	[tilespmem:v13+s1+$0x0] =	vst.idx.add.f32.msk $0xffff, v3  }
0x2c1: {  	v17 =	vsel vm4, v10, v2;
	v10 =	vtrunc.f32 v23;
	v23 =	vtrunc.f32 v42;
	v13 =	vld [tilespmem:$0x1FFA0]  }
0x2c2: {  	v15 =	vld [tilespmem:$0x1FFC0];
	v22 =	vand.u32 $0xFFFF0000, v54;
	v29 =	vcvt.f32.s32 v10;
	v23 =	vcvt.f32.s32 v23  }
0x2c3: {  	v56 =	vsel vm5, v19, v2;
	v22 =	vmul.f32 v22, v6;
	v10 =	vcvt.f32.s32 v25;
	v25 =	vld [tilespmem:s4+$0xFFFFFF90]  }
0x2c4: {  	v35 =	vshll.u32 v62, $0x10;
	vm9 =	vlt.s32 v29, v2;
	vm10 =	vlt.s32 v23, v2  }
0x2c5: {  	vm12 =	vlt.s32 v10, v2;
	v28 =	vsel vm10, v23, v2;
	v23 =	vshll.u32 v54, $0x10  }
0x2c6: {  	v29 =	vsel vm9, v29, v2;
	v23 =	vmul.f32 v23, v6;
	vm0 =	vnez.u8 v13  }
0x2c7: {  	v61 =	vld [tilespmem:s4+$0xFFFFFFD0];
	v13 =	vsel vm0, v11, v2;
	v11 =	vtrunc.f32 v33;
	vm0 =	vnez.u8 v14  }
0x2c8: {  	[tilespmem:v60+s1+$0x0] =	vst.idx.add.f32.msk $0xffff, v4;
	v19 =	vshll.u32 v25, $0x10;
	v14 =	vsel vm0, v8, v2;
	vm0 =	vnez.u8 v15  }
0x2c9: {  	[tilespmem:v38+s1+$0x0] =	vst.idx.add.f32.msk $0xffff, v4;
	v8 =	vtrunc.f32 v32;
	v15 =	vsel vm0, v9, v2;
	v9 =	vtrunc.f32 v26  }
0x2ca: {  	[tilespmem:v40+s1+$0x0] =	vst.idx.add.f32.msk $0xffff, v4;
	vm0 =	vlt.s32 v18, v2;
	v26 =	vcvt.f32.s32 v12;
	v12 =	vcvt.f32.s32 v11  }
0x2cb: {  	s6 =	sadd.s32 $0x8, s6;
	v11 =	vcvt.f32.s32 v8;
	v8 =	vcvt.f32.s32 v27;
	v27 =	vld [tilespmem:s4+$0xFFFFFFA0];
	v55 =	vsel vm0, v18, v2  }
0x2cc: {  	p0 =	slt.u32 s6, $0xF8;
	v19 =	vmul.f32 v19, v6;
	v32 =	vand.u32 $0xFFFF0000, v62;
	[tilespmem:v58+s1+$0x0] =	vst.idx.add.f32.msk $0xffff, v4;
	v9 =	vcvt.f32.s32 v9  }
.Ltmp2:
0x2cd: {  	v18 =	vand.u32 $0xFFFF0000, v25;
	v25 =	vshll.u32 v57, $0x10;
	[tilespmem:v59+s1+$0x0] =	vst.idx.add.f32.msk $0xffff, v4;
	vm7 =	vlt.s32 v26, v2;
	(pc) =	sbr.rel @p0 .LBB2_7-.Ltmp2, $4  }
0x2ce: {  	vm11 =	vlt.s32 v12, v2;
	vm4 =	vlt.s32 v11, v2;
	vm3 =	vlt.s32 v8, v2  }
0x2cf: {  	v18 =	vmul.f32 v18, v6;
	vm5 =	vlt.s32 v9, v2;
	v31 =	vsel vm7, v26, v2  }
0x2d0: {  	v26 =	vand.u32 $0xFFFF0000, v61;
	v20 =	vand.u32 $0xFFFF0000, v27;
	v21 =	vshll.u32 v27, $0x10;
	[tilespmem:v55+s1+$0x0] =	vst.idx.add.f32.msk $0xffff, v4  }
0x2d1: {  	s7 =	sadd.s32 $0x80, s7;
	v27 =	vshll.u32 v61, $0x10;
	v20 =	vmul.f32 v20, v6;
	v21 =	vmul.f32 v21, v6;
	[tilespmem:v56+s1+$0x0] =	vst.idx.add.f32.msk $0xffff, v4  }
0x2d2: {  	v24 =	vmul.f32 v24, v6  }
0x2d3: {  	v25 =	vmul.f32 v25, v6;
	v26 =	vmul.f32 v26, v6  }
0x2d4: {  	v18 =	vadd.f32 v18, v7;
	v27 =	vmul.f32 v27, v6;
	v32 =	vmul.f32 v32, v6  }
0x2d5: {  	v19 =	vadd.f32 v19, v7;
	v33 =	vmul.f32 v35, v6;
	v34 =	vmul.f32 v36, v6  }
0x2d6: {  	v43 =	vmul.f32 v37, v6;
	v22 =	vadd.f32 v22, v7;
	v23 =	vadd.f32 v23, v7  }
0x2d7: {  	v12 =	vsel vm11, v12, v2;
	v10 =	vsel vm12, v10, v2;
	v11 =	vsel vm4, v11, v2  }
0x2d8: {  	v8 =	vsel vm3, v8, v2;
	v9 =	vsel vm5, v9, v2;
	v20 =	vadd.f32 v20, v7  }
0x2d9: {  	[tilespmem:v31+s1+$0x0] =	vst.idx.add.f32.msk $0xffff, v4;
	v21 =	vadd.f32 v21, v7;
	v18 =	vtrunc.f32 v18;
	v24 =	vadd.f32 v24, v7  }
0x2da: {  	[tilespmem:v30+s1+$0x0] =	vst.idx.add.f32.msk $0xffff, v4;
	v25 =	vadd.f32 v25, v7;
	v19 =	vtrunc.f32 v19;
	v22 =	vtrunc.f32 v22  }
0x2db: {  	[tilespmem:v28+s1+$0x0] =	vst.idx.add.f32.msk $0xffff, v4;
	v26 =	vadd.f32 v26, v7;
	v23 =	vtrunc.f32 v23;
	v20 =	vtrunc.f32 v20  }
0x2dc: {  	[tilespmem:v16+s1+$0x0] =	vst.idx.add.f32.msk $0xffff, v4;
	v27 =	vadd.f32 v27, v7;
	v21 =	vtrunc.f32 v21;
	v18 =	vcvt.f32.s32 v18  }
0x2dd: {  	[tilespmem:v17+s1+$0x0] =	vst.idx.add.f32.msk $0xffff, v4;
	v44 =	vadd.f32 v32, v7;
	v19 =	vcvt.f32.s32 v19;
	v48 =	vcvt.f32.s32 v22  }
0x2de: {  	[tilespmem:v14+s1+$0x0] =	vst.idx.add.f32.msk $0xffff, v4;
	v45 =	vadd.f32 v33, v7;
	v49 =	vcvt.f32.s32 v23;
	v24 =	vtrunc.f32 v24  }
0x2df: {  	[tilespmem:v29+s1+$0x0] =	vst.idx.add.f32.msk $0xffff, v4;
	v46 =	vadd.f32 v34, v7;
	v25 =	vtrunc.f32 v25;
	v26 =	vtrunc.f32 v26  }
0x2e0: {  	[tilespmem:v13+s1+$0x0] =	vst.idx.add.f32.msk $0xffff, v4;
	v53 =	vadd.f32 v43, v7;
	v20 =	vcvt.f32.s32 v20;
	v47 =	vcvt.f32.s32 v21  }
0x2e1: {  	[tilespmem:v15+s1+$0x0] =	vst.idx.add.f32.msk $0xffff, v4;
	v55 =	vtrunc.f32 v27;
	v56 =	vtrunc.f32 v44;
	vm6 =	vlt.s32 v48, v2  }
0x2e2: {  	v57 =	vtrunc.f32 v45;
	[tilespmem:v12+s1+$0x0] =	vst.idx.add.f32.msk $0xffff, v4;
	vm14 =	vlt.s32 v20, v2;
	v17 =	vsel vm6, v48, v2  }
0x2e3: {  	v50 =	vcvt.f32.s32 v24;
	vm7 =	vlt.s32 v49, v2;
	[tilespmem:v10+s1+$0x0] =	vst.idx.add.f32.msk $0xffff, v4;
	v20 =	vsel vm14, v20, v2  }
0x2e4: {  	v51 =	vcvt.f32.s32 v25;
	[tilespmem:v8+s1+$0x0] =	vst.idx.add.f32.msk $0xffff, v4;
	vm15 =	vlt.s32 v47, v2;
	v13 =	vsel vm7, v49, v2  }
0x2e5: {  	v58 =	vtrunc.f32 v46;
	[tilespmem:v11+s1+$0x0] =	vst.idx.add.f32.msk $0xffff, v4;
	v16 =	vsel vm15, v47, v2;
	vm8 =	vlt.s32 v50, v2  }
0x2e6: {  	v59 =	vtrunc.f32 v53;
	[tilespmem:v9+s1+$0x0] =	vst.idx.add.f32.msk $0xffff, v4;
	vm9 =	vlt.s32 v51, v2;
	v14 =	vsel vm8, v50, v2  }
0x2e7: {  	vm0 =	vlt.s32 v18, v2;
	v52 =	vcvt.f32.s32 v26;
	v15 =	vsel vm9, v51, v2;
	[tilespmem:v17+s1+$0x0] =	vst.idx.add.f32.msk $0xffff, v4  }
0x2e8: {  	vm1 =	vlt.s32 v19, v2;
	v18 =	vsel vm0, v18, v2;
	v17 =	vcvt.f32.s32 v56;
	[tilespmem:v20+s1+$0x0] =	vst.idx.add.f32.msk $0xffff, v4  }
0x2e9: {  	v19 =	vsel vm1, v19, v2;
	vm10 =	vlt.s32 v52, v2;
	[tilespmem:v13+s1+$0x0] =	vst.idx.add.f32.msk $0xffff, v4;
	v13 =	vcvt.f32.s32 v57  }
0x2ea: {  	v54 =	vsel vm10, v52, v2;
	[tilespmem:v16+s1+$0x0] =	vst.idx.add.f32.msk $0xffff, v4;
	v16 =	vcvt.f32.s32 v55;
	vm12 =	vlt.s32 v17, v2  }
0x2eb: {  	[tilespmem:v14+s1+$0x0] =	vst.idx.add.f32.msk $0xffff, v4;
	v14 =	vcvt.f32.s32 v58;
	vm13 =	vlt.s32 v13, v2;
	v61 =	vsel vm12, v17, v2  }
0x2ec: {  	[tilespmem:v15+s1+$0x0] =	vst.idx.add.f32.msk $0xffff, v4;
	v15 =	vcvt.f32.s32 v59;
	vm11 =	vlt.s32 v16, v2;
	v62 =	vsel vm13, v13, v2  }
0x2ed: {  	[tilespmem:v18+s1+$0x0] =	vst.idx.add.f32.msk $0xffff, v4;
	vm14 =	vlt.s32 v14, v2;
	v60 =	vsel vm11, v16, v2  }
0x2ee: {  	s25 =	sadd.s32 $0x1, s25;
	[tilespmem:v19+s1+$0x0] =	vst.idx.add.f32.msk $0xffff, v4;
	vm15 =	vlt.s32 v15, v2;
	v8 =	vsel vm14, v14, v2  }
0x2ef: {  	p0 =	sne.s32 s25, $0x8;
	[tilespmem:v54+s1+$0x0] =	vst.idx.add.f32.msk $0xffff, v4;
	v63 =	vsel vm15, v15, v2  }
.Ltmp3:
0x2f0: {  	[tilespmem:v61+s1+$0x0] =	vst.idx.add.f32.msk $0xffff, v4;
	(pc) =	sbr.rel @p0 .LBB2_4-.Ltmp3, $4  }
0x2f1: {  	[tilespmem:v62+s1+$0x0] =	vst.idx.add.f32.msk $0xffff, v4  }
0x2f2: {  	[tilespmem:v60+s1+$0x0] =	vst.idx.add.f32.msk $0xffff, v4  }
0x2f3: {  	[tilespmem:v8+s1+$0x0] =	vst.idx.add.f32.msk $0xffff, v4  }
0x2f4: {  	[tilespmem:v63+s1+$0x0] =	vst.idx.add.f32.msk $0xffff, v4  }
0x2f5: {  	s4 =	simm.s32 $0x0  }
0x2f6: {  	v9 =	vld [tilespmem:s4+$0xA870]  }
0x2f7: {  	v6 =	vld [tilespmem:s4+$0x7850]  }
0x2f8: {  	[tilespmem:s4+$0xA870] =	vst v0;
	v7 =	vld [tilespmem:s4+$0x3020]  }
0x2f9: {  	[tilespmem:s4+$0x7850] =	vst v0;
	v8 =	vld [tilespmem:s4+$0x0]  }
0x2fa: {  	[tilespmem:s4+$0x3020] =	vst v0;
	v11 =	vld [tilespmem:s4+$0x1810]  }
0x2fb: {  	[tilespmem:s4+$0x0] =	vst v0  }
0x2fc: {  	v10 =	vld [tilespmem:s4+$0x4830];
	[tilespmem:s4+$0x4830] =	vst v0  }
0x2fd: {  	[tilespmem:s4+$0x1810] =	vst v0  }
0x2fe: {  	s6 =	simm.s32 $0x0;
	v12 =	vld [tilespmem:s4+$0x9060];
	[tilespmem:s4+$0x9060] =	vst v0  }
0x2ff: {  	v13 =	vld [tilespmem:s4+$0x6040];
	[tilespmem:s4+$0x6040] =	vst v0;
	s6 =	sand.u32 $0x1FF0, s6;
	v8 =	vadd.f32 v11, v8  }
0x300: {  	v14 =	vld [tilespmem:s6+$0xC080];
	[tilespmem:s6+$0xC080] =	vst v0  }
0x301: {  	v15 =	vld [tilespmem:s4+$0xD890];
	v7 =	vadd.f32 v7, v8  }
0x302: {  	[tilespmem:s4+$0xD890] =	vst v0;
	v16 =	vld [tilespmem:s4+$0xF0A0]  }
0x303: {  	[tilespmem:s4+$0xF0A0] =	vst v0;
	v17 =	vld [tilespmem:s4+$0x108B0];
	v7 =	vadd.f32 v10, v7  }
0x304: {  	[tilespmem:s4+$0x108B0] =	vst v0;
	v18 =	vld [tilespmem:s4+$0x120C0]  }
0x305: {  	[tilespmem:s4+$0x120C0] =	vst v0;
	v19 =	vld [tilespmem:s4+$0x138D0];
	v7 =	vadd.f32 v13, v7  }
0x306: {  	[tilespmem:s4+$0x138D0] =	vst v0;
	v20 =	vld [tilespmem:s4+$0x150E0]  }
0x307: {  	s7 =	simm.s32 $0x10;
	[tilespmem:s4+$0x150E0] =	vst v0;
	v21 =	vld [tilespmem:s4+$0x168F0];
	v6 =	vadd.f32 v6, v7  }
0x308: {  	v22 =	vld [tilespmem:s7+$0xA870];
	[tilespmem:s4+$0x168F0] =	vst v0  }
0x309: {  	v23 =	vld [tilespmem:s7+$0x7850];
	[tilespmem:s7+$0xA870] =	vst v0;
	v10 =	vadd.f32 v12, v6  }
0x30a: {  	v24 =	vld [tilespmem:s7+$0x3020];
	[tilespmem:s7+$0x7850] =	vst v0  }
0x30b: {  	v25 =	vld [tilespmem:s7+$0x0];
	[tilespmem:s7+$0x3020] =	vst v0;
	v9 =	vadd.f32 v9, v10  }
0x30c: {  	[tilespmem:s7+$0x0] =	vst v0;
	v27 =	vld [tilespmem:s7+$0x1810]  }
0x30d: {  	v26 =	vld [tilespmem:s7+$0x4830];
	[tilespmem:s7+$0x4830] =	vst v0;
	v9 =	vadd.f32 v14, v9  }
0x30e: {  	[tilespmem:s7+$0x1810] =	vst v0  }
0x30f: {  	s12 =	simm.s32 $0x10;
	v28 =	vld [tilespmem:s7+$0x9060];
	[tilespmem:s7+$0x9060] =	vst v0;
	v9 =	vadd.f32 v15, v9  }
0x310: {  	s4 =	sand.u32 $0x1FF0, s12;
	v11 =	vld [tilespmem:s7+$0x6040];
	[tilespmem:s7+$0x6040] =	vst v0  }
0x311: {  	v29 =	vld [tilespmem:s4+$0xC080];
	[tilespmem:s4+$0xC080] =	vst v0;
	v12 =	vadd.f32 v27, v25;
	v9 =	vadd.f32 v16, v9  }
0x312: {  	v30 =	vld [tilespmem:s7+$0xD890];
	[tilespmem:s7+$0xD890] =	vst v0  }
0x313: {  	v31 =	vld [tilespmem:s7+$0xF0A0];
	[tilespmem:s7+$0xF0A0] =	vst v0;
	v12 =	vadd.f32 v24, v12;
	v9 =	vadd.f32 v17, v9  }
0x314: {  	v32 =	vld [tilespmem:s7+$0x108B0];
	[tilespmem:s7+$0x108B0] =	vst v0  }
0x315: {  	v33 =	vld [tilespmem:s7+$0x120C0];
	[tilespmem:s7+$0x120C0] =	vst v0;
	v12 =	vadd.f32 v26, v12;
	v9 =	vadd.f32 v18, v9  }
0x316: {  	v34 =	vld [tilespmem:s7+$0x138D0];
	[tilespmem:s7+$0x138D0] =	vst v0  }
0x317: {  	s6 =	simm.s32 $0x20;
	v7 =	vld [tilespmem:s7+$0x150E0];
	[tilespmem:s7+$0x150E0] =	vst v0;
	v11 =	vadd.f32 v11, v12;
	v9 =	vadd.f32 v19, v9  }
0x318: {  	v8 =	vld [tilespmem:s6+$0xA870]  }
0x319: {  	v6 =	vld [tilespmem:s7+$0x168F0];
	[tilespmem:s7+$0x168F0] =	vst v0;
	v11 =	vadd.f32 v23, v11;
	v9 =	vadd.f32 v20, v9  }
0x31a: {  	[tilespmem:s6+$0xA870] =	vst v0;
	v35 =	vld [tilespmem:s6+$0x3020]  }
0x31b: {  	v36 =	vld [tilespmem:s6+$0x0];
	[tilespmem:s6+$0x3020] =	vst v0;
	v11 =	vadd.f32 v28, v11;
	v9 =	vadd.f32 v21, v9  }
0x31c: {  	[tilespmem:s6+$0x0] =	vst v0;
	v10 =	vld [tilespmem:s6+$0x7850]  }
0x31d: {  	[tilespmem:s6+$0x7850] =	vst v0;
	v16 =	vld [tilespmem:s6+$0x1810];
	v11 =	vadd.f32 v22, v11;
	(xrf2) =	vadd.scan.msk.f32 $0xffff, v9  }
0x31e: {  	v15 =	vld [tilespmem:s6+$0x9060];
	[tilespmem:s6+$0x9060] =	vst v0  }
0x31f: {  	[tilespmem:s6+$0x1810] =	vst v0;
	v9 =	vadd.f32 v29, v11  }
0x320: {  	s25 =	simm.s32 $0x20;
	v17 =	vld [tilespmem:s6+$0x4830];
	[tilespmem:s6+$0x4830] =	vst v0  }
0x321: {  	s4 =	sand.u32 $0x1FF0, s25;
	v18 =	vld [tilespmem:s6+$0x6040];
	[tilespmem:s6+$0x6040] =	vst v0;
	v9 =	vadd.f32 v30, v9  }
0x322: {  	v13 =	vld [tilespmem:s4+$0xC080];
	[tilespmem:s4+$0xC080] =	vst v0;
	v16 =	vadd.f32 v16, v36  }
0x323: {  	v14 =	vld [tilespmem:s6+$0xD890];
	v9 =	vadd.f32 v31, v9  }
0x324: {  	[tilespmem:s6+$0xD890] =	vst v0;
	v12 =	vld [tilespmem:s6+$0xF0A0];
	v20 =	vadd.f32 v35, v16  }
0x325: {  	[tilespmem:s6+$0xF0A0] =	vst v0;
	v19 =	vld [tilespmem:s6+$0x120C0];
	v9 =	vadd.f32 v32, v9  }
0x326: {  	[tilespmem:s6+$0x120C0] =	vst v0;
	v16 =	vld [tilespmem:s6+$0x138D0];
	v20 =	vadd.f32 v17, v20  }
0x327: {  	[tilespmem:s6+$0x138D0] =	vst v0;
	v17 =	vld [tilespmem:s6+$0x150E0];
	v21 =	vadd.f32 v33, v9;
	v23, _, _ =	vpop (xrf2)  }
0x328: {  	s4 =	simm.f32 $0.0e+00;
	[tilespmem:s6+$0x150E0] =	vst v0;
	v11 =	vld [tilespmem:s6+$0x108B0];
	v22 =	vadd.f32 v18, v20;
	(v2sf) =	vpush v23, $0xF  }
0x329: {  	s8 =	simm.s32 $0x30;
	s25 =	simm.s32 $0x100;
	s7 =	simm.s32 $0x30;
	[tilespmem:s6+$0x108B0] =	vst v0;
	v20 =	vld [tilespmem:s6+$0x168F0];
	v9 =	vimm.f32 $0.0e+00;
	v21 =	vadd.f32 v34, v21;
	v18 =	vadd.f32 s4, v23  }
.LBB2_10:
0x32a: {  	p0 =	sne.s32 s25, $0x6000;
	v23 =	vld [tilespmem:s7+$0xA870];
	[tilespmem:s6+$0x168F0] =	vst v0;
	s9 =	smov.u32 s25;
	s25 =	sadd.s32 $0x40, s25  }
0x32b: {  	v22 =	vadd.f32 v10, v22;
	s6 =	smov.u32 s7;
	[tilespmem:s7+$0xA870] =	vst v0;
	v10 =	vld [tilespmem:s7+$0x7850];
	v25 =	vadd.f32 v7, v21;
	v24 =	vand.u32 $0x7FFFFFFF, v18;
	v21 =	vmovc v19  }
0x32c: {  	v19 =	vld [tilespmem:s6+$0x3020];
	[tilespmem:s6+$0x7850] =	vst v0;
	v9 =	vadd.f32 v24, v9;
	v18 =	vmov v16  }
0x32d: {  	v15 =	vadd.f32 v15, v22;
	v16 =	vld [tilespmem:s6+$0x0];
	[tilespmem:s6+$0x3020] =	vst v0;
	v22 =	vadd.f32 v6, v25;
	v7 =	vmov v17  }
0x32e: {  	[tilespmem:s6+$0x0] =	vst v0;
	v17 =	vld [tilespmem:s6+$0x4830];
	v6 =	vmov v20  }
0x32f: {  	v24 =	vadd.f32 v8, v15;
	v20 =	vld [tilespmem:s6+$0x1810];
	[tilespmem:s6+$0x4830] =	vst v0;
	(xrf2) =	vadd.scan.msk.f32 $0xffff, v22;
	v8 =	vmov v23  }
0x330: {  	[tilespmem:s6+$0x1810] =	vst v0;
	v15 =	vld [tilespmem:s6+$0x9060]  }
0x331: {  	v23 =	vadd.f32 v13, v24;
	v22 =	vld [tilespmem:s6+$0x6040];
	[tilespmem:s6+$0x9060] =	vst v0  }
0x332: {  	s12 =	sand.u32 $0x1FF0, s8;
	[tilespmem:s6+$0x6040] =	vst v0  }
0x333: {  	s7 =	sshra.s32 s9, $0x2;
	v23 =	vadd.f32 v14, v23;
	v13 =	vld [tilespmem:s12+$0xC080]  }
0x334: {  	v16 =	vadd.f32 v20, v16;
	[tilespmem:s12+$0xC080] =	vst v0  }
0x335: {  	v20 =	vadd.f32 v12, v23;
	v14 =	vld [tilespmem:s6+$0xD890]  }
0x336: {  	v16 =	vadd.f32 v19, v16;
	[tilespmem:s6+$0xD890] =	vst v0;
	v12 =	vld [tilespmem:s6+$0xF0A0]  }
.Ltmp4:
0x337: {  	v20 =	vadd.f32 v11, v20;
	[tilespmem:s6+$0xF0A0] =	vst v0;
	v11 =	vld [tilespmem:s6+$0x108B0];
	s9 =	spop (v2sf);
	(pc) =	sbr.rel @p0 .LBB2_10-.Ltmp4, $4  }
0x338: {  	v17 =	vadd.f32 v17, v16;
	[tilespmem:s6+$0x108B0] =	vst v0;
	v19 =	vld [tilespmem:s6+$0x120C0];
	s4 =	sadd.f32 s9, s4  }
0x339: {  	v21 =	vadd.f32 v21, v20;
	[tilespmem:s6+$0x120C0] =	vst v0;
	v16 =	vld [tilespmem:s6+$0x138D0];
	v23, _, _ =	vpop (xrf2)  }
0x33a: {  	s8 =	sadd.s32 $0x10, s8;
	v22 =	vadd.f32 v22, v17;
	[tilespmem:s6+$0x138D0] =	vst v0;
	v17 =	vld [tilespmem:s6+$0x150E0];
	(v2sf) =	vpush v23, $0xF  }
0x33b: {  	v21 =	vadd.f32 v18, v21;
	v18 =	vadd.f32 s4, v23;
	[tilespmem:s6+$0x150E0] =	vst v0;
	v20 =	vld [tilespmem:s6+$0x168F0]  }
0x33c: {  	v23 =	vld [tilespmem:s7+$0xA870];
	[tilespmem:s6+$0x168F0] =	vst v0  }
0x33d: {  	v26 =	vld [tilespmem:s7+$0x0]  }
0x33e: {  	v27 =	vld [tilespmem:s7+$0x1810]  }
0x33f: {  	v10 =	vadd.f32 v10, v22  }
0x340: {  	v25 =	vld [tilespmem:s7+$0x3020]  }
0x341: {  	v10 =	vadd.f32 v15, v10  }
0x342: {  	v48 =	vld [tilespmem:s7+$0x4830]  }
0x343: {  	v8 =	vadd.f32 v8, v10;
	v49 =	vadd.f32 v27, v26  }
0x344: {  	[tilespmem:s7+$0xA870] =	vst v0;
	v50 =	vld [tilespmem:s7+$0x6040]  }
0x345: {  	v24 =	vld [tilespmem:s7+$0x7850];
	[tilespmem:s7+$0x7850] =	vst v0;
	v8 =	vadd.f32 v13, v8;
	v51 =	vadd.f32 v25, v49  }
0x346: {  	[tilespmem:s7+$0x3020] =	vst v0  }
0x347: {  	[tilespmem:s7+$0x0] =	vst v0;
	v8 =	vadd.f32 v14, v8;
	v10 =	vadd.f32 v48, v51  }
0x348: {  	[tilespmem:s7+$0x4830] =	vst v0;
	v52 =	vld [tilespmem:s7+$0x9060]  }
0x349: {  	[tilespmem:s7+$0x1810] =	vst v0;
	v8 =	vadd.f32 v12, v8;
	v10 =	vadd.f32 v50, v10  }
0x34a: {  	[tilespmem:s7+$0x9060] =	vst v0  }
0x34b: {  	s8 =	sand.u32 $0x1FF0, s8;
	[tilespmem:s7+$0x6040] =	vst v0;
	v8 =	vadd.f32 v11, v8;
	v10 =	vadd.f32 v24, v10  }
0x34c: {  	v53 =	vld [tilespmem:s8+$0xC080]  }
0x34d: {  	[tilespmem:s8+$0xC080] =	vst v0;
	v8 =	vadd.f32 v19, v8;
	v10 =	vadd.f32 v52, v10  }
0x34e: {  	v7 =	vadd.f32 v7, v21;
	v54 =	vld [tilespmem:s7+$0xD890]  }
0x34f: {  	v8 =	vadd.f32 v16, v8;
	v10 =	vadd.f32 v23, v10  }
0x350: {  	v55 =	vld [tilespmem:s7+$0xF0A0];
	v6 =	vadd.f32 v6, v7  }
0x351: {  	v8 =	vadd.f32 v17, v8;
	v10 =	vadd.f32 v53, v10  }
0x352: {  	v7 =	vld [tilespmem:s7+$0x108B0]  }
0x353: {  	(xrf2) =	vadd.scan.msk.f32 $0xffff, v6;
	v6 =	vadd.f32 v20, v8;
	v10 =	vadd.f32 v54, v10  }
0x354: {  	v56 =	vld [tilespmem:s7+$0x120C0]  }
0x355: {  	(xrf2) =	vadd.scan.msk.f32 $0xffff, v6;
	v8 =	vadd.f32 v55, v10  }
0x356: {  	v57 =	vld [tilespmem:s7+$0x138D0]  }
0x357: {  	v6 =	vadd.f32 v7, v8  }
0x358: {  	v7 =	vld [tilespmem:s7+$0x150E0]  }
0x359: {  	v6 =	vadd.f32 v56, v6  }
0x35a: {  	v8 =	vld [tilespmem:s7+$0x168F0]  }
0x35b: {  	v6 =	vadd.f32 v57, v6;
	_ =	sdelay $0x1  }
0x35c: {  	v6 =	vadd.f32 v7, v6;
	v7, _, _ =	vpop (xrf2)  }
0x35d: {  	(v2sf) =	vpush v7, $0xF  }
0x35e: {  	v6 =	vadd.f32 v8, v6;
	v8, _, _ =	vpop (xrf2)  }
0x35f: {  	(v2sf) =	vpush v8, $0xF  }
0x360: {  	(xrf2) =	vadd.scan.msk.f32 $0xffff, v6;
	_ =	sdelay $0x9  }
0x361: {  	s9 =	spop (v2sf);
	v6, _, _ =	vpop (xrf2)  }
0x362: {  	s4 =	sadd.f32 s9, s4;
	(v2sf) =	vpush v6, $0xF  }
0x363: {  	s12 =	spop (v2sf)  }
0x364: {  	v58 =	vand.u32 $0x7FFFFFFF, v18;
	v7 =	vadd.f32 s4, v7;
	s4 =	sadd.f32 s12, s4  }
0x365: {  	v9 =	vadd.f32 v58, v9;
	s25 =	spop (v2sf)  }
0x366: {  	v7 =	vand.u32 $0x7FFFFFFF, v7;
	v8 =	vadd.f32 s4, v8;
	s4 =	sadd.f32 s25, s4  }
0x367: {  	v7 =	vadd.f32 v7, v9  }
0x368: {  	[tilespmem:s7+$0xD890] =	vst v0;
	v8 =	vand.u32 $0x7FFFFFFF, v8;
	v6 =	vadd.f32 s4, v6  }
0x369: {  	[tilespmem:s7+$0xF0A0] =	vst v0;
	v7 =	vadd.f32 v8, v7  }
0x36a: {  	[tilespmem:s7+$0x108B0] =	vst v0;
	v6 =	vand.u32 $0x7FFFFFFF, v6  }
0x36b: {  	v5 =	vmul.f32 $1.192092900e-07, v5;
	[tilespmem:s7+$0x120C0] =	vst v0;
	v6 =	vadd.f32 v6, v7  }
0x36c: {  	[tilespmem:s7+$0x138D0] =	vst v0  }
0x36d: {  	[tilespmem:s7+$0x150E0] =	vst v0;
	v5 =	vmul.f32 v6, v5  }
0x36e: {  	[tilespmem:s7+$0x168F0] =	vst v0  }
0x36f: {  	s8 =	simm.s32 $0x1C100;
	s25 =	simm.s32 $0x0;
	s4 =	rddreg [dreg:$0x6];
	[tilespmem:$0x1C100] =	vst v5  }
0x370: {  	[hbm4b:s4+s25] =	stream.linear.scatter [tilespmem:s8], [sflag:$0x5], $0x80, $0x38;
	[tilespmem:$0x1C200] =	vst v63  }
0x371: {  	s7 =	spop (v2sf)  }
0x372: {  	_ =	swait.ge [sflag:s21], $0x80  }
0x373: {  	[sflag:s21] =	ssyncset.done $0x0  }
0x374: {  	[sflag:s21] =	ssyncadd.s32 $0xFFFFFF80  }
0x375: {  	[tilespmem:s20], [sflag:$0x5] =	stream.linear.gather [hbm4b:s13+s25], $0x80, $0x38;
	[tilespmem:$0x1C200] =	vst v63  }
0x376: {  	_ =	swait.ge [sflag:s21], $0x80  }
0x377: {  	[sflag:s21] =	ssyncset.done $0x0  }
0x378: {  	[sflag:s21] =	ssyncadd.s32 $0xFFFFFF80  }
0x379: {  	v5 =	vld [tilespmem:$0x1C180]  }
0x37a: {  	v6 =	vld [tilespmem:$0x1C190]  }
0x37b: {  	v7 =	vld [tilespmem:$0x1C1A0]  }
0x37c: {  	v8 =	vld [tilespmem:$0x1C1B0]  }
0x37d: {  	v59 =	vld [tilespmem:$0x1C1C0]  }
0x37e: {  	v60 =	vld [tilespmem:$0x1C1D0]  }
0x37f: {  	v5 =	vmin.f32 v5, v6;
	v6 =	vld [tilespmem:$0x1C1E0]  }
0x380: {  	v5 =	vmin.f32 v5, v7;
	v7 =	vld [tilespmem:$0x1C1F0]  }
0x381: {  	v5 =	vmin.f32 v5, v8  }
0x382: {  	v5 =	vmin.f32 v5, v59  }
0x383: {  	v5 =	vmin.f32 v5, v60  }
0x384: {  	v5 =	vmin.f32 v5, v6  }
0x385: {  	v5 =	vmin.f32 v5, v7  }
0x386: {  	(xrf0) =	vmin.scan.msk.f32 $0xffff, v5;
	_ =	sdelay $0x5  }
0x387: {  	[tilespmem:s20], [sflag:$0x5] =	stream.linear.gather [hbm4b:s14+s25], $0x80, $0x38;
	v6, _, _ =	vpop (xrf0);
	[tilespmem:$0x1C200] =	vst v63  }
0x388: {  	_ =	swait.ge [sflag:s21], $0x80  }
0x389: {  	[sflag:s21] =	ssyncset.done $0x0  }
0x38a: {  	[sflag:s21] =	ssyncadd.s32 $0xFFFFFF80  }
0x38b: {  	v5 =	vld [tilespmem:$0x1C180]  }
0x38c: {  	v7 =	vld [tilespmem:$0x1C190]  }
0x38d: {  	v8 =	vld [tilespmem:$0x1C1A0]  }
0x38e: {  	v61 =	vld [tilespmem:$0x1C1B0]  }
0x38f: {  	v62 =	vld [tilespmem:$0x1C1C0]  }
0x390: {  	v63 =	vld [tilespmem:$0x1C1D0]  }
0x391: {  	v5 =	vmax.f32 v5, v7;
	v7 =	vld [tilespmem:$0x1C1E0]  }
0x392: {  	v5 =	vmax.f32 v5, v8;
	v8 =	vld [tilespmem:$0x1C1F0]  }
0x393: {  	v5 =	vmax.f32 v5, v61  }
0x394: {  	v5 =	vmax.f32 v5, v62  }
0x395: {  	v5 =	vmax.f32 v5, v63  }
0x396: {  	v5 =	vmax.f32 v5, v7  }
0x397: {  	v5 =	vmax.f32 v5, v8  }
0x398: {  	(xrf0) =	vmax.scan.msk.f32 $0xffff, v5;
	_ =	sdelay $0x5  }
0x399: {  	v5, _, _ =	vpop (xrf0)  }
0x39a: {  	v5 =	vadd.f32 $0.0e+00, v5;
	_ =	sdelay $0x1  }
0x39b: {  	v5 =	vsub.f32 v5, v6;
	_ =	sdelay $0x1  }
0x39c: {  	v5 =	vbroadcast v5, $0xF;
	_ =	sdelay $0x1  }
0x39d: {  	v7 =	vmul.f32 $1.000000050e-03, v5;
	_ =	sdelay $0x1  }
0x39e: {  	v7 =	vadd.f32 $1.000000000e-30, v7;
	_ =	sdelay $0x1  }
0x39f: {  	v8 =	vadd.f32 v7, v7;
	_ =	sdelay $0x1  }
0x3a0: {  	v5 =	vadd.f32 v8, v5;
	_ =	sdelay $0x1  }
0x3a1: {  	v5 =	vmul.f32 $1.627604220e-04, v5;
	_ =	sdelay $0x1  }
0x3a2: {  	(erf) = vrcp.f32 v5;
	_ =	sdelay $0x2  }
0x3a3: {  	v6 =	vadd.f32 $0.0e+00, v6;
	_ =	sdelay $0x1  }
0x3a4: {  	v6 =	vbroadcast v6, $0xF;
	_ =	sdelay $0x2  }
0x3a5: {  	v7 =	vsub.f32 v6, v7  }
0x3a6: {  	v6 =	vpop (erf)  }
0x3a7: {  	v7 =	vmul.f32 v6, v7  }
0x3a8: {  	s9 =	simm.s32 $0x18100  }
0x3a9: {  	[tilespmem:s9], [sflag:$0x1] =	stream.strided.gather [hbm4b:s15+s22], $0x1000, s23, s22, $0x38;
	v7 =	vsub.f32 $5.000000000e-01, v7;
	[tilespmem:$0x1C200] =	vst v63  }
0x3aa: {  	s12 =	simm.s32 $0x1A100  }
0x3ab: {  	[tilespmem:s12], [sflag:$0x3] =	stream.strided.gather [hbm4b:s16+s22], $0x1000, s23, s22, $0x38;
	v7 =	vadd.f32 v1, v7;
	[tilespmem:$0x1C200] =	vst v63  }
.LBB2_12:
0x3ac: {  	s4 =	sshll.u32 s25, $0x13  }
0x3ad: {  	s6 =	sor.u32 s4, s11  }
0x3ae: {  	s6 =	sshrl.u32 s6, $0x3  }
0x3af: {  	s6 =	sor.u32 $0x8000, s6  }
0x3b0: {  	s7 =	sadd.s32 s3, s6  }
0x3b1: {  	[tilespmem:s26], [sflag:$0x2] =	stream.strided.gather [hbm4b:s7+s22], $0x1000, s23, s22, $0x38;
	[tilespmem:$0x1C200] =	vst v63  }
0x3b2: {  	s6 =	sadd.s32 s2, s6  }
0x3b3: {  	[tilespmem:s28], [sflag:$0x4] =	stream.strided.gather [hbm4b:s6+s22], $0x1000, s23, s22, $0x38;
	[tilespmem:$0x1C200] =	vst v63  }
0x3b4: {  	_ =	swait.ge [sflag:s29], $0x1000  }
0x3b5: {  	[sflag:s29] =	ssyncset.done $0x0  }
0x3b6: {  	[sflag:s29] =	ssyncadd.s32 $0xFFFFF000  }
0x3b7: {  	_ =	swait.ge [sflag:s30], $0x1000  }
0x3b8: {  	[sflag:s30] =	ssyncset.done $0x0  }
0x3b9: {  	s12 =	simm.s32 $0x18140;
	[sflag:s30] =	ssyncadd.s32 $0xFFFFF000  }
0x3ba: {  	v8 =	vld [tilespmem:s12+$0x30]  }
0x3bb: {  	v9 =	vld [tilespmem:s12+$0xFFFFFFD0]  }
0x3bc: {  	v10 =	vld [tilespmem:s12+$0xFFFFFFE0]  }
0x3bd: {  	v11 =	vld [tilespmem:s12+$0xFFFFFFF0]  }
0x3be: {  	v12 =	vld [tilespmem:s12+$0x0]  }
0x3bf: {  	v13 =	vld [tilespmem:s12+$0x10]  }
0x3c0: {  	v16 =	vld [tilespmem:s12+$0xFFFFFFC0]  }
0x3c1: {  	v18 =	vld [tilespmem:s12+$0x20];
	v14 =	vand.u32 $0xFFFF0000, v8;
	v15 =	vand.u32 $0xFFFF0000, v9;
	v8 =	vshll.u32 v8, $0x10  }
0x3c2: {  	s8 =	simm.s32 $0x181C0;
	v9 =	vshll.u32 v9, $0x10;
	v17 =	vand.u32 $0xFFFF0000, v10;
	v10 =	vshll.u32 v10, $0x10  }
0x3c3: {  	v29 =	vld [tilespmem:s8+$0xFFFFFFE0];
	v19 =	vand.u32 $0xFFFF0000, v11;
	v11 =	vshll.u32 v11, $0x10;
	v20 =	vand.u32 $0xFFFF0000, v12  }
0x3c4: {  	v12 =	vshll.u32 v12, $0x10;
	v21 =	vand.u32 $0xFFFF0000, v13;
	v13 =	vshll.u32 v13, $0x10  }
0x3c5: {  	v31 =	vld [tilespmem:s8+$0x0];
	v22 =	vand.u32 $0xFFFF0000, v16;
	v16 =	vshll.u32 v16, $0x10;
	v14 =	vmul.f32 v14, v6  }
0x3c6: {  	v23 =	vand.u32 $0xFFFF0000, v18;
	v8 =	vmul.f32 v8, v6;
	v22 =	vmul.f32 v22, v6  }
0x3c7: {  	v32 =	vld [tilespmem:s8+$0xFFFFFFC0];
	v18 =	vshll.u32 v18, $0x10;
	v16 =	vmul.f32 v16, v6;
	v15 =	vmul.f32 v15, v6  }
0x3c8: {  	v33 =	vand.u32 $0xFFFF0000, v29;
	v9 =	vmul.f32 v9, v6;
	v17 =	vmul.f32 v17, v6  }
0x3c9: {  	v38 =	vld [tilespmem:s8+$0x20];
	v29 =	vshll.u32 v29, $0x10;
	v10 =	vmul.f32 v10, v6;
	v19 =	vmul.f32 v19, v6  }
0x3ca: {  	v35 =	vand.u32 $0xFFFF0000, v31;
	v11 =	vmul.f32 v11, v6;
	v20 =	vmul.f32 v20, v6  }
0x3cb: {  	v31 =	vshll.u32 v31, $0x10;
	v12 =	vmul.f32 v12, v6;
	v21 =	vmul.f32 v21, v6  }
0x3cc: {  	v37 =	vand.u32 $0xFFFF0000, v32;
	v13 =	vmul.f32 v13, v6;
	v23 =	vmul.f32 v23, v6  }
0x3cd: {  	v32 =	vshll.u32 v32, $0x10;
	v18 =	vmul.f32 v18, v6;
	v37 =	vmul.f32 v37, v6  }
0x3ce: {  	v39 =	vand.u32 $0xFFFF0000, v38;
	v32 =	vmul.f32 v32, v6;
	v33 =	vmul.f32 v33, v6  }
0x3cf: {  	v29 =	vmul.f32 v29, v6;
	v14 =	vadd.f32 v14, v7;
	v8 =	vadd.f32 v8, v7  }
0x3d0: {  	v35 =	vmul.f32 v35, v6;
	v22 =	vadd.f32 v22, v7;
	v16 =	vadd.f32 v16, v7  }
0x3d1: {  	v31 =	vmul.f32 v31, v6;
	v15 =	vadd.f32 v15, v7;
	v9 =	vadd.f32 v9, v7  }
0x3d2: {  	v49 =	vmul.f32 v39, v6;
	v17 =	vadd.f32 v17, v7;
	v10 =	vadd.f32 v10, v7  }
0x3d3: {  	v19 =	vadd.f32 v19, v7;
	v11 =	vadd.f32 v11, v7;
	v14 =	vtrunc.f32 v14  }
0x3d4: {  	v20 =	vadd.f32 v20, v7;
	v8 =	vtrunc.f32 v8;
	v22 =	vtrunc.f32 v22  }
0x3d5: {  	v12 =	vadd.f32 v12, v7;
	v16 =	vtrunc.f32 v16;
	v15 =	vtrunc.f32 v15  }
0x3d6: {  	v21 =	vadd.f32 v21, v7;
	v9 =	vtrunc.f32 v9;
	v17 =	vtrunc.f32 v17  }
0x3d7: {  	v13 =	vadd.f32 v13, v7;
	v10 =	vtrunc.f32 v10;
	v14 =	vcvt.f32.s32 v14  }
0x3d8: {  	v23 =	vadd.f32 v23, v7;
	v19 =	vtrunc.f32 v19;
	v8 =	vcvt.f32.s32 v8  }
0x3d9: {  	v11 =	vtrunc.f32 v11;
	v20 =	vtrunc.f32 v20;
	vm0 =	vlt.s32 v14, v2  }
0x3da: {  	v22 =	vcvt.f32.s32 v22;
	v14 =	vsel vm0, v14, v2;
	vm0 =	vlt.s32 v8, v2  }
0x3db: {  	v12 =	vtrunc.f32 v12;
	v16 =	vcvt.f32.s32 v16;
	v8 =	vsel vm0, v8, v2  }
0x3dc: {  	v21 =	vtrunc.f32 v21;
	v15 =	vcvt.f32.s32 v15;
	vm0 =	vlt.s32 v22, v2  }
0x3dd: {  	v9 =	vcvt.f32.s32 v9;
	vm1 =	vlt.s32 v16, v2;
	v22 =	vsel vm0, v22, v2  }
0x3de: {  	v17 =	vcvt.f32.s32 v17;
	v16 =	vsel vm1, v16, v2;
	vm0 =	vlt.s32 v15, v2  }
0x3df: {  	v10 =	vcvt.f32.s32 v10;
	vm1 =	vlt.s32 v9, v2;
	[tilespmem:v14+s1+$0x0] =	vst.idx.add.f32.msk $0xffff, v3;
	v14 =	vsel vm0, v15, v2  }
0x3e0: {  	s7 =	simm.s32 $0x1A140;
	v9 =	vsel vm1, v9, v2;
	vm0 =	vlt.s32 v17, v2;
	[tilespmem:v8+s1+$0x0] =	vst.idx.add.f32.msk $0xffff, v3;
	v8 =	vcvt.f32.s32 v19  }
0x3e1: {  	v11 =	vcvt.f32.s32 v11;
	vm1 =	vlt.s32 v10, v2;
	v17 =	vsel vm0, v17, v2;
	v15 =	vld [tilespmem:s7+$0x30]  }
0x3e2: {  	v10 =	vsel vm1, v10, v2;
	v19 =	vcvt.f32.s32 v20;
	[tilespmem:v22+s1+$0x0] =	vst.idx.add.f32.msk $0xffff, v3;
	vm0 =	vlt.s32 v8, v2  }
0x3e3: {  	v12 =	vcvt.f32.s32 v12;
	vm1 =	vlt.s32 v11, v2;
	[tilespmem:v16+s1+$0x0] =	vst.idx.add.f32.msk $0xffff, v3;
	v8 =	vsel vm0, v8, v2  }
0x3e4: {  	v11 =	vsel vm1, v11, v2;
	v16 =	vcvt.f32.s32 v21;
	vm0 =	vlt.s32 v19, v2;
	[tilespmem:v14+s1+$0x0] =	vst.idx.add.f32.msk $0xffff, v3  }
0x3e5: {  	v13 =	vtrunc.f32 v13;
	vm1 =	vlt.s32 v12, v2;
	v14 =	vsel vm0, v19, v2;
	[tilespmem:v9+s1+$0x0] =	vst.idx.add.f32.msk $0xffff, v3  }
0x3e6: {  	v13 =	vcvt.f32.s32 v13;
	v12 =	vsel vm1, v12, v2;
	vm0 =	vlt.s32 v16, v2;
	[tilespmem:v17+s1+$0x0] =	vst.idx.add.f32.msk $0xffff, v3  }
0x3e7: {  	v18 =	vadd.f32 v18, v7;
	v16 =	vsel vm0, v16, v2;
	[tilespmem:v10+s1+$0x0] =	vst.idx.add.f32.msk $0xffff, v3  }
0x3e8: {  	v37 =	vadd.f32 v37, v7;
	v23 =	vtrunc.f32 v23;
	vm1 =	vlt.s32 v13, v2;
	[tilespmem:v8+s1+$0x0] =	vst.idx.add.f32.msk $0xffff, v3  }
0x3e9: {  	v32 =	vadd.f32 v32, v7;
	v13 =	vsel vm1, v13, v2;
	v9 =	vcvt.f32.s32 v23;
	[tilespmem:v11+s1+$0x0] =	vst.idx.add.f32.msk $0xffff, v3  }
0x3ea: {  	v29 =	vadd.f32 v29, v7;
	v35 =	vadd.f32 v35, v7;
	v37 =	vtrunc.f32 v37;
	[tilespmem:v14+s1+$0x0] =	vst.idx.add.f32.msk $0xffff, v3  }
0x3eb: {  	v32 =	vtrunc.f32 v32;
	v17 =	vtrunc.f32 v18;
	vm0 =	vlt.s32 v9, v2;
	[tilespmem:v12+s1+$0x0] =	vst.idx.add.f32.msk $0xffff, v3  }
0x3ec: {  	v10 =	vcvt.f32.s32 v17;
	v8 =	vsel vm0, v9, v2;
	v9 =	vand.u32 $0xFFFF0000, v15;
	[tilespmem:v16+s1+$0x0] =	vst.idx.add.f32.msk $0xffff, v3  }
0x3ed: {  	v31 =	vadd.f32 v31, v7;
	v29 =	vtrunc.f32 v29;
	v9 =	vmul.f32 v9, v6;
	v14 =	vld [tilespmem:s7+$0xFFFFFFF0]  }
0x3ee: {  	v35 =	vtrunc.f32 v35;
	vm0 =	vlt.s32 v10, v2;
	v11 =	vshll.u32 v15, $0x10;
	[tilespmem:v13+s1+$0x0] =	vst.idx.add.f32.msk $0xffff, v3  }
0x3ef: {  	v10 =	vsel vm0, v10, v2;
	v11 =	vmul.f32 v11, v6;
	v9 =	vadd.f32 v9, v7;
	v13 =	vld [tilespmem:s7+$0xFFFFFFE0]  }
0x3f0: {  	v31 =	vtrunc.f32 v31;
	v32 =	vcvt.f32.s32 v32;
	v15 =	vld [tilespmem:s7+$0x0]  }
0x3f1: {  	v29 =	vcvt.f32.s32 v29;
	[tilespmem:v8+s1+$0x0] =	vst.idx.add.f32.msk $0xffff, v3;
	v8 =	vadd.f32 v11, v7;
	v9 =	vtrunc.f32 v9  }
0x3f2: {  	v42 =	vcvt.f32.s32 v35;
	v9 =	vcvt.f32.s32 v9  }
0x3f3: {  	v43 =	vcvt.f32.s32 v31;
	v11 =	vld [tilespmem:s7+$0xFFFFFFC0];
	v8 =	vtrunc.f32 v8;
	v20 =	vand.u32 $0xFFFF0000, v14  }
0x3f4: {  	[tilespmem:v10+s1+$0x0] =	vst.idx.add.f32.msk $0xffff, v3;
	v14 =	vshll.u32 v14, $0x10;
	v12 =	vcvt.f32.s32 v8;
	vm0 =	vlt.s32 v9, v2  }
0x3f5: {  	v10 =	vld [tilespmem:s7+$0xFFFFFFD0];
	v19 =	vand.u32 $0xFFFF0000, v13;
	v13 =	vshll.u32 v13, $0x10;
	v21 =	vand.u32 $0xFFFF0000, v15  }
0x3f6: {  	v15 =	vshll.u32 v15, $0x10;
	v20 =	vmul.f32 v20, v6;
	v26 =	vmul.f32 v14, v6  }
0x3f7: {  	v18 =	vld [tilespmem:s7+$0x20];
	v8 =	vsel vm0, v9, v2;
	v19 =	vmul.f32 v19, v6;
	v23 =	vmul.f32 v13, v6  }
0x3f8: {  	v21 =	vmul.f32 v21, v6;
	v28 =	vmul.f32 v15, v6;
	vm0 =	vlt.s32 v12, v2  }
0x3f9: {  	v16 =	vand.u32 $0xFFFF0000, v11;
	v11 =	vshll.u32 v11, $0x10;
	v9 =	vsel vm0, v12, v2  }
0x3fa: {  	v16 =	vmul.f32 v16, v6;
	v17 =	vand.u32 $0xFFFF0000, v10;
	v10 =	vshll.u32 v10, $0x10  }
0x3fb: {  	v11 =	vmul.f32 v11, v6;
	v40 =	vadd.f32 v21, v7;
	v28 =	vadd.f32 v28, v7  }
0x3fc: {  	v25 =	vld [tilespmem:s8+$0x30];
	v17 =	vmul.f32 v17, v6;
	v10 =	vmul.f32 v10, v6;
	v24 =	vand.u32 $0xFFFF0000, v18  }
0x3fd: {  	v12 =	vld [tilespmem:s7+$0x10];
	v18 =	vshll.u32 v18, $0x10;
	v16 =	vadd.f32 v16, v7;
	v13 =	vadd.f32 v11, v7  }
0x3fe: {  	v11 =	vmul.f32 v24, v6;
	v55 =	vtrunc.f32 v40;
	v14 =	vadd.f32 v17, v7  }
0x3ff: {  	v56 =	vtrunc.f32 v28;
	v15 =	vadd.f32 v10, v7;
	v17 =	vadd.f32 v23, v7  }
0x400: {  	v27 =	vld [tilespmem:s8+$0xFFFFFFD0];
	v48 =	vcvt.f32.s32 v55;
	v10 =	vtrunc.f32 v16;
	v16 =	vadd.f32 v19, v7  }
0x401: {  	v19 =	vand.u32 $0xFFFF0000, v25;
	v13 =	vtrunc.f32 v13;
	v11 =	vadd.f32 v11, v7  }
0x402: {  	v22 =	vand.u32 $0xFFFF0000, v12;
	v23 =	vmul.f32 v19, v6;
	v14 =	vtrunc.f32 v14  }
0x403: {  	v12 =	vshll.u32 v12, $0x10;
	v15 =	vtrunc.f32 v15;
	v17 =	vtrunc.f32 v17  }
0x404: {  	v19 =	vadd.f32 v26, v7;
	v59 =	vcvt.f32.s32 v10;
	v61 =	vcvt.f32.s32 v13  }
0x405: {  	v26 =	vand.u32 $0xFFFF0000, v27;
	v13 =	vcvt.f32.s32 v56;
	v22 =	vmul.f32 v22, v6  }
0x406: {  	v24 =	vld [tilespmem:s8+$0xFFFFFFF0];
	v27 =	vshll.u32 v27, $0x10;
	v30 =	vmul.f32 v12, v6;
	v12 =	vmul.f32 v18, v6  }
0x407: {  	v26 =	vmul.f32 v26, v6;
	v27 =	vmul.f32 v27, v6  }
0x408: {  	v18 =	vadd.f32 v20, v7;
	v16 =	vtrunc.f32 v16;
	v58 =	vtrunc.f32 v11  }
0x409: {  	v20 =	vshll.u32 v25, $0x10;
	v62 =	vcvt.f32.s32 v14;
	v15 =	vcvt.f32.s32 v15  }
0x40a: {  	vm1 =	vlt.s32 v32, v2;
	v17 =	vcvt.f32.s32 v17;
	v20 =	vmul.f32 v20, v6  }
0x40b: {  	v23 =	vadd.f32 v23, v7;
	v34 =	vand.u32 $0xFFFF0000, v24;
	v19 =	vtrunc.f32 v19  }
0x40c: {  	v24 =	vshll.u32 v24, $0x10;
	v63 =	vcvt.f32.s32 v16;
	v10 =	vcvt.f32.s32 v58  }
0x40d: {  	s12 =	simm.s32 $0x18240;
	v34 =	vmul.f32 v34, v6;
	v26 =	vadd.f32 v26, v7;
	v24 =	vmul.f32 v24, v6  }
0x40e: {  	v55 =	vld [tilespmem:s12+$0xFFFFFFF0];
	v41 =	vadd.f32 v22, v7;
	v53 =	vadd.f32 v30, v7;
	v30 =	vcvt.f32.s32 v37  }
0x40f: {  	v25 =	vld [tilespmem:s8+$0x10];
	v18 =	vtrunc.f32 v18;
	v12 =	vadd.f32 v12, v7;
	v47 =	vcvt.f32.s32 v19  }
0x410: {  	vm6 =	vlt.s32 v17, v2;
	v20 =	vadd.f32 v20, v7;
	v23 =	vtrunc.f32 v23  }
0x411: {  	v14 =	vld [tilespmem:s12+$0x30];
	v46 =	vcvt.f32.s32 v18;
	vm5 =	vlt.s32 v63, v2;
	v17 =	vsel vm6, v17, v2  }
0x412: {  	v23 =	vcvt.f32.s32 v23;
	v34 =	vadd.f32 v34, v7;
	v26 =	vtrunc.f32 v26  }
0x413: {  	v24 =	vadd.f32 v24, v7;
	v57 =	vtrunc.f32 v41;
	v60 =	vtrunc.f32 v12  }
0x414: {  	v41 =	vshll.u32 v55, $0x10;
	v20 =	vtrunc.f32 v20;
	v36 =	vand.u32 $0xFFFF0000, v25  }
0x415: {  	v25 =	vshll.u32 v25, $0x10;
	v26 =	vcvt.f32.s32 v26;
	v12 =	vcvt.f32.s32 v57  }
0x416: {  	v16 =	vand.u32 $0xFFFF0000, v14;
	v14 =	vshll.u32 v14, $0x10;
	v41 =	vmul.f32 v41, v6  }
0x417: {  	v20 =	vcvt.f32.s32 v20;
	vm0 =	vlt.s32 v23, v2;
	v36 =	vmul.f32 v36, v6  }
0x418: {  	v25 =	vmul.f32 v25, v6;
	v34 =	vtrunc.f32 v34;
	v23 =	vsel vm0, v23, v2  }
0x419: {  	v21 =	vtrunc.f32 v24;
	v16 =	vmul.f32 v16, v6;
	vm0 =	vlt.s32 v20, v2  }
0x41a: {  	v14 =	vmul.f32 v14, v6;
	v36 =	vadd.f32 v36, v7;
	v20 =	vsel vm0, v20, v2  }
0x41b: {  	v54 =	vcvt.f32.s32 v34;
	v21 =	vcvt.f32.s32 v21;
	v25 =	vadd.f32 v25, v7  }
0x41c: {  	vm2 =	vlt.s32 v26, v2;
	v34 =	vsel vm1, v32, v2;
	v36 =	vtrunc.f32 v36  }
0x41d: {  	v52 =	vtrunc.f32 v25;
	[tilespmem:v23+s1+$0x0] =	vst.idx.add.f32.msk $0xffff, v3;
	v23 =	vshll.u32 v38, $0x10;
	v38 =	vadd.f32 v49, v7  }
0x41e: {  	v41 =	vadd.f32 v41, v7;
	v36 =	vcvt.f32.s32 v36;
	v23 =	vmul.f32 v23, v6  }
0x41f: {  	s9 =	simm.s32 $0x1A1C0;
	[tilespmem:v20+s1+$0x0] =	vst.idx.add.f32.msk $0xffff, v3;
	v20 =	vadd.f32 v27, v7;
	v27 =	vadd.f32 v33, v7;
	v22 =	vtrunc.f32 v38  }
0x420: {  	v38 =	vtrunc.f32 v53;
	v53 =	vadd.f32 v14, v7;
	v14 =	vcvt.f32.s32 v60;
	v50 =	vld [tilespmem:s9+$0x30]  }
0x421: {  	v23 =	vadd.f32 v23, v7;
	v44 =	vcvt.f32.s32 v22;
	v20 =	vtrunc.f32 v20  }
0x422: {  	v19 =	vadd.f32 v16, v7;
	v27 =	vtrunc.f32 v27;
	v20 =	vcvt.f32.s32 v20  }
0x423: {  	vm1 =	vlt.s32 v54, v2;
	v23 =	vtrunc.f32 v23;
	v27 =	vcvt.f32.s32 v27  }
0x424: {  	v11 =	vcvt.f32.s32 v38;
	v45 =	vcvt.f32.s32 v23;
	vm3 =	vlt.s32 v20, v2  }
0x425: {  	v60 =	vld [tilespmem:s12+$0xFFFFFFC0];
	vm4 =	vlt.s32 v27, v2;
	v51 =	vand.u32 $0xFFFF0000, v50;
	v33 =	vshll.u32 v50, $0x10  }
0x426: {  	v32 =	vsel vm3, v20, v2;
	vm3 =	vlt.s32 v42, v2;
	v31 =	vsel vm4, v27, v2  }
0x427: {  	vm4 =	vlt.s32 v43, v2;
	v39 =	vmul.f32 v51, v6;
	v33 =	vmul.f32 v33, v6  }
0x428: {  	v20 =	vsel vm3, v42, v2;
	vm3 =	vlt.s32 v45, v2;
	v22 =	vsel vm4, v43, v2  }
0x429: {  	vm4 =	vlt.s32 v47, v2;
	v51 =	vand.u32 $0xFFFF0000, v55;
	v28 =	vsel vm3, v45, v2  }
0x42a: {  	vm3 =	vlt.s32 v15, v2;
	v45 =	vshll.u32 v60, $0x10;
	v51 =	vmul.f32 v51, v6  }
0x42b: {  	v24 =	vadd.f32 v39, v7;
	v33 =	vadd.f32 v33, v7;
	v39 =	vcvt.f32.s32 v52  }
0x42c: {  	v16 =	vsel vm3, v15, v2;
	v15 =	vtrunc.f32 v19;
	v19 =	vtrunc.f32 v53  }
0x42d: {  	vm3 =	vlt.s32 v48, v2;
	v45 =	vmul.f32 v45, v6;
	v57 =	vcvt.f32.s32 v15  }
0x42e: {  	[tilespmem:v8+s1+$0x0] =	vst.idx.add.f32.msk $0xffff, v4;
	v58 =	vcvt.f32.s32 v19;
	v19 =	vsel vm5, v63, v2;
	v8 =	vadd.f32 v51, v7  }
0x42f: {  	v49 =	vld [tilespmem:s12+$0x20];
	v24 =	vtrunc.f32 v24;
	v25 =	vtrunc.f32 v33;
	v33 =	vsel vm2, v26, v2  }
0x430: {  	v52 =	vld [tilespmem:s12+$0xFFFFFFD0];
	vm2 =	vlt.s32 v21, v2;
	v26 =	vsel vm1, v54, v2;
	vm1 =	vlt.s32 v39, v2  }
0x431: {  	v45 =	vadd.f32 v45, v7;
	[tilespmem:v31+s1+$0x0] =	vst.idx.add.f32.msk $0xffff, v3;
	v31 =	vsel vm4, v47, v2;
	v24 =	vcvt.f32.s32 v24  }
0x432: {  	[tilespmem:v9+s1+$0x0] =	vst.idx.add.f32.msk $0xffff, v4;
	v25 =	vcvt.f32.s32 v25;
	v23 =	vsel vm2, v21, v2;
	vm2 =	vlt.s32 v44, v2  }
0x433: {  	v54 =	vld [tilespmem:s12+$0xFFFFFFE0];
	vm5 =	vlt.s32 v58, v2;
	v8 =	vtrunc.f32 v8;
	v27 =	vsel vm2, v44, v2  }
0x434: {  	[tilespmem:v20+s1+$0x0] =	vst.idx.add.f32.msk $0xffff, v3;
	vm2 =	vlt.s32 v62, v2;
	v43 =	vsel vm5, v58, v2;
	v45 =	vtrunc.f32 v45  }
0x435: {  	vm0 =	vlt.s32 v24, v2;
	v18 =	vsel vm2, v62, v2;
	vm2 =	vlt.s32 v12, v2  }
0x436: {  	[tilespmem:v22+s1+$0x0] =	vst.idx.add.f32.msk $0xffff, v3;
	v38 =	vshll.u32 v52, $0x10;
	v62 =	vand.u32 $0xFFFF0000, v49;
	v49 =	vshll.u32 v49, $0x10  }
0x437: {  	v56 =	vld [tilespmem:s12+$0x0];
	v24 =	vsel vm0, v24, v2;
	vm0 =	vlt.s32 v25, v2;
	v38 =	vmul.f32 v38, v6  }
0x438: {  	v8 =	vcvt.f32.s32 v8;
	v49 =	vmul.f32 v49, v6;
	[tilespmem:v19+s1+$0x0] =	vst.idx.add.f32.msk $0xffff, v4;
	v25 =	vsel vm0, v25, v2  }
0x439: {  	vm0 =	vlt.s32 v30, v2;
	v50 =	vand.u32 $0xFFFF0000, v54;
	v40 =	vshll.u32 v54, $0x10;
	[tilespmem:v33+s1+$0x0] =	vst.idx.add.f32.msk $0xffff, v3  }
0x43a: {  	v54 =	vand.u32 $0xFFFF0000, v60;
	[tilespmem:v26+s1+$0x0] =	vst.idx.add.f32.msk $0xffff, v3;
	v26 =	vsel vm3, v48, v2;
	v35 =	vsel vm0, v30, v2  }
0x43b: {  	vm0 =	vlt.s32 v29, v2;
	v54 =	vmul.f32 v54, v6;
	v50 =	vmul.f32 v50, v6  }
0x43c: {  	v40 =	vmul.f32 v40, v6;
	v38 =	vadd.f32 v38, v7;
	v30 =	vsel vm0, v29, v2  }
0x43d: {  	vm0 =	vlt.s32 v36, v2;
	v29 =	vsel vm1, v39, v2;
	vm1 =	vlt.s32 v61, v2  }
0x43e: {  	[tilespmem:v32+s1+$0x0] =	vst.idx.add.f32.msk $0xffff, v3;
	v39 =	vshll.u32 v56, $0x10;
	v21 =	vsel vm0, v36, v2;
	vm0 =	vlt.s32 v59, v2  }
0x43f: {  	[tilespmem:v23+s1+$0x0] =	vst.idx.add.f32.msk $0xffff, v3;
	v36 =	vsel vm1, v61, v2;
	vm1 =	vlt.s32 v46, v2;
	v61 =	vand.u32 $0xFFFF0000, v52  }
0x440: {  	[tilespmem:v27+s1+$0x0] =	vst.idx.add.f32.msk $0xffff, v3;
	v52 =	vand.u32 $0xFFFF0000, v56;
	v54 =	vadd.f32 v54, v7;
	v39 =	vmul.f32 v39, v6  }
0x441: {  	v50 =	vadd.f32 v50, v7;
	v40 =	vadd.f32 v40, v7;
	v38 =	vtrunc.f32 v38;
	[tilespmem:v28+s1+$0x0] =	vst.idx.add.f32.msk $0xffff, v3  }
0x442: {  	v37 =	vsel vm0, v59, v2;
	v59 =	vld [tilespmem:s12+$0x10];
	v15 =	vsel vm1, v46, v2;
	v46 =	vmul.f32 v61, v6  }
0x443: {  	vm1 =	vlt.s32 v57, v2;
	v52 =	vmul.f32 v52, v6;
	[tilespmem:v24+s1+$0x0] =	vst.idx.add.f32.msk $0xffff, v4;
	v22 =	vcvt.f32.s32 v38  }
0x444: {  	v48 =	vld [tilespmem:s9+$0x20];
	v54 =	vtrunc.f32 v54;
	v39 =	vadd.f32 v39, v7;
	v60 =	vtrunc.f32 v50  }
0x445: {  	[tilespmem:v25+s1+$0x0] =	vst.idx.add.f32.msk $0xffff, v4;
	v61 =	vtrunc.f32 v40;
	v50 =	vtrunc.f32 v41;
	v9 =	vadd.f32 v52, v7  }
0x446: {  	v42 =	vsel vm1, v57, v2;
	[tilespmem:v35+s1+$0x0] =	vst.idx.add.f32.msk $0xffff, v3;
	v56 =	vcvt.f32.s32 v54;
	v35 =	vcvt.f32.s32 v61  }
0x447: {  	v39 =	vtrunc.f32 v39;
	[tilespmem:v30+s1+$0x0] =	vst.idx.add.f32.msk $0xffff, v3;
	v30 =	vadd.f32 v49, v7;
	v9 =	vtrunc.f32 v9  }
0x448: {  	vm0 =	vlt.s32 v13, v2;
	[tilespmem:v21+s1+$0x0] =	vst.idx.add.f32.msk $0xffff, v3;
	v21 =	vcvt.f32.s32 v60;
	v27 =	vcvt.f32.s32 v39  }
0x449: {  	[tilespmem:v26+s1+$0x0] =	vst.idx.add.f32.msk $0xffff, v4;
	v53 =	vand.u32 $0xFFFF0000, v59;
	v23 =	vtrunc.f32 v30;
	v30 =	vcvt.f32.s32 v45  }
0x44a: {  	v44 =	vshll.u32 v59, $0x10;
	[tilespmem:v29+s1+$0x0] =	vst.idx.add.f32.msk $0xffff, v3;
	v29 =	vcvt.f32.s32 v50;
	v9 =	vcvt.f32.s32 v9  }
0x44b: {  	v63 =	vadd.f32 v46, v7;
	v60 =	vld [tilespmem:s9+$0xFFFFFFD0];
	v57 =	vmul.f32 v53, v6;
	v44 =	vmul.f32 v44, v6  }
0x44c: {  	v26 =	vand.u32 $0xFFFF0000, v48;
	[tilespmem:v42+s1+$0x0] =	vst.idx.add.f32.msk $0xffff, v3;
	v42 =	vmul.f32 v62, v6;
	v23 =	vcvt.f32.s32 v23  }
0x44d: {  	vm1 =	vlt.s32 v11, v2;
	v26 =	vmul.f32 v26, v6;
	[tilespmem:v43+s1+$0x0] =	vst.idx.add.f32.msk $0xffff, v3;
	v43 =	vtrunc.f32 v63  }
0x44e: {  	v61 =	vld [tilespmem:s9+$0xFFFFFFE0];
	vm4 =	vlt.s32 v30, v2;
	v24 =	vadd.f32 v57, v7;
	v25 =	vadd.f32 v44, v7  }
0x44f: {  	[tilespmem:v18+s1+$0x0] =	vst.idx.add.f32.msk $0xffff, v4;
	v52 =	vadd.f32 v42, v7;
	v57 =	vcvt.f32.s32 v43;
	v28 =	vsel vm4, v30, v2  }
0x450: {  	[tilespmem:v16+s1+$0x0] =	vst.idx.add.f32.msk $0xffff, v4;
	vm4 =	vlt.s32 v22, v2;
	v42 =	vshll.u32 v48, $0x10;
	v26 =	vadd.f32 v26, v7  }
0x451: {  	[tilespmem:v37+s1+$0x0] =	vst.idx.add.f32.msk $0xffff, v4;
	v22 =	vsel vm4, v22, v2;
	vm4 =	vlt.s32 v35, v2;
	v16 =	vand.u32 $0xFFFF0000, v60  }
0x452: {  	[tilespmem:v36+s1+$0x0] =	vst.idx.add.f32.msk $0xffff, v4;
	v36 =	vshll.u32 v60, $0x10;
	v42 =	vmul.f32 v42, v6;
	v24 =	vtrunc.f32 v24  }
0x453: {  	v45 =	vld [tilespmem:s9+$0x10];
	v19 =	vand.u32 $0xFFFF0000, v61;
	v25 =	vtrunc.f32 v25;
	v33 =	vtrunc.f32 v52  }
0x454: {  	v37 =	vshll.u32 v61, $0x10;
	v16 =	vmul.f32 v16, v6;
	v36 =	vmul.f32 v36, v6  }
0x455: {  	s6 =	simm.s32 $0x1A240;
	v35 =	vsel vm4, v35, v2;
	v19 =	vmul.f32 v19, v6;
	v37 =	vmul.f32 v37, v6  }
0x456: {  	v58 =	vld [tilespmem:s6+$0x30];
	vm4 =	vlt.s32 v29, v2;
	v26 =	vtrunc.f32 v26;
	v24 =	vcvt.f32.s32 v24  }
0x457: {  	[tilespmem:v15+s1+$0x0] =	vst.idx.add.f32.msk $0xffff, v4;
	v25 =	vcvt.f32.s32 v25;
	v33 =	vcvt.f32.s32 v33;
	v29 =	vsel vm4, v29, v2  }
0x458: {  	[tilespmem:v31+s1+$0x0] =	vst.idx.add.f32.msk $0xffff, v4;
	vm4 =	vlt.s32 v27, v2;
	v31 =	vand.u32 $0xFFFF0000, v45;
	v41 =	vshll.u32 v45, $0x10  }
0x459: {  	v27 =	vsel vm4, v27, v2;
	v16 =	vadd.f32 v16, v7;
	v31 =	vmul.f32 v31, v6  }
0x45a: {  	v41 =	vmul.f32 v41, v6;
	v36 =	vadd.f32 v36, v7;
	v19 =	vadd.f32 v19, v7  }
0x45b: {  	[tilespmem:v34+s1+$0x0] =	vst.idx.add.f32.msk $0xffff, v3;
	v37 =	vadd.f32 v37, v7;
	v59 =	vand.u32 $0xFFFF0000, v58;
	v62 =	vshll.u32 v58, $0x10  }
0x45c: {  	vm4 =	vlt.s32 v25, v2;
	v46 =	vmul.f32 v59, v6;
	v63 =	vmul.f32 v62, v6  }
0x45d: {  	v25 =	vsel vm4, v25, v2;
	vm4 =	vlt.s32 v23, v2;
	v31 =	vadd.f32 v31, v7  }
0x45e: {  	v59 =	vld [tilespmem:s9+$0xFFFFFFC0];
	v19 =	vtrunc.f32 v19;
	v18 =	vsel vm4, v23, v2;
	vm4 =	vlt.s32 v14, v2  }
0x45f: {  	v62 =	vld [tilespmem:s9+$0xFFFFFFF0];
	v19 =	vcvt.f32.s32 v19;
	v51 =	vadd.f32 v46, v7;
	v53 =	vadd.f32 v63, v7  }
0x460: {  	v52 =	vtrunc.f32 v16;
	v16 =	vsel vm0, v13, v2;
	v14 =	vsel vm4, v14, v2  }
0x461: {  	vm4 =	vlt.s32 v19, v2;
	v55 =	vtrunc.f32 v51;
	v32 =	vtrunc.f32 v53  }
0x462: {  	v63 =	vld [tilespmem:s9+$0x0];
	v51 =	vadd.f32 v41, v7;
	v53 =	vtrunc.f32 v37;
	v34 =	vcvt.f32.s32 v55  }
0x463: {  	v32 =	vcvt.f32.s32 v32;
	v46 =	vand.u32 $0xFFFF0000, v59;
	v23 =	vshll.u32 v59, $0x10  }
0x464: {  	[tilespmem:v17+s1+$0x0] =	vst.idx.add.f32.msk $0xffff, v4;
	v17 =	vand.u32 $0xFFFF0000, v62;
	v39 =	vshll.u32 v62, $0x10;
	v47 =	vmul.f32 v46, v6  }
0x465: {  	v23 =	vmul.f32 v23, v6;
	v17 =	vmul.f32 v17, v6;
	vm3 =	vlt.s32 v34, v2  }
0x466: {  	v39 =	vmul.f32 v39, v6;
	v20 =	vsel vm3, v34, v2;
	vm3 =	vlt.s32 v32, v2  }
0x467: {  	v15 =	vand.u32 $0xFFFF0000, v63;
	v32 =	vsel vm3, v32, v2;
	vm3 =	vlt.s32 v56, v2  }
0x468: {  	v40 =	vshll.u32 v63, $0x10;
	v34 =	vadd.f32 v47, v7;
	v58 =	vsel vm3, v56, v2  }
0x469: {  	v23 =	vadd.f32 v23, v7;
	v15 =	vmul.f32 v15, v6;
	vm3 =	vlt.s32 v57, v2  }
0x46a: {  	v40 =	vmul.f32 v40, v6;
	v17 =	vadd.f32 v17, v7;
	v30 =	vsel vm3, v57, v2  }
0x46b: {  	v15 =	vadd.f32 v15, v7;
	v49 =	vtrunc.f32 v34;
	vm3 =	vlt.s32 v21, v2;
	[tilespmem:v20+s1+$0x0] =	vst.idx.add.f32.msk $0xffff, v4  }
0x46c: {  	v50 =	vadd.f32 v40, v7;
	v23 =	vtrunc.f32 v23;
	v21 =	vsel vm3, v21, v2;
	[tilespmem:v32+s1+$0x0] =	vst.idx.add.f32.msk $0xffff, v4  }
0x46d: {  	v54 =	vtrunc.f32 v17;
	v17 =	vsel vm2, v12, v2;
	vm3 =	vlt.s32 v8, v2;
	[tilespmem:v58+s1+$0x0] =	vst.idx.add.f32.msk $0xffff, v3  }
0x46e: {  	v23 =	vcvt.f32.s32 v23;
	v55 =	vcvt.f32.s32 v54;
	v8 =	vsel vm3, v8, v2;
	[tilespmem:v28+s1+$0x0] =	vst.idx.add.f32.msk $0xffff, v3  }
0x46f: {  	v12 =	vtrunc.f32 v50;
	vm3 =	vlt.s32 v9, v2;
	v20 =	vadd.f32 v39, v7;
	[tilespmem:v30+s1+$0x0] =	vst.idx.add.f32.msk $0xffff, v3  }
0x470: {  	v12 =	vcvt.f32.s32 v12;
	v9 =	vsel vm3, v9, v2;
	vm3 =	vlt.s32 v24, v2;
	[tilespmem:v22+s1+$0x0] =	vst.idx.add.f32.msk $0xffff, v3  }
0x471: {  	v24 =	vsel vm3, v24, v2;
	vm3 =	vlt.s32 v33, v2;
	v20 =	vtrunc.f32 v20;
	[tilespmem:v21+s1+$0x0] =	vst.idx.add.f32.msk $0xffff, v3  }
0x472: {  	v33 =	vsel vm3, v33, v2;
	vm3 =	vlt.s32 v10, v2;
	v22 =	vtrunc.f32 v15;
	[tilespmem:v35+s1+$0x0] =	vst.idx.add.f32.msk $0xffff, v3  }
0x473: {  	v21 =	vtrunc.f32 v31;
	v15 =	vsel vm1, v11, v2;
	vm1 =	vlt.s32 v23, v2;
	[tilespmem:v8+s1+$0x0] =	vst.idx.add.f32.msk $0xffff, v3  }
0x474: {  	v13 =	vsel vm3, v10, v2;
	v10 =	vcvt.f32.s32 v21;
	v21 =	vsel vm1, v23, v2;
	v23 =	vld [tilespmem:s6+$0xFFFFFFC0]  }
0x475: {  	v57 =	vsel vm4, v19, v2;
	v28 =	vtrunc.f32 v36;
	v20 =	vcvt.f32.s32 v20;
	[tilespmem:v29+s1+$0x0] =	vst.idx.add.f32.msk $0xffff, v3  }
0x476: {  	v30 =	vadd.f32 v42, v7;
	v11 =	vtrunc.f32 v51;
	v31 =	vcvt.f32.s32 v49;
	[tilespmem:v9+s1+$0x0] =	vst.idx.add.f32.msk $0xffff, v3  }
0x477: {  	vm11 =	vlt.s32 v12, v2;
	v28 =	vcvt.f32.s32 v28;
	v8 =	vcvt.f32.s32 v26;
	v26 =	vld [tilespmem:s6+$0xFFFFFFE0]  }
0x478: {  	v30 =	vtrunc.f32 v30;
	v22 =	vcvt.f32.s32 v22;
	vm1 =	vlt.s32 v55, v2;
	[tilespmem:v27+s1+$0x0] =	vst.idx.add.f32.msk $0xffff, v3  }
0x479: {  	v11 =	vcvt.f32.s32 v11;
	vm5 =	vlt.s32 v20, v2;
	vm0 =	vlt.s32 v31, v2;
	[tilespmem:v24+s1+$0x0] =	vst.idx.add.f32.msk $0xffff, v3  }
0x47a: {  	vm3 =	vlt.s32 v28, v2;
	v9 =	vcvt.f32.s32 v30;
	v30 =	vsel vm1, v55, v2;
	v58 =	vld [tilespmem:s6+$0xFFFFFFF0]  }
0x47b: {  	v29 =	vcvt.f32.s32 v52;
	v56 =	vsel vm3, v28, v2;
	vm6 =	vlt.s32 v22, v2;
	[tilespmem:v25+s1+$0x0] =	vst.idx.add.f32.msk $0xffff, v3  }
0x47c: {  	v27 =	vcvt.f32.s32 v53;
	vm12 =	vlt.s32 v10, v2;
	vm4 =	vlt.s32 v11, v2;
	[tilespmem:v33+s1+$0x0] =	vst.idx.add.f32.msk $0xffff, v3  }
0x47d: {  	v28 =	vsel vm5, v20, v2;
	vm3 =	vlt.s32 v8, v2;
	vm2 =	vlt.s32 v29, v2;
	v25 =	vld [tilespmem:s6+$0xFFFFFFD0]  }
0x47e: {  	vm5 =	vlt.s32 v9, v2;
	[tilespmem:v18+s1+$0x0] =	vst.idx.add.f32.msk $0xffff, v3;
	v18 =	vsel vm0, v31, v2  }
0x47f: {  	v59 =	vld [tilespmem:s6+$0x0];
	vm0 =	vlt.s32 v27, v2;
	v24 =	vsel vm2, v29, v2;
	v29 =	vsel vm6, v22, v2  }
0x480: {  	v31 =	vsel vm0, v27, v2;
	v19 =	vand.u32 $0xFFFF0000, v23;
	v20 =	vshll.u32 v23, $0x10;
	v23 =	vld [tilespmem:s6+$0x10]  }
0x481: {  	v61 =	vld [tilespmem:s6+$0x20];
	v19 =	vmul.f32 v19, v6;
	v20 =	vmul.f32 v20, v6;
	v62 =	vand.u32 $0xFFFF0000, v26  }
0x482: {  	[tilespmem:v57+s1+$0x0] =	vst.idx.add.f32.msk $0xffff, v4;
	v63 =	vshll.u32 v26, $0x10;
	v27 =	vand.u32 $0xFFFF0000, v58;
	v32 =	vshll.u32 v58, $0x10  }
0x483: {  	v35 =	vmul.f32 v62, v6;
	v36 =	vmul.f32 v63, v6;
	v22 =	vand.u32 $0xFFFF0000, v25;
	[tilespmem:v18+s1+$0x0] =	vst.idx.add.f32.msk $0xffff, v4  }
0x484: {  	v60 =	vshll.u32 v25, $0x10;
	v33 =	vand.u32 $0xFFFF0000, v59;
	v25 =	vmul.f32 v22, v6;
	[tilespmem:v24+s1+$0x0] =	vst.idx.add.f32.msk $0xffff, v4  }
0x485: {  	v26 =	vmul.f32 v60, v6;
	v18 =	vshll.u32 v59, $0x10;
	[tilespmem:v21+s1+$0x0] =	vst.idx.add.f32.msk $0xffff, v4;
	v22 =	vand.u32 $0xFFFF0000, v23  }
0x486: {  	s7 =	simm.s32 $0x10;
	s8 =	simm.s32 $0x182C0;
	v21 =	vshll.u32 v23, $0x10;
	[tilespmem:v56+s1+$0x0] =	vst.idx.add.f32.msk $0xffff, v4;
	v24 =	vand.u32 $0xFFFF0000, v61;
	v23 =	vshll.u32 v61, $0x10  }
.LBB2_13:
0x487: {  	v34 =	vimm.s32 $0x0  }
0x488: {  	v59 =	vimm.s32 $0x0;
	v39 =	vmul.f32 v27, v6;
	v40 =	vmul.f32 v32, v6  }
0x489: {  	v60 =	vimm.s32 $0x0;
	v42 =	vmul.f32 v33, v6;
	v33 =	vmul.f32 v18, v6  }
0x48a: {  	v32 =	vmul.f32 v21, v6;
	v27 =	vmul.f32 v24, v6;
	v38 =	vadd.f32 v19, v7  }
0x48b: {  	v34 =	vsel vm4, $0xFFFFFFFF, v34;
	v19 =	vadd.f32 v20, v7;
	v20 =	vadd.f32 v25, v7  }
0x48c: {  	v21 =	vadd.f32 v26, v7;
	v26 =	vmul.f32 v23, v6;
	v24 =	vadd.f32 v35, v7  }
0x48d: {  	v37 =	vld [tilespmem:s8+$0x30];
	vm4 =	vmmov vm12;
	v25 =	vadd.f32 v39, v7;
	v23 =	vadd.f32 v40, v7  }
0x48e: {  	v41 =	vld [tilespmem:s8+$0xFFFFFFD0];
	[tilespmem:$0x1FF70] =	vst v34;
	v34 =	vsel vm3, $0xFFFFFFFF, v59;
	v42 =	vadd.f32 v42, v7;
	v33 =	vadd.f32 v33, v7  }
0x48f: {  	v43 =	vld [tilespmem:s8+$0xFFFFFFE0];
	v27 =	vadd.f32 v27, v7;
	v18 =	vtrunc.f32 v38;
	v19 =	vtrunc.f32 v19  }
0x490: {  	v44 =	vld [tilespmem:s8+$0xFFFFFFF0];
	[tilespmem:$0x1FF80] =	vst v34;
	v34 =	vsel vm5, $0xFFFFFFFF, v60;
	v20 =	vtrunc.f32 v20;
	v21 =	vtrunc.f32 v21  }
0x491: {  	v45 =	vld [tilespmem:s8+$0x0];
	v32 =	vadd.f32 v32, v7;
	v24 =	vtrunc.f32 v24;
	[tilespmem:$0x1FF90] =	vst v34;
	v34 =	vmul.f32 v22, v6  }
0x492: {  	v49 =	vld [tilespmem:s8+$0xFFFFFFC0];
	vm3 =	vmmov vm11;
	v27 =	vtrunc.f32 v27;
	v18 =	vcvt.f32.s32 v18  }
0x493: {  	v22 =	vadd.f32 v36, v7;
	v20 =	vcvt.f32.s32 v20;
	v21 =	vcvt.f32.s32 v21  }
0x494: {  	v61 =	vld [tilespmem:s8+$0x10];
	v24 =	vcvt.f32.s32 v24;
	v62 =	vand.u32 $0xFFFF0000, v37;
	v63 =	vand.u32 $0xFFFF0000, v41  }
0x495: {  	v48 =	vld [tilespmem:s8+$0x20];
	v37 =	vshll.u32 v37, $0x10;
	v41 =	vshll.u32 v41, $0x10;
	v46 =	vand.u32 $0xFFFF0000, v43  }
0x496: {  	[tilespmem:v31+s1+$0x0] =	vst.idx.add.f32.msk $0xffff, v4;
	v43 =	vshll.u32 v43, $0x10;
	v47 =	vand.u32 $0xFFFF0000, v44;
	v31 =	vshll.u32 v44, $0x10  }
0x497: {  	[tilespmem:v29+s1+$0x0] =	vst.idx.add.f32.msk $0xffff, v4;
	v50 =	vand.u32 $0xFFFF0000, v45;
	v29 =	vand.u32 $0xFFFF0000, v49;
	v36 =	vmul.f32 v62, v6  }
0x498: {  	[tilespmem:v17+s1+$0x0] =	vst.idx.add.f32.msk $0xffff, v4;
	v54 =	vshll.u32 v49, $0x10;
	v37 =	vmul.f32 v37, v6;
	v17 =	vmul.f32 v29, v6  }
0x499: {  	[tilespmem:v30+s1+$0x0] =	vst.idx.add.f32.msk $0xffff, v4;
	v30 =	vshll.u32 v45, $0x10;
	v55 =	vmul.f32 v54, v6;
	v56 =	vmul.f32 v63, v6  }
0x49a: {  	v51 =	vand.u32 $0xFFFF0000, v61;
	v57 =	vmul.f32 v41, v6;
	v58 =	vmul.f32 v46, v6  }
0x49b: {  	[tilespmem:v28+s1+$0x0] =	vst.idx.add.f32.msk $0xffff, v4;
	v28 =	vshll.u32 v61, $0x10;
	v59 =	vmul.f32 v43, v6;
	v60 =	vmul.f32 v47, v6  }
0x49c: {  	[tilespmem:v16+s1+$0x0] =	vst.idx.add.f32.msk $0xffff, v4;
	v16 =	vand.u32 $0xFFFF0000, v48;
	v31 =	vmul.f32 v31, v6;
	v44 =	vmul.f32 v50, v6  }
0x49d: {  	v39 =	vshll.u32 v48, $0x10;
	v30 =	vmul.f32 v30, v6;
	v45 =	vmul.f32 v51, v6  }
0x49e: {  	v28 =	vmul.f32 v28, v6;
	v36 =	vadd.f32 v36, v7;
	v37 =	vadd.f32 v37, v7  }
0x49f: {  	v16 =	vmul.f32 v16, v6;
	v17 =	vadd.f32 v17, v7;
	v35 =	vadd.f32 v55, v7  }
0x4a0: {  	v62 =	vmul.f32 v39, v6;
	v46 =	vadd.f32 v59, v7;
	v47 =	vadd.f32 v60, v7  }
0x4a1: {  	v31 =	vadd.f32 v31, v7;
	v48 =	vadd.f32 v44, v7;
	v36 =	vtrunc.f32 v36  }
0x4a2: {  	v30 =	vadd.f32 v30, v7;
	v53 =	vtrunc.f32 v37;
	v17 =	vtrunc.f32 v17  }
0x4a3: {  	[tilespmem:v15+s1+$0x0] =	vst.idx.add.f32.msk $0xffff, v4;
	v28 =	vadd.f32 v28, v7;
	v15 =	vtrunc.f32 v35;
	v40 =	vtrunc.f32 v46  }
0x4a4: {  	v16 =	vadd.f32 v16, v7;
	v41 =	vtrunc.f32 v47;
	v31 =	vtrunc.f32 v31  }
0x4a5: {  	v26 =	vadd.f32 v26, v7;
	v35 =	vtrunc.f32 v48;
	v30 =	vtrunc.f32 v30  }
0x4a6: {  	v34 =	vadd.f32 v34, v7;
	v28 =	vtrunc.f32 v28;
	v16 =	vtrunc.f32 v16  }
0x4a7: {  	v49 =	vadd.f32 v45, v7;
	v52 =	vcvt.f32.s32 v36;
	v36 =	vcvt.f32.s32 v53  }
0x4a8: {  	v37 =	vadd.f32 v56, v7;
	v17 =	vcvt.f32.s32 v17;
	v15 =	vcvt.f32.s32 v15  }
0x4a9: {  	v40 =	vcvt.f32.s32 v40;
	v41 =	vcvt.f32.s32 v41;
	vm5 =	vlt.s32 v52, v2  }
0x4aa: {  	v31 =	vcvt.f32.s32 v31;
	v29 =	vsel vm5, v52, v2;
	vm5 =	vlt.s32 v36, v2  }
0x4ab: {  	v35 =	vcvt.f32.s32 v35;
	v30 =	vcvt.f32.s32 v30;
	v36 =	vsel vm5, v36, v2  }
0x4ac: {  	v61 =	vadd.f32 v58, v7;
	v28 =	vcvt.f32.s32 v28;
	v16 =	vcvt.f32.s32 v16  }
0x4ad: {  	[tilespmem:v13+s1+$0x0] =	vst.idx.add.f32.msk $0xffff, v4;
	v50 =	vadd.f32 v62, v7;
	v13 =	vtrunc.f32 v37;
	v37 =	vtrunc.f32 v49  }
0x4ae: {  	vm6 =	vlt.s32 v15, v2;
	vm10 =	vlt.s32 v40, v2;
	vm11 =	vlt.s32 v41, v2  }
0x4af: {  	v13 =	vcvt.f32.s32 v13;
	vm12 =	vlt.s32 v31, v2;
	vm13 =	vlt.s32 v35, v2;
	[tilespmem:v29+s1+$0x0] =	vst.idx.add.f32.msk $0xffff, v3  }
0x4b0: {  	s6 =	sadd.s32 $0x80, s6;
	v37 =	vcvt.f32.s32 v37;
	vm14 =	vlt.s32 v30, v2;
	vm0 =	vlt.s32 v28, v2;
	[tilespmem:v36+s1+$0x0] =	vst.idx.add.f32.msk $0xffff, v3  }
0x4b1: {  	vm1 =	vlt.s32 v16, v2;
	v15 =	vsel vm6, v15, v2;
	v53 =	vsel vm11, v41, v2;
	v63 =	vld [tilespmem:s6+$0x30]  }
0x4b2: {  	v52 =	vsel vm10, v40, v2;
	v35 =	vsel vm13, v35, v2;
	v29 =	vadd.f32 v57, v7  }
0x4b3: {  	v31 =	vsel vm12, v31, v2;
	v30 =	vsel vm14, v30, v2;
	v54 =	vsel vm1, v16, v2  }
0x4b4: {  	[tilespmem:v14+s1+$0x0] =	vst.idx.add.f32.msk $0xffff, v4;
	v28 =	vsel vm0, v28, v2;
	v14 =	vtrunc.f32 v29;
	v29 =	vtrunc.f32 v61  }
0x4b5: {  	v16 =	vsel vm3, v12, v2;
	vm7 =	vlt.s32 v13, v2;
	v29 =	vcvt.f32.s32 v29  }
0x4b6: {  	v12 =	vtrunc.f32 v22;
	v13 =	vsel vm7, v13, v2;
	[tilespmem:v53+s1+$0x0] =	vst.idx.add.f32.msk $0xffff, v3;
	v51 =	vand.u32 $0xFFFF0000, v63  }
0x4b7: {  	[tilespmem:v35+s1+$0x0] =	vst.idx.add.f32.msk $0xffff, v3;
	vm9 =	vlt.s32 v29, v2;
	v39 =	vshll.u32 v63, $0x10;
	v38 =	vmul.f32 v51, v6  }
0x4b8: {  	v22 =	vtrunc.f32 v25;
	[tilespmem:v54+s1+$0x0] =	vst.idx.add.f32.msk $0xffff, v3;
	v29 =	vsel vm9, v29, v2;
	v39 =	vmul.f32 v39, v6  }
0x4b9: {  	vm6 =	vlt.s32 v20, v2;
	v36 =	vtrunc.f32 v50;
	[tilespmem:v31+s1+$0x0] =	vst.idx.add.f32.msk $0xffff, v3;
	v38 =	vadd.f32 v38, v7  }
0x4ba: {  	vm1 =	vlt.s32 v21, v2;
	[tilespmem:v30+s1+$0x0] =	vst.idx.add.f32.msk $0xffff, v3;
	v36 =	vcvt.f32.s32 v36;
	v39 =	vadd.f32 v39, v7  }
0x4bb: {  	vm15 =	vlt.s32 v37, v2;
	[tilespmem:v13+s1+$0x0] =	vst.idx.add.f32.msk $0xffff, v3;
	v14 =	vcvt.f32.s32 v14;
	v38 =	vtrunc.f32 v38  }
0x4bc: {  	v13 =	vld [tilespmem:$0x1FF70];
	vm2 =	vlt.s32 v36, v2;
	v39 =	vtrunc.f32 v39;
	v38 =	vcvt.f32.s32 v38  }
0x4bd: {  	vm8 =	vlt.s32 v14, v2;
	v36 =	vsel vm2, v36, v2;
	[tilespmem:v29+s1+$0x0] =	vst.idx.add.f32.msk $0xffff, v3;
	v39 =	vcvt.f32.s32 v39  }
0x4be: {  	v22 =	vcvt.f32.s32 v22;
	v14 =	vsel vm8, v14, v2;
	[tilespmem:v52+s1+$0x0] =	vst.idx.add.f32.msk $0xffff, v3;
	vm5 =	vlt.s32 v38, v2  }
0x4bf: {  	v58 =	vsel vm6, v20, v2;
	v55 =	vld [tilespmem:s6+$0xFFFFFFE0];
	v38 =	vsel vm5, v38, v2;
	vm5 =	vlt.s32 v39, v2  }
0x4c0: {  	v59 =	vsel vm1, v21, v2;
	v21 =	vld [tilespmem:s6+$0x0];
	v39 =	vsel vm5, v39, v2;
	vm5 =	vlt.s32 v17, v2  }
0x4c1: {  	v37 =	vsel vm15, v37, v2;
	vm0 =	vnez.u8 v13;
	v13 =	vld [tilespmem:$0x1FF80];
	v17 =	vsel vm5, v17, v2  }
0x4c2: {  	v19 =	vcvt.f32.s32 v19;
	vm2 =	vlt.s32 v24, v2;
	vm8 =	vlt.s32 v22, v2;
	[tilespmem:v36+s1+$0x0] =	vst.idx.add.f32.msk $0xffff, v3  }
0x4c3: {  	v25 =	vtrunc.f32 v34;
	v60 =	vsel vm2, v24, v2;
	v30 =	vsel vm8, v22, v2;
	[tilespmem:v14+s1+$0x0] =	vst.idx.add.f32.msk $0xffff, v3  }
0x4c4: {  	v14 =	vld [tilespmem:$0x1FF90];
	vm5 =	vlt.s32 v19, v2;
	v62 =	vand.u32 $0xFFFF0000, v55;
	v63 =	vshll.u32 v55, $0x10  }
0x4c5: {  	v57 =	vld [tilespmem:s6+$0xFFFFFFF0];
	v56 =	vsel vm5, v19, v2;
	v35 =	vmul.f32 v62, v6;
	v36 =	vmul.f32 v63, v6  }
0x4c6: {  	[tilespmem:v17+s1+$0x0] =	vst.idx.add.f32.msk $0xffff, v3;
	v17 =	vsel vm4, v10, v2;
	v10 =	vtrunc.f32 v23;
	v23 =	vtrunc.f32 v42  }
0x4c7: {  	[tilespmem:v15+s1+$0x0] =	vst.idx.add.f32.msk $0xffff, v3;
	v15 =	vsel vm0, v11, v2;
	v11 =	vtrunc.f32 v33;
	v29 =	vcvt.f32.s32 v10  }
0x4c8: {  	vm0 =	vnez.u8 v13;
	v23 =	vcvt.f32.s32 v23;
	v10 =	vcvt.f32.s32 v25  }
0x4c9: {  	[tilespmem:v37+s1+$0x0] =	vst.idx.add.f32.msk $0xffff, v3;
	v33 =	vand.u32 $0xFFFF0000, v21;
	v13 =	vsel vm0, v8, v2;
	vm0 =	vnez.u8 v14  }
0x4ca: {  	[tilespmem:v28+s1+$0x0] =	vst.idx.add.f32.msk $0xffff, v3;
	v8 =	vtrunc.f32 v32;
	v14 =	vsel vm0, v9, v2;
	v9 =	vtrunc.f32 v26  }
0x4cb: {  	[tilespmem:v60+s1+$0x0] =	vst.idx.add.f32.msk $0xffff, v4;
	v32 =	vshll.u32 v57, $0x10;
	v26 =	vcvt.f32.s32 v12;
	v12 =	vcvt.f32.s32 v11  }
0x4cc: {  	v25 =	vld [tilespmem:s6+$0xFFFFFFC0];
	vm0 =	vlt.s32 v18, v2;
	v11 =	vcvt.f32.s32 v8;
	v8 =	vcvt.f32.s32 v27  }
0x4cd: {  	vm9 =	vlt.s32 v29, v2;
	vm10 =	vlt.s32 v23, v2;
	v27 =	vld [tilespmem:s6+$0xFFFFFFD0];
	vm12 =	vlt.s32 v10, v2  }
0x4ce: {  	[tilespmem:v38+s1+$0x0] =	vst.idx.add.f32.msk $0xffff, v4;
	v9 =	vcvt.f32.s32 v9;
	v18 =	vsel vm0, v18, v2;
	v28 =	vsel vm9, v29, v2  }
0x4cf: {  	s7 =	sadd.s32 $0x8, s7;
	v24 =	vld [tilespmem:s6+$0x10];
	v29 =	vsel vm10, v23, v2;
	vm7 =	vlt.s32 v26, v2;
	vm11 =	vlt.s32 v12, v2  }
0x4d0: {  	p0 =	slt.u32 s7, $0xF8;
	v61 =	vld [tilespmem:s6+$0x20];
	vm4 =	vlt.s32 v11, v2;
	vm3 =	vlt.s32 v8, v2;
	vm5 =	vlt.s32 v9, v2  }
.Ltmp5:
0x4d1: {  	[tilespmem:v39+s1+$0x0] =	vst.idx.add.f32.msk $0xffff, v4;
	v31 =	vsel vm7, v26, v2;
	v19 =	vand.u32 $0xFFFF0000, v25;
	v20 =	vshll.u32 v25, $0x10;
	(pc) =	sbr.rel @p0 .LBB2_13-.Ltmp5, $4  }
0x4d2: {  	[tilespmem:v58+s1+$0x0] =	vst.idx.add.f32.msk $0xffff, v4;
	v19 =	vmul.f32 v19, v6;
	v22 =	vand.u32 $0xFFFF0000, v27;
	v23 =	vshll.u32 v27, $0x10  }
0x4d3: {  	[tilespmem:v59+s1+$0x0] =	vst.idx.add.f32.msk $0xffff, v4;
	v20 =	vmul.f32 v20, v6;
	v27 =	vand.u32 $0xFFFF0000, v57;
	v25 =	vmul.f32 v22, v6  }
0x4d4: {  	[tilespmem:v18+s1+$0x0] =	vst.idx.add.f32.msk $0xffff, v4;
	v26 =	vmul.f32 v23, v6;
	v18 =	vshll.u32 v21, $0x10;
	v22 =	vand.u32 $0xFFFF0000, v24  }
0x4d5: {  	s8 =	sadd.s32 $0x80, s8;
	v21 =	vshll.u32 v24, $0x10;
	v24 =	vand.u32 $0xFFFF0000, v61;
	v23 =	vshll.u32 v61, $0x10;
	[tilespmem:v56+s1+$0x0] =	vst.idx.add.f32.msk $0xffff, v4  }
0x4d6: {  	_ = 	snop  }
0x4d7: {  	v19 =	vadd.f32 v19, v7;
	v27 =	vmul.f32 v27, v6  }
0x4d8: {  	v32 =	vmul.f32 v32, v6;
	v20 =	vadd.f32 v20, v7;
	v25 =	vadd.f32 v25, v7  }
0x4d9: {  	v33 =	vmul.f32 v33, v6;
	v26 =	vadd.f32 v26, v7;
	v34 =	vadd.f32 v35, v7  }
0x4da: {  	v42 =	vadd.f32 v36, v7;
	[tilespmem:v13+s1+$0x0] =	vst.idx.add.f32.msk $0xffff, v4;
	v13 =	vmul.f32 v18, v6  }
0x4db: {  	v18 =	vmul.f32 v22, v6;
	v12 =	vsel vm11, v12, v2;
	v10 =	vsel vm12, v10, v2  }
0x4dc: {  	v11 =	vsel vm4, v11, v2;
	v8 =	vsel vm3, v8, v2;
	v9 =	vsel vm5, v9, v2  }
0x4dd: {  	[tilespmem:v14+s1+$0x0] =	vst.idx.add.f32.msk $0xffff, v4;
	v14 =	vmul.f32 v21, v6;
	v21 =	vmul.f32 v24, v6  }
0x4de: {  	v19 =	vtrunc.f32 v19;
	v20 =	vtrunc.f32 v20;
	v27 =	vadd.f32 v27, v7  }
0x4df: {  	[tilespmem:v31+s1+$0x0] =	vst.idx.add.f32.msk $0xffff, v4;
	v25 =	vtrunc.f32 v25;
	v26 =	vtrunc.f32 v26;
	v32 =	vadd.f32 v32, v7  }
0x4e0: {  	[tilespmem:v30+s1+$0x0] =	vst.idx.add.f32.msk $0xffff, v4;
	v31 =	vtrunc.f32 v34;
	v43 =	vtrunc.f32 v42;
	v30 =	vadd.f32 v33, v7  }
0x4e1: {  	[tilespmem:v29+s1+$0x0] =	vst.idx.add.f32.msk $0xffff, v4;
	v13 =	vadd.f32 v13, v7;
	v19 =	vcvt.f32.s32 v19;
	v20 =	vcvt.f32.s32 v20  }
0x4e2: {  	[tilespmem:v16+s1+$0x0] =	vst.idx.add.f32.msk $0xffff, v4;
	v18 =	vadd.f32 v18, v7;
	v25 =	vcvt.f32.s32 v25;
	v16 =	vcvt.f32.s32 v26  }
0x4e3: {  	[tilespmem:v17+s1+$0x0] =	vst.idx.add.f32.msk $0xffff, v4;
	v26 =	vcvt.f32.s32 v31;
	v17 =	vcvt.f32.s32 v43;
	vm0 =	vlt.s32 v19, v2  }
0x4e4: {  	v14 =	vadd.f32 v14, v7;
	vm1 =	vlt.s32 v20, v2;
	v19 =	vsel vm0, v19, v2  }
0x4e5: {  	[tilespmem:v28+s1+$0x0] =	vst.idx.add.f32.msk $0xffff, v4;
	v27 =	vtrunc.f32 v27;
	vm0 =	vlt.s32 v25, v2;
	v20 =	vsel vm1, v20, v2  }
0x4e6: {  	[tilespmem:v15+s1+$0x0] =	vst.idx.add.f32.msk $0xffff, v4;
	v28 =	vtrunc.f32 v32;
	vm1 =	vlt.s32 v16, v2;
	v25 =	vsel vm0, v25, v2  }
0x4e7: {  	v27 =	vcvt.f32.s32 v27;
	[tilespmem:v12+s1+$0x0] =	vst.idx.add.f32.msk $0xffff, v4;
	vm0 =	vlt.s32 v26, v2;
	v16 =	vsel vm1, v16, v2  }
0x4e8: {  	v15 =	vcvt.f32.s32 v28;
	[tilespmem:v10+s1+$0x0] =	vst.idx.add.f32.msk $0xffff, v4;
	vm1 =	vlt.s32 v17, v2;
	v26 =	vsel vm0, v26, v2  }
0x4e9: {  	v29 =	vtrunc.f32 v30;
	vm0 =	vlt.s32 v27, v2;
	v17 =	vsel vm1, v17, v2;
	[tilespmem:v19+s1+$0x0] =	vst.idx.add.f32.msk $0xffff, v4  }
0x4ea: {  	v28 =	vcvt.f32.s32 v29;
	vm1 =	vlt.s32 v15, v2;
	v27 =	vsel vm0, v27, v2;
	[tilespmem:v20+s1+$0x0] =	vst.idx.add.f32.msk $0xffff, v4  }
0x4eb: {  	v13 =	vtrunc.f32 v13;
	v14 =	vtrunc.f32 v14;
	v15 =	vsel vm1, v15, v2;
	[tilespmem:v25+s1+$0x0] =	vst.idx.add.f32.msk $0xffff, v4  }
0x4ec: {  	v13 =	vcvt.f32.s32 v13;
	vm0 =	vlt.s32 v28, v2;
	v19 =	vmul.f32 v23, v6;
	[tilespmem:v16+s1+$0x0] =	vst.idx.add.f32.msk $0xffff, v4  }
0x4ed: {  	v28 =	vsel vm0, v28, v2;
	v20 =	vadd.f32 v21, v7;
	[tilespmem:v26+s1+$0x0] =	vst.idx.add.f32.msk $0xffff, v4;
	v16 =	vtrunc.f32 v18  }
0x4ee: {  	vm0 =	vlt.s32 v13, v2;
	v19 =	vadd.f32 v19, v7;
	[tilespmem:v17+s1+$0x0] =	vst.idx.add.f32.msk $0xffff, v4;
	v16 =	vcvt.f32.s32 v16  }
0x4ef: {  	v14 =	vcvt.f32.s32 v14;
	v12 =	vsel vm0, v13, v2;
	[tilespmem:v27+s1+$0x0] =	vst.idx.add.f32.msk $0xffff, v4;
	v17 =	vtrunc.f32 v20  }
0x4f0: {  	[tilespmem:v15+s1+$0x0] =	vst.idx.add.f32.msk $0xffff, v4;
	v15 =	vtrunc.f32 v19;
	v17 =	vcvt.f32.s32 v17;
	vm1 =	vlt.s32 v16, v2  }
0x4f1: {  	[tilespmem:v8+s1+$0x0] =	vst.idx.add.f32.msk $0xffff, v4;
	vm0 =	vlt.s32 v14, v2;
	v13 =	vcvt.f32.s32 v15;
	v10 =	vsel vm1, v16, v2  }
0x4f2: {  	[tilespmem:v11+s1+$0x0] =	vst.idx.add.f32.msk $0xffff, v4;
	v11 =	vsel vm0, v14, v2;
	vm1 =	vlt.s32 v17, v2  }
0x4f3: {  	[tilespmem:v9+s1+$0x0] =	vst.idx.add.f32.msk $0xffff, v4;
	vm0 =	vlt.s32 v13, v2;
	v8 =	vsel vm1, v17, v2  }
0x4f4: {  	[tilespmem:v28+s1+$0x0] =	vst.idx.add.f32.msk $0xffff, v4;
	v9 =	vsel vm0, v13, v2  }
0x4f5: {  	[tilespmem:v12+s1+$0x0] =	vst.idx.add.f32.msk $0xffff, v4  }
0x4f6: {  	p0 =	seq.s32 s25, $0x7;
	[tilespmem:v10+s1+$0x0] =	vst.idx.add.f32.msk $0xffff, v4  }
0x4f7: {  	s4 =	sadd.s32 @!p0 s17, s4;
	[tilespmem:v11+s1+$0x0] =	vst.idx.add.f32.msk $0xffff, v4  }
0x4f8: {  	s7 =	simm.s32 @!p0 $0x80;
	s4 =	sshrl.u32 @!p0 s4, $0x3;
	[tilespmem:v8+s1+$0x0] =	vst.idx.add.f32.msk $0xffff, v4  }
0x4f9: {  	s8 =	simm.s32 @!p0 $0x400;
	s9 =	simm.s32 @!p0 $0x18100;
	s6 =	sadd.s32 @!p0 s3, s4;
	[tilespmem:v9+s1+$0x0] =	vst.idx.add.f32.msk $0xffff, v4  }
0x4fa: {  	[tilespmem:s9], [sflag:$0x1] =	stream.strided.gather @!p0 [hbm4b:s6+s7], $0x1000, s8, s7, $0x38;
	[tilespmem:$0x1C200] =	vst v63  }
0x4fb: {  	s4 =	sadd.s32 @!p0 s2, s4;
	s6 =	simm.s32 @!p0 $0x1A100  }
0x4fc: {  	[tilespmem:s6], [sflag:$0x3] =	stream.strided.gather @!p0 [hbm4b:s4+s7], $0x1000, s8, s7, $0x38;
	[tilespmem:$0x1C200] =	vst v63  }
0x4fd: {  	_ =	swait.ge [sflag:s31], $0x1000  }
0x4fe: {  	[sflag:s31] =	ssyncset.done $0x0  }
0x4ff: {  	[sflag:s31] =	ssyncadd.s32 $0xFFFFF000  }
0x500: {  	_ =	swait.ge [sflag:s0], $0x1000  }
0x501: {  	[sflag:s0] =	ssyncset.done $0x0  }
0x502: {  	s6 =	simm.s32 $0x19170;
	[sflag:s0] =	ssyncadd.s32 $0xFFFFF000  }
0x503: {  	v8 =	vld [tilespmem:s6+$0x0]  }
0x504: {  	v9 =	vld [tilespmem:s6+$0xFFFFFFA0]  }
0x505: {  	v10 =	vld [tilespmem:s6+$0xFFFFFFB0]  }
0x506: {  	v11 =	vld [tilespmem:s6+$0xFFFFFFC0]  }
0x507: {  	v12 =	vld [tilespmem:s6+$0xFFFFFFD0]  }
0x508: {  	v13 =	vld [tilespmem:s6+$0xFFFFFFE0]  }
0x509: {  	v16 =	vld [tilespmem:s6+$0xFFFFFF90]  }
0x50a: {  	v18 =	vld [tilespmem:s6+$0xFFFFFFF0];
	v14 =	vand.u32 $0xFFFF0000, v8;
	v15 =	vand.u32 $0xFFFF0000, v9;
	v8 =	vshll.u32 v8, $0x10  }
0x50b: {  	s8 =	simm.s32 $0x191F0;
	v9 =	vshll.u32 v9, $0x10;
	v17 =	vand.u32 $0xFFFF0000, v10;
	v10 =	vshll.u32 v10, $0x10  }
0x50c: {  	v29 =	vld [tilespmem:s8+$0xFFFFFFB0];
	v19 =	vand.u32 $0xFFFF0000, v11;
	v11 =	vshll.u32 v11, $0x10;
	v20 =	vand.u32 $0xFFFF0000, v12  }
0x50d: {  	v12 =	vshll.u32 v12, $0x10;
	v21 =	vand.u32 $0xFFFF0000, v13;
	v13 =	vshll.u32 v13, $0x10  }
0x50e: {  	v31 =	vld [tilespmem:s8+$0xFFFFFFD0];
	v22 =	vand.u32 $0xFFFF0000, v16;
	v16 =	vshll.u32 v16, $0x10;
	v14 =	vmul.f32 v14, v6  }
0x50f: {  	v23 =	vand.u32 $0xFFFF0000, v18;
	v8 =	vmul.f32 v8, v6;
	v22 =	vmul.f32 v22, v6  }
0x510: {  	v44 =	vld [tilespmem:s8+$0xFFFFFF90];
	v18 =	vshll.u32 v18, $0x10;
	v16 =	vmul.f32 v16, v6;
	v15 =	vmul.f32 v15, v6  }
0x511: {  	v45 =	vand.u32 $0xFFFF0000, v29;
	v9 =	vmul.f32 v9, v6;
	v17 =	vmul.f32 v17, v6  }
0x512: {  	v38 =	vld [tilespmem:s8+$0xFFFFFFF0];
	v29 =	vshll.u32 v29, $0x10;
	v10 =	vmul.f32 v10, v6;
	v19 =	vmul.f32 v19, v6  }
0x513: {  	v47 =	vand.u32 $0xFFFF0000, v31;
	v11 =	vmul.f32 v11, v6;
	v20 =	vmul.f32 v20, v6  }
0x514: {  	v31 =	vshll.u32 v31, $0x10;
	v12 =	vmul.f32 v12, v6;
	v21 =	vmul.f32 v21, v6  }
0x515: {  	v37 =	vand.u32 $0xFFFF0000, v44;
	v13 =	vmul.f32 v13, v6;
	v23 =	vmul.f32 v23, v6  }
0x516: {  	v32 =	vshll.u32 v44, $0x10;
	v18 =	vmul.f32 v18, v6;
	v37 =	vmul.f32 v37, v6  }
0x517: {  	v39 =	vand.u32 $0xFFFF0000, v38;
	v32 =	vmul.f32 v32, v6;
	v33 =	vmul.f32 v45, v6  }
0x518: {  	v29 =	vmul.f32 v29, v6;
	v14 =	vadd.f32 v14, v7;
	v8 =	vadd.f32 v8, v7  }
0x519: {  	v35 =	vmul.f32 v47, v6;
	v22 =	vadd.f32 v22, v7;
	v16 =	vadd.f32 v16, v7  }
0x51a: {  	v31 =	vmul.f32 v31, v6;
	v15 =	vadd.f32 v15, v7;
	v9 =	vadd.f32 v9, v7  }
0x51b: {  	v49 =	vmul.f32 v39, v6;
	v17 =	vadd.f32 v17, v7;
	v10 =	vadd.f32 v10, v7  }
0x51c: {  	v19 =	vadd.f32 v19, v7;
	v11 =	vadd.f32 v11, v7;
	v14 =	vtrunc.f32 v14  }
0x51d: {  	v20 =	vadd.f32 v20, v7;
	v8 =	vtrunc.f32 v8;
	v22 =	vtrunc.f32 v22  }
0x51e: {  	v12 =	vadd.f32 v12, v7;
	v16 =	vtrunc.f32 v16;
	v15 =	vtrunc.f32 v15  }
0x51f: {  	v21 =	vadd.f32 v21, v7;
	v9 =	vtrunc.f32 v9;
	v17 =	vtrunc.f32 v17  }
0x520: {  	v13 =	vadd.f32 v13, v7;
	v10 =	vtrunc.f32 v10;
	v14 =	vcvt.f32.s32 v14  }
0x521: {  	v23 =	vadd.f32 v23, v7;
	v19 =	vtrunc.f32 v19;
	v8 =	vcvt.f32.s32 v8  }
0x522: {  	v11 =	vtrunc.f32 v11;
	v20 =	vtrunc.f32 v20;
	vm0 =	vlt.s32 v14, v2  }
0x523: {  	v22 =	vcvt.f32.s32 v22;
	v14 =	vsel vm0, v14, v2;
	vm0 =	vlt.s32 v8, v2  }
0x524: {  	v12 =	vtrunc.f32 v12;
	v16 =	vcvt.f32.s32 v16;
	v8 =	vsel vm0, v8, v2  }
0x525: {  	v21 =	vtrunc.f32 v21;
	v15 =	vcvt.f32.s32 v15;
	vm0 =	vlt.s32 v22, v2  }
0x526: {  	v9 =	vcvt.f32.s32 v9;
	vm1 =	vlt.s32 v16, v2;
	v22 =	vsel vm0, v22, v2  }
0x527: {  	v17 =	vcvt.f32.s32 v17;
	v16 =	vsel vm1, v16, v2;
	vm0 =	vlt.s32 v15, v2  }
0x528: {  	v10 =	vcvt.f32.s32 v10;
	vm1 =	vlt.s32 v9, v2;
	[tilespmem:v14+s1+$0x0] =	vst.idx.add.f32.msk $0xffff, v3;
	v14 =	vsel vm0, v15, v2  }
0x529: {  	s7 =	simm.s32 $0x1B170;
	v9 =	vsel vm1, v9, v2;
	vm0 =	vlt.s32 v17, v2;
	[tilespmem:v8+s1+$0x0] =	vst.idx.add.f32.msk $0xffff, v3;
	v8 =	vcvt.f32.s32 v19  }
0x52a: {  	v11 =	vcvt.f32.s32 v11;
	vm1 =	vlt.s32 v10, v2;
	v17 =	vsel vm0, v17, v2;
	v15 =	vld [tilespmem:s7+$0x0]  }
0x52b: {  	v10 =	vsel vm1, v10, v2;
	v19 =	vcvt.f32.s32 v20;
	[tilespmem:v22+s1+$0x0] =	vst.idx.add.f32.msk $0xffff, v3;
	vm0 =	vlt.s32 v8, v2  }
0x52c: {  	v12 =	vcvt.f32.s32 v12;
	vm1 =	vlt.s32 v11, v2;
	[tilespmem:v16+s1+$0x0] =	vst.idx.add.f32.msk $0xffff, v3;
	v8 =	vsel vm0, v8, v2  }
0x52d: {  	v11 =	vsel vm1, v11, v2;
	v16 =	vcvt.f32.s32 v21;
	vm0 =	vlt.s32 v19, v2;
	[tilespmem:v14+s1+$0x0] =	vst.idx.add.f32.msk $0xffff, v3  }
0x52e: {  	v13 =	vtrunc.f32 v13;
	vm1 =	vlt.s32 v12, v2;
	v14 =	vsel vm0, v19, v2;
	[tilespmem:v9+s1+$0x0] =	vst.idx.add.f32.msk $0xffff, v3  }
0x52f: {  	v13 =	vcvt.f32.s32 v13;
	v12 =	vsel vm1, v12, v2;
	vm0 =	vlt.s32 v16, v2;
	[tilespmem:v17+s1+$0x0] =	vst.idx.add.f32.msk $0xffff, v3  }
0x530: {  	v18 =	vadd.f32 v18, v7;
	v16 =	vsel vm0, v16, v2;
	[tilespmem:v10+s1+$0x0] =	vst.idx.add.f32.msk $0xffff, v3  }
0x531: {  	v37 =	vadd.f32 v37, v7;
	v23 =	vtrunc.f32 v23;
	vm1 =	vlt.s32 v13, v2;
	[tilespmem:v8+s1+$0x0] =	vst.idx.add.f32.msk $0xffff, v3  }
0x532: {  	v32 =	vadd.f32 v32, v7;
	v13 =	vsel vm1, v13, v2;
	v9 =	vcvt.f32.s32 v23;
	[tilespmem:v11+s1+$0x0] =	vst.idx.add.f32.msk $0xffff, v3  }
0x533: {  	v29 =	vadd.f32 v29, v7;
	v35 =	vadd.f32 v35, v7;
	[tilespmem:v14+s1+$0x0] =	vst.idx.add.f32.msk $0xffff, v3  }
0x534: {  	v31 =	vadd.f32 v31, v7;
	v17 =	vtrunc.f32 v18;
	vm0 =	vlt.s32 v9, v2;
	[tilespmem:v12+s1+$0x0] =	vst.idx.add.f32.msk $0xffff, v3  }
0x535: {  	v37 =	vtrunc.f32 v37;
	v10 =	vcvt.f32.s32 v17;
	v8 =	vsel vm0, v9, v2;
	[tilespmem:v16+s1+$0x0] =	vst.idx.add.f32.msk $0xffff, v3  }
0x536: {  	v32 =	vtrunc.f32 v32;
	v29 =	vtrunc.f32 v29;
	v9 =	vand.u32 $0xFFFF0000, v15;
	v14 =	vld [tilespmem:s7+$0xFFFFFFC0]  }
0x537: {  	vm0 =	vlt.s32 v10, v2;
	v11 =	vshll.u32 v15, $0x10;
	v9 =	vmul.f32 v9, v6;
	[tilespmem:v13+s1+$0x0] =	vst.idx.add.f32.msk $0xffff, v3  }
0x538: {  	v35 =	vtrunc.f32 v35;
	v10 =	vsel vm0, v10, v2;
	v11 =	vmul.f32 v11, v6;
	v13 =	vld [tilespmem:s7+$0xFFFFFFB0]  }
0x539: {  	v31 =	vtrunc.f32 v31;
	v32 =	vcvt.f32.s32 v32;
	v9 =	vadd.f32 v9, v7;
	v15 =	vld [tilespmem:s7+$0xFFFFFFD0]  }
0x53a: {  	v29 =	vcvt.f32.s32 v29;
	v42 =	vcvt.f32.s32 v35;
	[tilespmem:v8+s1+$0x0] =	vst.idx.add.f32.msk $0xffff, v3;
	v8 =	vadd.f32 v11, v7  }
0x53b: {  	v43 =	vcvt.f32.s32 v31;
	v9 =	vtrunc.f32 v9  }
0x53c: {  	v11 =	vld [tilespmem:s7+$0xFFFFFF90];
	v9 =	vcvt.f32.s32 v9;
	v8 =	vtrunc.f32 v8  }
0x53d: {  	[tilespmem:v10+s1+$0x0] =	vst.idx.add.f32.msk $0xffff, v3;
	v20 =	vand.u32 $0xFFFF0000, v14;
	v14 =	vshll.u32 v14, $0x10;
	v12 =	vcvt.f32.s32 v8  }
0x53e: {  	v10 =	vld [tilespmem:s7+$0xFFFFFFA0];
	vm0 =	vlt.s32 v9, v2;
	v19 =	vand.u32 $0xFFFF0000, v13;
	v13 =	vshll.u32 v13, $0x10  }
0x53f: {  	v21 =	vand.u32 $0xFFFF0000, v15;
	v20 =	vmul.f32 v20, v6;
	v26 =	vmul.f32 v14, v6  }
0x540: {  	v15 =	vshll.u32 v15, $0x10;
	v19 =	vmul.f32 v19, v6;
	v23 =	vmul.f32 v13, v6  }
0x541: {  	v18 =	vld [tilespmem:s7+$0xFFFFFFF0];
	v8 =	vsel vm0, v9, v2;
	v21 =	vmul.f32 v21, v6;
	v28 =	vmul.f32 v15, v6  }
0x542: {  	vm0 =	vlt.s32 v12, v2;
	v16 =	vand.u32 $0xFFFF0000, v11;
	v11 =	vshll.u32 v11, $0x10  }
0x543: {  	v9 =	vsel vm0, v12, v2;
	v16 =	vmul.f32 v16, v6;
	v17 =	vand.u32 $0xFFFF0000, v10  }
0x544: {  	v10 =	vshll.u32 v10, $0x10;
	v11 =	vmul.f32 v11, v6;
	v40 =	vadd.f32 v21, v7  }
0x545: {  	v25 =	vld [tilespmem:s8+$0x0];
	v28 =	vadd.f32 v28, v7;
	v17 =	vmul.f32 v17, v6;
	v10 =	vmul.f32 v10, v6  }
0x546: {  	v12 =	vld [tilespmem:s7+$0xFFFFFFE0];
	v24 =	vand.u32 $0xFFFF0000, v18;
	v18 =	vshll.u32 v18, $0x10;
	v16 =	vadd.f32 v16, v7  }
0x547: {  	v13 =	vadd.f32 v11, v7;
	v11 =	vmul.f32 v24, v6;
	v55 =	vtrunc.f32 v40  }
0x548: {  	v56 =	vtrunc.f32 v28;
	v14 =	vadd.f32 v17, v7;
	v15 =	vadd.f32 v10, v7  }
0x549: {  	v27 =	vld [tilespmem:s8+$0xFFFFFFA0];
	v17 =	vadd.f32 v23, v7;
	v10 =	vtrunc.f32 v16;
	v16 =	vadd.f32 v19, v7  }
0x54a: {  	v19 =	vand.u32 $0xFFFF0000, v25;
	v13 =	vtrunc.f32 v13;
	v11 =	vadd.f32 v11, v7  }
0x54b: {  	v22 =	vand.u32 $0xFFFF0000, v12;
	v23 =	vmul.f32 v19, v6;
	v14 =	vtrunc.f32 v14  }
0x54c: {  	v12 =	vshll.u32 v12, $0x10;
	v15 =	vtrunc.f32 v15;
	v17 =	vtrunc.f32 v17  }
0x54d: {  	v19 =	vadd.f32 v26, v7;
	v59 =	vcvt.f32.s32 v10;
	v61 =	vcvt.f32.s32 v13  }
0x54e: {  	v26 =	vand.u32 $0xFFFF0000, v27;
	v13 =	vcvt.f32.s32 v56;
	v22 =	vmul.f32 v22, v6  }
0x54f: {  	v24 =	vld [tilespmem:s8+$0xFFFFFFC0];
	v27 =	vshll.u32 v27, $0x10;
	v30 =	vmul.f32 v12, v6;
	v12 =	vmul.f32 v18, v6  }
0x550: {  	vm1 =	vlt.s32 v32, v2;
	v26 =	vmul.f32 v26, v6;
	v27 =	vmul.f32 v27, v6  }
0x551: {  	v18 =	vadd.f32 v20, v7;
	v16 =	vtrunc.f32 v16;
	v58 =	vtrunc.f32 v11  }
0x552: {  	v20 =	vshll.u32 v25, $0x10;
	v14 =	vcvt.f32.s32 v14;
	v62 =	vcvt.f32.s32 v15  }
0x553: {  	v17 =	vcvt.f32.s32 v17;
	v20 =	vmul.f32 v20, v6;
	v23 =	vadd.f32 v23, v7  }
0x554: {  	v46 =	vand.u32 $0xFFFF0000, v24;
	v19 =	vtrunc.f32 v19;
	v63 =	vcvt.f32.s32 v16  }
0x555: {  	v24 =	vshll.u32 v24, $0x10;
	v10 =	vcvt.f32.s32 v58;
	v34 =	vmul.f32 v46, v6  }
0x556: {  	v26 =	vadd.f32 v26, v7;
	v24 =	vmul.f32 v24, v6;
	v41 =	vadd.f32 v22, v7  }
0x557: {  	v53 =	vadd.f32 v30, v7;
	v30 =	vcvt.f32.s32 v37;
	v18 =	vtrunc.f32 v18  }
0x558: {  	s12 =	simm.s32 $0x19270;
	v25 =	vld [tilespmem:s8+$0xFFFFFFE0];
	v12 =	vadd.f32 v12, v7;
	v47 =	vcvt.f32.s32 v19;
	vm6 =	vlt.s32 v17, v2  }
0x559: {  	v15 =	vld [tilespmem:s12+$0x0];
	v20 =	vadd.f32 v20, v7;
	v23 =	vtrunc.f32 v23;
	v46 =	vcvt.f32.s32 v18  }
0x55a: {  	vm5 =	vlt.s32 v63, v2;
	v17 =	vsel vm6, v17, v2;
	v23 =	vcvt.f32.s32 v23  }
0x55b: {  	v34 =	vadd.f32 v34, v7;
	v26 =	vtrunc.f32 v26;
	v57 =	vtrunc.f32 v41  }
0x55c: {  	v24 =	vadd.f32 v24, v7;
	v60 =	vtrunc.f32 v12;
	v20 =	vtrunc.f32 v20  }
0x55d: {  	v48 =	vand.u32 $0xFFFF0000, v25;
	v25 =	vshll.u32 v25, $0x10;
	v26 =	vcvt.f32.s32 v26  }
0x55e: {  	v12 =	vcvt.f32.s32 v57;
	v16 =	vand.u32 $0xFFFF0000, v15;
	v20 =	vcvt.f32.s32 v20  }
0x55f: {  	v15 =	vshll.u32 v15, $0x10;
	v36 =	vmul.f32 v48, v6;
	v25 =	vmul.f32 v25, v6  }
0x560: {  	vm0 =	vlt.s32 v23, v2;
	v34 =	vtrunc.f32 v34;
	v21 =	vtrunc.f32 v24  }
0x561: {  	v48 =	vcvt.f32.s32 v55;
	v16 =	vmul.f32 v16, v6;
	v55 =	vld [tilespmem:s12+$0xFFFFFFC0];
	v23 =	vsel vm0, v23, v2  }
0x562: {  	v15 =	vmul.f32 v15, v6;
	vm0 =	vlt.s32 v20, v2;
	v36 =	vadd.f32 v36, v7  }
0x563: {  	v54 =	vcvt.f32.s32 v34;
	v25 =	vadd.f32 v25, v7;
	v20 =	vsel vm0, v20, v2  }
0x564: {  	v21 =	vcvt.f32.s32 v21;
	vm2 =	vlt.s32 v26, v2;
	v36 =	vtrunc.f32 v36  }
0x565: {  	v34 =	vsel vm1, v32, v2;
	v52 =	vtrunc.f32 v25;
	v36 =	vcvt.f32.s32 v36  }
0x566: {  	v41 =	vshll.u32 v55, $0x10;
	[tilespmem:v23+s1+$0x0] =	vst.idx.add.f32.msk $0xffff, v3;
	v23 =	vshll.u32 v38, $0x10;
	v38 =	vadd.f32 v49, v7  }
0x567: {  	v19 =	vadd.f32 v16, v7;
	v41 =	vmul.f32 v41, v6;
	v23 =	vmul.f32 v23, v6  }
0x568: {  	s9 =	simm.s32 $0x1B1F0;
	[tilespmem:v20+s1+$0x0] =	vst.idx.add.f32.msk $0xffff, v3;
	v20 =	vadd.f32 v27, v7;
	v27 =	vadd.f32 v33, v7;
	v22 =	vtrunc.f32 v38  }
0x569: {  	v38 =	vtrunc.f32 v53;
	v53 =	vadd.f32 v15, v7;
	v15 =	vcvt.f32.s32 v60;
	v50 =	vld [tilespmem:s9+$0x0]  }
0x56a: {  	v23 =	vadd.f32 v23, v7;
	v44 =	vcvt.f32.s32 v22;
	v20 =	vtrunc.f32 v20  }
0x56b: {  	vm1 =	vlt.s32 v54, v2;
	v27 =	vtrunc.f32 v27;
	v20 =	vcvt.f32.s32 v20  }
0x56c: {  	v41 =	vadd.f32 v41, v7;
	v23 =	vtrunc.f32 v23;
	v27 =	vcvt.f32.s32 v27  }
0x56d: {  	v11 =	vcvt.f32.s32 v38;
	v45 =	vcvt.f32.s32 v23;
	vm3 =	vlt.s32 v20, v2  }
0x56e: {  	v60 =	vld [tilespmem:s12+$0xFFFFFF90];
	vm4 =	vlt.s32 v27, v2;
	v51 =	vand.u32 $0xFFFF0000, v50;
	v33 =	vshll.u32 v50, $0x10  }
0x56f: {  	v32 =	vsel vm3, v20, v2;
	vm3 =	vlt.s32 v42, v2;
	v31 =	vsel vm4, v27, v2  }
0x570: {  	v49 =	vld [tilespmem:s12+$0xFFFFFFF0];
	vm4 =	vlt.s32 v43, v2;
	v39 =	vmul.f32 v51, v6;
	v33 =	vmul.f32 v33, v6  }
0x571: {  	v20 =	vsel vm3, v42, v2;
	vm3 =	vlt.s32 v45, v2;
	v22 =	vsel vm4, v43, v2  }
0x572: {  	vm4 =	vlt.s32 v47, v2;
	v51 =	vand.u32 $0xFFFF0000, v55;
	v28 =	vsel vm3, v45, v2  }
0x573: {  	vm3 =	vlt.s32 v62, v2;
	v45 =	vshll.u32 v60, $0x10;
	v51 =	vmul.f32 v51, v6  }
0x574: {  	v24 =	vadd.f32 v39, v7;
	v33 =	vadd.f32 v33, v7;
	v39 =	vcvt.f32.s32 v52  }
0x575: {  	v16 =	vsel vm3, v62, v2;
	v62 =	vand.u32 $0xFFFF0000, v49;
	v49 =	vshll.u32 v49, $0x10  }
0x576: {  	vm3 =	vlt.s32 v48, v2;
	v45 =	vmul.f32 v45, v6;
	v49 =	vmul.f32 v49, v6  }
0x577: {  	[tilespmem:v8+s1+$0x0] =	vst.idx.add.f32.msk $0xffff, v4;
	v8 =	vadd.f32 v51, v7;
	v25 =	vtrunc.f32 v33;
	v33 =	vsel vm2, v26, v2  }
0x578: {  	v52 =	vld [tilespmem:s12+$0xFFFFFFA0];
	vm2 =	vlt.s32 v21, v2;
	v26 =	vsel vm1, v54, v2;
	vm1 =	vlt.s32 v39, v2  }
0x579: {  	v24 =	vtrunc.f32 v24;
	v45 =	vadd.f32 v45, v7;
	[tilespmem:v31+s1+$0x0] =	vst.idx.add.f32.msk $0xffff, v3;
	v31 =	vsel vm4, v47, v2  }
0x57a: {  	v24 =	vcvt.f32.s32 v24;
	v23 =	vsel vm2, v21, v2;
	vm2 =	vlt.s32 v44, v2  }
0x57b: {  	v25 =	vcvt.f32.s32 v25;
	v8 =	vtrunc.f32 v8;
	v27 =	vsel vm2, v44, v2  }
0x57c: {  	v54 =	vld [tilespmem:s12+$0xFFFFFFB0];
	vm2 =	vlt.s32 v14, v2;
	v45 =	vtrunc.f32 v45;
	v8 =	vcvt.f32.s32 v8  }
0x57d: {  	[tilespmem:v9+s1+$0x0] =	vst.idx.add.f32.msk $0xffff, v4;
	vm0 =	vlt.s32 v24, v2;
	v18 =	vsel vm2, v14, v2;
	v14 =	vtrunc.f32 v19  }
0x57e: {  	[tilespmem:v20+s1+$0x0] =	vst.idx.add.f32.msk $0xffff, v3;
	v19 =	vtrunc.f32 v53;
	vm2 =	vlt.s32 v12, v2;
	v38 =	vshll.u32 v52, $0x10  }
0x57f: {  	[tilespmem:v22+s1+$0x0] =	vst.idx.add.f32.msk $0xffff, v3;
	v24 =	vsel vm0, v24, v2;
	vm0 =	vlt.s32 v25, v2;
	v58 =	vcvt.f32.s32 v19  }
0x580: {  	v56 =	vld [tilespmem:s12+$0xFFFFFFD0];
	v19 =	vsel vm5, v63, v2;
	v38 =	vmul.f32 v38, v6;
	v25 =	vsel vm0, v25, v2  }
0x581: {  	vm0 =	vlt.s32 v30, v2;
	v50 =	vand.u32 $0xFFFF0000, v54;
	v40 =	vshll.u32 v54, $0x10;
	[tilespmem:v33+s1+$0x0] =	vst.idx.add.f32.msk $0xffff, v3  }
0x582: {  	v54 =	vand.u32 $0xFFFF0000, v60;
	[tilespmem:v26+s1+$0x0] =	vst.idx.add.f32.msk $0xffff, v3;
	v26 =	vsel vm3, v48, v2;
	v35 =	vsel vm0, v30, v2  }
0x583: {  	vm0 =	vlt.s32 v29, v2;
	vm5 =	vlt.s32 v58, v2;
	v54 =	vmul.f32 v54, v6  }
0x584: {  	v50 =	vmul.f32 v50, v6;
	v40 =	vmul.f32 v40, v6;
	v38 =	vadd.f32 v38, v7  }
0x585: {  	v57 =	vcvt.f32.s32 v14;
	[tilespmem:v32+s1+$0x0] =	vst.idx.add.f32.msk $0xffff, v3;
	v30 =	vsel vm0, v29, v2;
	vm0 =	vlt.s32 v36, v2  }
0x586: {  	v29 =	vsel vm1, v39, v2;
	vm1 =	vlt.s32 v61, v2;
	v43 =	vsel vm5, v58, v2  }
0x587: {  	[tilespmem:v23+s1+$0x0] =	vst.idx.add.f32.msk $0xffff, v3;
	v39 =	vshll.u32 v56, $0x10;
	v21 =	vsel vm0, v36, v2;
	vm0 =	vlt.s32 v59, v2  }
0x588: {  	[tilespmem:v27+s1+$0x0] =	vst.idx.add.f32.msk $0xffff, v3;
	v36 =	vsel vm1, v61, v2;
	vm1 =	vlt.s32 v46, v2;
	v61 =	vand.u32 $0xFFFF0000, v52  }
0x589: {  	v52 =	vand.u32 $0xFFFF0000, v56;
	v54 =	vadd.f32 v54, v7;
	v39 =	vmul.f32 v39, v6;
	[tilespmem:v28+s1+$0x0] =	vst.idx.add.f32.msk $0xffff, v3  }
0x58a: {  	v50 =	vadd.f32 v50, v7;
	v40 =	vadd.f32 v40, v7;
	v38 =	vtrunc.f32 v38;
	[tilespmem:v18+s1+$0x0] =	vst.idx.add.f32.msk $0xffff, v4  }
0x58b: {  	v37 =	vsel vm0, v59, v2;
	v59 =	vld [tilespmem:s12+$0xFFFFFFE0];
	v14 =	vsel vm1, v46, v2;
	vm1 =	vlt.s32 v57, v2  }
0x58c: {  	v46 =	vmul.f32 v61, v6;
	v52 =	vmul.f32 v52, v6;
	[tilespmem:v24+s1+$0x0] =	vst.idx.add.f32.msk $0xffff, v4  }
0x58d: {  	v22 =	vcvt.f32.s32 v38;
	[tilespmem:v16+s1+$0x0] =	vst.idx.add.f32.msk $0xffff, v4;
	v42 =	vsel vm1, v57, v2;
	v54 =	vtrunc.f32 v54  }
0x58e: {  	v48 =	vld [tilespmem:s9+$0xFFFFFFF0];
	v39 =	vadd.f32 v39, v7;
	v60 =	vtrunc.f32 v50;
	v61 =	vtrunc.f32 v40  }
0x58f: {  	v50 =	vtrunc.f32 v41;
	v9 =	vadd.f32 v52, v7;
	[tilespmem:v35+s1+$0x0] =	vst.idx.add.f32.msk $0xffff, v3;
	v56 =	vcvt.f32.s32 v54  }
0x590: {  	v35 =	vcvt.f32.s32 v61;
	v39 =	vtrunc.f32 v39;
	[tilespmem:v30+s1+$0x0] =	vst.idx.add.f32.msk $0xffff, v3;
	v30 =	vadd.f32 v49, v7  }
0x591: {  	vm0 =	vlt.s32 v13, v2;
	v9 =	vtrunc.f32 v9;
	[tilespmem:v21+s1+$0x0] =	vst.idx.add.f32.msk $0xffff, v3;
	v21 =	vcvt.f32.s32 v60  }
0x592: {  	[tilespmem:v26+s1+$0x0] =	vst.idx.add.f32.msk $0xffff, v4;
	v63 =	vadd.f32 v46, v7;
	v27 =	vcvt.f32.s32 v39;
	v23 =	vtrunc.f32 v30  }
0x593: {  	v53 =	vand.u32 $0xFFFF0000, v59;
	v30 =	vcvt.f32.s32 v45;
	[tilespmem:v29+s1+$0x0] =	vst.idx.add.f32.msk $0xffff, v3;
	v29 =	vcvt.f32.s32 v50  }
0x594: {  	v60 =	vld [tilespmem:s9+$0xFFFFFFA0];
	v44 =	vshll.u32 v59, $0x10;
	v9 =	vcvt.f32.s32 v9;
	v57 =	vmul.f32 v53, v6  }
0x595: {  	v26 =	vand.u32 $0xFFFF0000, v48;
	[tilespmem:v42+s1+$0x0] =	vst.idx.add.f32.msk $0xffff, v3;
	v44 =	vmul.f32 v44, v6;
	v42 =	vmul.f32 v62, v6  }
0x596: {  	vm1 =	vlt.s32 v11, v2;
	v61 =	vld [tilespmem:s9+$0xFFFFFFB0];
	v23 =	vcvt.f32.s32 v23;
	v26 =	vmul.f32 v26, v6  }
0x597: {  	[tilespmem:v43+s1+$0x0] =	vst.idx.add.f32.msk $0xffff, v3;
	v43 =	vtrunc.f32 v63;
	vm4 =	vlt.s32 v30, v2;
	v24 =	vadd.f32 v57, v7  }
0x598: {  	[tilespmem:v25+s1+$0x0] =	vst.idx.add.f32.msk $0xffff, v4;
	v25 =	vadd.f32 v44, v7;
	v52 =	vadd.f32 v42, v7;
	v57 =	vcvt.f32.s32 v43  }
0x599: {  	[tilespmem:v19+s1+$0x0] =	vst.idx.add.f32.msk $0xffff, v4;
	v28 =	vsel vm4, v30, v2;
	vm4 =	vlt.s32 v22, v2;
	v42 =	vshll.u32 v48, $0x10  }
0x59a: {  	[tilespmem:v37+s1+$0x0] =	vst.idx.add.f32.msk $0xffff, v4;
	v26 =	vadd.f32 v26, v7;
	v22 =	vsel vm4, v22, v2;
	v16 =	vand.u32 $0xFFFF0000, v60  }
0x59b: {  	[tilespmem:v36+s1+$0x0] =	vst.idx.add.f32.msk $0xffff, v4;
	v36 =	vshll.u32 v60, $0x10;
	v42 =	vmul.f32 v42, v6;
	v24 =	vtrunc.f32 v24  }
0x59c: {  	v45 =	vld [tilespmem:s9+$0xFFFFFFE0];
	v19 =	vand.u32 $0xFFFF0000, v61;
	v25 =	vtrunc.f32 v25;
	v33 =	vtrunc.f32 v52  }
0x59d: {  	v37 =	vshll.u32 v61, $0x10;
	v16 =	vmul.f32 v16, v6;
	v36 =	vmul.f32 v36, v6  }
0x59e: {  	s4 =	simm.s32 $0x1B270;
	vm4 =	vlt.s32 v35, v2;
	v19 =	vmul.f32 v19, v6;
	v37 =	vmul.f32 v37, v6  }
0x59f: {  	v58 =	vld [tilespmem:s4+$0x0];
	v35 =	vsel vm4, v35, v2;
	v26 =	vtrunc.f32 v26;
	v24 =	vcvt.f32.s32 v24  }
0x5a0: {  	[tilespmem:v14+s1+$0x0] =	vst.idx.add.f32.msk $0xffff, v4;
	vm4 =	vlt.s32 v29, v2;
	v25 =	vcvt.f32.s32 v25;
	v33 =	vcvt.f32.s32 v33  }
0x5a1: {  	[tilespmem:v31+s1+$0x0] =	vst.idx.add.f32.msk $0xffff, v4;
	v29 =	vsel vm4, v29, v2;
	vm4 =	vlt.s32 v27, v2;
	v31 =	vand.u32 $0xFFFF0000, v45  }
0x5a2: {  	v41 =	vshll.u32 v45, $0x10;
	v27 =	vsel vm4, v27, v2;
	v16 =	vadd.f32 v16, v7  }
0x5a3: {  	v31 =	vmul.f32 v31, v6;
	v41 =	vmul.f32 v41, v6;
	v36 =	vadd.f32 v36, v7  }
0x5a4: {  	v19 =	vadd.f32 v19, v7;
	v37 =	vadd.f32 v37, v7;
	v59 =	vand.u32 $0xFFFF0000, v58  }
0x5a5: {  	[tilespmem:v34+s1+$0x0] =	vst.idx.add.f32.msk $0xffff, v3;
	v62 =	vshll.u32 v58, $0x10;
	vm4 =	vlt.s32 v25, v2;
	v46 =	vmul.f32 v59, v6  }
0x5a6: {  	v63 =	vmul.f32 v62, v6;
	v25 =	vsel vm4, v25, v2;
	vm4 =	vlt.s32 v23, v2  }
0x5a7: {  	v59 =	vld [tilespmem:s9+$0xFFFFFF90];
	v31 =	vadd.f32 v31, v7;
	v52 =	vtrunc.f32 v16;
	v19 =	vtrunc.f32 v19  }
0x5a8: {  	v62 =	vld [tilespmem:s9+$0xFFFFFFC0];
	v16 =	vsel vm0, v13, v2;
	v18 =	vsel vm4, v23, v2;
	v51 =	vadd.f32 v46, v7  }
0x5a9: {  	vm4 =	vlt.s32 v15, v2;
	v19 =	vcvt.f32.s32 v19;
	v53 =	vadd.f32 v63, v7  }
0x5aa: {  	v13 =	vsel vm1, v11, v2;
	v15 =	vsel vm4, v15, v2;
	v55 =	vtrunc.f32 v51  }
0x5ab: {  	vm4 =	vlt.s32 v19, v2;
	v32 =	vtrunc.f32 v53;
	v34 =	vcvt.f32.s32 v55  }
0x5ac: {  	v63 =	vld [tilespmem:s9+$0xFFFFFFD0];
	v51 =	vadd.f32 v41, v7;
	v32 =	vcvt.f32.s32 v32;
	v46 =	vand.u32 $0xFFFF0000, v59  }
0x5ad: {  	[tilespmem:v17+s1+$0x0] =	vst.idx.add.f32.msk $0xffff, v4;
	v23 =	vshll.u32 v59, $0x10;
	v17 =	vand.u32 $0xFFFF0000, v62;
	vm3 =	vlt.s32 v34, v2  }
0x5ae: {  	v39 =	vshll.u32 v62, $0x10;
	v20 =	vsel vm3, v34, v2;
	vm3 =	vlt.s32 v32, v2  }
0x5af: {  	v47 =	vmul.f32 v46, v6;
	v32 =	vsel vm3, v32, v2;
	vm3 =	vlt.s32 v56, v2  }
0x5b0: {  	v23 =	vmul.f32 v23, v6;
	v17 =	vmul.f32 v17, v6;
	v58 =	vsel vm3, v56, v2  }
0x5b1: {  	v39 =	vmul.f32 v39, v6;
	v14 =	vand.u32 $0xFFFF0000, v63;
	vm3 =	vlt.s32 v57, v2  }
0x5b2: {  	v34 =	vadd.f32 v47, v7;
	v23 =	vadd.f32 v23, v7;
	v30 =	vsel vm3, v57, v2  }
0x5b3: {  	v40 =	vshll.u32 v63, $0x10;
	v14 =	vmul.f32 v14, v6;
	vm3 =	vlt.s32 v21, v2;
	[tilespmem:v20+s1+$0x0] =	vst.idx.add.f32.msk $0xffff, v4  }
0x5b4: {  	v53 =	vtrunc.f32 v37;
	v40 =	vmul.f32 v40, v6;
	v21 =	vsel vm3, v21, v2;
	[tilespmem:v32+s1+$0x0] =	vst.idx.add.f32.msk $0xffff, v4  }
0x5b5: {  	v11 =	vtrunc.f32 v51;
	v17 =	vadd.f32 v17, v7;
	vm3 =	vlt.s32 v8, v2;
	[tilespmem:v58+s1+$0x0] =	vst.idx.add.f32.msk $0xffff, v3  }
0x5b6: {  	v11 =	vcvt.f32.s32 v11;
	v14 =	vadd.f32 v14, v7;
	v8 =	vsel vm3, v8, v2;
	[tilespmem:v28+s1+$0x0] =	vst.idx.add.f32.msk $0xffff, v3  }
0x5b7: {  	v50 =	vadd.f32 v40, v7;
	v23 =	vtrunc.f32 v23;
	vm3 =	vlt.s32 v9, v2;
	[tilespmem:v30+s1+$0x0] =	vst.idx.add.f32.msk $0xffff, v3  }
0x5b8: {  	v54 =	vtrunc.f32 v17;
	v23 =	vcvt.f32.s32 v23;
	v9 =	vsel vm3, v9, v2;
	[tilespmem:v22+s1+$0x0] =	vst.idx.add.f32.msk $0xffff, v3  }
0x5b9: {  	v17 =	vsel vm2, v12, v2;
	v55 =	vcvt.f32.s32 v54;
	vm3 =	vlt.s32 v24, v2;
	[tilespmem:v21+s1+$0x0] =	vst.idx.add.f32.msk $0xffff, v3  }
0x5ba: {  	v12 =	vtrunc.f32 v50;
	vm1 =	vlt.s32 v23, v2;
	v24 =	vsel vm3, v24, v2;
	[tilespmem:v35+s1+$0x0] =	vst.idx.add.f32.msk $0xffff, v3  }
0x5bb: {  	v20 =	vadd.f32 v39, v7;
	v12 =	vcvt.f32.s32 v12;
	v23 =	vsel vm1, v23, v2;
	[tilespmem:v8+s1+$0x0] =	vst.idx.add.f32.msk $0xffff, v3  }
0x5bc: {  	v49 =	vtrunc.f32 v34;
	vm1 =	vlt.s32 v55, v2;
	vm3 =	vlt.s32 v33, v2;
	[tilespmem:v29+s1+$0x0] =	vst.idx.add.f32.msk $0xffff, v3  }
0x5bd: {  	v20 =	vtrunc.f32 v20;
	v58 =	vsel vm4, v19, v2;
	vm11 =	vlt.s32 v12, v2;
	[tilespmem:v9+s1+$0x0] =	vst.idx.add.f32.msk $0xffff, v3  }
0x5be: {  	v33 =	vsel vm3, v33, v2;
	v28 =	vtrunc.f32 v36;
	v20 =	vcvt.f32.s32 v20;
	[tilespmem:v27+s1+$0x0] =	vst.idx.add.f32.msk $0xffff, v3  }
0x5bf: {  	v30 =	vadd.f32 v42, v7;
	v22 =	vtrunc.f32 v14;
	v21 =	vtrunc.f32 v31;
	[tilespmem:v24+s1+$0x0] =	vst.idx.add.f32.msk $0xffff, v3  }
0x5c0: {  	vm4 =	vlt.s32 v11, v2;
	v31 =	vcvt.f32.s32 v49;
	v28 =	vcvt.f32.s32 v28;
	v24 =	vld [tilespmem:s4+$0xFFFFFFA0]  }
0x5c1: {  	vm3 =	vlt.s32 v10, v2;
	v30 =	vtrunc.f32 v30;
	v8 =	vcvt.f32.s32 v26;
	v26 =	vld [tilespmem:s4+$0xFFFFFFC0]  }
0x5c2: {  	v14 =	vsel vm3, v10, v2;
	v22 =	vcvt.f32.s32 v22;
	v10 =	vcvt.f32.s32 v21;
	[tilespmem:v25+s1+$0x0] =	vst.idx.add.f32.msk $0xffff, v3  }
0x5c3: {  	vm5 =	vlt.s32 v20, v2;
	v29 =	vcvt.f32.s32 v52;
	vm0 =	vlt.s32 v31, v2;
	[tilespmem:v33+s1+$0x0] =	vst.idx.add.f32.msk $0xffff, v3  }
0x5c4: {  	vm3 =	vlt.s32 v28, v2;
	v9 =	vcvt.f32.s32 v30;
	v30 =	vsel vm1, v55, v2;
	v25 =	vld [tilespmem:s4+$0xFFFFFFB0]  }
0x5c5: {  	v27 =	vcvt.f32.s32 v53;
	v21 =	vsel vm0, v31, v2;
	v57 =	vsel vm3, v28, v2;
	[tilespmem:v18+s1+$0x0] =	vst.idx.add.f32.msk $0xffff, v3  }
0x5c6: {  	vm6 =	vlt.s32 v22, v2;
	vm12 =	vlt.s32 v10, v2;
	vm3 =	vlt.s32 v8, v2;
	v18 =	vld [tilespmem:s4+$0xFFFFFF90]  }
0x5c7: {  	vm2 =	vlt.s32 v29, v2;
	v28 =	vsel vm6, v22, v2;
	vm0 =	vlt.s32 v27, v2;
	v59 =	vld [tilespmem:s4+$0xFFFFFFE0]  }
0x5c8: {  	v56 =	vsel vm2, v29, v2;
	v29 =	vsel vm5, v20, v2;
	vm5 =	vlt.s32 v9, v2  }
0x5c9: {  	v31 =	vsel vm0, v27, v2;
	v27 =	vld [tilespmem:s4+$0xFFFFFFD0];
	v22 =	vand.u32 $0xFFFF0000, v24;
	v60 =	vshll.u32 v24, $0x10  }
0x5ca: {  	v61 =	vld [tilespmem:s4+$0xFFFFFFF0];
	v24 =	vand.u32 $0xFFFF0000, v26;
	v62 =	vand.u32 $0xFFFF0000, v25;
	v63 =	vshll.u32 v25, $0x10  }
0x5cb: {  	[tilespmem:v21+s1+$0x0] =	vst.idx.add.f32.msk $0xffff, v4;
	v25 =	vshll.u32 v26, $0x10;
	v21 =	vmul.f32 v60, v6;
	v19 =	vand.u32 $0xFFFF0000, v18  }
0x5cc: {  	[tilespmem:v23+s1+$0x0] =	vst.idx.add.f32.msk $0xffff, v4;
	v20 =	vshll.u32 v18, $0x10;
	v32 =	vand.u32 $0xFFFF0000, v59;
	v23 =	vmul.f32 v63, v6  }
0x5cd: {  	[tilespmem:v58+s1+$0x0] =	vst.idx.add.f32.msk $0xffff, v4;
	v35 =	vshll.u32 v59, $0x10;
	v18 =	vmul.f32 v19, v6;
	v19 =	vmul.f32 v20, v6  }
0x5ce: {  	[tilespmem:v56+s1+$0x0] =	vst.idx.add.f32.msk $0xffff, v4;
	v20 =	vmul.f32 v22, v6;
	v26 =	vand.u32 $0xFFFF0000, v27;
	v27 =	vshll.u32 v27, $0x10  }
0x5cf: {  	s6 =	simm.s32 $0x10;
	s7 =	simm.s32 $0x192F0;
	v22 =	vmul.f32 v62, v6;
	[tilespmem:v57+s1+$0x0] =	vst.idx.add.f32.msk $0xffff, v4;
	v36 =	vand.u32 $0xFFFF0000, v61;
	v37 =	vshll.u32 v61, $0x10  }
.LBB2_15:
0x5d0: {  	v33 =	vimm.s32 $0x0  }
0x5d1: {  	v47 =	vimm.s32 $0x0;
	v39 =	vmul.f32 v24, v6;
	v40 =	vmul.f32 v25, v6  }
0x5d2: {  	v48 =	vimm.s32 $0x0;
	v42 =	vmul.f32 v26, v6;
	v34 =	vmul.f32 v32, v6  }
0x5d3: {  	v32 =	vmul.f32 v35, v6;
	v18 =	vadd.f32 v18, v7;
	v19 =	vadd.f32 v19, v7  }
0x5d4: {  	v26 =	vmul.f32 v37, v6;
	v20 =	vadd.f32 v20, v7;
	v21 =	vadd.f32 v21, v7  }
0x5d5: {  	v33 =	vsel vm4, $0xFFFFFFFF, v33;
	v24 =	vadd.f32 v22, v7;
	v22 =	vadd.f32 v23, v7  }
0x5d6: {  	v38 =	vld [tilespmem:s7+$0x0];
	vm4 =	vmmov vm12;
	[tilespmem:$0x1FF40] =	vst v33;
	v33 =	vsel vm3, $0xFFFFFFFF, v47;
	v25 =	vadd.f32 v39, v7  }
0x5d7: {  	v41 =	vld [tilespmem:s7+$0xFFFFFFA0];
	v23 =	vadd.f32 v40, v7;
	v42 =	vadd.f32 v42, v7;
	v18 =	vtrunc.f32 v18  }
0x5d8: {  	v43 =	vld [tilespmem:s7+$0xFFFFFFB0];
	v34 =	vadd.f32 v34, v7;
	v19 =	vtrunc.f32 v19;
	v20 =	vtrunc.f32 v20  }
0x5d9: {  	v49 =	vld [tilespmem:s7+$0xFFFFFFC0];
	[tilespmem:$0x1FF50] =	vst v33;
	v33 =	vsel vm5, $0xFFFFFFFF, v48;
	v21 =	vtrunc.f32 v21;
	v24 =	vtrunc.f32 v24  }
0x5da: {  	v45 =	vld [tilespmem:s7+$0xFFFFFF90];
	v32 =	vadd.f32 v32, v7;
	[tilespmem:$0x1FF60] =	vst v33;
	v33 =	vmul.f32 v27, v6;
	v27 =	vmul.f32 v36, v6  }
0x5db: {  	v50 =	vld [tilespmem:s7+$0xFFFFFFD0];
	vm3 =	vmmov vm11;
	v18 =	vcvt.f32.s32 v18;
	v19 =	vcvt.f32.s32 v19  }
0x5dc: {  	v51 =	vld [tilespmem:s7+$0xFFFFFFE0];
	v26 =	vadd.f32 v26, v7;
	v20 =	vcvt.f32.s32 v20;
	v21 =	vcvt.f32.s32 v21  }
0x5dd: {  	v53 =	vld [tilespmem:s7+$0xFFFFFFF0];
	v44 =	vand.u32 $0xFFFF0000, v38;
	v52 =	vand.u32 $0xFFFF0000, v41;
	v38 =	vshll.u32 v38, $0x10  }
0x5de: {  	[tilespmem:v31+s1+$0x0] =	vst.idx.add.f32.msk $0xffff, v4;
	v41 =	vshll.u32 v41, $0x10;
	v46 =	vand.u32 $0xFFFF0000, v43;
	v43 =	vshll.u32 v43, $0x10  }
0x5df: {  	[tilespmem:v28+s1+$0x0] =	vst.idx.add.f32.msk $0xffff, v4;
	v47 =	vand.u32 $0xFFFF0000, v49;
	v31 =	vshll.u32 v49, $0x10;
	v28 =	vand.u32 $0xFFFF0000, v45  }
0x5e0: {  	v57 =	vshll.u32 v45, $0x10;
	v44 =	vmul.f32 v44, v6;
	v38 =	vmul.f32 v38, v6  }
0x5e1: {  	[tilespmem:v17+s1+$0x0] =	vst.idx.add.f32.msk $0xffff, v4;
	v54 =	vand.u32 $0xFFFF0000, v50;
	v17 =	vmul.f32 v28, v6;
	v58 =	vmul.f32 v57, v6  }
0x5e2: {  	[tilespmem:v30+s1+$0x0] =	vst.idx.add.f32.msk $0xffff, v4;
	v30 =	vshll.u32 v50, $0x10;
	v39 =	vmul.f32 v52, v6;
	v41 =	vmul.f32 v41, v6  }
0x5e3: {  	v55 =	vand.u32 $0xFFFF0000, v51;
	v59 =	vmul.f32 v46, v6;
	v43 =	vmul.f32 v43, v6  }
0x5e4: {  	[tilespmem:v16+s1+$0x0] =	vst.idx.add.f32.msk $0xffff, v4;
	v16 =	vand.u32 $0xFFFF0000, v53;
	v60 =	vmul.f32 v47, v6;
	v31 =	vmul.f32 v31, v6  }
0x5e5: {  	v40 =	vshll.u32 v53, $0x10;
	v35 =	vmul.f32 v54, v6;
	v30 =	vmul.f32 v30, v6  }
0x5e6: {  	v36 =	vmul.f32 v55, v6;
	v44 =	vadd.f32 v44, v7;
	v38 =	vadd.f32 v38, v7  }
0x5e7: {  	v16 =	vmul.f32 v16, v6;
	v17 =	vadd.f32 v17, v7;
	v37 =	vadd.f32 v58, v7  }
0x5e8: {  	v40 =	vmul.f32 v40, v6;
	v39 =	vadd.f32 v39, v7;
	v43 =	vadd.f32 v43, v7  }
0x5e9: {  	v63 =	vadd.f32 v60, v7;
	v31 =	vadd.f32 v31, v7;
	v44 =	vtrunc.f32 v44  }
0x5ea: {  	[tilespmem:v14+s1+$0x0] =	vst.idx.add.f32.msk $0xffff, v4;
	v35 =	vadd.f32 v35, v7;
	v38 =	vtrunc.f32 v38;
	v17 =	vtrunc.f32 v17  }
0x5eb: {  	[tilespmem:v13+s1+$0x0] =	vst.idx.add.f32.msk $0xffff, v4;
	v30 =	vadd.f32 v30, v7;
	v13 =	vtrunc.f32 v37;
	v14 =	vtrunc.f32 v39  }
0x5ec: {  	v36 =	vadd.f32 v36, v7;
	v48 =	vtrunc.f32 v43;
	v50 =	vtrunc.f32 v63  }
0x5ed: {  	v16 =	vadd.f32 v16, v7;
	v31 =	vtrunc.f32 v31;
	v56 =	vcvt.f32.s32 v44  }
0x5ee: {  	v46 =	vadd.f32 v40, v7;
	v35 =	vtrunc.f32 v35;
	v38 =	vcvt.f32.s32 v38  }
0x5ef: {  	v30 =	vtrunc.f32 v30;
	v36 =	vtrunc.f32 v36;
	vm5 =	vlt.s32 v56, v2  }
0x5f0: {  	v16 =	vtrunc.f32 v16;
	v28 =	vsel vm5, v56, v2;
	vm5 =	vlt.s32 v38, v2  }
0x5f1: {  	v37 =	vtrunc.f32 v46;
	v13 =	vcvt.f32.s32 v13;
	v38 =	vsel vm5, v38, v2  }
0x5f2: {  	[tilespmem:v29+s1+$0x0] =	vst.idx.add.f32.msk $0xffff, v4;
	v29 =	vshll.u32 v51, $0x10;
	v14 =	vcvt.f32.s32 v14;
	v39 =	vcvt.f32.s32 v48  }
0x5f3: {  	v27 =	vadd.f32 v27, v7;
	v31 =	vcvt.f32.s32 v31;
	v35 =	vcvt.f32.s32 v35  }
0x5f4: {  	[tilespmem:v15+s1+$0x0] =	vst.idx.add.f32.msk $0xffff, v4;
	v61 =	vadd.f32 v59, v7;
	v30 =	vcvt.f32.s32 v30;
	v36 =	vcvt.f32.s32 v36  }
0x5f5: {  	v16 =	vcvt.f32.s32 v16;
	vm7 =	vlt.s32 v14, v2;
	vm10 =	vlt.s32 v39, v2;
	[tilespmem:v28+s1+$0x0] =	vst.idx.add.f32.msk $0xffff, v3  }
0x5f6: {  	s4 =	sadd.s32 $0x80, s4;
	v37 =	vcvt.f32.s32 v37;
	vm12 =	vlt.s32 v31, v2;
	v14 =	vsel vm7, v14, v2;
	[tilespmem:v38+s1+$0x0] =	vst.idx.add.f32.msk $0xffff, v3  }
0x5f7: {  	vm13 =	vlt.s32 v35, v2;
	vm14 =	vlt.s32 v30, v2;
	vm15 =	vlt.s32 v36, v2;
	v62 =	vld [tilespmem:s4+$0x0]  }
0x5f8: {  	vm1 =	vlt.s32 v16, v2;
	vm2 =	vlt.s32 v37, v2;
	v35 =	vsel vm13, v35, v2  }
0x5f9: {  	v36 =	vsel vm15, v36, v2;
	v28 =	vmul.f32 v29, v6;
	v29 =	vadd.f32 v41, v7  }
0x5fa: {  	v31 =	vsel vm12, v31, v2;
	v30 =	vsel vm14, v30, v2;
	v53 =	vsel vm1, v16, v2  }
0x5fb: {  	v37 =	vsel vm2, v37, v2;
	v41 =	vcvt.f32.s32 v50;
	[tilespmem:v14+s1+$0x0] =	vst.idx.add.f32.msk $0xffff, v3;
	v15 =	vtrunc.f32 v29  }
0x5fc: {  	v14 =	vld [tilespmem:$0x1FF50];
	v28 =	vadd.f32 v28, v7;
	v29 =	vtrunc.f32 v61;
	v47 =	vand.u32 $0xFFFF0000, v62  }
0x5fd: {  	[tilespmem:v35+s1+$0x0] =	vst.idx.add.f32.msk $0xffff, v3;
	vm11 =	vlt.s32 v41, v2;
	v49 =	vshll.u32 v62, $0x10;
	v38 =	vmul.f32 v47, v6  }
0x5fe: {  	[tilespmem:v36+s1+$0x0] =	vst.idx.add.f32.msk $0xffff, v3;
	v15 =	vcvt.f32.s32 v15;
	v52 =	vsel vm11, v41, v2;
	v40 =	vmul.f32 v49, v6  }
0x5ff: {  	[tilespmem:v53+s1+$0x0] =	vst.idx.add.f32.msk $0xffff, v3;
	v29 =	vcvt.f32.s32 v29;
	v28 =	vtrunc.f32 v28;
	v38 =	vadd.f32 v38, v7  }
0x600: {  	[tilespmem:v30+s1+$0x0] =	vst.idx.add.f32.msk $0xffff, v3;
	vm8 =	vlt.s32 v15, v2;
	v28 =	vcvt.f32.s32 v28;
	v40 =	vadd.f32 v40, v7  }
0x601: {  	[tilespmem:v37+s1+$0x0] =	vst.idx.add.f32.msk $0xffff, v3;
	vm9 =	vlt.s32 v29, v2;
	v15 =	vsel vm8, v15, v2;
	v38 =	vtrunc.f32 v38  }
0x602: {  	v63 =	vld [tilespmem:s4+$0xFFFFFFF0];
	v29 =	vsel vm9, v29, v2;
	v40 =	vtrunc.f32 v40;
	v38 =	vcvt.f32.s32 v38  }
0x603: {  	v51 =	vsel vm10, v39, v2;
	vm0 =	vlt.s32 v28, v2;
	[tilespmem:v52+s1+$0x0] =	vst.idx.add.f32.msk $0xffff, v3;
	v40 =	vcvt.f32.s32 v40  }
0x604: {  	v17 =	vcvt.f32.s32 v17;
	v28 =	vsel vm0, v28, v2;
	[tilespmem:v31+s1+$0x0] =	vst.idx.add.f32.msk $0xffff, v3;
	vm5 =	vlt.s32 v38, v2  }
0x605: {  	vm6 =	vlt.s32 v13, v2;
	v57 =	vld [tilespmem:s4+$0xFFFFFFC0];
	v38 =	vsel vm5, v38, v2;
	vm5 =	vlt.s32 v40, v2  }
0x606: {  	v24 =	vcvt.f32.s32 v24;
	[tilespmem:v15+s1+$0x0] =	vst.idx.add.f32.msk $0xffff, v3;
	v40 =	vsel vm5, v40, v2;
	vm5 =	vlt.s32 v17, v2  }
0x607: {  	v27 =	vtrunc.f32 v27;
	v13 =	vsel vm6, v13, v2;
	[tilespmem:v29+s1+$0x0] =	vst.idx.add.f32.msk $0xffff, v3;
	v17 =	vsel vm5, v17, v2  }
0x608: {  	v16 =	vsel vm3, v12, v2;
	v12 =	vtrunc.f32 v22;
	v22 =	vtrunc.f32 v25;
	[tilespmem:v51+s1+$0x0] =	vst.idx.add.f32.msk $0xffff, v3  }
0x609: {  	v33 =	vadd.f32 v33, v7;
	v25 =	vtrunc.f32 v34;
	v22 =	vcvt.f32.s32 v22;
	[tilespmem:v28+s1+$0x0] =	vst.idx.add.f32.msk $0xffff, v3  }
0x60a: {  	vm6 =	vlt.s32 v20, v2;
	vm1 =	vlt.s32 v21, v2;
	vm2 =	vlt.s32 v24, v2;
	v54 =	vld [tilespmem:s4+$0xFFFFFFB0]  }
0x60b: {  	v58 =	vsel vm6, v20, v2;
	v59 =	vsel vm1, v21, v2;
	vm8 =	vlt.s32 v22, v2;
	v62 =	vld [tilespmem:s4+$0xFFFFFFE0]  }
0x60c: {  	v60 =	vsel vm2, v24, v2;
	v30 =	vsel vm8, v22, v2;
	v36 =	vand.u32 $0xFFFF0000, v63;
	[tilespmem:v17+s1+$0x0] =	vst.idx.add.f32.msk $0xffff, v3  }
0x60d: {  	v37 =	vshll.u32 v63, $0x10;
	v24 =	vand.u32 $0xFFFF0000, v57;
	vm5 =	vlt.s32 v19, v2;
	[tilespmem:v13+s1+$0x0] =	vst.idx.add.f32.msk $0xffff, v3  }
0x60e: {  	v17 =	vsel vm4, v10, v2;
	v10 =	vtrunc.f32 v23;
	v23 =	vtrunc.f32 v42;
	v13 =	vld [tilespmem:$0x1FF40]  }
0x60f: {  	v15 =	vld [tilespmem:$0x1FF60];
	v22 =	vand.u32 $0xFFFF0000, v54;
	v29 =	vcvt.f32.s32 v10;
	v23 =	vcvt.f32.s32 v23  }
0x610: {  	v56 =	vsel vm5, v19, v2;
	v22 =	vmul.f32 v22, v6;
	v10 =	vcvt.f32.s32 v25;
	v25 =	vld [tilespmem:s4+$0xFFFFFF90]  }
0x611: {  	v35 =	vshll.u32 v62, $0x10;
	vm9 =	vlt.s32 v29, v2;
	vm10 =	vlt.s32 v23, v2  }
0x612: {  	vm12 =	vlt.s32 v10, v2;
	v28 =	vsel vm10, v23, v2;
	v23 =	vshll.u32 v54, $0x10  }
0x613: {  	v29 =	vsel vm9, v29, v2;
	v23 =	vmul.f32 v23, v6;
	vm0 =	vnez.u8 v13  }
0x614: {  	v61 =	vld [tilespmem:s4+$0xFFFFFFD0];
	v13 =	vsel vm0, v11, v2;
	v11 =	vtrunc.f32 v33;
	vm0 =	vnez.u8 v14  }
0x615: {  	[tilespmem:v60+s1+$0x0] =	vst.idx.add.f32.msk $0xffff, v4;
	v19 =	vshll.u32 v25, $0x10;
	v14 =	vsel vm0, v8, v2;
	vm0 =	vnez.u8 v15  }
0x616: {  	[tilespmem:v38+s1+$0x0] =	vst.idx.add.f32.msk $0xffff, v4;
	v8 =	vtrunc.f32 v32;
	v15 =	vsel vm0, v9, v2;
	v9 =	vtrunc.f32 v26  }
0x617: {  	[tilespmem:v40+s1+$0x0] =	vst.idx.add.f32.msk $0xffff, v4;
	vm0 =	vlt.s32 v18, v2;
	v26 =	vcvt.f32.s32 v12;
	v12 =	vcvt.f32.s32 v11  }
0x618: {  	s6 =	sadd.s32 $0x8, s6;
	v11 =	vcvt.f32.s32 v8;
	v8 =	vcvt.f32.s32 v27;
	v27 =	vld [tilespmem:s4+$0xFFFFFFA0];
	v55 =	vsel vm0, v18, v2  }
0x619: {  	p0 =	slt.u32 s6, $0xF8;
	v19 =	vmul.f32 v19, v6;
	v32 =	vand.u32 $0xFFFF0000, v62;
	[tilespmem:v58+s1+$0x0] =	vst.idx.add.f32.msk $0xffff, v4;
	v9 =	vcvt.f32.s32 v9  }
.Ltmp6:
0x61a: {  	v18 =	vand.u32 $0xFFFF0000, v25;
	v25 =	vshll.u32 v57, $0x10;
	[tilespmem:v59+s1+$0x0] =	vst.idx.add.f32.msk $0xffff, v4;
	vm7 =	vlt.s32 v26, v2;
	(pc) =	sbr.rel @p0 .LBB2_15-.Ltmp6, $4  }
0x61b: {  	vm11 =	vlt.s32 v12, v2;
	vm4 =	vlt.s32 v11, v2;
	vm3 =	vlt.s32 v8, v2  }
0x61c: {  	v18 =	vmul.f32 v18, v6;
	vm5 =	vlt.s32 v9, v2;
	v31 =	vsel vm7, v26, v2  }
0x61d: {  	v26 =	vand.u32 $0xFFFF0000, v61;
	v20 =	vand.u32 $0xFFFF0000, v27;
	v21 =	vshll.u32 v27, $0x10;
	[tilespmem:v55+s1+$0x0] =	vst.idx.add.f32.msk $0xffff, v4  }
0x61e: {  	s7 =	sadd.s32 $0x80, s7;
	v27 =	vshll.u32 v61, $0x10;
	v20 =	vmul.f32 v20, v6;
	v21 =	vmul.f32 v21, v6;
	[tilespmem:v56+s1+$0x0] =	vst.idx.add.f32.msk $0xffff, v4  }
0x61f: {  	v24 =	vmul.f32 v24, v6  }
0x620: {  	v25 =	vmul.f32 v25, v6;
	v26 =	vmul.f32 v26, v6  }
0x621: {  	v18 =	vadd.f32 v18, v7;
	v27 =	vmul.f32 v27, v6;
	v32 =	vmul.f32 v32, v6  }
0x622: {  	v19 =	vadd.f32 v19, v7;
	v33 =	vmul.f32 v35, v6;
	v34 =	vmul.f32 v36, v6  }
0x623: {  	v43 =	vmul.f32 v37, v6;
	v22 =	vadd.f32 v22, v7;
	v23 =	vadd.f32 v23, v7  }
0x624: {  	v12 =	vsel vm11, v12, v2;
	v10 =	vsel vm12, v10, v2;
	v11 =	vsel vm4, v11, v2  }
0x625: {  	v8 =	vsel vm3, v8, v2;
	v9 =	vsel vm5, v9, v2;
	v20 =	vadd.f32 v20, v7  }
0x626: {  	[tilespmem:v31+s1+$0x0] =	vst.idx.add.f32.msk $0xffff, v4;
	v21 =	vadd.f32 v21, v7;
	v18 =	vtrunc.f32 v18;
	v24 =	vadd.f32 v24, v7  }
0x627: {  	[tilespmem:v30+s1+$0x0] =	vst.idx.add.f32.msk $0xffff, v4;
	v25 =	vadd.f32 v25, v7;
	v19 =	vtrunc.f32 v19;
	v22 =	vtrunc.f32 v22  }
0x628: {  	[tilespmem:v28+s1+$0x0] =	vst.idx.add.f32.msk $0xffff, v4;
	v26 =	vadd.f32 v26, v7;
	v23 =	vtrunc.f32 v23;
	v20 =	vtrunc.f32 v20  }
0x629: {  	[tilespmem:v16+s1+$0x0] =	vst.idx.add.f32.msk $0xffff, v4;
	v27 =	vadd.f32 v27, v7;
	v21 =	vtrunc.f32 v21;
	v18 =	vcvt.f32.s32 v18  }
0x62a: {  	[tilespmem:v17+s1+$0x0] =	vst.idx.add.f32.msk $0xffff, v4;
	v44 =	vadd.f32 v32, v7;
	v19 =	vcvt.f32.s32 v19;
	v48 =	vcvt.f32.s32 v22  }
0x62b: {  	[tilespmem:v14+s1+$0x0] =	vst.idx.add.f32.msk $0xffff, v4;
	v45 =	vadd.f32 v33, v7;
	v49 =	vcvt.f32.s32 v23;
	v24 =	vtrunc.f32 v24  }
0x62c: {  	[tilespmem:v29+s1+$0x0] =	vst.idx.add.f32.msk $0xffff, v4;
	v46 =	vadd.f32 v34, v7;
	v25 =	vtrunc.f32 v25;
	v26 =	vtrunc.f32 v26  }
0x62d: {  	[tilespmem:v13+s1+$0x0] =	vst.idx.add.f32.msk $0xffff, v4;
	v53 =	vadd.f32 v43, v7;
	v20 =	vcvt.f32.s32 v20;
	v47 =	vcvt.f32.s32 v21  }
0x62e: {  	[tilespmem:v15+s1+$0x0] =	vst.idx.add.f32.msk $0xffff, v4;
	v55 =	vtrunc.f32 v27;
	v56 =	vtrunc.f32 v44;
	vm6 =	vlt.s32 v48, v2  }
0x62f: {  	v57 =	vtrunc.f32 v45;
	[tilespmem:v12+s1+$0x0] =	vst.idx.add.f32.msk $0xffff, v4;
	vm14 =	vlt.s32 v20, v2;
	v17 =	vsel vm6, v48, v2  }
0x630: {  	v50 =	vcvt.f32.s32 v24;
	vm7 =	vlt.s32 v49, v2;
	[tilespmem:v10+s1+$0x0] =	vst.idx.add.f32.msk $0xffff, v4;
	v20 =	vsel vm14, v20, v2  }
0x631: {  	v51 =	vcvt.f32.s32 v25;
	[tilespmem:v8+s1+$0x0] =	vst.idx.add.f32.msk $0xffff, v4;
	vm15 =	vlt.s32 v47, v2;
	v13 =	vsel vm7, v49, v2  }
0x632: {  	v58 =	vtrunc.f32 v46;
	[tilespmem:v11+s1+$0x0] =	vst.idx.add.f32.msk $0xffff, v4;
	v16 =	vsel vm15, v47, v2;
	vm8 =	vlt.s32 v50, v2  }
0x633: {  	v59 =	vtrunc.f32 v53;
	[tilespmem:v9+s1+$0x0] =	vst.idx.add.f32.msk $0xffff, v4;
	vm9 =	vlt.s32 v51, v2;
	v14 =	vsel vm8, v50, v2  }
0x634: {  	vm0 =	vlt.s32 v18, v2;
	v52 =	vcvt.f32.s32 v26;
	v15 =	vsel vm9, v51, v2;
	[tilespmem:v17+s1+$0x0] =	vst.idx.add.f32.msk $0xffff, v4  }
0x635: {  	vm1 =	vlt.s32 v19, v2;
	v18 =	vsel vm0, v18, v2;
	v17 =	vcvt.f32.s32 v56;
	[tilespmem:v20+s1+$0x0] =	vst.idx.add.f32.msk $0xffff, v4  }
0x636: {  	v19 =	vsel vm1, v19, v2;
	vm10 =	vlt.s32 v52, v2;
	[tilespmem:v13+s1+$0x0] =	vst.idx.add.f32.msk $0xffff, v4;
	v13 =	vcvt.f32.s32 v57  }
0x637: {  	v54 =	vsel vm10, v52, v2;
	[tilespmem:v16+s1+$0x0] =	vst.idx.add.f32.msk $0xffff, v4;
	v16 =	vcvt.f32.s32 v55;
	vm12 =	vlt.s32 v17, v2  }
0x638: {  	[tilespmem:v14+s1+$0x0] =	vst.idx.add.f32.msk $0xffff, v4;
	v14 =	vcvt.f32.s32 v58;
	vm13 =	vlt.s32 v13, v2;
	v61 =	vsel vm12, v17, v2  }
0x639: {  	[tilespmem:v15+s1+$0x0] =	vst.idx.add.f32.msk $0xffff, v4;
	v15 =	vcvt.f32.s32 v59;
	vm11 =	vlt.s32 v16, v2;
	v62 =	vsel vm13, v13, v2  }
0x63a: {  	[tilespmem:v18+s1+$0x0] =	vst.idx.add.f32.msk $0xffff, v4;
	vm14 =	vlt.s32 v14, v2;
	v60 =	vsel vm11, v16, v2  }
0x63b: {  	s25 =	sadd.s32 $0x1, s25;
	[tilespmem:v19+s1+$0x0] =	vst.idx.add.f32.msk $0xffff, v4;
	vm15 =	vlt.s32 v15, v2;
	v8 =	vsel vm14, v14, v2  }
0x63c: {  	p0 =	sne.s32 s25, $0x8;
	[tilespmem:v54+s1+$0x0] =	vst.idx.add.f32.msk $0xffff, v4;
	v63 =	vsel vm15, v15, v2  }
.Ltmp7:
0x63d: {  	[tilespmem:v61+s1+$0x0] =	vst.idx.add.f32.msk $0xffff, v4;
	(pc) =	sbr.rel @p0 .LBB2_12-.Ltmp7, $4  }
0x63e: {  	[tilespmem:v62+s1+$0x0] =	vst.idx.add.f32.msk $0xffff, v4  }
0x63f: {  	[tilespmem:v60+s1+$0x0] =	vst.idx.add.f32.msk $0xffff, v4  }
0x640: {  	[tilespmem:v8+s1+$0x0] =	vst.idx.add.f32.msk $0xffff, v4  }
0x641: {  	[tilespmem:v63+s1+$0x0] =	vst.idx.add.f32.msk $0xffff, v4  }
0x642: {  	s4 =	simm.s32 $0x0  }
0x643: {  	v9 =	vld [tilespmem:s4+$0xA870]  }
0x644: {  	v6 =	vld [tilespmem:s4+$0x7850]  }
0x645: {  	[tilespmem:s4+$0xA870] =	vst v0;
	v7 =	vld [tilespmem:s4+$0x3020]  }
0x646: {  	[tilespmem:s4+$0x7850] =	vst v0;
	v8 =	vld [tilespmem:s4+$0x0]  }
0x647: {  	[tilespmem:s4+$0x3020] =	vst v0;
	v11 =	vld [tilespmem:s4+$0x1810]  }
0x648: {  	[tilespmem:s4+$0x0] =	vst v0  }
0x649: {  	v10 =	vld [tilespmem:s4+$0x4830];
	[tilespmem:s4+$0x4830] =	vst v0  }
0x64a: {  	[tilespmem:s4+$0x1810] =	vst v0  }
0x64b: {  	s6 =	simm.s32 $0x0;
	v12 =	vld [tilespmem:s4+$0x9060];
	[tilespmem:s4+$0x9060] =	vst v0  }
0x64c: {  	v13 =	vld [tilespmem:s4+$0x6040];
	[tilespmem:s4+$0x6040] =	vst v0;
	s6 =	sand.u32 $0x1FF0, s6;
	v8 =	vadd.f32 v11, v8  }
0x64d: {  	v14 =	vld [tilespmem:s6+$0xC080];
	[tilespmem:s6+$0xC080] =	vst v0  }
0x64e: {  	v15 =	vld [tilespmem:s4+$0xD890];
	v7 =	vadd.f32 v7, v8  }
0x64f: {  	[tilespmem:s4+$0xD890] =	vst v0;
	v16 =	vld [tilespmem:s4+$0xF0A0]  }
0x650: {  	[tilespmem:s4+$0xF0A0] =	vst v0;
	v17 =	vld [tilespmem:s4+$0x108B0];
	v7 =	vadd.f32 v10, v7  }
0x651: {  	[tilespmem:s4+$0x108B0] =	vst v0;
	v18 =	vld [tilespmem:s4+$0x120C0]  }
0x652: {  	[tilespmem:s4+$0x120C0] =	vst v0;
	v19 =	vld [tilespmem:s4+$0x138D0];
	v7 =	vadd.f32 v13, v7  }
0x653: {  	[tilespmem:s4+$0x138D0] =	vst v0;
	v20 =	vld [tilespmem:s4+$0x150E0]  }
0x654: {  	s7 =	simm.s32 $0x10;
	[tilespmem:s4+$0x150E0] =	vst v0;
	v21 =	vld [tilespmem:s4+$0x168F0];
	v6 =	vadd.f32 v6, v7  }
0x655: {  	v22 =	vld [tilespmem:s7+$0xA870];
	[tilespmem:s4+$0x168F0] =	vst v0  }
0x656: {  	v23 =	vld [tilespmem:s7+$0x7850];
	[tilespmem:s7+$0xA870] =	vst v0;
	v10 =	vadd.f32 v12, v6  }
0x657: {  	v24 =	vld [tilespmem:s7+$0x3020];
	[tilespmem:s7+$0x7850] =	vst v0  }
0x658: {  	v25 =	vld [tilespmem:s7+$0x0];
	[tilespmem:s7+$0x3020] =	vst v0;
	v9 =	vadd.f32 v9, v10  }
0x659: {  	[tilespmem:s7+$0x0] =	vst v0;
	v27 =	vld [tilespmem:s7+$0x1810]  }
0x65a: {  	v26 =	vld [tilespmem:s7+$0x4830];
	[tilespmem:s7+$0x4830] =	vst v0;
	v9 =	vadd.f32 v14, v9  }
0x65b: {  	[tilespmem:s7+$0x1810] =	vst v0  }
0x65c: {  	s12 =	simm.s32 $0x10;
	v28 =	vld [tilespmem:s7+$0x9060];
	[tilespmem:s7+$0x9060] =	vst v0;
	v9 =	vadd.f32 v15, v9  }
0x65d: {  	s4 =	sand.u32 $0x1FF0, s12;
	v11 =	vld [tilespmem:s7+$0x6040];
	[tilespmem:s7+$0x6040] =	vst v0  }
0x65e: {  	v29 =	vld [tilespmem:s4+$0xC080];
	[tilespmem:s4+$0xC080] =	vst v0;
	v12 =	vadd.f32 v27, v25;
	v9 =	vadd.f32 v16, v9  }
0x65f: {  	v30 =	vld [tilespmem:s7+$0xD890];
	[tilespmem:s7+$0xD890] =	vst v0  }
0x660: {  	v31 =	vld [tilespmem:s7+$0xF0A0];
	[tilespmem:s7+$0xF0A0] =	vst v0;
	v12 =	vadd.f32 v24, v12;
	v9 =	vadd.f32 v17, v9  }
0x661: {  	v32 =	vld [tilespmem:s7+$0x108B0];
	[tilespmem:s7+$0x108B0] =	vst v0  }
0x662: {  	v33 =	vld [tilespmem:s7+$0x120C0];
	[tilespmem:s7+$0x120C0] =	vst v0;
	v12 =	vadd.f32 v26, v12;
	v9 =	vadd.f32 v18, v9  }
0x663: {  	v34 =	vld [tilespmem:s7+$0x138D0];
	[tilespmem:s7+$0x138D0] =	vst v0  }
0x664: {  	s6 =	simm.s32 $0x20;
	v7 =	vld [tilespmem:s7+$0x150E0];
	[tilespmem:s7+$0x150E0] =	vst v0;
	v11 =	vadd.f32 v11, v12;
	v9 =	vadd.f32 v19, v9  }
0x665: {  	v8 =	vld [tilespmem:s6+$0xA870]  }
0x666: {  	v6 =	vld [tilespmem:s7+$0x168F0];
	[tilespmem:s7+$0x168F0] =	vst v0;
	v11 =	vadd.f32 v23, v11;
	v9 =	vadd.f32 v20, v9  }
0x667: {  	[tilespmem:s6+$0xA870] =	vst v0;
	v35 =	vld [tilespmem:s6+$0x3020]  }
0x668: {  	v36 =	vld [tilespmem:s6+$0x0];
	[tilespmem:s6+$0x3020] =	vst v0;
	v11 =	vadd.f32 v28, v11;
	v9 =	vadd.f32 v21, v9  }
0x669: {  	[tilespmem:s6+$0x0] =	vst v0;
	v10 =	vld [tilespmem:s6+$0x7850]  }
0x66a: {  	[tilespmem:s6+$0x7850] =	vst v0;
	v16 =	vld [tilespmem:s6+$0x1810];
	v11 =	vadd.f32 v22, v11;
	(xrf2) =	vadd.scan.msk.f32 $0xffff, v9  }
0x66b: {  	v15 =	vld [tilespmem:s6+$0x9060];
	[tilespmem:s6+$0x9060] =	vst v0  }
0x66c: {  	[tilespmem:s6+$0x1810] =	vst v0;
	v9 =	vadd.f32 v29, v11  }
0x66d: {  	s25 =	simm.s32 $0x20;
	v17 =	vld [tilespmem:s6+$0x4830];
	[tilespmem:s6+$0x4830] =	vst v0  }
0x66e: {  	s4 =	sand.u32 $0x1FF0, s25;
	v18 =	vld [tilespmem:s6+$0x6040];
	[tilespmem:s6+$0x6040] =	vst v0;
	v9 =	vadd.f32 v30, v9  }
0x66f: {  	v13 =	vld [tilespmem:s4+$0xC080];
	[tilespmem:s4+$0xC080] =	vst v0;
	v16 =	vadd.f32 v16, v36  }
0x670: {  	v14 =	vld [tilespmem:s6+$0xD890];
	v9 =	vadd.f32 v31, v9  }
0x671: {  	[tilespmem:s6+$0xD890] =	vst v0;
	v12 =	vld [tilespmem:s6+$0xF0A0];
	v20 =	vadd.f32 v35, v16  }
0x672: {  	[tilespmem:s6+$0xF0A0] =	vst v0;
	v19 =	vld [tilespmem:s6+$0x120C0];
	v9 =	vadd.f32 v32, v9  }
0x673: {  	[tilespmem:s6+$0x120C0] =	vst v0;
	v16 =	vld [tilespmem:s6+$0x138D0];
	v20 =	vadd.f32 v17, v20  }
0x674: {  	[tilespmem:s6+$0x138D0] =	vst v0;
	v17 =	vld [tilespmem:s6+$0x150E0];
	v21 =	vadd.f32 v33, v9;
	v23, _, _ =	vpop (xrf2)  }
0x675: {  	s4 =	simm.f32 $0.0e+00;
	[tilespmem:s6+$0x150E0] =	vst v0;
	v11 =	vld [tilespmem:s6+$0x108B0];
	v22 =	vadd.f32 v18, v20;
	(v2sf) =	vpush v23, $0xF  }
0x676: {  	s8 =	simm.s32 $0x30;
	s25 =	simm.s32 $0x100;
	s7 =	simm.s32 $0x30;
	[tilespmem:s6+$0x108B0] =	vst v0;
	v20 =	vld [tilespmem:s6+$0x168F0];
	v9 =	vimm.f32 $0.0e+00;
	v21 =	vadd.f32 v34, v21;
	v18 =	vadd.f32 s4, v23  }
.LBB2_18:
0x677: {  	p0 =	sne.s32 s25, $0x6000;
	v23 =	vld [tilespmem:s7+$0xA870];
	[tilespmem:s6+$0x168F0] =	vst v0;
	s9 =	smov.u32 s25;
	s25 =	sadd.s32 $0x40, s25  }
0x678: {  	v22 =	vadd.f32 v10, v22;
	s6 =	smov.u32 s7;
	[tilespmem:s7+$0xA870] =	vst v0;
	v10 =	vld [tilespmem:s7+$0x7850];
	v25 =	vadd.f32 v7, v21;
	v24 =	vand.u32 $0x7FFFFFFF, v18;
	v21 =	vmovc v19  }
0x679: {  	v19 =	vld [tilespmem:s6+$0x3020];
	[tilespmem:s6+$0x7850] =	vst v0;
	v9 =	vadd.f32 v24, v9;
	v18 =	vmov v16  }
0x67a: {  	v15 =	vadd.f32 v15, v22;
	v16 =	vld [tilespmem:s6+$0x0];
	[tilespmem:s6+$0x3020] =	vst v0;
	v22 =	vadd.f32 v6, v25;
	v7 =	vmov v17  }
0x67b: {  	[tilespmem:s6+$0x0] =	vst v0;
	v17 =	vld [tilespmem:s6+$0x4830];
	v6 =	vmov v20  }
0x67c: {  	v24 =	vadd.f32 v8, v15;
	v20 =	vld [tilespmem:s6+$0x1810];
	[tilespmem:s6+$0x4830] =	vst v0;
	(xrf2) =	vadd.scan.msk.f32 $0xffff, v22;
	v8 =	vmov v23  }
0x67d: {  	[tilespmem:s6+$0x1810] =	vst v0;
	v15 =	vld [tilespmem:s6+$0x9060]  }
0x67e: {  	v23 =	vadd.f32 v13, v24;
	v22 =	vld [tilespmem:s6+$0x6040];
	[tilespmem:s6+$0x9060] =	vst v0  }
0x67f: {  	s12 =	sand.u32 $0x1FF0, s8;
	[tilespmem:s6+$0x6040] =	vst v0  }
0x680: {  	s7 =	sshra.s32 s9, $0x2;
	v23 =	vadd.f32 v14, v23;
	v13 =	vld [tilespmem:s12+$0xC080]  }
0x681: {  	v16 =	vadd.f32 v20, v16;
	[tilespmem:s12+$0xC080] =	vst v0  }
0x682: {  	v20 =	vadd.f32 v12, v23;
	v14 =	vld [tilespmem:s6+$0xD890]  }
0x683: {  	v16 =	vadd.f32 v19, v16;
	[tilespmem:s6+$0xD890] =	vst v0;
	v12 =	vld [tilespmem:s6+$0xF0A0]  }
.Ltmp8:
0x684: {  	v20 =	vadd.f32 v11, v20;
	[tilespmem:s6+$0xF0A0] =	vst v0;
	v11 =	vld [tilespmem:s6+$0x108B0];
	s9 =	spop (v2sf);
	(pc) =	sbr.rel @p0 .LBB2_18-.Ltmp8, $4  }
0x685: {  	v17 =	vadd.f32 v17, v16;
	[tilespmem:s6+$0x108B0] =	vst v0;
	v19 =	vld [tilespmem:s6+$0x120C0];
	s4 =	sadd.f32 s9, s4  }
0x686: {  	v21 =	vadd.f32 v21, v20;
	[tilespmem:s6+$0x120C0] =	vst v0;
	v16 =	vld [tilespmem:s6+$0x138D0];
	v23, _, _ =	vpop (xrf2)  }
0x687: {  	s8 =	sadd.s32 $0x10, s8;
	v22 =	vadd.f32 v22, v17;
	[tilespmem:s6+$0x138D0] =	vst v0;
	v17 =	vld [tilespmem:s6+$0x150E0];
	(v2sf) =	vpush v23, $0xF  }
0x688: {  	v21 =	vadd.f32 v18, v21;
	v18 =	vadd.f32 s4, v23;
	[tilespmem:s6+$0x150E0] =	vst v0;
	v20 =	vld [tilespmem:s6+$0x168F0]  }
0x689: {  	v23 =	vld [tilespmem:s7+$0xA870];
	[tilespmem:s6+$0x168F0] =	vst v0  }
0x68a: {  	v26 =	vld [tilespmem:s7+$0x0]  }
0x68b: {  	v27 =	vld [tilespmem:s7+$0x1810]  }
0x68c: {  	v10 =	vadd.f32 v10, v22  }
0x68d: {  	v25 =	vld [tilespmem:s7+$0x3020]  }
0x68e: {  	v10 =	vadd.f32 v15, v10  }
0x68f: {  	v50 =	vld [tilespmem:s7+$0x4830]  }
0x690: {  	v8 =	vadd.f32 v8, v10;
	v51 =	vadd.f32 v27, v26  }
0x691: {  	[tilespmem:s7+$0xA870] =	vst v0;
	v52 =	vld [tilespmem:s7+$0x6040]  }
0x692: {  	v24 =	vld [tilespmem:s7+$0x7850];
	[tilespmem:s7+$0x7850] =	vst v0;
	v8 =	vadd.f32 v13, v8;
	v53 =	vadd.f32 v25, v51  }
0x693: {  	[tilespmem:s7+$0x3020] =	vst v0  }
0x694: {  	[tilespmem:s7+$0x0] =	vst v0;
	v8 =	vadd.f32 v14, v8;
	v10 =	vadd.f32 v50, v53  }
0x695: {  	[tilespmem:s7+$0x4830] =	vst v0;
	v54 =	vld [tilespmem:s7+$0x9060]  }
0x696: {  	[tilespmem:s7+$0x1810] =	vst v0;
	v8 =	vadd.f32 v12, v8;
	v10 =	vadd.f32 v52, v10  }
0x697: {  	[tilespmem:s7+$0x9060] =	vst v0  }
0x698: {  	s25 =	sand.u32 $0x1FF0, s8;
	[tilespmem:s7+$0x6040] =	vst v0;
	v8 =	vadd.f32 v11, v8;
	v10 =	vadd.f32 v24, v10  }
0x699: {  	v55 =	vld [tilespmem:s25+$0xC080]  }
0x69a: {  	[tilespmem:s25+$0xC080] =	vst v0;
	v8 =	vadd.f32 v19, v8;
	v10 =	vadd.f32 v54, v10  }
0x69b: {  	v7 =	vadd.f32 v7, v21;
	v56 =	vld [tilespmem:s7+$0xD890]  }
0x69c: {  	v8 =	vadd.f32 v16, v8;
	v10 =	vadd.f32 v23, v10  }
0x69d: {  	v57 =	vld [tilespmem:s7+$0xF0A0];
	v6 =	vadd.f32 v6, v7  }
0x69e: {  	v8 =	vadd.f32 v17, v8;
	v10 =	vadd.f32 v55, v10  }
0x69f: {  	v7 =	vld [tilespmem:s7+$0x108B0]  }
0x6a0: {  	(xrf2) =	vadd.scan.msk.f32 $0xffff, v6;
	v6 =	vadd.f32 v20, v8;
	v10 =	vadd.f32 v56, v10  }
0x6a1: {  	v58 =	vld [tilespmem:s7+$0x120C0]  }
0x6a2: {  	(xrf2) =	vadd.scan.msk.f32 $0xffff, v6;
	v59 =	vadd.f32 v57, v10  }
0x6a3: {  	v60 =	vld [tilespmem:s7+$0x138D0]  }
0x6a4: {  	v6 =	vadd.f32 v7, v59  }
0x6a5: {  	v7 =	vld [tilespmem:s7+$0x150E0]  }
0x6a6: {  	v6 =	vadd.f32 v58, v6;
	_ =	sdelay $0x1  }
0x6a7: {  	v61 =	vld [tilespmem:s7+$0x168F0];
	v6 =	vadd.f32 v60, v6;
	_ =	sdelay $0x1  }
0x6a8: {  	v6 =	vadd.f32 v7, v6;
	v7, _, _ =	vpop (xrf2)  }
0x6a9: {  	(v2sf) =	vpush v7, $0xF  }
0x6aa: {  	v62, _, _ =	vpop (xrf2)  }
0x6ab: {  	v6 =	vadd.f32 v61, v6;
	(v2sf) =	vpush v62, $0xF;
	_ =	sdelay $0x1  }
0x6ac: {  	(xrf2) =	vadd.scan.msk.f32 $0xffff, v6;
	_ =	sdelay $0x8  }
0x6ad: {  	s8 =	spop (v2sf)  }
0x6ae: {  	s4 =	sadd.f32 s8, s4;
	v6, _, _ =	vpop (xrf2)  }
0x6af: {  	(v2sf) =	vpush v6, $0xF;
	s9 =	spop (v2sf)  }
0x6b0: {  	v63 =	vand.u32 $0x7FFFFFFF, v18;
	v7 =	vadd.f32 s4, v7;
	s4 =	sadd.f32 s9, s4  }
0x6b1: {  	v9 =	vadd.f32 v63, v9;
	s12 =	spop (v2sf)  }
0x6b2: {  	v7 =	vand.u32 $0x7FFFFFFF, v7;
	v8 =	vadd.f32 s4, v62;
	s4 =	sadd.f32 s12, s4  }
0x6b3: {  	v7 =	vadd.f32 v7, v9  }
0x6b4: {  	[tilespmem:s7+$0xD890] =	vst v0;
	v8 =	vand.u32 $0x7FFFFFFF, v8;
	v6 =	vadd.f32 s4, v6  }
0x6b5: {  	[tilespmem:s7+$0xF0A0] =	vst v0;
	v7 =	vadd.f32 v8, v7  }
0x6b6: {  	[tilespmem:s7+$0x108B0] =	vst v0;
	v6 =	vand.u32 $0x7FFFFFFF, v6  }
0x6b7: {  	v5 =	vmul.f32 $1.192092900e-07, v5;
	[tilespmem:s7+$0x120C0] =	vst v0;
	v6 =	vadd.f32 v6, v7  }
0x6b8: {  	[tilespmem:s7+$0x138D0] =	vst v0  }
0x6b9: {  	[tilespmem:s7+$0x168F0] =	vst v0;
	v5 =	vmul.f32 v6, v5  }
0x6ba: {  	s24 =	sadd.s32 $0x1, s24;
	[tilespmem:s7+$0x150E0] =	vst v0  }
0x6bb: {  	p0 =	sne.s32 s24, s19;
	s4 =	simm.s32 $0x1C100;
	[tilespmem:$0x1C100] =	vst v5  }
0x6bc: {  	[hbm4b:s18+s1] =	stream.linear.scatter [tilespmem:s4], [sflag:$0x5], $0x80, $0x38;
	[tilespmem:$0x1C200] =	vst v63  }
.Ltmp9:
0x6bd: {  	_ = 	snop;
	(pc) =	sbr.rel @p0 .LBB2_1-.Ltmp9, $4  }
0x6be: {  	s25 =	spop (v2sf)  }
0x6bf: {  	_ =	swait.ge [sflag:s21], $0x80  }
0x6c0: {  	[sflag:s21] =	ssyncset.done $0x0  }
0x6c1: {  	[sflag:s21] =	ssyncadd.s32 $0xFFFFFF80  }
0x6c2: {  	_ =	sfence.sel $0x180000  }
0x6c3: {  	[bflag:$0x0] =	sbarrier.arrive $0xFFFF  }
0x6c4: {  	_ =	strace $0x90000047  }
0x6c5: {  	s0 =	stileid.u32;
	[bflag:$0x2] =	sbarrier.arrive $0xFFFF  }
0x6c6: {  	p0 =	sne.s32 s0, $0x0;
	s0 =	rddreg [dreg:$0x1]  }
0x6c7: {  	s0 =	sadd.s32 @!p0 $0x100000, s0  }
0x6c8: {  	[sflag:s0] =	ssyncadd.tile.s32 @!p0 $0x1;
	_ =	shalt  }
.Lfunc_end2:
_tile_overlayer_lowered:
.L_overlay_start_2:
0x6c9: {  	(tag) =	ssettag $0x2  }
0x6ca: {  	s0 =	rddreg [dreg:$0x0];
	s2 =	stileid.u32  }
0x6cb: {  	s1 =	rddreg [dreg:$0x1];
	p0 =	sne.s32 s2, $0x0  }
0x6cc: {  	s3 =	rddreg [dreg:$0x2];
	[bflag:$0x3] =	sbarrier.arrive $0xFFFF;
	s2 =	simm.s32 @!p0 $0x1C05  }
0x6cd: {  	[timem:s3], [sflag:s2] =	dma.local @!p0 [hbm:s0], s1  }
0x6ce: {  	s0 =	simm.s32 @!p0 $0x5  }
0x6cf: {  	_ =	swait.ge @!p0 [sflag:s0], s1  }
0x6d0: {  	s1 =	ssub.s32 @!p0 $0x0, s1;
	[sflag:s0] =	ssyncset.done @!p0 $0x0  }
0x6d1: {  	[sflag:s0] =	ssyncadd.s32 @!p0 s1  }
0x6d2: {  	[bflag:$0x3] =	sbarrier.arrive $0xFFFF  }
0x6d3: {  	_ =	shalt  }

</sc_bundles>
